<compile_context>
chip_gen: v7x
topology: tpu7x:2x2x1
jax: 0.10.2.dev20260603
libtpu: 0.0.44.dev20260713+nightly
codegen_flags: <defaults>
</compile_context>

<pallas_src>
import functools
import numpy as np
import jax
import jax.numpy as jnp
from jax import lax
from jax.experimental import pallas as pl
from jax.experimental.pallas import tpu as pltpu
from jax.experimental.pallas import tpu_sc as plsc

_D = 256
_H = 8
_L = 4
_P = 4
_DH = 32
_SHAPES = ((64, 64), (32, 32), (16, 16), (8, 8))
_STARTS = (0, 4096, 5120, 5376)
_LQ = 5440
_TQ = 160
_NQT = _LQ // _TQ
_B = 4
_NBLK = (_B * _LQ * _H) // 16
_NW = 32
_BPW = _NBLK // _NW


def _build_consts():
    K = _H * _L * _P
    kk = np.arange(K)
    lv = (kk // _P) % _L
    hv = kk // (_L * _P)
    wf = np.array([_SHAPES[l][1] for l in lv], np.float32)
    hf = np.array([_SHAPES[l][0] for l in lv], np.float32)
    wi = wf.astype(np.int32)
    sti = np.array([_STARTS[l] for l in lv], np.int32)
    hdi = hv.astype(np.int32)
    m8 = np.zeros((2 * _L, 2 * K), np.float32)
    cc = np.arange(2 * K)
    lv2 = ((cc // 2) // _P) % _L
    m8[lv2 * 2 + (cc % 2), cc] = 1.0
    inv = np.where(cc % 2 == 0,
                   1.0 / np.array([_SHAPES[l][1] for l in lv2], np.float32),
                   1.0 / np.array([_SHAPES[l][0] for l in lv2], np.float32))
    ex = np.zeros((2 * K, K), np.float32)
    ey = np.zeros((2 * K, K), np.float32)
    ex[2 * kk, kk] = 1.0
    ey[2 * kk + 1, kk] = 1.0
    s = (kk[:, None] // (_L * _P) == kk[None, :] // (_L * _P)).astype(np.float32)
    to2d = lambda a: jnp.asarray(a).reshape(1, -1)
    return (jnp.asarray(m8), to2d(inv), jnp.asarray(ex), jnp.asarray(ey),
            jnp.asarray(s), to2d(wf), to2d(hf), to2d(wi), to2d(sti), to2d(hdi))


def _proj_body(q_ref, val_ref, rp_ref, wq_ref, bq_ref, wv_ref, bv_ref,
               woff_ref, boff_ref, wa_ref, ba_ref,
               m8_ref, inv_ref, ex_ref, ey_ref, s_ref,
               wf_ref, hf_ref, wi_ref, sti_ref, hdi_ref,
               idx_ref, wgt_ref, vout_ref):
    b = pl.program_id(0)
    f32 = jnp.float32
    q = q_ref[0]
    vout_ref[0] = jnp.dot(val_ref[0], wv_ref[...],
                          preferred_element_type=f32, precision=lax.Precision.HIGHEST) + bv_ref[...]
    qp = jnp.dot(q, wq_ref[...], preferred_element_type=f32, precision=lax.Precision.HIGHEST) + bq_ref[...]
    off = jnp.dot(qp, woff_ref[...], preferred_element_type=f32, precision=lax.Precision.HIGHEST) + boff_ref[...]
    logits = jnp.dot(qp, wa_ref[...], preferred_element_type=f32, precision=lax.Precision.HIGHEST) + ba_ref[...]
    e = jnp.exp(logits)
    aw = e / jnp.dot(e, s_ref[...], preferred_element_type=f32, precision=lax.Precision.HIGHEST)
    loc = jnp.dot(rp_ref[0], m8_ref[...], preferred_element_type=f32, precision=lax.Precision.HIGHEST) \
        + off * inv_ref[...]
    wf = wf_ref[...]
    hf = hf_ref[...]
    x = jnp.dot(loc, ex_ref[...], preferred_element_type=f32, precision=lax.Precision.HIGHEST) * wf - 0.5
    y = jnp.dot(loc, ey_ref[...], preferred_element_type=f32, precision=lax.Precision.HIGHEST) * hf - 0.5
    x0 = jnp.floor(x)
    y0 = jnp.floor(y)
    wx1 = x - x0
    wx0 = 1.0 - wx1
    wy1 = y - y0
    wy0 = 1.0 - wy1
    base = hdi_ref[...] * _LQ + sti_ref[...] + b * (_H * _LQ)
    wi = wi_ref[...]
    corners = ((x0, y0, wx0 * wy0), (x0 + 1.0, y0, wx1 * wy0),
               (x0, y0 + 1.0, wx0 * wy1), (x0 + 1.0, y0 + 1.0, wx1 * wy1))
    K = _H * _L * _P
    for ci, (xf, yf, wgt) in enumerate(corners):
        valid = (xf >= 0.0) & (xf <= wf - 1.0) & (yf >= 0.0) & (yf <= hf - 1.0)
        xc = jnp.clip(xf, 0.0, wf - 1.0).astype(jnp.int32)
        yc = jnp.clip(yf, 0.0, hf - 1.0).astype(jnp.int32)
        idx_ref[0, :, ci * K:(ci + 1) * K] = base + yc * wi + xc
        wgt_ref[0, :, ci * K:(ci + 1) * K] = wgt * aw * valid.astype(f32)


def _out_body(x_ref, w1_ref, b1_ref, w2_ref, b2_ref, o_ref):
    f32 = jnp.float32
    t = jnp.dot(x_ref[0], w1_ref[...], preferred_element_type=f32, precision=lax.Precision.HIGHEST) + b1_ref[...]
    o_ref[0] = jnp.dot(t, w2_ref[...], preferred_element_type=f32, precision=lax.Precision.HIGHEST) + b2_ref[...]


def _sc_body(table_ref, idx_ref, wgt_ref, out_ref,
             idx0, rows0, w0, idx1, rows1, w1, acc_v, sem0, sem1):
    wid = lax.axis_index("s") * 2 + lax.axis_index("c")
    lanes = lax.iota(jnp.int32, 16)
    base = wid * _BPW

    def fire(idxbuf, rowsbuf, wbuf, sem, blk):
        pltpu.sync_copy(idx_ref.at[blk], idxbuf)
        pltpu.sync_copy(wgt_ref.at[blk], wbuf)
        for j in range(8):
            pltpu.async_copy(table_ref.at[idxbuf.at[j]],
                             rowsbuf.at[pl.ds(j * 128, 128)], sem)

    def drain(idxbuf, rowsbuf, sem):
        for j in range(8):
            pltpu.make_async_copy(table_ref.at[idxbuf.at[j]],
                                  rowsbuf.at[pl.ds(j * 128, 128)], sem).wait()

    def compute(rowsbuf, wbuf, blk):
        for half in range(2):
            init = tuple(jnp.zeros((16,), jnp.float32) for _ in range(16))

            @plsc.parallel_loop(0, 64, unroll=2, carry=init)
            def accs(s, accs_in, half=half, rowsbuf=rowsbuf, wbuf=wbuf):
                wv = wbuf[s]
                r = lanes * 64 + s
                out = []
                for ch in range(half * 16, half * 16 + 16):
                    cv = jnp.full((16,), ch, jnp.int32)
                    val = plsc.load_gather(rowsbuf, [r, cv])
                    out.append(accs_in[ch - half * 16] + wv * val)
                return tuple(out)

            for ch in range(16):
                acc_v[half * 16 + ch] = accs[ch]
        pltpu.sync_copy(acc_v, out_ref.at[blk])

    fire(idx0, rows0, w0, sem0, base)

    def body2(t, carry):
        b0 = base + 2 * t
        fire(idx1, rows1, w1, sem1, b0 + 1)
        drain(idx0, rows0, sem0)
        compute(rows0, w0, b0)
        fire(idx0, rows0, w0, sem0, jnp.minimum(b0 + 2, _NBLK - 1))
        drain(idx1, rows1, sem1)
        compute(rows1, w1, b0 + 1)
        return carry

    lax.fori_loop(0, _BPW // 2, body2, 0)
    drain(idx0, rows0, sem0)


@functools.cache
def _sc_sample():
    return pl.kernel(
        _sc_body,
        out_type=jax.ShapeDtypeStruct((_NBLK, _DH, 16), jnp.float32),
        mesh=plsc.VectorSubcoreMesh(core_axis_name="c", subcore_axis_name="s"),
        compiler_params=pltpu.CompilerParams(needs_layout_passes=False,
                                             use_tc_tiling_on_sc=False),
        scratch_types=[
            pltpu.VMEM((8, 128), jnp.int32),
            pltpu.VMEM((1024, _DH), jnp.float32),
            pltpu.VMEM((64, 16), jnp.float32),
            pltpu.VMEM((8, 128), jnp.int32),
            pltpu.VMEM((1024, _DH), jnp.float32),
            pltpu.VMEM((64, 16), jnp.float32),
            pltpu.VMEM((_DH, 16), jnp.float32),
            pltpu.SemaphoreType.DMA,
            pltpu.SemaphoreType.DMA,
        ],
    )


def kernel(q, feat0, feat1, feat2, feat3, reference_points, spatial_shapes,
           level_start_index, q_proj_w, q_proj_b, value_proj_w, value_proj_b,
           samp_off_w, samp_off_b, attn_w_w, attn_w_b, output_proj_w,
           output_proj_b, out_proj_w, out_proj_b):
    B = q.shape[0]
    feats = (feat0, feat1, feat2, feat3)
    value = jnp.concatenate(
        [f.reshape(B, _D, -1).transpose(0, 2, 1) for f in feats], axis=1)
    rp8 = reference_points.reshape(B, _LQ, 2 * _L)
    consts = _build_consts()
    to2d = lambda a: a.reshape(1, -1)
    K = _H * _L * _P

    full = lambda shape: pl.BlockSpec(shape, lambda b, i: (0,) * len(shape))
    tile = lambda w: pl.BlockSpec((1, _TQ, w), lambda b, i: (b, i, 0))
    idx, wgt, v = pl.pallas_call(
        _proj_body,
        grid=(B, _NQT),
        in_specs=[
            tile(_D), tile(_D), tile(2 * _L),
            full((_D, _D)), full((1, _D)), full((_D, _D)), full((1, _D)),
            full((_D, 2 * K)), full((1, 2 * K)), full((_D, K)), full((1, K)),
            full((2 * _L, 2 * K)), full((1, 2 * K)),
            full((2 * K, K)), full((2 * K, K)), full((K, K)),
            full((1, K)), full((1, K)), full((1, K)), full((1, K)),
            full((1, K)),
        ],
        out_specs=[tile(4 * K), tile(4 * K), tile(_D)],
        out_shape=[
            jax.ShapeDtypeStruct((B, _LQ, 4 * K), jnp.int32),
            jax.ShapeDtypeStruct((B, _LQ, 4 * K), jnp.float32),
            jax.ShapeDtypeStruct((B, _LQ, _D), jnp.float32),
        ],
    )(q, value, rp8, q_proj_w, to2d(q_proj_b), value_proj_w, to2d(value_proj_b),
      samp_off_w, to2d(samp_off_b), attn_w_w, to2d(attn_w_b), *consts)

    table = v.reshape(B, _LQ, _H, _DH).transpose(0, 2, 1, 3) \
             .reshape(B * _H * _LQ, _DH)
    blocks = lambda a: a.reshape(B, _LQ, 4, _H, _L * _P) \
                        .transpose(0, 1, 3, 2, 4).reshape(_NBLK, 16, 64)
    idx_b = blocks(idx).reshape(_NBLK, 8, 128)
    wgt_b = blocks(wgt).transpose(0, 2, 1)

    sc_out = _sc_sample()(table, idx_b, wgt_b)
    core = sc_out.transpose(0, 2, 1).reshape(B, _LQ, _D)

    out = pl.pallas_call(
        _out_body,
        grid=(B, _NQT),
        in_specs=[tile(_D), full((_D, _D)), full((1, _D)),
                  full((_D, _D)), full((1, _D))],
        out_specs=tile(_D),
        out_shape=jax.ShapeDtypeStruct((B, _LQ, _D), jnp.float32),
    )(core, output_proj_w, to2d(output_proj_b), out_proj_w, to2d(out_proj_b))
    return out

# --- scband reference (transcript-rebuilt; emitter-appended) ---
"""Pipeline reference for scband-msdeform-attn-adapter-25761213841553 (READ-ONLY COPY).

The authoritative reference and input builder live on the scoring server;
editing this copy changes nothing except your own understanding.
"""

import jax, jax.numpy as jnp
import numpy as np

D = 256
HEADS = 8
LEVELS = 4
POINTS = 4
SHAPES = [(64, 64), (32, 32), (16, 16), (8, 8)]
B = 4
LQ = sum(h * w for h, w in SHAPES)


def setup_inputs(seed: int = 0):
    key = jax.random.key(seed)
    ks = jax.random.split(key, 20)
    s = 0.02
    inp = {}
    inp["q"] = jax.random.normal(ks[0], (B, LQ, D), jnp.float32)
    for i, (h, w) in enumerate(SHAPES):
        inp["feat%d" % i] = jax.random.normal(ks[1 + i], (B, D, h, w), jnp.float32)
    inp["reference_points"] = jax.random.uniform(ks[5], (B, LQ, LEVELS, 2), dtype=jnp.float32)
    inp["spatial_shapes"] = jnp.array(SHAPES, dtype=jnp.int32)
    starts = np.cumsum([0] + [h * w for h, w in SHAPES])[:-1]
    inp["level_start_index"] = jnp.array(starts, dtype=jnp.int32)
    inp["q_proj_w"] = s * jax.random.normal(ks[6], (D, D), jnp.float32)
    inp["q_proj_b"] = jnp.zeros((D,), jnp.float32)
    inp["value_proj_w"] = s * jax.random.normal(ks[7], (D, D), jnp.float32)
    inp["value_proj_b"] = jnp.zeros((D,), jnp.float32)
    inp["samp_off_w"] = s * jax.random.normal(ks[8], (D, HEADS * LEVELS * POINTS * 2), jnp.float32)
    inp["samp_off_b"] = s * jax.random.normal(ks[9], (HEADS * LEVELS * POINTS * 2,), jnp.float32)
    inp["attn_w_w"] = s * jax.random.normal(ks[10], (D, HEADS * LEVELS * POINTS), jnp.float32)
    inp["attn_w_b"] = jnp.zeros((HEADS * LEVELS * POINTS,), jnp.float32)
    inp["output_proj_w"] = s * jax.random.normal(ks[11], (D, D), jnp.float32)
    inp["output_proj_b"] = jnp.zeros((D,), jnp.float32)
    inp["out_proj_w"] = s * jax.random.normal(ks[12], (D, D), jnp.float32)
    inp["out_proj_b"] = jnp.zeros((D,), jnp.float32)
    return inp


def _bilinear(img, grid):
    # img: (BH, Dh, H, W), grid: (BH, Q, P, 2) in [-1, 1]; align_corners=False, zero padding
    BH, Dh, h_, w_ = img.shape
    x = (grid[..., 0] + 1.0) * 0.5 * w_ - 0.5
    y = (grid[..., 1] + 1.0) * 0.5 * h_ - 0.5
    x0 = jnp.floor(x)
    y0 = jnp.floor(y)
    x1 = x0 + 1.0
    y1 = y0 + 1.0
    wx1 = x - x0
    wx0 = 1.0 - wx1
    wy1 = y - y0
    wy0 = 1.0 - wy1
    imgf = img.reshape(BH, Dh, h_ * w_)

    def gath(xi, yi):
        valid = (xi >= 0) & (xi <= w_ - 1) & (yi >= 0) & (yi <= h_ - 1)
        xc = jnp.clip(xi, 0, w_ - 1).astype(jnp.int32)
        yc = jnp.clip(yi, 0, h_ - 1).astype(jnp.int32)
        idx = (yc * w_ + xc).reshape(BH, 1, -1)
        v = jnp.take_along_axis(imgf, idx, axis=2)
        v = v.reshape(BH, Dh, xi.shape[1], xi.shape[2])
        return v * valid[:, None, :, :].astype(img.dtype)

    v00 = gath(x0, y0)
    v01 = gath(x1, y0)
    v10 = gath(x0, y1)
    v11 = gath(x1, y1)
    return (v00 * (wx0 * wy0)[:, None] + v01 * (wx1 * wy0)[:, None]
            + v10 * (wx0 * wy1)[:, None] + v11 * (wx1 * wy1)[:, None])


def _ms_deform_core(value, shapes, loc, aw):
    B_, Lv, H, Dh = value.shape
    Lq = loc.shape[1]
    L = len(shapes)
    P = loc.shape[4]
    grids = 2.0 * loc - 1.0
    offs = np.cumsum([0] + [h * w for h, w in shapes])
    outs = []
    for l, (h_, w_) in enumerate(shapes):
        vl = value[:, offs[l]:offs[l + 1]]
        vl = vl.transpose(0, 2, 3, 1).reshape(B_ * H, Dh, h_, w_)
        g = grids[:, :, :, l].transpose(0, 2, 1, 3, 4).reshape(B_ * H, Lq, P, 2)
        outs.append(_bilinear(vl, g))
    samp = jnp.stack(outs, axis=3)
    w = aw.transpose(0, 2, 1, 3, 4).reshape(B_ * H, 1, Lq, L, P)
    out = (samp * w).sum(axis=(3, 4))
    out = out.reshape(B_, H, Dh, Lq).transpose(0, 3, 1, 2).reshape(B_, Lq, H * Dh)
    return out


def reference(q, feat0, feat1, feat2, feat3, reference_points, spatial_shapes,
              level_start_index, q_proj_w, q_proj_b, value_proj_w, value_proj_b,
              samp_off_w, samp_off_b, attn_w_w, attn_w_b, output_proj_w,
              output_proj_b, out_proj_w, out_proj_b):
    feats = [feat0, feat1, feat2, feat3]
    shapes = [(f.shape[2], f.shape[3]) for f in feats]
    qp = q @ q_proj_w + q_proj_b
    value = jnp.concatenate([f.reshape(f.shape[0], f.shape[1], -1).transpose(0, 2, 1) for f in feats], axis=1)
    v = (value @ value_proj_w + value_proj_b).reshape(value.shape[0], value.shape[1], HEADS, D // HEADS)
    off = (qp @ samp_off_w + samp_off_b).reshape(q.shape[0], q.shape[1], HEADS, LEVELS, POINTS, 2)
    aw = (qp @ attn_w_w + attn_w_b).reshape(q.shape[0], q.shape[1], HEADS, LEVELS * POINTS)
    aw = jax.nn.softmax(aw, axis=-1).reshape(q.shape[0], q.shape[1], HEADS, LEVELS, POINTS)
    norm = spatial_shapes[:, ::-1].astype(jnp.float32)
    loc = reference_points[:, :, None, :, None, :] + off / norm[None, None, None, :, None, :]
    out = _ms_deform_core(v, shapes, loc, aw)
    out = out @ output_proj_w + output_proj_b
    return out @ out_proj_w + out_proj_b

if __name__ == "__main__":
    import jax
    _d = setup_inputs()
    print(jax.jit(kernel)(*tuple(_d.values())))

</pallas_src>

<mosaic_0001>
#map = affine_map<(d0, d1) -> (0, 0)>
#map1 = affine_map<(d0, d1) -> (0, 0, 0)>
module attributes {stable_mosaic.version = 14 : i64} {
  func.func @_sc_body(%arg0: i32, %arg1: i32, %arg2: memref<174080x32xf32, #tpu.memory_space<hbm>>, %arg3: memref<10880x8x128xi32, #tpu.memory_space<hbm>>, %arg4: memref<10880x64x16xf32, #tpu.memory_space<hbm>>, %arg5: memref<10880x32x16xf32, #tpu.memory_space<hbm>>, %arg6: memref<8x128xi32, #tpu.memory_space<vmem>>, %arg7: memref<1024x32xf32, #tpu.memory_space<vmem>>, %arg8: memref<64x16xf32, #tpu.memory_space<vmem>>, %arg9: memref<8x128xi32, #tpu.memory_space<vmem>>, %arg10: memref<1024x32xf32, #tpu.memory_space<vmem>>, %arg11: memref<64x16xf32, #tpu.memory_space<vmem>>, %arg12: memref<32x16xf32, #tpu.memory_space<vmem>>, %arg13: memref<!tpu.dma_semaphore, #tpu.memory_space<semaphore_mem>>, %arg14: memref<!tpu.dma_semaphore, #tpu.memory_space<semaphore_mem>>) attributes {dimension_semantics = [#tpu.dimension_semantics<core_parallel>, #tpu.dimension_semantics<subcore_parallel>], iteration_bounds = array<i64: 2, 16>, scalar_prefetch = 0 : i64, scratch_operands = 9 : i64, tpu.core_type = #tpu.core_type<sc_vector_subcore>, window_params = [{transform_indices = #map}, {transform_indices = #map1}, {transform_indices = #map1}, {transform_indices = #map1}]} {
    %mul3A = arith.constant 2 : i32
    %mul3A_0 = arith.muli %arg1, %mul3A : i32
    %add3A = arith.addi %mul3A_0, %arg0 : i32
    %iota3A = tpu.iota {dimensions = array<i32: 0>} : vector<16xi32>
    %mul3A_1 = arith.constant 340 : i32
    %mul3A_2 = arith.muli %add3A, %mul3A_1 : i32
    "tpu.region"() ({
      %run_scoped3A = tpu.sem_alloc : memref<!tpu.dma_semaphore, #tpu.memory_space<semaphore_mem>>
      %dma_start3A_166 = arith.constant 0 : i32
      %dma_start3A_167 = arith.constant 0 : i32
      %dma_start3A_168 = tpu.memref_slice %arg3[%mul3A_2, %dma_start3A_166, %dma_start3A_167] : memref<10880x8x128xi32, #tpu.memory_space<hbm>> -> memref<1x8x128xi32, #tpu.memory_space<hbm>>
      %dma_start3A_169 = tpu.memref_squeeze %dma_start3A_168 : memref<1x8x128xi32, #tpu.memory_space<hbm>> -> memref<8x128xi32, #tpu.memory_space<hbm>>
      %dma_start3A_170 = arith.constant 0 : i32
      %dma_start3A_171 = arith.constant 0 : i32
      %dma_start3A_172 = tpu.memref_slice %arg3[%mul3A_2, %dma_start3A_170, %dma_start3A_171] : memref<10880x8x128xi32, #tpu.memory_space<hbm>> -> memref<1x8x128xi32, #tpu.memory_space<hbm>>
      %dma_start3A_173 = tpu.memref_squeeze %dma_start3A_172 : memref<1x8x128xi32, #tpu.memory_space<hbm>> -> memref<8x128xi32, #tpu.memory_space<hbm>>
      tpu.enqueue_dma source(%dma_start3A_173 : memref<8x128xi32, #tpu.memory_space<hbm>>) target(%arg6 : memref<8x128xi32, #tpu.memory_space<vmem>>) target_semaphore(%run_scoped3A : memref<!tpu.dma_semaphore, #tpu.memory_space<semaphore_mem>>)
      %dma_wait3A_174 = arith.constant 0 : i32
      %dma_wait3A_175 = arith.constant 0 : i32
      %dma_wait3A_176 = tpu.memref_slice %arg3[%mul3A_2, %dma_wait3A_174, %dma_wait3A_175] : memref<10880x8x128xi32, #tpu.memory_space<hbm>> -> memref<1x8x128xi32, #tpu.memory_space<hbm>>
      %dma_wait3A_177 = tpu.memref_squeeze %dma_wait3A_176 : memref<1x8x128xi32, #tpu.memory_space<hbm>> -> memref<8x128xi32, #tpu.memory_space<hbm>>
      %dma_wait3A_178 = arith.constant 0 : i32
      %dma_wait3A_179 = arith.constant 0 : i32
      %dma_wait3A_180 = tpu.memref_slice %arg3[%mul3A_2, %dma_wait3A_178, %dma_wait3A_179] : memref<10880x8x128xi32, #tpu.memory_space<hbm>> -> memref<1x8x128xi32, #tpu.memory_space<hbm>>
      %dma_wait3A_181 = tpu.memref_squeeze %dma_wait3A_180 : memref<1x8x128xi32, #tpu.memory_space<hbm>> -> memref<8x128xi32, #tpu.memory_space<hbm>>
      tpu.wait_dma2 semaphore(%run_scoped3A : memref<!tpu.dma_semaphore, #tpu.memory_space<semaphore_mem>>) src(%dma_wait3A_181 : memref<8x128xi32, #tpu.memory_space<hbm>>) dst(%arg6 : memref<8x128xi32, #tpu.memory_space<vmem>>)
      tpu.yield
    }) : () -> ()
    "tpu.region"() ({
      %run_scoped3A = tpu.sem_alloc : memref<!tpu.dma_semaphore, #tpu.memory_space<semaphore_mem>>
      %dma_start3A_166 = arith.constant 0 : i32
      %dma_start3A_167 = arith.constant 0 : i32
      %dma_start3A_168 = tpu.memref_slice %arg4[%mul3A_2, %dma_start3A_166, %dma_start3A_167] : memref<10880x64x16xf32, #tpu.memory_space<hbm>> -> memref<1x64x16xf32, #tpu.memory_space<hbm>>
      %dma_start3A_169 = tpu.memref_squeeze %dma_start3A_168 : memref<1x64x16xf32, #tpu.memory_space<hbm>> -> memref<64x16xf32, #tpu.memory_space<hbm>>
      %dma_start3A_170 = arith.constant 0 : i32
      %dma_start3A_171 = arith.constant 0 : i32
      %dma_start3A_172 = tpu.memref_slice %arg4[%mul3A_2, %dma_start3A_170, %dma_start3A_171] : memref<10880x64x16xf32, #tpu.memory_space<hbm>> -> memref<1x64x16xf32, #tpu.memory_space<hbm>>
      %dma_start3A_173 = tpu.memref_squeeze %dma_start3A_172 : memref<1x64x16xf32, #tpu.memory_space<hbm>> -> memref<64x16xf32, #tpu.memory_space<hbm>>
      tpu.enqueue_dma source(%dma_start3A_173 : memref<64x16xf32, #tpu.memory_space<hbm>>) target(%arg8 : memref<64x16xf32, #tpu.memory_space<vmem>>) target_semaphore(%run_scoped3A : memref<!tpu.dma_semaphore, #tpu.memory_space<semaphore_mem>>)
      %dma_wait3A_174 = arith.constant 0 : i32
      %dma_wait3A_175 = arith.constant 0 : i32
      %dma_wait3A_176 = tpu.memref_slice %arg4[%mul3A_2, %dma_wait3A_174, %dma_wait3A_175] : memref<10880x64x16xf32, #tpu.memory_space<hbm>> -> memref<1x64x16xf32, #tpu.memory_space<hbm>>
      %dma_wait3A_177 = tpu.memref_squeeze %dma_wait3A_176 : memref<1x64x16xf32, #tpu.memory_space<hbm>> -> memref<64x16xf32, #tpu.memory_space<hbm>>
      %dma_wait3A_178 = arith.constant 0 : i32
      %dma_wait3A_179 = arith.constant 0 : i32
      %dma_wait3A_180 = tpu.memref_slice %arg4[%mul3A_2, %dma_wait3A_178, %dma_wait3A_179] : memref<10880x64x16xf32, #tpu.memory_space<hbm>> -> memref<1x64x16xf32, #tpu.memory_space<hbm>>
      %dma_wait3A_181 = tpu.memref_squeeze %dma_wait3A_180 : memref<1x64x16xf32, #tpu.memory_space<hbm>> -> memref<64x16xf32, #tpu.memory_space<hbm>>
      tpu.wait_dma2 semaphore(%run_scoped3A : memref<!tpu.dma_semaphore, #tpu.memory_space<semaphore_mem>>) src(%dma_wait3A_181 : memref<64x16xf32, #tpu.memory_space<hbm>>) dst(%arg8 : memref<64x16xf32, #tpu.memory_space<vmem>>)
      tpu.yield
    }) : () -> ()
    %dma_start3A = arith.constant 0 : i32
    %dma_start3A_3 = arith.constant 0 : i32
    %dma_start3A_4 = arith.constant 0 : i32
    %dma_start3A_5 = tpu.memref_slice %arg7[%dma_start3A_3, %dma_start3A_4] : memref<1024x32xf32, #tpu.memory_space<vmem>> -> memref<128x32xf32, #tpu.memory_space<vmem>>
    %dma_start3A_6 = arith.constant 0 : i32
    %dma_start3A_7 = tpu.memref_slice %arg6[%dma_start3A, %dma_start3A_6] : memref<8x128xi32, #tpu.memory_space<vmem>> -> memref<1x128xi32, #tpu.memory_space<vmem>>
    %dma_start3A_8 = tpu.memref_squeeze %dma_start3A_7 : memref<1x128xi32, #tpu.memory_space<vmem>> -> memref<128xi32, #tpu.memory_space<vmem>>
    %dma_start3A_9 = arith.constant 0 : i32
    %dma_start3A_10 = arith.constant 0 : i32
    %dma_start3A_11 = tpu.memref_slice %arg2[%dma_start3A_9, %dma_start3A_10] : memref<174080x32xf32, #tpu.memory_space<hbm>> -> memref<174080x32xf32, #tpu.memory_space<hbm>>
    tpu.enqueue_indirect_dma source(%dma_start3A_11 : memref<174080x32xf32, #tpu.memory_space<hbm>>) target(%dma_start3A_5 : memref<128x32xf32, #tpu.memory_space<vmem>>) offsets(%dma_start3A_8 : memref<128xi32, #tpu.memory_space<vmem>>) semaphore(%arg13 : memref<!tpu.dma_semaphore, #tpu.memory_space<semaphore_mem>>)
    %dma_start3A_12 = arith.constant 1 : i32
    %dma_start3A_13 = arith.constant 128 : i32
    %dma_start3A_14 = arith.constant 0 : i32
    %dma_start3A_15 = tpu.memref_slice %arg7[%dma_start3A_13, %dma_start3A_14] : memref<1024x32xf32, #tpu.memory_space<vmem>> -> memref<128x32xf32, #tpu.memory_space<vmem>>
    %dma_start3A_16 = arith.constant 0 : i32
    %dma_start3A_17 = tpu.memref_slice %arg6[%dma_start3A_12, %dma_start3A_16] : memref<8x128xi32, #tpu.memory_space<vmem>> -> memref<1x128xi32, #tpu.memory_space<vmem>>
    %dma_start3A_18 = tpu.memref_squeeze %dma_start3A_17 : memref<1x128xi32, #tpu.memory_space<vmem>> -> memref<128xi32, #tpu.memory_space<vmem>>
    %dma_start3A_19 = arith.constant 0 : i32
    %dma_start3A_20 = arith.constant 0 : i32
    %dma_start3A_21 = tpu.memref_slice %arg2[%dma_start3A_19, %dma_start3A_20] : memref<174080x32xf32, #tpu.memory_space<hbm>> -> memref<174080x32xf32, #tpu.memory_space<hbm>>
    tpu.enqueue_indirect_dma source(%dma_start3A_21 : memref<174080x32xf32, #tpu.memory_space<hbm>>) target(%dma_start3A_15 : memref<128x32xf32, #tpu.memory_space<vmem>>) offsets(%dma_start3A_18 : memref<128xi32, #tpu.memory_space<vmem>>) semaphore(%arg13 : memref<!tpu.dma_semaphore, #tpu.memory_space<semaphore_mem>>)
    %dma_start3A_22 = arith.constant 2 : i32
    %dma_start3A_23 = arith.constant 256 : i32
    %dma_start3A_24 = arith.constant 0 : i32
    %dma_start3A_25 = tpu.memref_slice %arg7[%dma_start3A_23, %dma_start3A_24] : memref<1024x32xf32, #tpu.memory_space<vmem>> -> memref<128x32xf32, #tpu.memory_space<vmem>>
    %dma_start3A_26 = arith.constant 0 : i32
    %dma_start3A_27 = tpu.memref_slice %arg6[%dma_start3A_22, %dma_start3A_26] : memref<8x128xi32, #tpu.memory_space<vmem>> -> memref<1x128xi32, #tpu.memory_space<vmem>>
    %dma_start3A_28 = tpu.memref_squeeze %dma_start3A_27 : memref<1x128xi32, #tpu.memory_space<vmem>> -> memref<128xi32, #tpu.memory_space<vmem>>
    %dma_start3A_29 = arith.constant 0 : i32
    %dma_start3A_30 = arith.constant 0 : i32
    %dma_start3A_31 = tpu.memref_slice %arg2[%dma_start3A_29, %dma_start3A_30] : memref<174080x32xf32, #tpu.memory_space<hbm>> -> memref<174080x32xf32, #tpu.memory_space<hbm>>
    tpu.enqueue_indirect_dma source(%dma_start3A_31 : memref<174080x32xf32, #tpu.memory_space<hbm>>) target(%dma_start3A_25 : memref<128x32xf32, #tpu.memory_space<vmem>>) offsets(%dma_start3A_28 : memref<128xi32, #tpu.memory_space<vmem>>) semaphore(%arg13 : memref<!tpu.dma_semaphore, #tpu.memory_space<semaphore_mem>>)
    %dma_start3A_32 = arith.constant 3 : i32
    %dma_start3A_33 = arith.constant 384 : i32
    %dma_start3A_34 = arith.constant 0 : i32
    %dma_start3A_35 = tpu.memref_slice %arg7[%dma_start3A_33, %dma_start3A_34] : memref<1024x32xf32, #tpu.memory_space<vmem>> -> memref<128x32xf32, #tpu.memory_space<vmem>>
    %dma_start3A_36 = arith.constant 0 : i32
    %dma_start3A_37 = tpu.memref_slice %arg6[%dma_start3A_32, %dma_start3A_36] : memref<8x128xi32, #tpu.memory_space<vmem>> -> memref<1x128xi32, #tpu.memory_space<vmem>>
    %dma_start3A_38 = tpu.memref_squeeze %dma_start3A_37 : memref<1x128xi32, #tpu.memory_space<vmem>> -> memref<128xi32, #tpu.memory_space<vmem>>
    %dma_start3A_39 = arith.constant 0 : i32
    %dma_start3A_40 = arith.constant 0 : i32
    %dma_start3A_41 = tpu.memref_slice %arg2[%dma_start3A_39, %dma_start3A_40] : memref<174080x32xf32, #tpu.memory_space<hbm>> -> memref<174080x32xf32, #tpu.memory_space<hbm>>
    tpu.enqueue_indirect_dma source(%dma_start3A_41 : memref<174080x32xf32, #tpu.memory_space<hbm>>) target(%dma_start3A_35 : memref<128x32xf32, #tpu.memory_space<vmem>>) offsets(%dma_start3A_38 : memref<128xi32, #tpu.memory_space<vmem>>) semaphore(%arg13 : memref<!tpu.dma_semaphore, #tpu.memory_space<semaphore_mem>>)
    %dma_start3A_42 = arith.constant 4 : i32
    %dma_start3A_43 = arith.constant 512 : i32
    %dma_start3A_44 = arith.constant 0 : i32
    %dma_start3A_45 = tpu.memref_slice %arg7[%dma_start3A_43, %dma_start3A_44] : memref<1024x32xf32, #tpu.memory_space<vmem>> -> memref<128x32xf32, #tpu.memory_space<vmem>>
    %dma_start3A_46 = arith.constant 0 : i32
    %dma_start3A_47 = tpu.memref_slice %arg6[%dma_start3A_42, %dma_start3A_46] : memref<8x128xi32, #tpu.memory_space<vmem>> -> memref<1x128xi32, #tpu.memory_space<vmem>>
    %dma_start3A_48 = tpu.memref_squeeze %dma_start3A_47 : memref<1x128xi32, #tpu.memory_space<vmem>> -> memref<128xi32, #tpu.memory_space<vmem>>
    %dma_start3A_49 = arith.constant 0 : i32
    %dma_start3A_50 = arith.constant 0 : i32
    %dma_start3A_51 = tpu.memref_slice %arg2[%dma_start3A_49, %dma_start3A_50] : memref<174080x32xf32, #tpu.memory_space<hbm>> -> memref<174080x32xf32, #tpu.memory_space<hbm>>
    tpu.enqueue_indirect_dma source(%dma_start3A_51 : memref<174080x32xf32, #tpu.memory_space<hbm>>) target(%dma_start3A_45 : memref<128x32xf32, #tpu.memory_space<vmem>>) offsets(%dma_start3A_48 : memref<128xi32, #tpu.memory_space<vmem>>) semaphore(%arg13 : memref<!tpu.dma_semaphore, #tpu.memory_space<semaphore_mem>>)
    %dma_start3A_52 = arith.constant 5 : i32
    %dma_start3A_53 = arith.constant 640 : i32
    %dma_start3A_54 = arith.constant 0 : i32
    %dma_start3A_55 = tpu.memref_slice %arg7[%dma_start3A_53, %dma_start3A_54] : memref<1024x32xf32, #tpu.memory_space<vmem>> -> memref<128x32xf32, #tpu.memory_space<vmem>>
    %dma_start3A_56 = arith.constant 0 : i32
    %dma_start3A_57 = tpu.memref_slice %arg6[%dma_start3A_52, %dma_start3A_56] : memref<8x128xi32, #tpu.memory_space<vmem>> -> memref<1x128xi32, #tpu.memory_space<vmem>>
    %dma_start3A_58 = tpu.memref_squeeze %dma_start3A_57 : memref<1x128xi32, #tpu.memory_space<vmem>> -> memref<128xi32, #tpu.memory_space<vmem>>
    %dma_start3A_59 = arith.constant 0 : i32
    %dma_start3A_60 = arith.constant 0 : i32
    %dma_start3A_61 = tpu.memref_slice %arg2[%dma_start3A_59, %dma_start3A_60] : memref<174080x32xf32, #tpu.memory_space<hbm>> -> memref<174080x32xf32, #tpu.memory_space<hbm>>
    tpu.enqueue_indirect_dma source(%dma_start3A_61 : memref<174080x32xf32, #tpu.memory_space<hbm>>) target(%dma_start3A_55 : memref<128x32xf32, #tpu.memory_space<vmem>>) offsets(%dma_start3A_58 : memref<128xi32, #tpu.memory_space<vmem>>) semaphore(%arg13 : memref<!tpu.dma_semaphore, #tpu.memory_space<semaphore_mem>>)
    %dma_start3A_62 = arith.constant 6 : i32
    %dma_start3A_63 = arith.constant 768 : i32
    %dma_start3A_64 = arith.constant 0 : i32
    %dma_start3A_65 = tpu.memref_slice %arg7[%dma_start3A_63, %dma_start3A_64] : memref<1024x32xf32, #tpu.memory_space<vmem>> -> memref<128x32xf32, #tpu.memory_space<vmem>>
    %dma_start3A_66 = arith.constant 0 : i32
    %dma_start3A_67 = tpu.memref_slice %arg6[%dma_start3A_62, %dma_start3A_66] : memref<8x128xi32, #tpu.memory_space<vmem>> -> memref<1x128xi32, #tpu.memory_space<vmem>>
    %dma_start3A_68 = tpu.memref_squeeze %dma_start3A_67 : memref<1x128xi32, #tpu.memory_space<vmem>> -> memref<128xi32, #tpu.memory_space<vmem>>
    %dma_start3A_69 = arith.constant 0 : i32
    %dma_start3A_70 = arith.constant 0 : i32
    %dma_start3A_71 = tpu.memref_slice %arg2[%dma_start3A_69, %dma_start3A_70] : memref<174080x32xf32, #tpu.memory_space<hbm>> -> memref<174080x32xf32, #tpu.memory_space<hbm>>
    tpu.enqueue_indirect_dma source(%dma_start3A_71 : memref<174080x32xf32, #tpu.memory_space<hbm>>) target(%dma_start3A_65 : memref<128x32xf32, #tpu.memory_space<vmem>>) offsets(%dma_start3A_68 : memref<128xi32, #tpu.memory_space<vmem>>) semaphore(%arg13 : memref<!tpu.dma_semaphore, #tpu.memory_space<semaphore_mem>>)
    %dma_start3A_72 = arith.constant 7 : i32
    %dma_start3A_73 = arith.constant 896 : i32
    %dma_start3A_74 = arith.constant 0 : i32
    %dma_start3A_75 = tpu.memref_slice %arg7[%dma_start3A_73, %dma_start3A_74] : memref<1024x32xf32, #tpu.memory_space<vmem>> -> memref<128x32xf32, #tpu.memory_space<vmem>>
    %dma_start3A_76 = arith.constant 0 : i32
    %dma_start3A_77 = tpu.memref_slice %arg6[%dma_start3A_72, %dma_start3A_76] : memref<8x128xi32, #tpu.memory_space<vmem>> -> memref<1x128xi32, #tpu.memory_space<vmem>>
    %dma_start3A_78 = tpu.memref_squeeze %dma_start3A_77 : memref<1x128xi32, #tpu.memory_space<vmem>> -> memref<128xi32, #tpu.memory_space<vmem>>
    %dma_start3A_79 = arith.constant 0 : i32
    %dma_start3A_80 = arith.constant 0 : i32
    %dma_start3A_81 = tpu.memref_slice %arg2[%dma_start3A_79, %dma_start3A_80] : memref<174080x32xf32, #tpu.memory_space<hbm>> -> memref<174080x32xf32, #tpu.memory_space<hbm>>
    tpu.enqueue_indirect_dma source(%dma_start3A_81 : memref<174080x32xf32, #tpu.memory_space<hbm>>) target(%dma_start3A_75 : memref<128x32xf32, #tpu.memory_space<vmem>>) offsets(%dma_start3A_78 : memref<128xi32, #tpu.memory_space<vmem>>) semaphore(%arg13 : memref<!tpu.dma_semaphore, #tpu.memory_space<semaphore_mem>>)
    %scan3A = arith.constant 0 : i32
    %scan3A_82 = arith.constant 0 : i32
    %scan3A_83 = arith.constant 170 : i32
    %scan3A_84 = arith.addi %scan3A_82, %scan3A_83 : i32
    %scan3A_85 = arith.constant 1 : i32
    scf.for %scan3A_166 = %scan3A_82 to %scan3A_84 step %scan3A_85  : i32 {
      %mul3A_167 = arith.constant 2 : i32
      %mul3A_168 = arith.muli %mul3A_167, %scan3A_166 : i32
      %add3A_169 = arith.addi %mul3A_2, %mul3A_168 : i32
      %add3A_170 = arith.constant 1 : i32
      %add3A_171 = arith.addi %add3A_169, %add3A_170 : i32
      "tpu.region"() ({
        %run_scoped3A = tpu.sem_alloc : memref<!tpu.dma_semaphore, #tpu.memory_space<semaphore_mem>>
        %dma_start3A_894 = arith.constant 0 : i32
        %dma_start3A_895 = arith.constant 0 : i32
        %dma_start3A_896 = tpu.memref_slice %arg3[%add3A_171, %dma_start3A_894, %dma_start3A_895] : memref<10880x8x128xi32, #tpu.memory_space<hbm>> -> memref<1x8x128xi32, #tpu.memory_space<hbm>>
        %dma_start3A_897 = tpu.memref_squeeze %dma_start3A_896 : memref<1x8x128xi32, #tpu.memory_space<hbm>> -> memref<8x128xi32, #tpu.memory_space<hbm>>
        %dma_start3A_898 = arith.constant 0 : i32
        %dma_start3A_899 = arith.constant 0 : i32
        %dma_start3A_900 = tpu.memref_slice %arg3[%add3A_171, %dma_start3A_898, %dma_start3A_899] : memref<10880x8x128xi32, #tpu.memory_space<hbm>> -> memref<1x8x128xi32, #tpu.memory_space<hbm>>
        %dma_start3A_901 = tpu.memref_squeeze %dma_start3A_900 : memref<1x8x128xi32, #tpu.memory_space<hbm>> -> memref<8x128xi32, #tpu.memory_space<hbm>>
        tpu.enqueue_dma source(%dma_start3A_901 : memref<8x128xi32, #tpu.memory_space<hbm>>) target(%arg9 : memref<8x128xi32, #tpu.memory_space<vmem>>) target_semaphore(%run_scoped3A : memref<!tpu.dma_semaphore, #tpu.memory_space<semaphore_mem>>)
        %dma_wait3A_902 = arith.constant 0 : i32
        %dma_wait3A_903 = arith.constant 0 : i32
        %dma_wait3A_904 = tpu.memref_slice %arg3[%add3A_171, %dma_wait3A_902, %dma_wait3A_903] : memref<10880x8x128xi32, #tpu.memory_space<hbm>> -> memref<1x8x128xi32, #tpu.memory_space<hbm>>
        %dma_wait3A_905 = tpu.memref_squeeze %dma_wait3A_904 : memref<1x8x128xi32, #tpu.memory_space<hbm>> -> memref<8x128xi32, #tpu.memory_space<hbm>>
        %dma_wait3A_906 = arith.constant 0 : i32
        %dma_wait3A_907 = arith.constant 0 : i32
        %dma_wait3A_908 = tpu.memref_slice %arg3[%add3A_171, %dma_wait3A_906, %dma_wait3A_907] : memref<10880x8x128xi32, #tpu.memory_space<hbm>> -> memref<1x8x128xi32, #tpu.memory_space<hbm>>
        %dma_wait3A_909 = tpu.memref_squeeze %dma_wait3A_908 : memref<1x8x128xi32, #tpu.memory_space<hbm>> -> memref<8x128xi32, #tpu.memory_space<hbm>>
        tpu.wait_dma2 semaphore(%run_scoped3A : memref<!tpu.dma_semaphore, #tpu.memory_space<semaphore_mem>>) src(%dma_wait3A_909 : memref<8x128xi32, #tpu.memory_space<hbm>>) dst(%arg9 : memref<8x128xi32, #tpu.memory_space<vmem>>)
        tpu.yield
      }) : () -> ()
      "tpu.region"() ({
        %run_scoped3A = tpu.sem_alloc : memref<!tpu.dma_semaphore, #tpu.memory_space<semaphore_mem>>
        %dma_start3A_894 = arith.constant 0 : i32
        %dma_start3A_895 = arith.constant 0 : i32
        %dma_start3A_896 = tpu.memref_slice %arg4[%add3A_171, %dma_start3A_894, %dma_start3A_895] : memref<10880x64x16xf32, #tpu.memory_space<hbm>> -> memref<1x64x16xf32, #tpu.memory_space<hbm>>
        %dma_start3A_897 = tpu.memref_squeeze %dma_start3A_896 : memref<1x64x16xf32, #tpu.memory_space<hbm>> -> memref<64x16xf32, #tpu.memory_space<hbm>>
        %dma_start3A_898 = arith.constant 0 : i32
        %dma_start3A_899 = arith.constant 0 : i32
        %dma_start3A_900 = tpu.memref_slice %arg4[%add3A_171, %dma_start3A_898, %dma_start3A_899] : memref<10880x64x16xf32, #tpu.memory_space<hbm>> -> memref<1x64x16xf32, #tpu.memory_space<hbm>>
        %dma_start3A_901 = tpu.memref_squeeze %dma_start3A_900 : memref<1x64x16xf32, #tpu.memory_space<hbm>> -> memref<64x16xf32, #tpu.memory_space<hbm>>
        tpu.enqueue_dma source(%dma_start3A_901 : memref<64x16xf32, #tpu.memory_space<hbm>>) target(%arg11 : memref<64x16xf32, #tpu.memory_space<vmem>>) target_semaphore(%run_scoped3A : memref<!tpu.dma_semaphore, #tpu.memory_space<semaphore_mem>>)
        %dma_wait3A_902 = arith.constant 0 : i32
        %dma_wait3A_903 = arith.constant 0 : i32
        %dma_wait3A_904 = tpu.memref_slice %arg4[%add3A_171, %dma_wait3A_902, %dma_wait3A_903] : memref<10880x64x16xf32, #tpu.memory_space<hbm>> -> memref<1x64x16xf32, #tpu.memory_space<hbm>>
        %dma_wait3A_905 = tpu.memref_squeeze %dma_wait3A_904 : memref<1x64x16xf32, #tpu.memory_space<hbm>> -> memref<64x16xf32, #tpu.memory_space<hbm>>
        %dma_wait3A_906 = arith.constant 0 : i32
        %dma_wait3A_907 = arith.constant 0 : i32
        %dma_wait3A_908 = tpu.memref_slice %arg4[%add3A_171, %dma_wait3A_906, %dma_wait3A_907] : memref<10880x64x16xf32, #tpu.memory_space<hbm>> -> memref<1x64x16xf32, #tpu.memory_space<hbm>>
        %dma_wait3A_909 = tpu.memref_squeeze %dma_wait3A_908 : memref<1x64x16xf32, #tpu.memory_space<hbm>> -> memref<64x16xf32, #tpu.memory_space<hbm>>
        tpu.wait_dma2 semaphore(%run_scoped3A : memref<!tpu.dma_semaphore, #tpu.memory_space<semaphore_mem>>) src(%dma_wait3A_909 : memref<64x16xf32, #tpu.memory_space<hbm>>) dst(%arg11 : memref<64x16xf32, #tpu.memory_space<vmem>>)
        tpu.yield
      }) : () -> ()
      %dma_start3A_172 = arith.constant 0 : i32
      %dma_start3A_173 = arith.constant 0 : i32
      %dma_start3A_174 = arith.constant 0 : i32
      %dma_start3A_175 = tpu.memref_slice %arg10[%dma_start3A_173, %dma_start3A_174] : memref<1024x32xf32, #tpu.memory_space<vmem>> -> memref<128x32xf32, #tpu.memory_space<vmem>>
      %dma_start3A_176 = arith.constant 0 : i32
      %dma_start3A_177 = tpu.memref_slice %arg9[%dma_start3A_172, %dma_start3A_176] : memref<8x128xi32, #tpu.memory_space<vmem>> -> memref<1x128xi32, #tpu.memory_space<vmem>>
      %dma_start3A_178 = tpu.memref_squeeze %dma_start3A_177 : memref<1x128xi32, #tpu.memory_space<vmem>> -> memref<128xi32, #tpu.memory_space<vmem>>
      %dma_start3A_179 = arith.constant 0 : i32
      %dma_start3A_180 = arith.constant 0 : i32
      %dma_start3A_181 = tpu.memref_slice %arg2[%dma_start3A_179, %dma_start3A_180] : memref<174080x32xf32, #tpu.memory_space<hbm>> -> memref<174080x32xf32, #tpu.memory_space<hbm>>
      tpu.enqueue_indirect_dma source(%dma_start3A_181 : memref<174080x32xf32, #tpu.memory_space<hbm>>) target(%dma_start3A_175 : memref<128x32xf32, #tpu.memory_space<vmem>>) offsets(%dma_start3A_178 : memref<128xi32, #tpu.memory_space<vmem>>) semaphore(%arg14 : memref<!tpu.dma_semaphore, #tpu.memory_space<semaphore_mem>>)
      %dma_start3A_182 = arith.constant 1 : i32
      %dma_start3A_183 = arith.constant 128 : i32
      %dma_start3A_184 = arith.constant 0 : i32
      %dma_start3A_185 = tpu.memref_slice %arg10[%dma_start3A_183, %dma_start3A_184] : memref<1024x32xf32, #tpu.memory_space<vmem>> -> memref<128x32xf32, #tpu.memory_space<vmem>>
      %dma_start3A_186 = arith.constant 0 : i32
      %dma_start3A_187 = tpu.memref_slice %arg9[%dma_start3A_182, %dma_start3A_186] : memref<8x128xi32, #tpu.memory_space<vmem>> -> memref<1x128xi32, #tpu.memory_space<vmem>>
      %dma_start3A_188 = tpu.memref_squeeze %dma_start3A_187 : memref<1x128xi32, #tpu.memory_space<vmem>> -> memref<128xi32, #tpu.memory_space<vmem>>
      %dma_start3A_189 = arith.constant 0 : i32
      %dma_start3A_190 = arith.constant 0 : i32
      %dma_start3A_191 = tpu.memref_slice %arg2[%dma_start3A_189, %dma_start3A_190] : memref<174080x32xf32, #tpu.memory_space<hbm>> -> memref<174080x32xf32, #tpu.memory_space<hbm>>
      tpu.enqueue_indirect_dma source(%dma_start3A_191 : memref<174080x32xf32, #tpu.memory_space<hbm>>) target(%dma_start3A_185 : memref<128x32xf32, #tpu.memory_space<vmem>>) offsets(%dma_start3A_188 : memref<128xi32, #tpu.memory_space<vmem>>) semaphore(%arg14 : memref<!tpu.dma_semaphore, #tpu.memory_space<semaphore_mem>>)
      %dma_start3A_192 = arith.constant 2 : i32
      %dma_start3A_193 = arith.constant 256 : i32
      %dma_start3A_194 = arith.constant 0 : i32
      %dma_start3A_195 = tpu.memref_slice %arg10[%dma_start3A_193, %dma_start3A_194] : memref<1024x32xf32, #tpu.memory_space<vmem>> -> memref<128x32xf32, #tpu.memory_space<vmem>>
      %dma_start3A_196 = arith.constant 0 : i32
      %dma_start3A_197 = tpu.memref_slice %arg9[%dma_start3A_192, %dma_start3A_196] : memref<8x128xi32, #tpu.memory_space<vmem>> -> memref<1x128xi32, #tpu.memory_space<vmem>>
      %dma_start3A_198 = tpu.memref_squeeze %dma_start3A_197 : memref<1x128xi32, #tpu.memory_space<vmem>> -> memref<128xi32, #tpu.memory_space<vmem>>
      %dma_start3A_199 = arith.constant 0 : i32
      %dma_start3A_200 = arith.constant 0 : i32
      %dma_start3A_201 = tpu.memref_slice %arg2[%dma_start3A_199, %dma_start3A_200] : memref<174080x32xf32, #tpu.memory_space<hbm>> -> memref<174080x32xf32, #tpu.memory_space<hbm>>
      tpu.enqueue_indirect_dma source(%dma_start3A_201 : memref<174080x32xf32, #tpu.memory_space<hbm>>) target(%dma_start3A_195 : memref<128x32xf32, #tpu.memory_space<vmem>>) offsets(%dma_start3A_198 : memref<128xi32, #tpu.memory_space<vmem>>) semaphore(%arg14 : memref<!tpu.dma_semaphore, #tpu.memory_space<semaphore_mem>>)
      %dma_start3A_202 = arith.constant 3 : i32
      %dma_start3A_203 = arith.constant 384 : i32
      %dma_start3A_204 = arith.constant 0 : i32
      %dma_start3A_205 = tpu.memref_slice %arg10[%dma_start3A_203, %dma_start3A_204] : memref<1024x32xf32, #tpu.memory_space<vmem>> -> memref<128x32xf32, #tpu.memory_space<vmem>>
      %dma_start3A_206 = arith.constant 0 : i32
      %dma_start3A_207 = tpu.memref_slice %arg9[%dma_start3A_202, %dma_start3A_206] : memref<8x128xi32, #tpu.memory_space<vmem>> -> memref<1x128xi32, #tpu.memory_space<vmem>>
      %dma_start3A_208 = tpu.memref_squeeze %dma_start3A_207 : memref<1x128xi32, #tpu.memory_space<vmem>> -> memref<128xi32, #tpu.memory_space<vmem>>
      %dma_start3A_209 = arith.constant 0 : i32
      %dma_start3A_210 = arith.constant 0 : i32
      %dma_start3A_211 = tpu.memref_slice %arg2[%dma_start3A_209, %dma_start3A_210] : memref<174080x32xf32, #tpu.memory_space<hbm>> -> memref<174080x32xf32, #tpu.memory_space<hbm>>
      tpu.enqueue_indirect_dma source(%dma_start3A_211 : memref<174080x32xf32, #tpu.memory_space<hbm>>) target(%dma_start3A_205 : memref<128x32xf32, #tpu.memory_space<vmem>>) offsets(%dma_start3A_208 : memref<128xi32, #tpu.memory_space<vmem>>) semaphore(%arg14 : memref<!tpu.dma_semaphore, #tpu.memory_space<semaphore_mem>>)
      %dma_start3A_212 = arith.constant 4 : i32
      %dma_start3A_213 = arith.constant 512 : i32
      %dma_start3A_214 = arith.constant 0 : i32
      %dma_start3A_215 = tpu.memref_slice %arg10[%dma_start3A_213, %dma_start3A_214] : memref<1024x32xf32, #tpu.memory_space<vmem>> -> memref<128x32xf32, #tpu.memory_space<vmem>>
      %dma_start3A_216 = arith.constant 0 : i32
      %dma_start3A_217 = tpu.memref_slice %arg9[%dma_start3A_212, %dma_start3A_216] : memref<8x128xi32, #tpu.memory_space<vmem>> -> memref<1x128xi32, #tpu.memory_space<vmem>>
      %dma_start3A_218 = tpu.memref_squeeze %dma_start3A_217 : memref<1x128xi32, #tpu.memory_space<vmem>> -> memref<128xi32, #tpu.memory_space<vmem>>
      %dma_start3A_219 = arith.constant 0 : i32
      %dma_start3A_220 = arith.constant 0 : i32
      %dma_start3A_221 = tpu.memref_slice %arg2[%dma_start3A_219, %dma_start3A_220] : memref<174080x32xf32, #tpu.memory_space<hbm>> -> memref<174080x32xf32, #tpu.memory_space<hbm>>
      tpu.enqueue_indirect_dma source(%dma_start3A_221 : memref<174080x32xf32, #tpu.memory_space<hbm>>) target(%dma_start3A_215 : memref<128x32xf32, #tpu.memory_space<vmem>>) offsets(%dma_start3A_218 : memref<128xi32, #tpu.memory_space<vmem>>) semaphore(%arg14 : memref<!tpu.dma_semaphore, #tpu.memory_space<semaphore_mem>>)
      %dma_start3A_222 = arith.constant 5 : i32
      %dma_start3A_223 = arith.constant 640 : i32
      %dma_start3A_224 = arith.constant 0 : i32
      %dma_start3A_225 = tpu.memref_slice %arg10[%dma_start3A_223, %dma_start3A_224] : memref<1024x32xf32, #tpu.memory_space<vmem>> -> memref<128x32xf32, #tpu.memory_space<vmem>>
      %dma_start3A_226 = arith.constant 0 : i32
      %dma_start3A_227 = tpu.memref_slice %arg9[%dma_start3A_222, %dma_start3A_226] : memref<8x128xi32, #tpu.memory_space<vmem>> -> memref<1x128xi32, #tpu.memory_space<vmem>>
      %dma_start3A_228 = tpu.memref_squeeze %dma_start3A_227 : memref<1x128xi32, #tpu.memory_space<vmem>> -> memref<128xi32, #tpu.memory_space<vmem>>
      %dma_start3A_229 = arith.constant 0 : i32
      %dma_start3A_230 = arith.constant 0 : i32
      %dma_start3A_231 = tpu.memref_slice %arg2[%dma_start3A_229, %dma_start3A_230] : memref<174080x32xf32, #tpu.memory_space<hbm>> -> memref<174080x32xf32, #tpu.memory_space<hbm>>
      tpu.enqueue_indirect_dma source(%dma_start3A_231 : memref<174080x32xf32, #tpu.memory_space<hbm>>) target(%dma_start3A_225 : memref<128x32xf32, #tpu.memory_space<vmem>>) offsets(%dma_start3A_228 : memref<128xi32, #tpu.memory_space<vmem>>) semaphore(%arg14 : memref<!tpu.dma_semaphore, #tpu.memory_space<semaphore_mem>>)
      %dma_start3A_232 = arith.constant 6 : i32
      %dma_start3A_233 = arith.constant 768 : i32
      %dma_start3A_234 = arith.constant 0 : i32
      %dma_start3A_235 = tpu.memref_slice %arg10[%dma_start3A_233, %dma_start3A_234] : memref<1024x32xf32, #tpu.memory_space<vmem>> -> memref<128x32xf32, #tpu.memory_space<vmem>>
      %dma_start3A_236 = arith.constant 0 : i32
      %dma_start3A_237 = tpu.memref_slice %arg9[%dma_start3A_232, %dma_start3A_236] : memref<8x128xi32, #tpu.memory_space<vmem>> -> memref<1x128xi32, #tpu.memory_space<vmem>>
      %dma_start3A_238 = tpu.memref_squeeze %dma_start3A_237 : memref<1x128xi32, #tpu.memory_space<vmem>> -> memref<128xi32, #tpu.memory_space<vmem>>
      %dma_start3A_239 = arith.constant 0 : i32
      %dma_start3A_240 = arith.constant 0 : i32
      %dma_start3A_241 = tpu.memref_slice %arg2[%dma_start3A_239, %dma_start3A_240] : memref<174080x32xf32, #tpu.memory_space<hbm>> -> memref<174080x32xf32, #tpu.memory_space<hbm>>
      tpu.enqueue_indirect_dma source(%dma_start3A_241 : memref<174080x32xf32, #tpu.memory_space<hbm>>) target(%dma_start3A_235 : memref<128x32xf32, #tpu.memory_space<vmem>>) offsets(%dma_start3A_238 : memref<128xi32, #tpu.memory_space<vmem>>) semaphore(%arg14 : memref<!tpu.dma_semaphore, #tpu.memory_space<semaphore_mem>>)
      %dma_start3A_242 = arith.constant 7 : i32
      %dma_start3A_243 = arith.constant 896 : i32
      %dma_start3A_244 = arith.constant 0 : i32
      %dma_start3A_245 = tpu.memref_slice %arg10[%dma_start3A_243, %dma_start3A_244] : memref<1024x32xf32, #tpu.memory_space<vmem>> -> memref<128x32xf32, #tpu.memory_space<vmem>>
      %dma_start3A_246 = arith.constant 0 : i32
      %dma_start3A_247 = tpu.memref_slice %arg9[%dma_start3A_242, %dma_start3A_246] : memref<8x128xi32, #tpu.memory_space<vmem>> -> memref<1x128xi32, #tpu.memory_space<vmem>>
      %dma_start3A_248 = tpu.memref_squeeze %dma_start3A_247 : memref<1x128xi32, #tpu.memory_space<vmem>> -> memref<128xi32, #tpu.memory_space<vmem>>
      %dma_start3A_249 = arith.constant 0 : i32
      %dma_start3A_250 = arith.constant 0 : i32
      %dma_start3A_251 = tpu.memref_slice %arg2[%dma_start3A_249, %dma_start3A_250] : memref<174080x32xf32, #tpu.memory_space<hbm>> -> memref<174080x32xf32, #tpu.memory_space<hbm>>
      tpu.enqueue_indirect_dma source(%dma_start3A_251 : memref<174080x32xf32, #tpu.memory_space<hbm>>) target(%dma_start3A_245 : memref<128x32xf32, #tpu.memory_space<vmem>>) offsets(%dma_start3A_248 : memref<128xi32, #tpu.memory_space<vmem>>) semaphore(%arg14 : memref<!tpu.dma_semaphore, #tpu.memory_space<semaphore_mem>>)
      %dma_wait3A_252 = arith.constant 0 : i32
      %dma_wait3A_253 = arith.constant 0 : i32
      %dma_wait3A_254 = arith.constant 0 : i32
      %dma_wait3A_255 = tpu.memref_slice %arg7[%dma_wait3A_253, %dma_wait3A_254] : memref<1024x32xf32, #tpu.memory_space<vmem>> -> memref<128x32xf32, #tpu.memory_space<vmem>>
      %dma_wait3A_256 = arith.constant 0 : i32
      %dma_wait3A_257 = tpu.memref_slice %arg6[%dma_wait3A_252, %dma_wait3A_256] : memref<8x128xi32, #tpu.memory_space<vmem>> -> memref<1x128xi32, #tpu.memory_space<vmem>>
      %dma_wait3A_258 = tpu.memref_squeeze %dma_wait3A_257 : memref<1x128xi32, #tpu.memory_space<vmem>> -> memref<128xi32, #tpu.memory_space<vmem>>
      %dma_wait3A_259 = arith.constant 0 : i32
      %dma_wait3A_260 = arith.constant 0 : i32
      %dma_wait3A_261 = tpu.memref_slice %arg2[%dma_wait3A_259, %dma_wait3A_260] : memref<174080x32xf32, #tpu.memory_space<hbm>> -> memref<174080x32xf32, #tpu.memory_space<hbm>>
      tpu.wait_indirect_dma semaphore(%arg13 : memref<!tpu.dma_semaphore, #tpu.memory_space<semaphore_mem>>) src(%dma_wait3A_261 : memref<174080x32xf32, #tpu.memory_space<hbm>>) dst(%dma_wait3A_255 : memref<128x32xf32, #tpu.memory_space<vmem>>)
      %dma_wait3A_262 = arith.constant 1 : i32
      %dma_wait3A_263 = arith.constant 128 : i32
      %dma_wait3A_264 = arith.constant 0 : i32
      %dma_wait3A_265 = tpu.memref_slice %arg7[%dma_wait3A_263, %dma_wait3A_264] : memref<1024x32xf32, #tpu.memory_space<vmem>> -> memref<128x32xf32, #tpu.memory_space<vmem>>
      %dma_wait3A_266 = arith.constant 0 : i32
      %dma_wait3A_267 = tpu.memref_slice %arg6[%dma_wait3A_262, %dma_wait3A_266] : memref<8x128xi32, #tpu.memory_space<vmem>> -> memref<1x128xi32, #tpu.memory_space<vmem>>
      %dma_wait3A_268 = tpu.memref_squeeze %dma_wait3A_267 : memref<1x128xi32, #tpu.memory_space<vmem>> -> memref<128xi32, #tpu.memory_space<vmem>>
      %dma_wait3A_269 = arith.constant 0 : i32
      %dma_wait3A_270 = arith.constant 0 : i32
      %dma_wait3A_271 = tpu.memref_slice %arg2[%dma_wait3A_269, %dma_wait3A_270] : memref<174080x32xf32, #tpu.memory_space<hbm>> -> memref<174080x32xf32, #tpu.memory_space<hbm>>
      tpu.wait_indirect_dma semaphore(%arg13 : memref<!tpu.dma_semaphore, #tpu.memory_space<semaphore_mem>>) src(%dma_wait3A_271 : memref<174080x32xf32, #tpu.memory_space<hbm>>) dst(%dma_wait3A_265 : memref<128x32xf32, #tpu.memory_space<vmem>>)
      %dma_wait3A_272 = arith.constant 2 : i32
      %dma_wait3A_273 = arith.constant 256 : i32
      %dma_wait3A_274 = arith.constant 0 : i32
      %dma_wait3A_275 = tpu.memref_slice %arg7[%dma_wait3A_273, %dma_wait3A_274] : memref<1024x32xf32, #tpu.memory_space<vmem>> -> memref<128x32xf32, #tpu.memory_space<vmem>>
      %dma_wait3A_276 = arith.constant 0 : i32
      %dma_wait3A_277 = tpu.memref_slice %arg6[%dma_wait3A_272, %dma_wait3A_276] : memref<8x128xi32, #tpu.memory_space<vmem>> -> memref<1x128xi32, #tpu.memory_space<vmem>>
      %dma_wait3A_278 = tpu.memref_squeeze %dma_wait3A_277 : memref<1x128xi32, #tpu.memory_space<vmem>> -> memref<128xi32, #tpu.memory_space<vmem>>
      %dma_wait3A_279 = arith.constant 0 : i32
      %dma_wait3A_280 = arith.constant 0 : i32
      %dma_wait3A_281 = tpu.memref_slice %arg2[%dma_wait3A_279, %dma_wait3A_280] : memref<174080x32xf32, #tpu.memory_space<hbm>> -> memref<174080x32xf32, #tpu.memory_space<hbm>>
      tpu.wait_indirect_dma semaphore(%arg13 : memref<!tpu.dma_semaphore, #tpu.memory_space<semaphore_mem>>) src(%dma_wait3A_281 : memref<174080x32xf32, #tpu.memory_space<hbm>>) dst(%dma_wait3A_275 : memref<128x32xf32, #tpu.memory_space<vmem>>)
      %dma_wait3A_282 = arith.constant 3 : i32
      %dma_wait3A_283 = arith.constant 384 : i32
      %dma_wait3A_284 = arith.constant 0 : i32
      %dma_wait3A_285 = tpu.memref_slice %arg7[%dma_wait3A_283, %dma_wait3A_284] : memref<1024x32xf32, #tpu.memory_space<vmem>> -> memref<128x32xf32, #tpu.memory_space<vmem>>
      %dma_wait3A_286 = arith.constant 0 : i32
      %dma_wait3A_287 = tpu.memref_slice %arg6[%dma_wait3A_282, %dma_wait3A_286] : memref<8x128xi32, #tpu.memory_space<vmem>> -> memref<1x128xi32, #tpu.memory_space<vmem>>
      %dma_wait3A_288 = tpu.memref_squeeze %dma_wait3A_287 : memref<1x128xi32, #tpu.memory_space<vmem>> -> memref<128xi32, #tpu.memory_space<vmem>>
      %dma_wait3A_289 = arith.constant 0 : i32
      %dma_wait3A_290 = arith.constant 0 : i32
      %dma_wait3A_291 = tpu.memref_slice %arg2[%dma_wait3A_289, %dma_wait3A_290] : memref<174080x32xf32, #tpu.memory_space<hbm>> -> memref<174080x32xf32, #tpu.memory_space<hbm>>
      tpu.wait_indirect_dma semaphore(%arg13 : memref<!tpu.dma_semaphore, #tpu.memory_space<semaphore_mem>>) src(%dma_wait3A_291 : memref<174080x32xf32, #tpu.memory_space<hbm>>) dst(%dma_wait3A_285 : memref<128x32xf32, #tpu.memory_space<vmem>>)
      %dma_wait3A_292 = arith.constant 4 : i32
      %dma_wait3A_293 = arith.constant 512 : i32
      %dma_wait3A_294 = arith.constant 0 : i32
      %dma_wait3A_295 = tpu.memref_slice %arg7[%dma_wait3A_293, %dma_wait3A_294] : memref<1024x32xf32, #tpu.memory_space<vmem>> -> memref<128x32xf32, #tpu.memory_space<vmem>>
      %dma_wait3A_296 = arith.constant 0 : i32
      %dma_wait3A_297 = tpu.memref_slice %arg6[%dma_wait3A_292, %dma_wait3A_296] : memref<8x128xi32, #tpu.memory_space<vmem>> -> memref<1x128xi32, #tpu.memory_space<vmem>>
      %dma_wait3A_298 = tpu.memref_squeeze %dma_wait3A_297 : memref<1x128xi32, #tpu.memory_space<vmem>> -> memref<128xi32, #tpu.memory_space<vmem>>
      %dma_wait3A_299 = arith.constant 0 : i32
      %dma_wait3A_300 = arith.constant 0 : i32
      %dma_wait3A_301 = tpu.memref_slice %arg2[%dma_wait3A_299, %dma_wait3A_300] : memref<174080x32xf32, #tpu.memory_space<hbm>> -> memref<174080x32xf32, #tpu.memory_space<hbm>>
      tpu.wait_indirect_dma semaphore(%arg13 : memref<!tpu.dma_semaphore, #tpu.memory_space<semaphore_mem>>) src(%dma_wait3A_301 : memref<174080x32xf32, #tpu.memory_space<hbm>>) dst(%dma_wait3A_295 : memref<128x32xf32, #tpu.memory_space<vmem>>)
      %dma_wait3A_302 = arith.constant 5 : i32
      %dma_wait3A_303 = arith.constant 640 : i32
      %dma_wait3A_304 = arith.constant 0 : i32
      %dma_wait3A_305 = tpu.memref_slice %arg7[%dma_wait3A_303, %dma_wait3A_304] : memref<1024x32xf32, #tpu.memory_space<vmem>> -> memref<128x32xf32, #tpu.memory_space<vmem>>
      %dma_wait3A_306 = arith.constant 0 : i32
      %dma_wait3A_307 = tpu.memref_slice %arg6[%dma_wait3A_302, %dma_wait3A_306] : memref<8x128xi32, #tpu.memory_space<vmem>> -> memref<1x128xi32, #tpu.memory_space<vmem>>
      %dma_wait3A_308 = tpu.memref_squeeze %dma_wait3A_307 : memref<1x128xi32, #tpu.memory_space<vmem>> -> memref<128xi32, #tpu.memory_space<vmem>>
      %dma_wait3A_309 = arith.constant 0 : i32
      %dma_wait3A_310 = arith.constant 0 : i32
      %dma_wait3A_311 = tpu.memref_slice %arg2[%dma_wait3A_309, %dma_wait3A_310] : memref<174080x32xf32, #tpu.memory_space<hbm>> -> memref<174080x32xf32, #tpu.memory_space<hbm>>
      tpu.wait_indirect_dma semaphore(%arg13 : memref<!tpu.dma_semaphore, #tpu.memory_space<semaphore_mem>>) src(%dma_wait3A_311 : memref<174080x32xf32, #tpu.memory_space<hbm>>) dst(%dma_wait3A_305 : memref<128x32xf32, #tpu.memory_space<vmem>>)
      %dma_wait3A_312 = arith.constant 6 : i32
      %dma_wait3A_313 = arith.constant 768 : i32
      %dma_wait3A_314 = arith.constant 0 : i32
      %dma_wait3A_315 = tpu.memref_slice %arg7[%dma_wait3A_313, %dma_wait3A_314] : memref<1024x32xf32, #tpu.memory_space<vmem>> -> memref<128x32xf32, #tpu.memory_space<vmem>>
      %dma_wait3A_316 = arith.constant 0 : i32
      %dma_wait3A_317 = tpu.memref_slice %arg6[%dma_wait3A_312, %dma_wait3A_316] : memref<8x128xi32, #tpu.memory_space<vmem>> -> memref<1x128xi32, #tpu.memory_space<vmem>>
      %dma_wait3A_318 = tpu.memref_squeeze %dma_wait3A_317 : memref<1x128xi32, #tpu.memory_space<vmem>> -> memref<128xi32, #tpu.memory_space<vmem>>
      %dma_wait3A_319 = arith.constant 0 : i32
      %dma_wait3A_320 = arith.constant 0 : i32
      %dma_wait3A_321 = tpu.memref_slice %arg2[%dma_wait3A_319, %dma_wait3A_320] : memref<174080x32xf32, #tpu.memory_space<hbm>> -> memref<174080x32xf32, #tpu.memory_space<hbm>>
      tpu.wait_indirect_dma semaphore(%arg13 : memref<!tpu.dma_semaphore, #tpu.memory_space<semaphore_mem>>) src(%dma_wait3A_321 : memref<174080x32xf32, #tpu.memory_space<hbm>>) dst(%dma_wait3A_315 : memref<128x32xf32, #tpu.memory_space<vmem>>)
      %dma_wait3A_322 = arith.constant 7 : i32
      %dma_wait3A_323 = arith.constant 896 : i32
      %dma_wait3A_324 = arith.constant 0 : i32
      %dma_wait3A_325 = tpu.memref_slice %arg7[%dma_wait3A_323, %dma_wait3A_324] : memref<1024x32xf32, #tpu.memory_space<vmem>> -> memref<128x32xf32, #tpu.memory_space<vmem>>
      %dma_wait3A_326 = arith.constant 0 : i32
      %dma_wait3A_327 = tpu.memref_slice %arg6[%dma_wait3A_322, %dma_wait3A_326] : memref<8x128xi32, #tpu.memory_space<vmem>> -> memref<1x128xi32, #tpu.memory_space<vmem>>
      %dma_wait3A_328 = tpu.memref_squeeze %dma_wait3A_327 : memref<1x128xi32, #tpu.memory_space<vmem>> -> memref<128xi32, #tpu.memory_space<vmem>>
      %dma_wait3A_329 = arith.constant 0 : i32
      %dma_wait3A_330 = arith.constant 0 : i32
      %dma_wait3A_331 = tpu.memref_slice %arg2[%dma_wait3A_329, %dma_wait3A_330] : memref<174080x32xf32, #tpu.memory_space<hbm>> -> memref<174080x32xf32, #tpu.memory_space<hbm>>
      tpu.wait_indirect_dma semaphore(%arg13 : memref<!tpu.dma_semaphore, #tpu.memory_space<semaphore_mem>>) src(%dma_wait3A_331 : memref<174080x32xf32, #tpu.memory_space<hbm>>) dst(%dma_wait3A_325 : memref<128x32xf32, #tpu.memory_space<vmem>>)
      %broadcast_in_dim3A = arith.constant 0.000000e+00 : f32
      %broadcast_in_dim3A_332 = vector.broadcast %broadcast_in_dim3A : f32 to vector<16xf32>
      %broadcast_in_dim3A_333 = arith.constant 0.000000e+00 : f32
      %broadcast_in_dim3A_334 = vector.broadcast %broadcast_in_dim3A_333 : f32 to vector<16xf32>
      %broadcast_in_dim3A_335 = arith.constant 0.000000e+00 : f32
      %broadcast_in_dim3A_336 = vector.broadcast %broadcast_in_dim3A_335 : f32 to vector<16xf32>
      %broadcast_in_dim3A_337 = arith.constant 0.000000e+00 : f32
      %broadcast_in_dim3A_338 = vector.broadcast %broadcast_in_dim3A_337 : f32 to vector<16xf32>
      %broadcast_in_dim3A_339 = arith.constant 0.000000e+00 : f32
      %broadcast_in_dim3A_340 = vector.broadcast %broadcast_in_dim3A_339 : f32 to vector<16xf32>
      %broadcast_in_dim3A_341 = arith.constant 0.000000e+00 : f32
      %broadcast_in_dim3A_342 = vector.broadcast %broadcast_in_dim3A_341 : f32 to vector<16xf32>
      %broadcast_in_dim3A_343 = arith.constant 0.000000e+00 : f32
      %broadcast_in_dim3A_344 = vector.broadcast %broadcast_in_dim3A_343 : f32 to vector<16xf32>
      %broadcast_in_dim3A_345 = arith.constant 0.000000e+00 : f32
      %broadcast_in_dim3A_346 = vector.broadcast %broadcast_in_dim3A_345 : f32 to vector<16xf32>
      %broadcast_in_dim3A_347 = arith.constant 0.000000e+00 : f32
      %broadcast_in_dim3A_348 = vector.broadcast %broadcast_in_dim3A_347 : f32 to vector<16xf32>
      %broadcast_in_dim3A_349 = arith.constant 0.000000e+00 : f32
      %broadcast_in_dim3A_350 = vector.broadcast %broadcast_in_dim3A_349 : f32 to vector<16xf32>
      %broadcast_in_dim3A_351 = arith.constant 0.000000e+00 : f32
      %broadcast_in_dim3A_352 = vector.broadcast %broadcast_in_dim3A_351 : f32 to vector<16xf32>
      %broadcast_in_dim3A_353 = arith.constant 0.000000e+00 : f32
      %broadcast_in_dim3A_354 = vector.broadcast %broadcast_in_dim3A_353 : f32 to vector<16xf32>
      %broadcast_in_dim3A_355 = arith.constant 0.000000e+00 : f32
      %broadcast_in_dim3A_356 = vector.broadcast %broadcast_in_dim3A_355 : f32 to vector<16xf32>
      %broadcast_in_dim3A_357 = arith.constant 0.000000e+00 : f32
      %broadcast_in_dim3A_358 = vector.broadcast %broadcast_in_dim3A_357 : f32 to vector<16xf32>
      %broadcast_in_dim3A_359 = arith.constant 0.000000e+00 : f32
      %broadcast_in_dim3A_360 = vector.broadcast %broadcast_in_dim3A_359 : f32 to vector<16xf32>
      %broadcast_in_dim3A_361 = arith.constant 0.000000e+00 : f32
      %broadcast_in_dim3A_362 = vector.broadcast %broadcast_in_dim3A_361 : f32 to vector<16xf32>
      %parallel_loop3A = arith.constant 0 : i32
      %parallel_loop3A_363 = arith.constant 64 : i32
      %parallel_loop3A_364 = arith.constant 1 : i32
      %parallel_loop3A_365:16 = scf.for %parallel_loop3A_894 = %parallel_loop3A to %parallel_loop3A_363 step %parallel_loop3A_364 iter_args(%parallel_loop3A_895 = %broadcast_in_dim3A_332, %parallel_loop3A_896 = %broadcast_in_dim3A_334, %parallel_loop3A_897 = %broadcast_in_dim3A_336, %parallel_loop3A_898 = %broadcast_in_dim3A_338, %parallel_loop3A_899 = %broadcast_in_dim3A_340, %parallel_loop3A_900 = %broadcast_in_dim3A_342, %parallel_loop3A_901 = %broadcast_in_dim3A_344, %parallel_loop3A_902 = %broadcast_in_dim3A_346, %parallel_loop3A_903 = %broadcast_in_dim3A_348, %parallel_loop3A_904 = %broadcast_in_dim3A_350, %parallel_loop3A_905 = %broadcast_in_dim3A_352, %parallel_loop3A_906 = %broadcast_in_dim3A_354, %parallel_loop3A_907 = %broadcast_in_dim3A_356, %parallel_loop3A_908 = %broadcast_in_dim3A_358, %parallel_loop3A_909 = %broadcast_in_dim3A_360, %parallel_loop3A_910 = %broadcast_in_dim3A_362) -> (vector<16xf32>, vector<16xf32>, vector<16xf32>, vector<16xf32>, vector<16xf32>, vector<16xf32>, vector<16xf32>, vector<16xf32>, vector<16xf32>, vector<16xf32>, vector<16xf32>, vector<16xf32>, vector<16xf32>, vector<16xf32>, vector<16xf32>, vector<16xf32>)  : i32 {
        %parallel_loop3A_911 = arith.index_cast %parallel_loop3A_894 : i32 to index
        %parallel_loop3A_912 = arith.constant 0 : index
        %parallel_loop3A_913 = tpu.vector_load %arg8[%parallel_loop3A_911, %parallel_loop3A_912] {strides = array<i32>} : memref<64x16xf32, #tpu.memory_space<vmem>>, vector<16xf32>,
        %parallel_loop3A_914 = arith.constant 64 : i32
        %parallel_loop3A_915 = vector.broadcast %parallel_loop3A_914 : i32 to vector<16xi32>
        %parallel_loop3A_916 = arith.muli %iota3A, %parallel_loop3A_915 : vector<16xi32>
        %parallel_loop3A_917 = vector.broadcast %parallel_loop3A_894 : i32 to vector<16xi32>
        %parallel_loop3A_918 = arith.addi %parallel_loop3A_916, %parallel_loop3A_917 : vector<16xi32>
        %parallel_loop3A_919 = arith.constant 0 : i32
        %parallel_loop3A_920 = vector.broadcast %parallel_loop3A_919 : i32 to vector<16xi32>
        %parallel_loop3A_921 = tpu.vector_load_idx %arg7[%parallel_loop3A_918, %parallel_loop3A_920] : memref<1024x32xf32, #tpu.memory_space<vmem>>[vector<16xi32>, vector<16xi32>], vector<16xf32>,
        %parallel_loop3A_922 = arith.mulf %parallel_loop3A_913, %parallel_loop3A_921 : vector<16xf32>
        %parallel_loop3A_923 = arith.addf %parallel_loop3A_895, %parallel_loop3A_922 : vector<16xf32>
        %parallel_loop3A_924 = arith.constant 1 : i32
        %parallel_loop3A_925 = vector.broadcast %parallel_loop3A_924 : i32 to vector<16xi32>
        %parallel_loop3A_926 = tpu.vector_load_idx %arg7[%parallel_loop3A_918, %parallel_loop3A_925] : memref<1024x32xf32, #tpu.memory_space<vmem>>[vector<16xi32>, vector<16xi32>], vector<16xf32>,
        %parallel_loop3A_927 = arith.mulf %parallel_loop3A_913, %parallel_loop3A_926 : vector<16xf32>
        %parallel_loop3A_928 = arith.addf %parallel_loop3A_896, %parallel_loop3A_927 : vector<16xf32>
        %parallel_loop3A_929 = arith.constant 2 : i32
        %parallel_loop3A_930 = vector.broadcast %parallel_loop3A_929 : i32 to vector<16xi32>
        %parallel_loop3A_931 = tpu.vector_load_idx %arg7[%parallel_loop3A_918, %parallel_loop3A_930] : memref<1024x32xf32, #tpu.memory_space<vmem>>[vector<16xi32>, vector<16xi32>], vector<16xf32>,
        %parallel_loop3A_932 = arith.mulf %parallel_loop3A_913, %parallel_loop3A_931 : vector<16xf32>
        %parallel_loop3A_933 = arith.addf %parallel_loop3A_897, %parallel_loop3A_932 : vector<16xf32>
        %parallel_loop3A_934 = arith.constant 3 : i32
        %parallel_loop3A_935 = vector.broadcast %parallel_loop3A_934 : i32 to vector<16xi32>
        %parallel_loop3A_936 = tpu.vector_load_idx %arg7[%parallel_loop3A_918, %parallel_loop3A_935] : memref<1024x32xf32, #tpu.memory_space<vmem>>[vector<16xi32>, vector<16xi32>], vector<16xf32>,
        %parallel_loop3A_937 = arith.mulf %parallel_loop3A_913, %parallel_loop3A_936 : vector<16xf32>
        %parallel_loop3A_938 = arith.addf %parallel_loop3A_898, %parallel_loop3A_937 : vector<16xf32>
        %parallel_loop3A_939 = arith.constant 4 : i32
        %parallel_loop3A_940 = vector.broadcast %parallel_loop3A_939 : i32 to vector<16xi32>
        %parallel_loop3A_941 = tpu.vector_load_idx %arg7[%parallel_loop3A_918, %parallel_loop3A_940] : memref<1024x32xf32, #tpu.memory_space<vmem>>[vector<16xi32>, vector<16xi32>], vector<16xf32>,
        %parallel_loop3A_942 = arith.mulf %parallel_loop3A_913, %parallel_loop3A_941 : vector<16xf32>
        %parallel_loop3A_943 = arith.addf %parallel_loop3A_899, %parallel_loop3A_942 : vector<16xf32>
        %parallel_loop3A_944 = arith.constant 5 : i32
        %parallel_loop3A_945 = vector.broadcast %parallel_loop3A_944 : i32 to vector<16xi32>
        %parallel_loop3A_946 = tpu.vector_load_idx %arg7[%parallel_loop3A_918, %parallel_loop3A_945] : memref<1024x32xf32, #tpu.memory_space<vmem>>[vector<16xi32>, vector<16xi32>], vector<16xf32>,
        %parallel_loop3A_947 = arith.mulf %parallel_loop3A_913, %parallel_loop3A_946 : vector<16xf32>
        %parallel_loop3A_948 = arith.addf %parallel_loop3A_900, %parallel_loop3A_947 : vector<16xf32>
        %parallel_loop3A_949 = arith.constant 6 : i32
        %parallel_loop3A_950 = vector.broadcast %parallel_loop3A_949 : i32 to vector<16xi32>
        %parallel_loop3A_951 = tpu.vector_load_idx %arg7[%parallel_loop3A_918, %parallel_loop3A_950] : memref<1024x32xf32, #tpu.memory_space<vmem>>[vector<16xi32>, vector<16xi32>], vector<16xf32>,
        %parallel_loop3A_952 = arith.mulf %parallel_loop3A_913, %parallel_loop3A_951 : vector<16xf32>
        %parallel_loop3A_953 = arith.addf %parallel_loop3A_901, %parallel_loop3A_952 : vector<16xf32>
        %parallel_loop3A_954 = arith.constant 7 : i32
        %parallel_loop3A_955 = vector.broadcast %parallel_loop3A_954 : i32 to vector<16xi32>
        %parallel_loop3A_956 = tpu.vector_load_idx %arg7[%parallel_loop3A_918, %parallel_loop3A_955] : memref<1024x32xf32, #tpu.memory_space<vmem>>[vector<16xi32>, vector<16xi32>], vector<16xf32>,
        %parallel_loop3A_957 = arith.mulf %parallel_loop3A_913, %parallel_loop3A_956 : vector<16xf32>
        %parallel_loop3A_958 = arith.addf %parallel_loop3A_902, %parallel_loop3A_957 : vector<16xf32>
        %parallel_loop3A_959 = arith.constant 8 : i32
        %parallel_loop3A_960 = vector.broadcast %parallel_loop3A_959 : i32 to vector<16xi32>
        %parallel_loop3A_961 = tpu.vector_load_idx %arg7[%parallel_loop3A_918, %parallel_loop3A_960] : memref<1024x32xf32, #tpu.memory_space<vmem>>[vector<16xi32>, vector<16xi32>], vector<16xf32>,
        %parallel_loop3A_962 = arith.mulf %parallel_loop3A_913, %parallel_loop3A_961 : vector<16xf32>
        %parallel_loop3A_963 = arith.addf %parallel_loop3A_903, %parallel_loop3A_962 : vector<16xf32>
        %parallel_loop3A_964 = arith.constant 9 : i32
        %parallel_loop3A_965 = vector.broadcast %parallel_loop3A_964 : i32 to vector<16xi32>
        %parallel_loop3A_966 = tpu.vector_load_idx %arg7[%parallel_loop3A_918, %parallel_loop3A_965] : memref<1024x32xf32, #tpu.memory_space<vmem>>[vector<16xi32>, vector<16xi32>], vector<16xf32>,
        %parallel_loop3A_967 = arith.mulf %parallel_loop3A_913, %parallel_loop3A_966 : vector<16xf32>
        %parallel_loop3A_968 = arith.addf %parallel_loop3A_904, %parallel_loop3A_967 : vector<16xf32>
        %parallel_loop3A_969 = arith.constant 10 : i32
        %parallel_loop3A_970 = vector.broadcast %parallel_loop3A_969 : i32 to vector<16xi32>
        %parallel_loop3A_971 = tpu.vector_load_idx %arg7[%parallel_loop3A_918, %parallel_loop3A_970] : memref<1024x32xf32, #tpu.memory_space<vmem>>[vector<16xi32>, vector<16xi32>], vector<16xf32>,
        %parallel_loop3A_972 = arith.mulf %parallel_loop3A_913, %parallel_loop3A_971 : vector<16xf32>
        %parallel_loop3A_973 = arith.addf %parallel_loop3A_905, %parallel_loop3A_972 : vector<16xf32>
        %parallel_loop3A_974 = arith.constant 11 : i32
        %parallel_loop3A_975 = vector.broadcast %parallel_loop3A_974 : i32 to vector<16xi32>
        %parallel_loop3A_976 = tpu.vector_load_idx %arg7[%parallel_loop3A_918, %parallel_loop3A_975] : memref<1024x32xf32, #tpu.memory_space<vmem>>[vector<16xi32>, vector<16xi32>], vector<16xf32>,
        %parallel_loop3A_977 = arith.mulf %parallel_loop3A_913, %parallel_loop3A_976 : vector<16xf32>
        %parallel_loop3A_978 = arith.addf %parallel_loop3A_906, %parallel_loop3A_977 : vector<16xf32>
        %parallel_loop3A_979 = arith.constant 12 : i32
        %parallel_loop3A_980 = vector.broadcast %parallel_loop3A_979 : i32 to vector<16xi32>
        %parallel_loop3A_981 = tpu.vector_load_idx %arg7[%parallel_loop3A_918, %parallel_loop3A_980] : memref<1024x32xf32, #tpu.memory_space<vmem>>[vector<16xi32>, vector<16xi32>], vector<16xf32>,
        %parallel_loop3A_982 = arith.mulf %parallel_loop3A_913, %parallel_loop3A_981 : vector<16xf32>
        %parallel_loop3A_983 = arith.addf %parallel_loop3A_907, %parallel_loop3A_982 : vector<16xf32>
        %parallel_loop3A_984 = arith.constant 13 : i32
        %parallel_loop3A_985 = vector.broadcast %parallel_loop3A_984 : i32 to vector<16xi32>
        %parallel_loop3A_986 = tpu.vector_load_idx %arg7[%parallel_loop3A_918, %parallel_loop3A_985] : memref<1024x32xf32, #tpu.memory_space<vmem>>[vector<16xi32>, vector<16xi32>], vector<16xf32>,
        %parallel_loop3A_987 = arith.mulf %parallel_loop3A_913, %parallel_loop3A_986 : vector<16xf32>
        %parallel_loop3A_988 = arith.addf %parallel_loop3A_908, %parallel_loop3A_987 : vector<16xf32>
        %parallel_loop3A_989 = arith.constant 14 : i32
        %parallel_loop3A_990 = vector.broadcast %parallel_loop3A_989 : i32 to vector<16xi32>
        %parallel_loop3A_991 = tpu.vector_load_idx %arg7[%parallel_loop3A_918, %parallel_loop3A_990] : memref<1024x32xf32, #tpu.memory_space<vmem>>[vector<16xi32>, vector<16xi32>], vector<16xf32>,
        %parallel_loop3A_992 = arith.mulf %parallel_loop3A_913, %parallel_loop3A_991 : vector<16xf32>
        %parallel_loop3A_993 = arith.addf %parallel_loop3A_909, %parallel_loop3A_992 : vector<16xf32>
        %parallel_loop3A_994 = arith.constant 15 : i32
        %parallel_loop3A_995 = vector.broadcast %parallel_loop3A_994 : i32 to vector<16xi32>
        %parallel_loop3A_996 = tpu.vector_load_idx %arg7[%parallel_loop3A_918, %parallel_loop3A_995] : memref<1024x32xf32, #tpu.memory_space<vmem>>[vector<16xi32>, vector<16xi32>], vector<16xf32>,
        %parallel_loop3A_997 = arith.mulf %parallel_loop3A_913, %parallel_loop3A_996 : vector<16xf32>
        %parallel_loop3A_998 = arith.addf %parallel_loop3A_910, %parallel_loop3A_997 : vector<16xf32>
        scf.yield %parallel_loop3A_923, %parallel_loop3A_928, %parallel_loop3A_933, %parallel_loop3A_938, %parallel_loop3A_943, %parallel_loop3A_948, %parallel_loop3A_953, %parallel_loop3A_958, %parallel_loop3A_963, %parallel_loop3A_968, %parallel_loop3A_973, %parallel_loop3A_978, %parallel_loop3A_983, %parallel_loop3A_988, %parallel_loop3A_993, %parallel_loop3A_998 : vector<16xf32>, vector<16xf32>, vector<16xf32>, vector<16xf32>, vector<16xf32>, vector<16xf32>, vector<16xf32>, vector<16xf32>, vector<16xf32>, vector<16xf32>, vector<16xf32>, vector<16xf32>, vector<16xf32>, vector<16xf32>, vector<16xf32>, vector<16xf32>
      } {sc.loop_unroll_factor = 2 : i64, sc.parallel_access}
      %swap3A = arith.constant 0 : i32
      %swap3A_366 = arith.index_cast %swap3A : i32 to index
      %swap3A_367 = arith.constant 0 : index
      %swap3A_368 = tpu.vector_load %arg12[%swap3A_366, %swap3A_367] {strides = array<i32>} : memref<32x16xf32, #tpu.memory_space<vmem>>, vector<16xf32>,
      tpu.vector_store %arg12[%swap3A_366, %swap3A_367], %parallel_loop3A_365#0 {strides = array<i32>} : memref<32x16xf32, #tpu.memory_space<vmem>>, vector<16xf32>,
      %swap3A_369 = arith.constant 1 : i32
      %swap3A_370 = arith.index_cast %swap3A_369 : i32 to index
      %swap3A_371 = arith.constant 0 : index
      %swap3A_372 = tpu.vector_load %arg12[%swap3A_370, %swap3A_371] {strides = array<i32>} : memref<32x16xf32, #tpu.memory_space<vmem>>, vector<16xf32>,
      tpu.vector_store %arg12[%swap3A_370, %swap3A_371], %parallel_loop3A_365#1 {strides = array<i32>} : memref<32x16xf32, #tpu.memory_space<vmem>>, vector<16xf32>,
      %swap3A_373 = arith.constant 2 : i32
      %swap3A_374 = arith.index_cast %swap3A_373 : i32 to index
      %swap3A_375 = arith.constant 0 : index
      %swap3A_376 = tpu.vector_load %arg12[%swap3A_374, %swap3A_375] {strides = array<i32>} : memref<32x16xf32, #tpu.memory_space<vmem>>, vector<16xf32>,
      tpu.vector_store %arg12[%swap3A_374, %swap3A_375], %parallel_loop3A_365#2 {strides = array<i32>} : memref<32x16xf32, #tpu.memory_space<vmem>>, vector<16xf32>,
      %swap3A_377 = arith.constant 3 : i32
      %swap3A_378 = arith.index_cast %swap3A_377 : i32 to index
      %swap3A_379 = arith.constant 0 : index
      %swap3A_380 = tpu.vector_load %arg12[%swap3A_378, %swap3A_379] {strides = array<i32>} : memref<32x16xf32, #tpu.memory_space<vmem>>, vector<16xf32>,
      tpu.vector_store %arg12[%swap3A_378, %swap3A_379], %parallel_loop3A_365#3 {strides = array<i32>} : memref<32x16xf32, #tpu.memory_space<vmem>>, vector<16xf32>,
      %swap3A_381 = arith.constant 4 : i32
      %swap3A_382 = arith.index_cast %swap3A_381 : i32 to index
      %swap3A_383 = arith.constant 0 : index
      %swap3A_384 = tpu.vector_load %arg12[%swap3A_382, %swap3A_383] {strides = array<i32>} : memref<32x16xf32, #tpu.memory_space<vmem>>, vector<16xf32>,
      tpu.vector_store %arg12[%swap3A_382, %swap3A_383], %parallel_loop3A_365#4 {strides = array<i32>} : memref<32x16xf32, #tpu.memory_space<vmem>>, vector<16xf32>,
      %swap3A_385 = arith.constant 5 : i32
      %swap3A_386 = arith.index_cast %swap3A_385 : i32 to index
      %swap3A_387 = arith.constant 0 : index
      %swap3A_388 = tpu.vector_load %arg12[%swap3A_386, %swap3A_387] {strides = array<i32>} : memref<32x16xf32, #tpu.memory_space<vmem>>, vector<16xf32>,
      tpu.vector_store %arg12[%swap3A_386, %swap3A_387], %parallel_loop3A_365#5 {strides = array<i32>} : memref<32x16xf32, #tpu.memory_space<vmem>>, vector<16xf32>,
      %swap3A_389 = arith.constant 6 : i32
      %swap3A_390 = arith.index_cast %swap3A_389 : i32 to index
      %swap3A_391 = arith.constant 0 : index
      %swap3A_392 = tpu.vector_load %arg12[%swap3A_390, %swap3A_391] {strides = array<i32>} : memref<32x16xf32, #tpu.memory_space<vmem>>, vector<16xf32>,
      tpu.vector_store %arg12[%swap3A_390, %swap3A_391], %parallel_loop3A_365#6 {strides = array<i32>} : memref<32x16xf32, #tpu.memory_space<vmem>>, vector<16xf32>,
      %swap3A_393 = arith.constant 7 : i32
      %swap3A_394 = arith.index_cast %swap3A_393 : i32 to index
      %swap3A_395 = arith.constant 0 : index
      %swap3A_396 = tpu.vector_load %arg12[%swap3A_394, %swap3A_395] {strides = array<i32>} : memref<32x16xf32, #tpu.memory_space<vmem>>, vector<16xf32>,
      tpu.vector_store %arg12[%swap3A_394, %swap3A_395], %parallel_loop3A_365#7 {strides = array<i32>} : memref<32x16xf32, #tpu.memory_space<vmem>>, vector<16xf32>,
      %swap3A_397 = arith.constant 8 : i32
      %swap3A_398 = arith.index_cast %swap3A_397 : i32 to index
      %swap3A_399 = arith.constant 0 : index
      %swap3A_400 = tpu.vector_load %arg12[%swap3A_398, %swap3A_399] {strides = array<i32>} : memref<32x16xf32, #tpu.memory_space<vmem>>, vector<16xf32>,
      tpu.vector_store %arg12[%swap3A_398, %swap3A_399], %parallel_loop3A_365#8 {strides = array<i32>} : memref<32x16xf32, #tpu.memory_space<vmem>>, vector<16xf32>,
      %swap3A_401 = arith.constant 9 : i32
      %swap3A_402 = arith.index_cast %swap3A_401 : i32 to index
      %swap3A_403 = arith.constant 0 : index
      %swap3A_404 = tpu.vector_load %arg12[%swap3A_402, %swap3A_403] {strides = array<i32>} : memref<32x16xf32, #tpu.memory_space<vmem>>, vector<16xf32>,
      tpu.vector_store %arg12[%swap3A_402, %swap3A_403], %parallel_loop3A_365#9 {strides = array<i32>} : memref<32x16xf32, #tpu.memory_space<vmem>>, vector<16xf32>,
      %swap3A_405 = arith.constant 10 : i32
      %swap3A_406 = arith.index_cast %swap3A_405 : i32 to index
      %swap3A_407 = arith.constant 0 : index
      %swap3A_408 = tpu.vector_load %arg12[%swap3A_406, %swap3A_407] {strides = array<i32>} : memref<32x16xf32, #tpu.memory_space<vmem>>, vector<16xf32>,
      tpu.vector_store %arg12[%swap3A_406, %swap3A_407], %parallel_loop3A_365#10 {strides = array<i32>} : memref<32x16xf32, #tpu.memory_space<vmem>>, vector<16xf32>,
      %swap3A_409 = arith.constant 11 : i32
      %swap3A_410 = arith.index_cast %swap3A_409 : i32 to index
      %swap3A_411 = arith.constant 0 : index
      %swap3A_412 = tpu.vector_load %arg12[%swap3A_410, %swap3A_411] {strides = array<i32>} : memref<32x16xf32, #tpu.memory_space<vmem>>, vector<16xf32>,
      tpu.vector_store %arg12[%swap3A_410, %swap3A_411], %parallel_loop3A_365#11 {strides = array<i32>} : memref<32x16xf32, #tpu.memory_space<vmem>>, vector<16xf32>,
      %swap3A_413 = arith.constant 12 : i32
      %swap3A_414 = arith.index_cast %swap3A_413 : i32 to index
      %swap3A_415 = arith.constant 0 : index
      %swap3A_416 = tpu.vector_load %arg12[%swap3A_414, %swap3A_415] {strides = array<i32>} : memref<32x16xf32, #tpu.memory_space<vmem>>, vector<16xf32>,
      tpu.vector_store %arg12[%swap3A_414, %swap3A_415], %parallel_loop3A_365#12 {strides = array<i32>} : memref<32x16xf32, #tpu.memory_space<vmem>>, vector<16xf32>,
      %swap3A_417 = arith.constant 13 : i32
      %swap3A_418 = arith.index_cast %swap3A_417 : i32 to index
      %swap3A_419 = arith.constant 0 : index
      %swap3A_420 = tpu.vector_load %arg12[%swap3A_418, %swap3A_419] {strides = array<i32>} : memref<32x16xf32, #tpu.memory_space<vmem>>, vector<16xf32>,
      tpu.vector_store %arg12[%swap3A_418, %swap3A_419], %parallel_loop3A_365#13 {strides = array<i32>} : memref<32x16xf32, #tpu.memory_space<vmem>>, vector<16xf32>,
      %swap3A_421 = arith.constant 14 : i32
      %swap3A_422 = arith.index_cast %swap3A_421 : i32 to index
      %swap3A_423 = arith.constant 0 : index
      %swap3A_424 = tpu.vector_load %arg12[%swap3A_422, %swap3A_423] {strides = array<i32>} : memref<32x16xf32, #tpu.memory_space<vmem>>, vector<16xf32>,
      tpu.vector_store %arg12[%swap3A_422, %swap3A_423], %parallel_loop3A_365#14 {strides = array<i32>} : memref<32x16xf32, #tpu.memory_space<vmem>>, vector<16xf32>,
      %swap3A_425 = arith.constant 15 : i32
      %swap3A_426 = arith.index_cast %swap3A_425 : i32 to index
      %swap3A_427 = arith.constant 0 : index
      %swap3A_428 = tpu.vector_load %arg12[%swap3A_426, %swap3A_427] {strides = array<i32>} : memref<32x16xf32, #tpu.memory_space<vmem>>, vector<16xf32>,
      tpu.vector_store %arg12[%swap3A_426, %swap3A_427], %parallel_loop3A_365#15 {strides = array<i32>} : memref<32x16xf32, #tpu.memory_space<vmem>>, vector<16xf32>,
      %broadcast_in_dim3A_429 = arith.constant 0.000000e+00 : f32
      %broadcast_in_dim3A_430 = vector.broadcast %broadcast_in_dim3A_429 : f32 to vector<16xf32>
      %broadcast_in_dim3A_431 = arith.constant 0.000000e+00 : f32
      %broadcast_in_dim3A_432 = vector.broadcast %broadcast_in_dim3A_431 : f32 to vector<16xf32>
      %broadcast_in_dim3A_433 = arith.constant 0.000000e+00 : f32
      %broadcast_in_dim3A_434 = vector.broadcast %broadcast_in_dim3A_433 : f32 to vector<16xf32>
      %broadcast_in_dim3A_435 = arith.constant 0.000000e+00 : f32
      %broadcast_in_dim3A_436 = vector.broadcast %broadcast_in_dim3A_435 : f32 to vector<16xf32>
      %broadcast_in_dim3A_437 = arith.constant 0.000000e+00 : f32
      %broadcast_in_dim3A_438 = vector.broadcast %broadcast_in_dim3A_437 : f32 to vector<16xf32>
      %broadcast_in_dim3A_439 = arith.constant 0.000000e+00 : f32
      %broadcast_in_dim3A_440 = vector.broadcast %broadcast_in_dim3A_439 : f32 to vector<16xf32>
      %broadcast_in_dim3A_441 = arith.constant 0.000000e+00 : f32
      %broadcast_in_dim3A_442 = vector.broadcast %broadcast_in_dim3A_441 : f32 to vector<16xf32>
      %broadcast_in_dim3A_443 = arith.constant 0.000000e+00 : f32
      %broadcast_in_dim3A_444 = vector.broadcast %broadcast_in_dim3A_443 : f32 to vector<16xf32>
      %broadcast_in_dim3A_445 = arith.constant 0.000000e+00 : f32
      %broadcast_in_dim3A_446 = vector.broadcast %broadcast_in_dim3A_445 : f32 to vector<16xf32>
      %broadcast_in_dim3A_447 = arith.constant 0.000000e+00 : f32
      %broadcast_in_dim3A_448 = vector.broadcast %broadcast_in_dim3A_447 : f32 to vector<16xf32>
      %broadcast_in_dim3A_449 = arith.constant 0.000000e+00 : f32
      %broadcast_in_dim3A_450 = vector.broadcast %broadcast_in_dim3A_449 : f32 to vector<16xf32>
      %broadcast_in_dim3A_451 = arith.constant 0.000000e+00 : f32
      %broadcast_in_dim3A_452 = vector.broadcast %broadcast_in_dim3A_451 : f32 to vector<16xf32>
      %broadcast_in_dim3A_453 = arith.constant 0.000000e+00 : f32
      %broadcast_in_dim3A_454 = vector.broadcast %broadcast_in_dim3A_453 : f32 to vector<16xf32>
      %broadcast_in_dim3A_455 = arith.constant 0.000000e+00 : f32
      %broadcast_in_dim3A_456 = vector.broadcast %broadcast_in_dim3A_455 : f32 to vector<16xf32>
      %broadcast_in_dim3A_457 = arith.constant 0.000000e+00 : f32
      %broadcast_in_dim3A_458 = vector.broadcast %broadcast_in_dim3A_457 : f32 to vector<16xf32>
      %broadcast_in_dim3A_459 = arith.constant 0.000000e+00 : f32
      %broadcast_in_dim3A_460 = vector.broadcast %broadcast_in_dim3A_459 : f32 to vector<16xf32>
      %parallel_loop3A_461 = arith.constant 0 : i32
      %parallel_loop3A_462 = arith.constant 64 : i32
      %parallel_loop3A_463 = arith.constant 1 : i32
      %parallel_loop3A_464:16 = scf.for %parallel_loop3A_894 = %parallel_loop3A_461 to %parallel_loop3A_462 step %parallel_loop3A_463 iter_args(%parallel_loop3A_895 = %broadcast_in_dim3A_430, %parallel_loop3A_896 = %broadcast_in_dim3A_432, %parallel_loop3A_897 = %broadcast_in_dim3A_434, %parallel_loop3A_898 = %broadcast_in_dim3A_436, %parallel_loop3A_899 = %broadcast_in_dim3A_438, %parallel_loop3A_900 = %broadcast_in_dim3A_440, %parallel_loop3A_901 = %broadcast_in_dim3A_442, %parallel_loop3A_902 = %broadcast_in_dim3A_444, %parallel_loop3A_903 = %broadcast_in_dim3A_446, %parallel_loop3A_904 = %broadcast_in_dim3A_448, %parallel_loop3A_905 = %broadcast_in_dim3A_450, %parallel_loop3A_906 = %broadcast_in_dim3A_452, %parallel_loop3A_907 = %broadcast_in_dim3A_454, %parallel_loop3A_908 = %broadcast_in_dim3A_456, %parallel_loop3A_909 = %broadcast_in_dim3A_458, %parallel_loop3A_910 = %broadcast_in_dim3A_460) -> (vector<16xf32>, vector<16xf32>, vector<16xf32>, vector<16xf32>, vector<16xf32>, vector<16xf32>, vector<16xf32>, vector<16xf32>, vector<16xf32>, vector<16xf32>, vector<16xf32>, vector<16xf32>, vector<16xf32>, vector<16xf32>, vector<16xf32>, vector<16xf32>)  : i32 {
        %parallel_loop3A_911 = arith.index_cast %parallel_loop3A_894 : i32 to index
        %parallel_loop3A_912 = arith.constant 0 : index
        %parallel_loop3A_913 = tpu.vector_load %arg8[%parallel_loop3A_911, %parallel_loop3A_912] {strides = array<i32>} : memref<64x16xf32, #tpu.memory_space<vmem>>, vector<16xf32>,
        %parallel_loop3A_914 = arith.constant 64 : i32
        %parallel_loop3A_915 = vector.broadcast %parallel_loop3A_914 : i32 to vector<16xi32>
        %parallel_loop3A_916 = arith.muli %iota3A, %parallel_loop3A_915 : vector<16xi32>
        %parallel_loop3A_917 = vector.broadcast %parallel_loop3A_894 : i32 to vector<16xi32>
        %parallel_loop3A_918 = arith.addi %parallel_loop3A_916, %parallel_loop3A_917 : vector<16xi32>
        %parallel_loop3A_919 = arith.constant 16 : i32
        %parallel_loop3A_920 = vector.broadcast %parallel_loop3A_919 : i32 to vector<16xi32>
        %parallel_loop3A_921 = tpu.vector_load_idx %arg7[%parallel_loop3A_918, %parallel_loop3A_920] : memref<1024x32xf32, #tpu.memory_space<vmem>>[vector<16xi32>, vector<16xi32>], vector<16xf32>,
        %parallel_loop3A_922 = arith.mulf %parallel_loop3A_913, %parallel_loop3A_921 : vector<16xf32>
        %parallel_loop3A_923 = arith.addf %parallel_loop3A_895, %parallel_loop3A_922 : vector<16xf32>
        %parallel_loop3A_924 = arith.constant 17 : i32
        %parallel_loop3A_925 = vector.broadcast %parallel_loop3A_924 : i32 to vector<16xi32>
        %parallel_loop3A_926 = tpu.vector_load_idx %arg7[%parallel_loop3A_918, %parallel_loop3A_925] : memref<1024x32xf32, #tpu.memory_space<vmem>>[vector<16xi32>, vector<16xi32>], vector<16xf32>,
        %parallel_loop3A_927 = arith.mulf %parallel_loop3A_913, %parallel_loop3A_926 : vector<16xf32>
        %parallel_loop3A_928 = arith.addf %parallel_loop3A_896, %parallel_loop3A_927 : vector<16xf32>
        %parallel_loop3A_929 = arith.constant 18 : i32
        %parallel_loop3A_930 = vector.broadcast %parallel_loop3A_929 : i32 to vector<16xi32>
        %parallel_loop3A_931 = tpu.vector_load_idx %arg7[%parallel_loop3A_918, %parallel_loop3A_930] : memref<1024x32xf32, #tpu.memory_space<vmem>>[vector<16xi32>, vector<16xi32>], vector<16xf32>,
        %parallel_loop3A_932 = arith.mulf %parallel_loop3A_913, %parallel_loop3A_931 : vector<16xf32>
        %parallel_loop3A_933 = arith.addf %parallel_loop3A_897, %parallel_loop3A_932 : vector<16xf32>
        %parallel_loop3A_934 = arith.constant 19 : i32
        %parallel_loop3A_935 = vector.broadcast %parallel_loop3A_934 : i32 to vector<16xi32>
        %parallel_loop3A_936 = tpu.vector_load_idx %arg7[%parallel_loop3A_918, %parallel_loop3A_935] : memref<1024x32xf32, #tpu.memory_space<vmem>>[vector<16xi32>, vector<16xi32>], vector<16xf32>,
        %parallel_loop3A_937 = arith.mulf %parallel_loop3A_913, %parallel_loop3A_936 : vector<16xf32>
        %parallel_loop3A_938 = arith.addf %parallel_loop3A_898, %parallel_loop3A_937 : vector<16xf32>
        %parallel_loop3A_939 = arith.constant 20 : i32
        %parallel_loop3A_940 = vector.broadcast %parallel_loop3A_939 : i32 to vector<16xi32>
        %parallel_loop3A_941 = tpu.vector_load_idx %arg7[%parallel_loop3A_918, %parallel_loop3A_940] : memref<1024x32xf32, #tpu.memory_space<vmem>>[vector<16xi32>, vector<16xi32>], vector<16xf32>,
        %parallel_loop3A_942 = arith.mulf %parallel_loop3A_913, %parallel_loop3A_941 : vector<16xf32>
        %parallel_loop3A_943 = arith.addf %parallel_loop3A_899, %parallel_loop3A_942 : vector<16xf32>
        %parallel_loop3A_944 = arith.constant 21 : i32
        %parallel_loop3A_945 = vector.broadcast %parallel_loop3A_944 : i32 to vector<16xi32>
        %parallel_loop3A_946 = tpu.vector_load_idx %arg7[%parallel_loop3A_918, %parallel_loop3A_945] : memref<1024x32xf32, #tpu.memory_space<vmem>>[vector<16xi32>, vector<16xi32>], vector<16xf32>,
        %parallel_loop3A_947 = arith.mulf %parallel_loop3A_913, %parallel_loop3A_946 : vector<16xf32>
        %parallel_loop3A_948 = arith.addf %parallel_loop3A_900, %parallel_loop3A_947 : vector<16xf32>
        %parallel_loop3A_949 = arith.constant 22 : i32
        %parallel_loop3A_950 = vector.broadcast %parallel_loop3A_949 : i32 to vector<16xi32>
        %parallel_loop3A_951 = tpu.vector_load_idx %arg7[%parallel_loop3A_918, %parallel_loop3A_950] : memref<1024x32xf32, #tpu.memory_space<vmem>>[vector<16xi32>, vector<16xi32>], vector<16xf32>,
        %parallel_loop3A_952 = arith.mulf %parallel_loop3A_913, %parallel_loop3A_951 : vector<16xf32>
        %parallel_loop3A_953 = arith.addf %parallel_loop3A_901, %parallel_loop3A_952 : vector<16xf32>
        %parallel_loop3A_954 = arith.constant 23 : i32
        %parallel_loop3A_955 = vector.broadcast %parallel_loop3A_954 : i32 to vector<16xi32>
        %parallel_loop3A_956 = tpu.vector_load_idx %arg7[%parallel_loop3A_918, %parallel_loop3A_955] : memref<1024x32xf32, #tpu.memory_space<vmem>>[vector<16xi32>, vector<16xi32>], vector<16xf32>,
        %parallel_loop3A_957 = arith.mulf %parallel_loop3A_913, %parallel_loop3A_956 : vector<16xf32>
        %parallel_loop3A_958 = arith.addf %parallel_loop3A_902, %parallel_loop3A_957 : vector<16xf32>
        %parallel_loop3A_959 = arith.constant 24 : i32
        %parallel_loop3A_960 = vector.broadcast %parallel_loop3A_959 : i32 to vector<16xi32>
        %parallel_loop3A_961 = tpu.vector_load_idx %arg7[%parallel_loop3A_918, %parallel_loop3A_960] : memref<1024x32xf32, #tpu.memory_space<vmem>>[vector<16xi32>, vector<16xi32>], vector<16xf32>,
        %parallel_loop3A_962 = arith.mulf %parallel_loop3A_913, %parallel_loop3A_961 : vector<16xf32>
        %parallel_loop3A_963 = arith.addf %parallel_loop3A_903, %parallel_loop3A_962 : vector<16xf32>
        %parallel_loop3A_964 = arith.constant 25 : i32
        %parallel_loop3A_965 = vector.broadcast %parallel_loop3A_964 : i32 to vector<16xi32>
        %parallel_loop3A_966 = tpu.vector_load_idx %arg7[%parallel_loop3A_918, %parallel_loop3A_965] : memref<1024x32xf32, #tpu.memory_space<vmem>>[vector<16xi32>, vector<16xi32>], vector<16xf32>,
        %parallel_loop3A_967 = arith.mulf %parallel_loop3A_913, %parallel_loop3A_966 : vector<16xf32>
        %parallel_loop3A_968 = arith.addf %parallel_loop3A_904, %parallel_loop3A_967 : vector<16xf32>
        %parallel_loop3A_969 = arith.constant 26 : i32
        %parallel_loop3A_970 = vector.broadcast %parallel_loop3A_969 : i32 to vector<16xi32>
        %parallel_loop3A_971 = tpu.vector_load_idx %arg7[%parallel_loop3A_918, %parallel_loop3A_970] : memref<1024x32xf32, #tpu.memory_space<vmem>>[vector<16xi32>, vector<16xi32>], vector<16xf32>,
        %parallel_loop3A_972 = arith.mulf %parallel_loop3A_913, %parallel_loop3A_971 : vector<16xf32>
        %parallel_loop3A_973 = arith.addf %parallel_loop3A_905, %parallel_loop3A_972 : vector<16xf32>
        %parallel_loop3A_974 = arith.constant 27 : i32
        %parallel_loop3A_975 = vector.broadcast %parallel_loop3A_974 : i32 to vector<16xi32>
        %parallel_loop3A_976 = tpu.vector_load_idx %arg7[%parallel_loop3A_918, %parallel_loop3A_975] : memref<1024x32xf32, #tpu.memory_space<vmem>>[vector<16xi32>, vector<16xi32>], vector<16xf32>,
        %parallel_loop3A_977 = arith.mulf %parallel_loop3A_913, %parallel_loop3A_976 : vector<16xf32>
        %parallel_loop3A_978 = arith.addf %parallel_loop3A_906, %parallel_loop3A_977 : vector<16xf32>
        %parallel_loop3A_979 = arith.constant 28 : i32
        %parallel_loop3A_980 = vector.broadcast %parallel_loop3A_979 : i32 to vector<16xi32>
        %parallel_loop3A_981 = tpu.vector_load_idx %arg7[%parallel_loop3A_918, %parallel_loop3A_980] : memref<1024x32xf32, #tpu.memory_space<vmem>>[vector<16xi32>, vector<16xi32>], vector<16xf32>,
        %parallel_loop3A_982 = arith.mulf %parallel_loop3A_913, %parallel_loop3A_981 : vector<16xf32>
        %parallel_loop3A_983 = arith.addf %parallel_loop3A_907, %parallel_loop3A_982 : vector<16xf32>
        %parallel_loop3A_984 = arith.constant 29 : i32
        %parallel_loop3A_985 = vector.broadcast %parallel_loop3A_984 : i32 to vector<16xi32>
        %parallel_loop3A_986 = tpu.vector_load_idx %arg7[%parallel_loop3A_918, %parallel_loop3A_985] : memref<1024x32xf32, #tpu.memory_space<vmem>>[vector<16xi32>, vector<16xi32>], vector<16xf32>,
        %parallel_loop3A_987 = arith.mulf %parallel_loop3A_913, %parallel_loop3A_986 : vector<16xf32>
        %parallel_loop3A_988 = arith.addf %parallel_loop3A_908, %parallel_loop3A_987 : vector<16xf32>
        %parallel_loop3A_989 = arith.constant 30 : i32
        %parallel_loop3A_990 = vector.broadcast %parallel_loop3A_989 : i32 to vector<16xi32>
        %parallel_loop3A_991 = tpu.vector_load_idx %arg7[%parallel_loop3A_918, %parallel_loop3A_990] : memref<1024x32xf32, #tpu.memory_space<vmem>>[vector<16xi32>, vector<16xi32>], vector<16xf32>,
        %parallel_loop3A_992 = arith.mulf %parallel_loop3A_913, %parallel_loop3A_991 : vector<16xf32>
        %parallel_loop3A_993 = arith.addf %parallel_loop3A_909, %parallel_loop3A_992 : vector<16xf32>
        %parallel_loop3A_994 = arith.constant 31 : i32
        %parallel_loop3A_995 = vector.broadcast %parallel_loop3A_994 : i32 to vector<16xi32>
        %parallel_loop3A_996 = tpu.vector_load_idx %arg7[%parallel_loop3A_918, %parallel_loop3A_995] : memref<1024x32xf32, #tpu.memory_space<vmem>>[vector<16xi32>, vector<16xi32>], vector<16xf32>,
        %parallel_loop3A_997 = arith.mulf %parallel_loop3A_913, %parallel_loop3A_996 : vector<16xf32>
        %parallel_loop3A_998 = arith.addf %parallel_loop3A_910, %parallel_loop3A_997 : vector<16xf32>
        scf.yield %parallel_loop3A_923, %parallel_loop3A_928, %parallel_loop3A_933, %parallel_loop3A_938, %parallel_loop3A_943, %parallel_loop3A_948, %parallel_loop3A_953, %parallel_loop3A_958, %parallel_loop3A_963, %parallel_loop3A_968, %parallel_loop3A_973, %parallel_loop3A_978, %parallel_loop3A_983, %parallel_loop3A_988, %parallel_loop3A_993, %parallel_loop3A_998 : vector<16xf32>, vector<16xf32>, vector<16xf32>, vector<16xf32>, vector<16xf32>, vector<16xf32>, vector<16xf32>, vector<16xf32>, vector<16xf32>, vector<16xf32>, vector<16xf32>, vector<16xf32>, vector<16xf32>, vector<16xf32>, vector<16xf32>, vector<16xf32>
      } {sc.loop_unroll_factor = 2 : i64, sc.parallel_access}
      %swap3A_465 = arith.constant 16 : i32
      %swap3A_466 = arith.index_cast %swap3A_465 : i32 to index
      %swap3A_467 = arith.constant 0 : index
      %swap3A_468 = tpu.vector_load %arg12[%swap3A_466, %swap3A_467] {strides = array<i32>} : memref<32x16xf32, #tpu.memory_space<vmem>>, vector<16xf32>,
      tpu.vector_store %arg12[%swap3A_466, %swap3A_467], %parallel_loop3A_464#0 {strides = array<i32>} : memref<32x16xf32, #tpu.memory_space<vmem>>, vector<16xf32>,
      %swap3A_469 = arith.constant 17 : i32
      %swap3A_470 = arith.index_cast %swap3A_469 : i32 to index
      %swap3A_471 = arith.constant 0 : index
      %swap3A_472 = tpu.vector_load %arg12[%swap3A_470, %swap3A_471] {strides = array<i32>} : memref<32x16xf32, #tpu.memory_space<vmem>>, vector<16xf32>,
      tpu.vector_store %arg12[%swap3A_470, %swap3A_471], %parallel_loop3A_464#1 {strides = array<i32>} : memref<32x16xf32, #tpu.memory_space<vmem>>, vector<16xf32>,
      %swap3A_473 = arith.constant 18 : i32
      %swap3A_474 = arith.index_cast %swap3A_473 : i32 to index
      %swap3A_475 = arith.constant 0 : index
      %swap3A_476 = tpu.vector_load %arg12[%swap3A_474, %swap3A_475] {strides = array<i32>} : memref<32x16xf32, #tpu.memory_space<vmem>>, vector<16xf32>,
      tpu.vector_store %arg12[%swap3A_474, %swap3A_475], %parallel_loop3A_464#2 {strides = array<i32>} : memref<32x16xf32, #tpu.memory_space<vmem>>, vector<16xf32>,
      %swap3A_477 = arith.constant 19 : i32
      %swap3A_478 = arith.index_cast %swap3A_477 : i32 to index
      %swap3A_479 = arith.constant 0 : index
      %swap3A_480 = tpu.vector_load %arg12[%swap3A_478, %swap3A_479] {strides = array<i32>} : memref<32x16xf32, #tpu.memory_space<vmem>>, vector<16xf32>,
      tpu.vector_store %arg12[%swap3A_478, %swap3A_479], %parallel_loop3A_464#3 {strides = array<i32>} : memref<32x16xf32, #tpu.memory_space<vmem>>, vector<16xf32>,
      %swap3A_481 = arith.constant 20 : i32
      %swap3A_482 = arith.index_cast %swap3A_481 : i32 to index
      %swap3A_483 = arith.constant 0 : index
      %swap3A_484 = tpu.vector_load %arg12[%swap3A_482, %swap3A_483] {strides = array<i32>} : memref<32x16xf32, #tpu.memory_space<vmem>>, vector<16xf32>,
      tpu.vector_store %arg12[%swap3A_482, %swap3A_483], %parallel_loop3A_464#4 {strides = array<i32>} : memref<32x16xf32, #tpu.memory_space<vmem>>, vector<16xf32>,
      %swap3A_485 = arith.constant 21 : i32
      %swap3A_486 = arith.index_cast %swap3A_485 : i32 to index
      %swap3A_487 = arith.constant 0 : index
      %swap3A_488 = tpu.vector_load %arg12[%swap3A_486, %swap3A_487] {strides = array<i32>} : memref<32x16xf32, #tpu.memory_space<vmem>>, vector<16xf32>,
      tpu.vector_store %arg12[%swap3A_486, %swap3A_487], %parallel_loop3A_464#5 {strides = array<i32>} : memref<32x16xf32, #tpu.memory_space<vmem>>, vector<16xf32>,
      %swap3A_489 = arith.constant 22 : i32
      %swap3A_490 = arith.index_cast %swap3A_489 : i32 to index
      %swap3A_491 = arith.constant 0 : index
      %swap3A_492 = tpu.vector_load %arg12[%swap3A_490, %swap3A_491] {strides = array<i32>} : memref<32x16xf32, #tpu.memory_space<vmem>>, vector<16xf32>,
      tpu.vector_store %arg12[%swap3A_490, %swap3A_491], %parallel_loop3A_464#6 {strides = array<i32>} : memref<32x16xf32, #tpu.memory_space<vmem>>, vector<16xf32>,
      %swap3A_493 = arith.constant 23 : i32
      %swap3A_494 = arith.index_cast %swap3A_493 : i32 to index
      %swap3A_495 = arith.constant 0 : index
      %swap3A_496 = tpu.vector_load %arg12[%swap3A_494, %swap3A_495] {strides = array<i32>} : memref<32x16xf32, #tpu.memory_space<vmem>>, vector<16xf32>,
      tpu.vector_store %arg12[%swap3A_494, %swap3A_495], %parallel_loop3A_464#7 {strides = array<i32>} : memref<32x16xf32, #tpu.memory_space<vmem>>, vector<16xf32>,
      %swap3A_497 = arith.constant 24 : i32
      %swap3A_498 = arith.index_cast %swap3A_497 : i32 to index
      %swap3A_499 = arith.constant 0 : index
      %swap3A_500 = tpu.vector_load %arg12[%swap3A_498, %swap3A_499] {strides = array<i32>} : memref<32x16xf32, #tpu.memory_space<vmem>>, vector<16xf32>,
      tpu.vector_store %arg12[%swap3A_498, %swap3A_499], %parallel_loop3A_464#8 {strides = array<i32>} : memref<32x16xf32, #tpu.memory_space<vmem>>, vector<16xf32>,
      %swap3A_501 = arith.constant 25 : i32
      %swap3A_502 = arith.index_cast %swap3A_501 : i32 to index
      %swap3A_503 = arith.constant 0 : index
      %swap3A_504 = tpu.vector_load %arg12[%swap3A_502, %swap3A_503] {strides = array<i32>} : memref<32x16xf32, #tpu.memory_space<vmem>>, vector<16xf32>,
      tpu.vector_store %arg12[%swap3A_502, %swap3A_503], %parallel_loop3A_464#9 {strides = array<i32>} : memref<32x16xf32, #tpu.memory_space<vmem>>, vector<16xf32>,
      %swap3A_505 = arith.constant 26 : i32
      %swap3A_506 = arith.index_cast %swap3A_505 : i32 to index
      %swap3A_507 = arith.constant 0 : index
      %swap3A_508 = tpu.vector_load %arg12[%swap3A_506, %swap3A_507] {strides = array<i32>} : memref<32x16xf32, #tpu.memory_space<vmem>>, vector<16xf32>,
      tpu.vector_store %arg12[%swap3A_506, %swap3A_507], %parallel_loop3A_464#10 {strides = array<i32>} : memref<32x16xf32, #tpu.memory_space<vmem>>, vector<16xf32>,
      %swap3A_509 = arith.constant 27 : i32
      %swap3A_510 = arith.index_cast %swap3A_509 : i32 to index
      %swap3A_511 = arith.constant 0 : index
      %swap3A_512 = tpu.vector_load %arg12[%swap3A_510, %swap3A_511] {strides = array<i32>} : memref<32x16xf32, #tpu.memory_space<vmem>>, vector<16xf32>,
      tpu.vector_store %arg12[%swap3A_510, %swap3A_511], %parallel_loop3A_464#11 {strides = array<i32>} : memref<32x16xf32, #tpu.memory_space<vmem>>, vector<16xf32>,
      %swap3A_513 = arith.constant 28 : i32
      %swap3A_514 = arith.index_cast %swap3A_513 : i32 to index
      %swap3A_515 = arith.constant 0 : index
      %swap3A_516 = tpu.vector_load %arg12[%swap3A_514, %swap3A_515] {strides = array<i32>} : memref<32x16xf32, #tpu.memory_space<vmem>>, vector<16xf32>,
      tpu.vector_store %arg12[%swap3A_514, %swap3A_515], %parallel_loop3A_464#12 {strides = array<i32>} : memref<32x16xf32, #tpu.memory_space<vmem>>, vector<16xf32>,
      %swap3A_517 = arith.constant 29 : i32
      %swap3A_518 = arith.index_cast %swap3A_517 : i32 to index
      %swap3A_519 = arith.constant 0 : index
      %swap3A_520 = tpu.vector_load %arg12[%swap3A_518, %swap3A_519] {strides = array<i32>} : memref<32x16xf32, #tpu.memory_space<vmem>>, vector<16xf32>,
      tpu.vector_store %arg12[%swap3A_518, %swap3A_519], %parallel_loop3A_464#13 {strides = array<i32>} : memref<32x16xf32, #tpu.memory_space<vmem>>, vector<16xf32>,
      %swap3A_521 = arith.constant 30 : i32
      %swap3A_522 = arith.index_cast %swap3A_521 : i32 to index
      %swap3A_523 = arith.constant 0 : index
      %swap3A_524 = tpu.vector_load %arg12[%swap3A_522, %swap3A_523] {strides = array<i32>} : memref<32x16xf32, #tpu.memory_space<vmem>>, vector<16xf32>,
      tpu.vector_store %arg12[%swap3A_522, %swap3A_523], %parallel_loop3A_464#14 {strides = array<i32>} : memref<32x16xf32, #tpu.memory_space<vmem>>, vector<16xf32>,
      %swap3A_525 = arith.constant 31 : i32
      %swap3A_526 = arith.index_cast %swap3A_525 : i32 to index
      %swap3A_527 = arith.constant 0 : index
      %swap3A_528 = tpu.vector_load %arg12[%swap3A_526, %swap3A_527] {strides = array<i32>} : memref<32x16xf32, #tpu.memory_space<vmem>>, vector<16xf32>,
      tpu.vector_store %arg12[%swap3A_526, %swap3A_527], %parallel_loop3A_464#15 {strides = array<i32>} : memref<32x16xf32, #tpu.memory_space<vmem>>, vector<16xf32>,
      "tpu.region"() ({
        %run_scoped3A = tpu.sem_alloc : memref<!tpu.dma_semaphore, #tpu.memory_space<semaphore_mem>>
        %dma_start3A_894 = arith.constant 0 : i32
        %dma_start3A_895 = arith.constant 0 : i32
        %dma_start3A_896 = tpu.memref_slice %arg5[%add3A_169, %dma_start3A_894, %dma_start3A_895] : memref<10880x32x16xf32, #tpu.memory_space<hbm>> -> memref<1x32x16xf32, #tpu.memory_space<hbm>>
        %dma_start3A_897 = tpu.memref_squeeze %dma_start3A_896 : memref<1x32x16xf32, #tpu.memory_space<hbm>> -> memref<32x16xf32, #tpu.memory_space<hbm>>
        %dma_start3A_898 = arith.constant 0 : i32
        %dma_start3A_899 = arith.constant 0 : i32
        %dma_start3A_900 = tpu.memref_slice %arg5[%add3A_169, %dma_start3A_898, %dma_start3A_899] : memref<10880x32x16xf32, #tpu.memory_space<hbm>> -> memref<1x32x16xf32, #tpu.memory_space<hbm>>
        %dma_start3A_901 = tpu.memref_squeeze %dma_start3A_900 : memref<1x32x16xf32, #tpu.memory_space<hbm>> -> memref<32x16xf32, #tpu.memory_space<hbm>>
        tpu.enqueue_dma source(%arg12 : memref<32x16xf32, #tpu.memory_space<vmem>>) target(%dma_start3A_901 : memref<32x16xf32, #tpu.memory_space<hbm>>) target_semaphore(%run_scoped3A : memref<!tpu.dma_semaphore, #tpu.memory_space<semaphore_mem>>)
        %dma_wait3A_902 = arith.constant 0 : i32
        %dma_wait3A_903 = arith.constant 0 : i32
        %dma_wait3A_904 = tpu.memref_slice %arg5[%add3A_169, %dma_wait3A_902, %dma_wait3A_903] : memref<10880x32x16xf32, #tpu.memory_space<hbm>> -> memref<1x32x16xf32, #tpu.memory_space<hbm>>
        %dma_wait3A_905 = tpu.memref_squeeze %dma_wait3A_904 : memref<1x32x16xf32, #tpu.memory_space<hbm>> -> memref<32x16xf32, #tpu.memory_space<hbm>>
        %dma_wait3A_906 = arith.constant 0 : i32
        %dma_wait3A_907 = arith.constant 0 : i32
        %dma_wait3A_908 = tpu.memref_slice %arg5[%add3A_169, %dma_wait3A_906, %dma_wait3A_907] : memref<10880x32x16xf32, #tpu.memory_space<hbm>> -> memref<1x32x16xf32, #tpu.memory_space<hbm>>
        %dma_wait3A_909 = tpu.memref_squeeze %dma_wait3A_908 : memref<1x32x16xf32, #tpu.memory_space<hbm>> -> memref<32x16xf32, #tpu.memory_space<hbm>>
        tpu.wait_dma2 semaphore(%run_scoped3A : memref<!tpu.dma_semaphore, #tpu.memory_space<semaphore_mem>>) src(%arg12 : memref<32x16xf32, #tpu.memory_space<vmem>>) dst(%dma_wait3A_909 : memref<32x16xf32, #tpu.memory_space<hbm>>)
        tpu.yield
      }) : () -> ()
      %add3A_529 = arith.constant 2 : i32
      %add3A_530 = arith.addi %add3A_169, %add3A_529 : i32
      %min3A = arith.constant 10879 : i32
      %min3A_531 = arith.minsi %add3A_530, %min3A : i32
      "tpu.region"() ({
        %run_scoped3A = tpu.sem_alloc : memref<!tpu.dma_semaphore, #tpu.memory_space<semaphore_mem>>
        %dma_start3A_894 = arith.constant 0 : i32
        %dma_start3A_895 = arith.constant 0 : i32
        %dma_start3A_896 = tpu.memref_slice %arg3[%min3A_531, %dma_start3A_894, %dma_start3A_895] : memref<10880x8x128xi32, #tpu.memory_space<hbm>> -> memref<1x8x128xi32, #tpu.memory_space<hbm>>
        %dma_start3A_897 = tpu.memref_squeeze %dma_start3A_896 : memref<1x8x128xi32, #tpu.memory_space<hbm>> -> memref<8x128xi32, #tpu.memory_space<hbm>>
        %dma_start3A_898 = arith.constant 0 : i32
        %dma_start3A_899 = arith.constant 0 : i32
        %dma_start3A_900 = tpu.memref_slice %arg3[%min3A_531, %dma_start3A_898, %dma_start3A_899] : memref<10880x8x128xi32, #tpu.memory_space<hbm>> -> memref<1x8x128xi32, #tpu.memory_space<hbm>>
        %dma_start3A_901 = tpu.memref_squeeze %dma_start3A_900 : memref<1x8x128xi32, #tpu.memory_space<hbm>> -> memref<8x128xi32, #tpu.memory_space<hbm>>
        tpu.enqueue_dma source(%dma_start3A_901 : memref<8x128xi32, #tpu.memory_space<hbm>>) target(%arg6 : memref<8x128xi32, #tpu.memory_space<vmem>>) target_semaphore(%run_scoped3A : memref<!tpu.dma_semaphore, #tpu.memory_space<semaphore_mem>>)
        %dma_wait3A_902 = arith.constant 0 : i32
        %dma_wait3A_903 = arith.constant 0 : i32
        %dma_wait3A_904 = tpu.memref_slice %arg3[%min3A_531, %dma_wait3A_902, %dma_wait3A_903] : memref<10880x8x128xi32, #tpu.memory_space<hbm>> -> memref<1x8x128xi32, #tpu.memory_space<hbm>>
        %dma_wait3A_905 = tpu.memref_squeeze %dma_wait3A_904 : memref<1x8x128xi32, #tpu.memory_space<hbm>> -> memref<8x128xi32, #tpu.memory_space<hbm>>
        %dma_wait3A_906 = arith.constant 0 : i32
        %dma_wait3A_907 = arith.constant 0 : i32
        %dma_wait3A_908 = tpu.memref_slice %arg3[%min3A_531, %dma_wait3A_906, %dma_wait3A_907] : memref<10880x8x128xi32, #tpu.memory_space<hbm>> -> memref<1x8x128xi32, #tpu.memory_space<hbm>>
        %dma_wait3A_909 = tpu.memref_squeeze %dma_wait3A_908 : memref<1x8x128xi32, #tpu.memory_space<hbm>> -> memref<8x128xi32, #tpu.memory_space<hbm>>
        tpu.wait_dma2 semaphore(%run_scoped3A : memref<!tpu.dma_semaphore, #tpu.memory_space<semaphore_mem>>) src(%dma_wait3A_909 : memref<8x128xi32, #tpu.memory_space<hbm>>) dst(%arg6 : memref<8x128xi32, #tpu.memory_space<vmem>>)
        tpu.yield
      }) : () -> ()
      "tpu.region"() ({
        %run_scoped3A = tpu.sem_alloc : memref<!tpu.dma_semaphore, #tpu.memory_space<semaphore_mem>>
        %dma_start3A_894 = arith.constant 0 : i32
        %dma_start3A_895 = arith.constant 0 : i32
        %dma_start3A_896 = tpu.memref_slice %arg4[%min3A_531, %dma_start3A_894, %dma_start3A_895] : memref<10880x64x16xf32, #tpu.memory_space<hbm>> -> memref<1x64x16xf32, #tpu.memory_space<hbm>>
        %dma_start3A_897 = tpu.memref_squeeze %dma_start3A_896 : memref<1x64x16xf32, #tpu.memory_space<hbm>> -> memref<64x16xf32, #tpu.memory_space<hbm>>
        %dma_start3A_898 = arith.constant 0 : i32
        %dma_start3A_899 = arith.constant 0 : i32
        %dma_start3A_900 = tpu.memref_slice %arg4[%min3A_531, %dma_start3A_898, %dma_start3A_899] : memref<10880x64x16xf32, #tpu.memory_space<hbm>> -> memref<1x64x16xf32, #tpu.memory_space<hbm>>
        %dma_start3A_901 = tpu.memref_squeeze %dma_start3A_900 : memref<1x64x16xf32, #tpu.memory_space<hbm>> -> memref<64x16xf32, #tpu.memory_space<hbm>>
        tpu.enqueue_dma source(%dma_start3A_901 : memref<64x16xf32, #tpu.memory_space<hbm>>) target(%arg8 : memref<64x16xf32, #tpu.memory_space<vmem>>) target_semaphore(%run_scoped3A : memref<!tpu.dma_semaphore, #tpu.memory_space<semaphore_mem>>)
        %dma_wait3A_902 = arith.constant 0 : i32
        %dma_wait3A_903 = arith.constant 0 : i32
        %dma_wait3A_904 = tpu.memref_slice %arg4[%min3A_531, %dma_wait3A_902, %dma_wait3A_903] : memref<10880x64x16xf32, #tpu.memory_space<hbm>> -> memref<1x64x16xf32, #tpu.memory_space<hbm>>
        %dma_wait3A_905 = tpu.memref_squeeze %dma_wait3A_904 : memref<1x64x16xf32, #tpu.memory_space<hbm>> -> memref<64x16xf32, #tpu.memory_space<hbm>>
        %dma_wait3A_906 = arith.constant 0 : i32
        %dma_wait3A_907 = arith.constant 0 : i32
        %dma_wait3A_908 = tpu.memref_slice %arg4[%min3A_531, %dma_wait3A_906, %dma_wait3A_907] : memref<10880x64x16xf32, #tpu.memory_space<hbm>> -> memref<1x64x16xf32, #tpu.memory_space<hbm>>
        %dma_wait3A_909 = tpu.memref_squeeze %dma_wait3A_908 : memref<1x64x16xf32, #tpu.memory_space<hbm>> -> memref<64x16xf32, #tpu.memory_space<hbm>>
        tpu.wait_dma2 semaphore(%run_scoped3A : memref<!tpu.dma_semaphore, #tpu.memory_space<semaphore_mem>>) src(%dma_wait3A_909 : memref<64x16xf32, #tpu.memory_space<hbm>>) dst(%arg8 : memref<64x16xf32, #tpu.memory_space<vmem>>)
        tpu.yield
      }) : () -> ()
      %dma_start3A_532 = arith.constant 0 : i32
      %dma_start3A_533 = arith.constant 0 : i32
      %dma_start3A_534 = arith.constant 0 : i32
      %dma_start3A_535 = tpu.memref_slice %arg7[%dma_start3A_533, %dma_start3A_534] : memref<1024x32xf32, #tpu.memory_space<vmem>> -> memref<128x32xf32, #tpu.memory_space<vmem>>
      %dma_start3A_536 = arith.constant 0 : i32
      %dma_start3A_537 = tpu.memref_slice %arg6[%dma_start3A_532, %dma_start3A_536] : memref<8x128xi32, #tpu.memory_space<vmem>> -> memref<1x128xi32, #tpu.memory_space<vmem>>
      %dma_start3A_538 = tpu.memref_squeeze %dma_start3A_537 : memref<1x128xi32, #tpu.memory_space<vmem>> -> memref<128xi32, #tpu.memory_space<vmem>>
      %dma_start3A_539 = arith.constant 0 : i32
      %dma_start3A_540 = arith.constant 0 : i32
      %dma_start3A_541 = tpu.memref_slice %arg2[%dma_start3A_539, %dma_start3A_540] : memref<174080x32xf32, #tpu.memory_space<hbm>> -> memref<174080x32xf32, #tpu.memory_space<hbm>>
      tpu.enqueue_indirect_dma source(%dma_start3A_541 : memref<174080x32xf32, #tpu.memory_space<hbm>>) target(%dma_start3A_535 : memref<128x32xf32, #tpu.memory_space<vmem>>) offsets(%dma_start3A_538 : memref<128xi32, #tpu.memory_space<vmem>>) semaphore(%arg13 : memref<!tpu.dma_semaphore, #tpu.memory_space<semaphore_mem>>)
      %dma_start3A_542 = arith.constant 1 : i32
      %dma_start3A_543 = arith.constant 128 : i32
      %dma_start3A_544 = arith.constant 0 : i32
      %dma_start3A_545 = tpu.memref_slice %arg7[%dma_start3A_543, %dma_start3A_544] : memref<1024x32xf32, #tpu.memory_space<vmem>> -> memref<128x32xf32, #tpu.memory_space<vmem>>
      %dma_start3A_546 = arith.constant 0 : i32
      %dma_start3A_547 = tpu.memref_slice %arg6[%dma_start3A_542, %dma_start3A_546] : memref<8x128xi32, #tpu.memory_space<vmem>> -> memref<1x128xi32, #tpu.memory_space<vmem>>
      %dma_start3A_548 = tpu.memref_squeeze %dma_start3A_547 : memref<1x128xi32, #tpu.memory_space<vmem>> -> memref<128xi32, #tpu.memory_space<vmem>>
      %dma_start3A_549 = arith.constant 0 : i32
      %dma_start3A_550 = arith.constant 0 : i32
      %dma_start3A_551 = tpu.memref_slice %arg2[%dma_start3A_549, %dma_start3A_550] : memref<174080x32xf32, #tpu.memory_space<hbm>> -> memref<174080x32xf32, #tpu.memory_space<hbm>>
      tpu.enqueue_indirect_dma source(%dma_start3A_551 : memref<174080x32xf32, #tpu.memory_space<hbm>>) target(%dma_start3A_545 : memref<128x32xf32, #tpu.memory_space<vmem>>) offsets(%dma_start3A_548 : memref<128xi32, #tpu.memory_space<vmem>>) semaphore(%arg13 : memref<!tpu.dma_semaphore, #tpu.memory_space<semaphore_mem>>)
      %dma_start3A_552 = arith.constant 2 : i32
      %dma_start3A_553 = arith.constant 256 : i32
      %dma_start3A_554 = arith.constant 0 : i32
      %dma_start3A_555 = tpu.memref_slice %arg7[%dma_start3A_553, %dma_start3A_554] : memref<1024x32xf32, #tpu.memory_space<vmem>> -> memref<128x32xf32, #tpu.memory_space<vmem>>
      %dma_start3A_556 = arith.constant 0 : i32
      %dma_start3A_557 = tpu.memref_slice %arg6[%dma_start3A_552, %dma_start3A_556] : memref<8x128xi32, #tpu.memory_space<vmem>> -> memref<1x128xi32, #tpu.memory_space<vmem>>
      %dma_start3A_558 = tpu.memref_squeeze %dma_start3A_557 : memref<1x128xi32, #tpu.memory_space<vmem>> -> memref<128xi32, #tpu.memory_space<vmem>>
      %dma_start3A_559 = arith.constant 0 : i32
      %dma_start3A_560 = arith.constant 0 : i32
      %dma_start3A_561 = tpu.memref_slice %arg2[%dma_start3A_559, %dma_start3A_560] : memref<174080x32xf32, #tpu.memory_space<hbm>> -> memref<174080x32xf32, #tpu.memory_space<hbm>>
      tpu.enqueue_indirect_dma source(%dma_start3A_561 : memref<174080x32xf32, #tpu.memory_space<hbm>>) target(%dma_start3A_555 : memref<128x32xf32, #tpu.memory_space<vmem>>) offsets(%dma_start3A_558 : memref<128xi32, #tpu.memory_space<vmem>>) semaphore(%arg13 : memref<!tpu.dma_semaphore, #tpu.memory_space<semaphore_mem>>)
      %dma_start3A_562 = arith.constant 3 : i32
      %dma_start3A_563 = arith.constant 384 : i32
      %dma_start3A_564 = arith.constant 0 : i32
      %dma_start3A_565 = tpu.memref_slice %arg7[%dma_start3A_563, %dma_start3A_564] : memref<1024x32xf32, #tpu.memory_space<vmem>> -> memref<128x32xf32, #tpu.memory_space<vmem>>
      %dma_start3A_566 = arith.constant 0 : i32
      %dma_start3A_567 = tpu.memref_slice %arg6[%dma_start3A_562, %dma_start3A_566] : memref<8x128xi32, #tpu.memory_space<vmem>> -> memref<1x128xi32, #tpu.memory_space<vmem>>
      %dma_start3A_568 = tpu.memref_squeeze %dma_start3A_567 : memref<1x128xi32, #tpu.memory_space<vmem>> -> memref<128xi32, #tpu.memory_space<vmem>>
      %dma_start3A_569 = arith.constant 0 : i32
      %dma_start3A_570 = arith.constant 0 : i32
      %dma_start3A_571 = tpu.memref_slice %arg2[%dma_start3A_569, %dma_start3A_570] : memref<174080x32xf32, #tpu.memory_space<hbm>> -> memref<174080x32xf32, #tpu.memory_space<hbm>>
      tpu.enqueue_indirect_dma source(%dma_start3A_571 : memref<174080x32xf32, #tpu.memory_space<hbm>>) target(%dma_start3A_565 : memref<128x32xf32, #tpu.memory_space<vmem>>) offsets(%dma_start3A_568 : memref<128xi32, #tpu.memory_space<vmem>>) semaphore(%arg13 : memref<!tpu.dma_semaphore, #tpu.memory_space<semaphore_mem>>)
      %dma_start3A_572 = arith.constant 4 : i32
      %dma_start3A_573 = arith.constant 512 : i32
      %dma_start3A_574 = arith.constant 0 : i32
      %dma_start3A_575 = tpu.memref_slice %arg7[%dma_start3A_573, %dma_start3A_574] : memref<1024x32xf32, #tpu.memory_space<vmem>> -> memref<128x32xf32, #tpu.memory_space<vmem>>
      %dma_start3A_576 = arith.constant 0 : i32
      %dma_start3A_577 = tpu.memref_slice %arg6[%dma_start3A_572, %dma_start3A_576] : memref<8x128xi32, #tpu.memory_space<vmem>> -> memref<1x128xi32, #tpu.memory_space<vmem>>
      %dma_start3A_578 = tpu.memref_squeeze %dma_start3A_577 : memref<1x128xi32, #tpu.memory_space<vmem>> -> memref<128xi32, #tpu.memory_space<vmem>>
      %dma_start3A_579 = arith.constant 0 : i32
      %dma_start3A_580 = arith.constant 0 : i32
      %dma_start3A_581 = tpu.memref_slice %arg2[%dma_start3A_579, %dma_start3A_580] : memref<174080x32xf32, #tpu.memory_space<hbm>> -> memref<174080x32xf32, #tpu.memory_space<hbm>>
      tpu.enqueue_indirect_dma source(%dma_start3A_581 : memref<174080x32xf32, #tpu.memory_space<hbm>>) target(%dma_start3A_575 : memref<128x32xf32, #tpu.memory_space<vmem>>) offsets(%dma_start3A_578 : memref<128xi32, #tpu.memory_space<vmem>>) semaphore(%arg13 : memref<!tpu.dma_semaphore, #tpu.memory_space<semaphore_mem>>)
      %dma_start3A_582 = arith.constant 5 : i32
      %dma_start3A_583 = arith.constant 640 : i32
      %dma_start3A_584 = arith.constant 0 : i32
      %dma_start3A_585 = tpu.memref_slice %arg7[%dma_start3A_583, %dma_start3A_584] : memref<1024x32xf32, #tpu.memory_space<vmem>> -> memref<128x32xf32, #tpu.memory_space<vmem>>
      %dma_start3A_586 = arith.constant 0 : i32
      %dma_start3A_587 = tpu.memref_slice %arg6[%dma_start3A_582, %dma_start3A_586] : memref<8x128xi32, #tpu.memory_space<vmem>> -> memref<1x128xi32, #tpu.memory_space<vmem>>
      %dma_start3A_588 = tpu.memref_squeeze %dma_start3A_587 : memref<1x128xi32, #tpu.memory_space<vmem>> -> memref<128xi32, #tpu.memory_space<vmem>>
      %dma_start3A_589 = arith.constant 0 : i32
      %dma_start3A_590 = arith.constant 0 : i32
      %dma_start3A_591 = tpu.memref_slice %arg2[%dma_start3A_589, %dma_start3A_590] : memref<174080x32xf32, #tpu.memory_space<hbm>> -> memref<174080x32xf32, #tpu.memory_space<hbm>>
      tpu.enqueue_indirect_dma source(%dma_start3A_591 : memref<174080x32xf32, #tpu.memory_space<hbm>>) target(%dma_start3A_585 : memref<128x32xf32, #tpu.memory_space<vmem>>) offsets(%dma_start3A_588 : memref<128xi32, #tpu.memory_space<vmem>>) semaphore(%arg13 : memref<!tpu.dma_semaphore, #tpu.memory_space<semaphore_mem>>)
      %dma_start3A_592 = arith.constant 6 : i32
      %dma_start3A_593 = arith.constant 768 : i32
      %dma_start3A_594 = arith.constant 0 : i32
      %dma_start3A_595 = tpu.memref_slice %arg7[%dma_start3A_593, %dma_start3A_594] : memref<1024x32xf32, #tpu.memory_space<vmem>> -> memref<128x32xf32, #tpu.memory_space<vmem>>
      %dma_start3A_596 = arith.constant 0 : i32
      %dma_start3A_597 = tpu.memref_slice %arg6[%dma_start3A_592, %dma_start3A_596] : memref<8x128xi32, #tpu.memory_space<vmem>> -> memref<1x128xi32, #tpu.memory_space<vmem>>
      %dma_start3A_598 = tpu.memref_squeeze %dma_start3A_597 : memref<1x128xi32, #tpu.memory_space<vmem>> -> memref<128xi32, #tpu.memory_space<vmem>>
      %dma_start3A_599 = arith.constant 0 : i32
      %dma_start3A_600 = arith.constant 0 : i32
      %dma_start3A_601 = tpu.memref_slice %arg2[%dma_start3A_599, %dma_start3A_600] : memref<174080x32xf32, #tpu.memory_space<hbm>> -> memref<174080x32xf32, #tpu.memory_space<hbm>>
      tpu.enqueue_indirect_dma source(%dma_start3A_601 : memref<174080x32xf32, #tpu.memory_space<hbm>>) target(%dma_start3A_595 : memref<128x32xf32, #tpu.memory_space<vmem>>) offsets(%dma_start3A_598 : memref<128xi32, #tpu.memory_space<vmem>>) semaphore(%arg13 : memref<!tpu.dma_semaphore, #tpu.memory_space<semaphore_mem>>)
      %dma_start3A_602 = arith.constant 7 : i32
      %dma_start3A_603 = arith.constant 896 : i32
      %dma_start3A_604 = arith.constant 0 : i32
      %dma_start3A_605 = tpu.memref_slice %arg7[%dma_start3A_603, %dma_start3A_604] : memref<1024x32xf32, #tpu.memory_space<vmem>> -> memref<128x32xf32, #tpu.memory_space<vmem>>
      %dma_start3A_606 = arith.constant 0 : i32
      %dma_start3A_607 = tpu.memref_slice %arg6[%dma_start3A_602, %dma_start3A_606] : memref<8x128xi32, #tpu.memory_space<vmem>> -> memref<1x128xi32, #tpu.memory_space<vmem>>
      %dma_start3A_608 = tpu.memref_squeeze %dma_start3A_607 : memref<1x128xi32, #tpu.memory_space<vmem>> -> memref<128xi32, #tpu.memory_space<vmem>>
      %dma_start3A_609 = arith.constant 0 : i32
      %dma_start3A_610 = arith.constant 0 : i32
      %dma_start3A_611 = tpu.memref_slice %arg2[%dma_start3A_609, %dma_start3A_610] : memref<174080x32xf32, #tpu.memory_space<hbm>> -> memref<174080x32xf32, #tpu.memory_space<hbm>>
      tpu.enqueue_indirect_dma source(%dma_start3A_611 : memref<174080x32xf32, #tpu.memory_space<hbm>>) target(%dma_start3A_605 : memref<128x32xf32, #tpu.memory_space<vmem>>) offsets(%dma_start3A_608 : memref<128xi32, #tpu.memory_space<vmem>>) semaphore(%arg13 : memref<!tpu.dma_semaphore, #tpu.memory_space<semaphore_mem>>)
      %dma_wait3A_612 = arith.constant 0 : i32
      %dma_wait3A_613 = arith.constant 0 : i32
      %dma_wait3A_614 = arith.constant 0 : i32
      %dma_wait3A_615 = tpu.memref_slice %arg10[%dma_wait3A_613, %dma_wait3A_614] : memref<1024x32xf32, #tpu.memory_space<vmem>> -> memref<128x32xf32, #tpu.memory_space<vmem>>
      %dma_wait3A_616 = arith.constant 0 : i32
      %dma_wait3A_617 = tpu.memref_slice %arg9[%dma_wait3A_612, %dma_wait3A_616] : memref<8x128xi32, #tpu.memory_space<vmem>> -> memref<1x128xi32, #tpu.memory_space<vmem>>
      %dma_wait3A_618 = tpu.memref_squeeze %dma_wait3A_617 : memref<1x128xi32, #tpu.memory_space<vmem>> -> memref<128xi32, #tpu.memory_space<vmem>>
      %dma_wait3A_619 = arith.constant 0 : i32
      %dma_wait3A_620 = arith.constant 0 : i32
      %dma_wait3A_621 = tpu.memref_slice %arg2[%dma_wait3A_619, %dma_wait3A_620] : memref<174080x32xf32, #tpu.memory_space<hbm>> -> memref<174080x32xf32, #tpu.memory_space<hbm>>
      tpu.wait_indirect_dma semaphore(%arg14 : memref<!tpu.dma_semaphore, #tpu.memory_space<semaphore_mem>>) src(%dma_wait3A_621 : memref<174080x32xf32, #tpu.memory_space<hbm>>) dst(%dma_wait3A_615 : memref<128x32xf32, #tpu.memory_space<vmem>>)
      %dma_wait3A_622 = arith.constant 1 : i32
      %dma_wait3A_623 = arith.constant 128 : i32
      %dma_wait3A_624 = arith.constant 0 : i32
      %dma_wait3A_625 = tpu.memref_slice %arg10[%dma_wait3A_623, %dma_wait3A_624] : memref<1024x32xf32, #tpu.memory_space<vmem>> -> memref<128x32xf32, #tpu.memory_space<vmem>>
      %dma_wait3A_626 = arith.constant 0 : i32
      %dma_wait3A_627 = tpu.memref_slice %arg9[%dma_wait3A_622, %dma_wait3A_626] : memref<8x128xi32, #tpu.memory_space<vmem>> -> memref<1x128xi32, #tpu.memory_space<vmem>>
      %dma_wait3A_628 = tpu.memref_squeeze %dma_wait3A_627 : memref<1x128xi32, #tpu.memory_space<vmem>> -> memref<128xi32, #tpu.memory_space<vmem>>
      %dma_wait3A_629 = arith.constant 0 : i32
      %dma_wait3A_630 = arith.constant 0 : i32
      %dma_wait3A_631 = tpu.memref_slice %arg2[%dma_wait3A_629, %dma_wait3A_630] : memref<174080x32xf32, #tpu.memory_space<hbm>> -> memref<174080x32xf32, #tpu.memory_space<hbm>>
      tpu.wait_indirect_dma semaphore(%arg14 : memref<!tpu.dma_semaphore, #tpu.memory_space<semaphore_mem>>) src(%dma_wait3A_631 : memref<174080x32xf32, #tpu.memory_space<hbm>>) dst(%dma_wait3A_625 : memref<128x32xf32, #tpu.memory_space<vmem>>)
      %dma_wait3A_632 = arith.constant 2 : i32
      %dma_wait3A_633 = arith.constant 256 : i32
      %dma_wait3A_634 = arith.constant 0 : i32
      %dma_wait3A_635 = tpu.memref_slice %arg10[%dma_wait3A_633, %dma_wait3A_634] : memref<1024x32xf32, #tpu.memory_space<vmem>> -> memref<128x32xf32, #tpu.memory_space<vmem>>
      %dma_wait3A_636 = arith.constant 0 : i32
      %dma_wait3A_637 = tpu.memref_slice %arg9[%dma_wait3A_632, %dma_wait3A_636] : memref<8x128xi32, #tpu.memory_space<vmem>> -> memref<1x128xi32, #tpu.memory_space<vmem>>
      %dma_wait3A_638 = tpu.memref_squeeze %dma_wait3A_637 : memref<1x128xi32, #tpu.memory_space<vmem>> -> memref<128xi32, #tpu.memory_space<vmem>>
      %dma_wait3A_639 = arith.constant 0 : i32
      %dma_wait3A_640 = arith.constant 0 : i32
      %dma_wait3A_641 = tpu.memref_slice %arg2[%dma_wait3A_639, %dma_wait3A_640] : memref<174080x32xf32, #tpu.memory_space<hbm>> -> memref<174080x32xf32, #tpu.memory_space<hbm>>
      tpu.wait_indirect_dma semaphore(%arg14 : memref<!tpu.dma_semaphore, #tpu.memory_space<semaphore_mem>>) src(%dma_wait3A_641 : memref<174080x32xf32, #tpu.memory_space<hbm>>) dst(%dma_wait3A_635 : memref<128x32xf32, #tpu.memory_space<vmem>>)
      %dma_wait3A_642 = arith.constant 3 : i32
      %dma_wait3A_643 = arith.constant 384 : i32
      %dma_wait3A_644 = arith.constant 0 : i32
      %dma_wait3A_645 = tpu.memref_slice %arg10[%dma_wait3A_643, %dma_wait3A_644] : memref<1024x32xf32, #tpu.memory_space<vmem>> -> memref<128x32xf32, #tpu.memory_space<vmem>>
      %dma_wait3A_646 = arith.constant 0 : i32
      %dma_wait3A_647 = tpu.memref_slice %arg9[%dma_wait3A_642, %dma_wait3A_646] : memref<8x128xi32, #tpu.memory_space<vmem>> -> memref<1x128xi32, #tpu.memory_space<vmem>>
      %dma_wait3A_648 = tpu.memref_squeeze %dma_wait3A_647 : memref<1x128xi32, #tpu.memory_space<vmem>> -> memref<128xi32, #tpu.memory_space<vmem>>
      %dma_wait3A_649 = arith.constant 0 : i32
      %dma_wait3A_650 = arith.constant 0 : i32
      %dma_wait3A_651 = tpu.memref_slice %arg2[%dma_wait3A_649, %dma_wait3A_650] : memref<174080x32xf32, #tpu.memory_space<hbm>> -> memref<174080x32xf32, #tpu.memory_space<hbm>>
      tpu.wait_indirect_dma semaphore(%arg14 : memref<!tpu.dma_semaphore, #tpu.memory_space<semaphore_mem>>) src(%dma_wait3A_651 : memref<174080x32xf32, #tpu.memory_space<hbm>>) dst(%dma_wait3A_645 : memref<128x32xf32, #tpu.memory_space<vmem>>)
      %dma_wait3A_652 = arith.constant 4 : i32
      %dma_wait3A_653 = arith.constant 512 : i32
      %dma_wait3A_654 = arith.constant 0 : i32
      %dma_wait3A_655 = tpu.memref_slice %arg10[%dma_wait3A_653, %dma_wait3A_654] : memref<1024x32xf32, #tpu.memory_space<vmem>> -> memref<128x32xf32, #tpu.memory_space<vmem>>
      %dma_wait3A_656 = arith.constant 0 : i32
      %dma_wait3A_657 = tpu.memref_slice %arg9[%dma_wait3A_652, %dma_wait3A_656] : memref<8x128xi32, #tpu.memory_space<vmem>> -> memref<1x128xi32, #tpu.memory_space<vmem>>
      %dma_wait3A_658 = tpu.memref_squeeze %dma_wait3A_657 : memref<1x128xi32, #tpu.memory_space<vmem>> -> memref<128xi32, #tpu.memory_space<vmem>>
      %dma_wait3A_659 = arith.constant 0 : i32
      %dma_wait3A_660 = arith.constant 0 : i32
      %dma_wait3A_661 = tpu.memref_slice %arg2[%dma_wait3A_659, %dma_wait3A_660] : memref<174080x32xf32, #tpu.memory_space<hbm>> -> memref<174080x32xf32, #tpu.memory_space<hbm>>
      tpu.wait_indirect_dma semaphore(%arg14 : memref<!tpu.dma_semaphore, #tpu.memory_space<semaphore_mem>>) src(%dma_wait3A_661 : memref<174080x32xf32, #tpu.memory_space<hbm>>) dst(%dma_wait3A_655 : memref<128x32xf32, #tpu.memory_space<vmem>>)
      %dma_wait3A_662 = arith.constant 5 : i32
      %dma_wait3A_663 = arith.constant 640 : i32
      %dma_wait3A_664 = arith.constant 0 : i32
      %dma_wait3A_665 = tpu.memref_slice %arg10[%dma_wait3A_663, %dma_wait3A_664] : memref<1024x32xf32, #tpu.memory_space<vmem>> -> memref<128x32xf32, #tpu.memory_space<vmem>>
      %dma_wait3A_666 = arith.constant 0 : i32
      %dma_wait3A_667 = tpu.memref_slice %arg9[%dma_wait3A_662, %dma_wait3A_666] : memref<8x128xi32, #tpu.memory_space<vmem>> -> memref<1x128xi32, #tpu.memory_space<vmem>>
      %dma_wait3A_668 = tpu.memref_squeeze %dma_wait3A_667 : memref<1x128xi32, #tpu.memory_space<vmem>> -> memref<128xi32, #tpu.memory_space<vmem>>
      %dma_wait3A_669 = arith.constant 0 : i32
      %dma_wait3A_670 = arith.constant 0 : i32
      %dma_wait3A_671 = tpu.memref_slice %arg2[%dma_wait3A_669, %dma_wait3A_670] : memref<174080x32xf32, #tpu.memory_space<hbm>> -> memref<174080x32xf32, #tpu.memory_space<hbm>>
      tpu.wait_indirect_dma semaphore(%arg14 : memref<!tpu.dma_semaphore, #tpu.memory_space<semaphore_mem>>) src(%dma_wait3A_671 : memref<174080x32xf32, #tpu.memory_space<hbm>>) dst(%dma_wait3A_665 : memref<128x32xf32, #tpu.memory_space<vmem>>)
      %dma_wait3A_672 = arith.constant 6 : i32
      %dma_wait3A_673 = arith.constant 768 : i32
      %dma_wait3A_674 = arith.constant 0 : i32
      %dma_wait3A_675 = tpu.memref_slice %arg10[%dma_wait3A_673, %dma_wait3A_674] : memref<1024x32xf32, #tpu.memory_space<vmem>> -> memref<128x32xf32, #tpu.memory_space<vmem>>
      %dma_wait3A_676 = arith.constant 0 : i32
      %dma_wait3A_677 = tpu.memref_slice %arg9[%dma_wait3A_672, %dma_wait3A_676] : memref<8x128xi32, #tpu.memory_space<vmem>> -> memref<1x128xi32, #tpu.memory_space<vmem>>
      %dma_wait3A_678 = tpu.memref_squeeze %dma_wait3A_677 : memref<1x128xi32, #tpu.memory_space<vmem>> -> memref<128xi32, #tpu.memory_space<vmem>>
      %dma_wait3A_679 = arith.constant 0 : i32
      %dma_wait3A_680 = arith.constant 0 : i32
      %dma_wait3A_681 = tpu.memref_slice %arg2[%dma_wait3A_679, %dma_wait3A_680] : memref<174080x32xf32, #tpu.memory_space<hbm>> -> memref<174080x32xf32, #tpu.memory_space<hbm>>
      tpu.wait_indirect_dma semaphore(%arg14 : memref<!tpu.dma_semaphore, #tpu.memory_space<semaphore_mem>>) src(%dma_wait3A_681 : memref<174080x32xf32, #tpu.memory_space<hbm>>) dst(%dma_wait3A_675 : memref<128x32xf32, #tpu.memory_space<vmem>>)
      %dma_wait3A_682 = arith.constant 7 : i32
      %dma_wait3A_683 = arith.constant 896 : i32
      %dma_wait3A_684 = arith.constant 0 : i32
      %dma_wait3A_685 = tpu.memref_slice %arg10[%dma_wait3A_683, %dma_wait3A_684] : memref<1024x32xf32, #tpu.memory_space<vmem>> -> memref<128x32xf32, #tpu.memory_space<vmem>>
      %dma_wait3A_686 = arith.constant 0 : i32
      %dma_wait3A_687 = tpu.memref_slice %arg9[%dma_wait3A_682, %dma_wait3A_686] : memref<8x128xi32, #tpu.memory_space<vmem>> -> memref<1x128xi32, #tpu.memory_space<vmem>>
      %dma_wait3A_688 = tpu.memref_squeeze %dma_wait3A_687 : memref<1x128xi32, #tpu.memory_space<vmem>> -> memref<128xi32, #tpu.memory_space<vmem>>
      %dma_wait3A_689 = arith.constant 0 : i32
      %dma_wait3A_690 = arith.constant 0 : i32
      %dma_wait3A_691 = tpu.memref_slice %arg2[%dma_wait3A_689, %dma_wait3A_690] : memref<174080x32xf32, #tpu.memory_space<hbm>> -> memref<174080x32xf32, #tpu.memory_space<hbm>>
      tpu.wait_indirect_dma semaphore(%arg14 : memref<!tpu.dma_semaphore, #tpu.memory_space<semaphore_mem>>) src(%dma_wait3A_691 : memref<174080x32xf32, #tpu.memory_space<hbm>>) dst(%dma_wait3A_685 : memref<128x32xf32, #tpu.memory_space<vmem>>)
      %add3A_692 = arith.constant 1 : i32
      %add3A_693 = arith.addi %add3A_169, %add3A_692 : i32
      %broadcast_in_dim3A_694 = arith.constant 0.000000e+00 : f32
      %broadcast_in_dim3A_695 = vector.broadcast %broadcast_in_dim3A_694 : f32 to vector<16xf32>
      %broadcast_in_dim3A_696 = arith.constant 0.000000e+00 : f32
      %broadcast_in_dim3A_697 = vector.broadcast %broadcast_in_dim3A_696 : f32 to vector<16xf32>
      %broadcast_in_dim3A_698 = arith.constant 0.000000e+00 : f32
      %broadcast_in_dim3A_699 = vector.broadcast %broadcast_in_dim3A_698 : f32 to vector<16xf32>
      %broadcast_in_dim3A_700 = arith.constant 0.000000e+00 : f32
      %broadcast_in_dim3A_701 = vector.broadcast %broadcast_in_dim3A_700 : f32 to vector<16xf32>
      %broadcast_in_dim3A_702 = arith.constant 0.000000e+00 : f32
      %broadcast_in_dim3A_703 = vector.broadcast %broadcast_in_dim3A_702 : f32 to vector<16xf32>
      %broadcast_in_dim3A_704 = arith.constant 0.000000e+00 : f32
      %broadcast_in_dim3A_705 = vector.broadcast %broadcast_in_dim3A_704 : f32 to vector<16xf32>
      %broadcast_in_dim3A_706 = arith.constant 0.000000e+00 : f32
      %broadcast_in_dim3A_707 = vector.broadcast %broadcast_in_dim3A_706 : f32 to vector<16xf32>
      %broadcast_in_dim3A_708 = arith.constant 0.000000e+00 : f32
      %broadcast_in_dim3A_709 = vector.broadcast %broadcast_in_dim3A_708 : f32 to vector<16xf32>
      %broadcast_in_dim3A_710 = arith.constant 0.000000e+00 : f32
      %broadcast_in_dim3A_711 = vector.broadcast %broadcast_in_dim3A_710 : f32 to vector<16xf32>
      %broadcast_in_dim3A_712 = arith.constant 0.000000e+00 : f32
      %broadcast_in_dim3A_713 = vector.broadcast %broadcast_in_dim3A_712 : f32 to vector<16xf32>
      %broadcast_in_dim3A_714 = arith.constant 0.000000e+00 : f32
      %broadcast_in_dim3A_715 = vector.broadcast %broadcast_in_dim3A_714 : f32 to vector<16xf32>
      %broadcast_in_dim3A_716 = arith.constant 0.000000e+00 : f32
      %broadcast_in_dim3A_717 = vector.broadcast %broadcast_in_dim3A_716 : f32 to vector<16xf32>
      %broadcast_in_dim3A_718 = arith.constant 0.000000e+00 : f32
      %broadcast_in_dim3A_719 = vector.broadcast %broadcast_in_dim3A_718 : f32 to vector<16xf32>
      %broadcast_in_dim3A_720 = arith.constant 0.000000e+00 : f32
      %broadcast_in_dim3A_721 = vector.broadcast %broadcast_in_dim3A_720 : f32 to vector<16xf32>
      %broadcast_in_dim3A_722 = arith.constant 0.000000e+00 : f32
      %broadcast_in_dim3A_723 = vector.broadcast %broadcast_in_dim3A_722 : f32 to vector<16xf32>
      %broadcast_in_dim3A_724 = arith.constant 0.000000e+00 : f32
      %broadcast_in_dim3A_725 = vector.broadcast %broadcast_in_dim3A_724 : f32 to vector<16xf32>
      %parallel_loop3A_726 = arith.constant 0 : i32
      %parallel_loop3A_727 = arith.constant 64 : i32
      %parallel_loop3A_728 = arith.constant 1 : i32
      %parallel_loop3A_729:16 = scf.for %parallel_loop3A_894 = %parallel_loop3A_726 to %parallel_loop3A_727 step %parallel_loop3A_728 iter_args(%parallel_loop3A_895 = %broadcast_in_dim3A_695, %parallel_loop3A_896 = %broadcast_in_dim3A_697, %parallel_loop3A_897 = %broadcast_in_dim3A_699, %parallel_loop3A_898 = %broadcast_in_dim3A_701, %parallel_loop3A_899 = %broadcast_in_dim3A_703, %parallel_loop3A_900 = %broadcast_in_dim3A_705, %parallel_loop3A_901 = %broadcast_in_dim3A_707, %parallel_loop3A_902 = %broadcast_in_dim3A_709, %parallel_loop3A_903 = %broadcast_in_dim3A_711, %parallel_loop3A_904 = %broadcast_in_dim3A_713, %parallel_loop3A_905 = %broadcast_in_dim3A_715, %parallel_loop3A_906 = %broadcast_in_dim3A_717, %parallel_loop3A_907 = %broadcast_in_dim3A_719, %parallel_loop3A_908 = %broadcast_in_dim3A_721, %parallel_loop3A_909 = %broadcast_in_dim3A_723, %parallel_loop3A_910 = %broadcast_in_dim3A_725) -> (vector<16xf32>, vector<16xf32>, vector<16xf32>, vector<16xf32>, vector<16xf32>, vector<16xf32>, vector<16xf32>, vector<16xf32>, vector<16xf32>, vector<16xf32>, vector<16xf32>, vector<16xf32>, vector<16xf32>, vector<16xf32>, vector<16xf32>, vector<16xf32>)  : i32 {
        %parallel_loop3A_911 = arith.index_cast %parallel_loop3A_894 : i32 to index
        %parallel_loop3A_912 = arith.constant 0 : index
        %parallel_loop3A_913 = tpu.vector_load %arg11[%parallel_loop3A_911, %parallel_loop3A_912] {strides = array<i32>} : memref<64x16xf32, #tpu.memory_space<vmem>>, vector<16xf32>,
        %parallel_loop3A_914 = arith.constant 64 : i32
        %parallel_loop3A_915 = vector.broadcast %parallel_loop3A_914 : i32 to vector<16xi32>
        %parallel_loop3A_916 = arith.muli %iota3A, %parallel_loop3A_915 : vector<16xi32>
        %parallel_loop3A_917 = vector.broadcast %parallel_loop3A_894 : i32 to vector<16xi32>
        %parallel_loop3A_918 = arith.addi %parallel_loop3A_916, %parallel_loop3A_917 : vector<16xi32>
        %parallel_loop3A_919 = arith.constant 0 : i32
        %parallel_loop3A_920 = vector.broadcast %parallel_loop3A_919 : i32 to vector<16xi32>
        %parallel_loop3A_921 = tpu.vector_load_idx %arg10[%parallel_loop3A_918, %parallel_loop3A_920] : memref<1024x32xf32, #tpu.memory_space<vmem>>[vector<16xi32>, vector<16xi32>], vector<16xf32>,
        %parallel_loop3A_922 = arith.mulf %parallel_loop3A_913, %parallel_loop3A_921 : vector<16xf32>
        %parallel_loop3A_923 = arith.addf %parallel_loop3A_895, %parallel_loop3A_922 : vector<16xf32>
        %parallel_loop3A_924 = arith.constant 1 : i32
        %parallel_loop3A_925 = vector.broadcast %parallel_loop3A_924 : i32 to vector<16xi32>
        %parallel_loop3A_926 = tpu.vector_load_idx %arg10[%parallel_loop3A_918, %parallel_loop3A_925] : memref<1024x32xf32, #tpu.memory_space<vmem>>[vector<16xi32>, vector<16xi32>], vector<16xf32>,
        %parallel_loop3A_927 = arith.mulf %parallel_loop3A_913, %parallel_loop3A_926 : vector<16xf32>
        %parallel_loop3A_928 = arith.addf %parallel_loop3A_896, %parallel_loop3A_927 : vector<16xf32>
        %parallel_loop3A_929 = arith.constant 2 : i32
        %parallel_loop3A_930 = vector.broadcast %parallel_loop3A_929 : i32 to vector<16xi32>
        %parallel_loop3A_931 = tpu.vector_load_idx %arg10[%parallel_loop3A_918, %parallel_loop3A_930] : memref<1024x32xf32, #tpu.memory_space<vmem>>[vector<16xi32>, vector<16xi32>], vector<16xf32>,
        %parallel_loop3A_932 = arith.mulf %parallel_loop3A_913, %parallel_loop3A_931 : vector<16xf32>
        %parallel_loop3A_933 = arith.addf %parallel_loop3A_897, %parallel_loop3A_932 : vector<16xf32>
        %parallel_loop3A_934 = arith.constant 3 : i32
        %parallel_loop3A_935 = vector.broadcast %parallel_loop3A_934 : i32 to vector<16xi32>
        %parallel_loop3A_936 = tpu.vector_load_idx %arg10[%parallel_loop3A_918, %parallel_loop3A_935] : memref<1024x32xf32, #tpu.memory_space<vmem>>[vector<16xi32>, vector<16xi32>], vector<16xf32>,
        %parallel_loop3A_937 = arith.mulf %parallel_loop3A_913, %parallel_loop3A_936 : vector<16xf32>
        %parallel_loop3A_938 = arith.addf %parallel_loop3A_898, %parallel_loop3A_937 : vector<16xf32>
        %parallel_loop3A_939 = arith.constant 4 : i32
        %parallel_loop3A_940 = vector.broadcast %parallel_loop3A_939 : i32 to vector<16xi32>
        %parallel_loop3A_941 = tpu.vector_load_idx %arg10[%parallel_loop3A_918, %parallel_loop3A_940] : memref<1024x32xf32, #tpu.memory_space<vmem>>[vector<16xi32>, vector<16xi32>], vector<16xf32>,
        %parallel_loop3A_942 = arith.mulf %parallel_loop3A_913, %parallel_loop3A_941 : vector<16xf32>
        %parallel_loop3A_943 = arith.addf %parallel_loop3A_899, %parallel_loop3A_942 : vector<16xf32>
        %parallel_loop3A_944 = arith.constant 5 : i32
        %parallel_loop3A_945 = vector.broadcast %parallel_loop3A_944 : i32 to vector<16xi32>
        %parallel_loop3A_946 = tpu.vector_load_idx %arg10[%parallel_loop3A_918, %parallel_loop3A_945] : memref<1024x32xf32, #tpu.memory_space<vmem>>[vector<16xi32>, vector<16xi32>], vector<16xf32>,
        %parallel_loop3A_947 = arith.mulf %parallel_loop3A_913, %parallel_loop3A_946 : vector<16xf32>
        %parallel_loop3A_948 = arith.addf %parallel_loop3A_900, %parallel_loop3A_947 : vector<16xf32>
        %parallel_loop3A_949 = arith.constant 6 : i32
        %parallel_loop3A_950 = vector.broadcast %parallel_loop3A_949 : i32 to vector<16xi32>
        %parallel_loop3A_951 = tpu.vector_load_idx %arg10[%parallel_loop3A_918, %parallel_loop3A_950] : memref<1024x32xf32, #tpu.memory_space<vmem>>[vector<16xi32>, vector<16xi32>], vector<16xf32>,
        %parallel_loop3A_952 = arith.mulf %parallel_loop3A_913, %parallel_loop3A_951 : vector<16xf32>
        %parallel_loop3A_953 = arith.addf %parallel_loop3A_901, %parallel_loop3A_952 : vector<16xf32>
        %parallel_loop3A_954 = arith.constant 7 : i32
        %parallel_loop3A_955 = vector.broadcast %parallel_loop3A_954 : i32 to vector<16xi32>
        %parallel_loop3A_956 = tpu.vector_load_idx %arg10[%parallel_loop3A_918, %parallel_loop3A_955] : memref<1024x32xf32, #tpu.memory_space<vmem>>[vector<16xi32>, vector<16xi32>], vector<16xf32>,
        %parallel_loop3A_957 = arith.mulf %parallel_loop3A_913, %parallel_loop3A_956 : vector<16xf32>
        %parallel_loop3A_958 = arith.addf %parallel_loop3A_902, %parallel_loop3A_957 : vector<16xf32>
        %parallel_loop3A_959 = arith.constant 8 : i32
        %parallel_loop3A_960 = vector.broadcast %parallel_loop3A_959 : i32 to vector<16xi32>
        %parallel_loop3A_961 = tpu.vector_load_idx %arg10[%parallel_loop3A_918, %parallel_loop3A_960] : memref<1024x32xf32, #tpu.memory_space<vmem>>[vector<16xi32>, vector<16xi32>], vector<16xf32>,
        %parallel_loop3A_962 = arith.mulf %parallel_loop3A_913, %parallel_loop3A_961 : vector<16xf32>
        %parallel_loop3A_963 = arith.addf %parallel_loop3A_903, %parallel_loop3A_962 : vector<16xf32>
        %parallel_loop3A_964 = arith.constant 9 : i32
        %parallel_loop3A_965 = vector.broadcast %parallel_loop3A_964 : i32 to vector<16xi32>
        %parallel_loop3A_966 = tpu.vector_load_idx %arg10[%parallel_loop3A_918, %parallel_loop3A_965] : memref<1024x32xf32, #tpu.memory_space<vmem>>[vector<16xi32>, vector<16xi32>], vector<16xf32>,
        %parallel_loop3A_967 = arith.mulf %parallel_loop3A_913, %parallel_loop3A_966 : vector<16xf32>
        %parallel_loop3A_968 = arith.addf %parallel_loop3A_904, %parallel_loop3A_967 : vector<16xf32>
        %parallel_loop3A_969 = arith.constant 10 : i32
        %parallel_loop3A_970 = vector.broadcast %parallel_loop3A_969 : i32 to vector<16xi32>
        %parallel_loop3A_971 = tpu.vector_load_idx %arg10[%parallel_loop3A_918, %parallel_loop3A_970] : memref<1024x32xf32, #tpu.memory_space<vmem>>[vector<16xi32>, vector<16xi32>], vector<16xf32>,
        %parallel_loop3A_972 = arith.mulf %parallel_loop3A_913, %parallel_loop3A_971 : vector<16xf32>
        %parallel_loop3A_973 = arith.addf %parallel_loop3A_905, %parallel_loop3A_972 : vector<16xf32>
        %parallel_loop3A_974 = arith.constant 11 : i32
        %parallel_loop3A_975 = vector.broadcast %parallel_loop3A_974 : i32 to vector<16xi32>
        %parallel_loop3A_976 = tpu.vector_load_idx %arg10[%parallel_loop3A_918, %parallel_loop3A_975] : memref<1024x32xf32, #tpu.memory_space<vmem>>[vector<16xi32>, vector<16xi32>], vector<16xf32>,
        %parallel_loop3A_977 = arith.mulf %parallel_loop3A_913, %parallel_loop3A_976 : vector<16xf32>
        %parallel_loop3A_978 = arith.addf %parallel_loop3A_906, %parallel_loop3A_977 : vector<16xf32>
        %parallel_loop3A_979 = arith.constant 12 : i32
        %parallel_loop3A_980 = vector.broadcast %parallel_loop3A_979 : i32 to vector<16xi32>
        %parallel_loop3A_981 = tpu.vector_load_idx %arg10[%parallel_loop3A_918, %parallel_loop3A_980] : memref<1024x32xf32, #tpu.memory_space<vmem>>[vector<16xi32>, vector<16xi32>], vector<16xf32>,
        %parallel_loop3A_982 = arith.mulf %parallel_loop3A_913, %parallel_loop3A_981 : vector<16xf32>
        %parallel_loop3A_983 = arith.addf %parallel_loop3A_907, %parallel_loop3A_982 : vector<16xf32>
        %parallel_loop3A_984 = arith.constant 13 : i32
        %parallel_loop3A_985 = vector.broadcast %parallel_loop3A_984 : i32 to vector<16xi32>
        %parallel_loop3A_986 = tpu.vector_load_idx %arg10[%parallel_loop3A_918, %parallel_loop3A_985] : memref<1024x32xf32, #tpu.memory_space<vmem>>[vector<16xi32>, vector<16xi32>], vector<16xf32>,
        %parallel_loop3A_987 = arith.mulf %parallel_loop3A_913, %parallel_loop3A_986 : vector<16xf32>
        %parallel_loop3A_988 = arith.addf %parallel_loop3A_908, %parallel_loop3A_987 : vector<16xf32>
        %parallel_loop3A_989 = arith.constant 14 : i32
        %parallel_loop3A_990 = vector.broadcast %parallel_loop3A_989 : i32 to vector<16xi32>
        %parallel_loop3A_991 = tpu.vector_load_idx %arg10[%parallel_loop3A_918, %parallel_loop3A_990] : memref<1024x32xf32, #tpu.memory_space<vmem>>[vector<16xi32>, vector<16xi32>], vector<16xf32>,
        %parallel_loop3A_992 = arith.mulf %parallel_loop3A_913, %parallel_loop3A_991 : vector<16xf32>
        %parallel_loop3A_993 = arith.addf %parallel_loop3A_909, %parallel_loop3A_992 : vector<16xf32>
        %parallel_loop3A_994 = arith.constant 15 : i32
        %parallel_loop3A_995 = vector.broadcast %parallel_loop3A_994 : i32 to vector<16xi32>
        %parallel_loop3A_996 = tpu.vector_load_idx %arg10[%parallel_loop3A_918, %parallel_loop3A_995] : memref<1024x32xf32, #tpu.memory_space<vmem>>[vector<16xi32>, vector<16xi32>], vector<16xf32>,
        %parallel_loop3A_997 = arith.mulf %parallel_loop3A_913, %parallel_loop3A_996 : vector<16xf32>
        %parallel_loop3A_998 = arith.addf %parallel_loop3A_910, %parallel_loop3A_997 : vector<16xf32>
        scf.yield %parallel_loop3A_923, %parallel_loop3A_928, %parallel_loop3A_933, %parallel_loop3A_938, %parallel_loop3A_943, %parallel_loop3A_948, %parallel_loop3A_953, %parallel_loop3A_958, %parallel_loop3A_963, %parallel_loop3A_968, %parallel_loop3A_973, %parallel_loop3A_978, %parallel_loop3A_983, %parallel_loop3A_988, %parallel_loop3A_993, %parallel_loop3A_998 : vector<16xf32>, vector<16xf32>, vector<16xf32>, vector<16xf32>, vector<16xf32>, vector<16xf32>, vector<16xf32>, vector<16xf32>, vector<16xf32>, vector<16xf32>, vector<16xf32>, vector<16xf32>, vector<16xf32>, vector<16xf32>, vector<16xf32>, vector<16xf32>
      } {sc.loop_unroll_factor = 2 : i64, sc.parallel_access}
      %swap3A_730 = arith.constant 0 : i32
      %swap3A_731 = arith.index_cast %swap3A_730 : i32 to index
      %swap3A_732 = arith.constant 0 : index
      %swap3A_733 = tpu.vector_load %arg12[%swap3A_731, %swap3A_732] {strides = array<i32>} : memref<32x16xf32, #tpu.memory_space<vmem>>, vector<16xf32>,
      tpu.vector_store %arg12[%swap3A_731, %swap3A_732], %parallel_loop3A_729#0 {strides = array<i32>} : memref<32x16xf32, #tpu.memory_space<vmem>>, vector<16xf32>,
      %swap3A_734 = arith.constant 1 : i32
      %swap3A_735 = arith.index_cast %swap3A_734 : i32 to index
      %swap3A_736 = arith.constant 0 : index
      %swap3A_737 = tpu.vector_load %arg12[%swap3A_735, %swap3A_736] {strides = array<i32>} : memref<32x16xf32, #tpu.memory_space<vmem>>, vector<16xf32>,
      tpu.vector_store %arg12[%swap3A_735, %swap3A_736], %parallel_loop3A_729#1 {strides = array<i32>} : memref<32x16xf32, #tpu.memory_space<vmem>>, vector<16xf32>,
      %swap3A_738 = arith.constant 2 : i32
      %swap3A_739 = arith.index_cast %swap3A_738 : i32 to index
      %swap3A_740 = arith.constant 0 : index
      %swap3A_741 = tpu.vector_load %arg12[%swap3A_739, %swap3A_740] {strides = array<i32>} : memref<32x16xf32, #tpu.memory_space<vmem>>, vector<16xf32>,
      tpu.vector_store %arg12[%swap3A_739, %swap3A_740], %parallel_loop3A_729#2 {strides = array<i32>} : memref<32x16xf32, #tpu.memory_space<vmem>>, vector<16xf32>,
      %swap3A_742 = arith.constant 3 : i32
      %swap3A_743 = arith.index_cast %swap3A_742 : i32 to index
      %swap3A_744 = arith.constant 0 : index
      %swap3A_745 = tpu.vector_load %arg12[%swap3A_743, %swap3A_744] {strides = array<i32>} : memref<32x16xf32, #tpu.memory_space<vmem>>, vector<16xf32>,
      tpu.vector_store %arg12[%swap3A_743, %swap3A_744], %parallel_loop3A_729#3 {strides = array<i32>} : memref<32x16xf32, #tpu.memory_space<vmem>>, vector<16xf32>,
      %swap3A_746 = arith.constant 4 : i32
      %swap3A_747 = arith.index_cast %swap3A_746 : i32 to index
      %swap3A_748 = arith.constant 0 : index
      %swap3A_749 = tpu.vector_load %arg12[%swap3A_747, %swap3A_748] {strides = array<i32>} : memref<32x16xf32, #tpu.memory_space<vmem>>, vector<16xf32>,
      tpu.vector_store %arg12[%swap3A_747, %swap3A_748], %parallel_loop3A_729#4 {strides = array<i32>} : memref<32x16xf32, #tpu.memory_space<vmem>>, vector<16xf32>,
      %swap3A_750 = arith.constant 5 : i32
      %swap3A_751 = arith.index_cast %swap3A_750 : i32 to index
      %swap3A_752 = arith.constant 0 : index
      %swap3A_753 = tpu.vector_load %arg12[%swap3A_751, %swap3A_752] {strides = array<i32>} : memref<32x16xf32, #tpu.memory_space<vmem>>, vector<16xf32>,
      tpu.vector_store %arg12[%swap3A_751, %swap3A_752], %parallel_loop3A_729#5 {strides = array<i32>} : memref<32x16xf32, #tpu.memory_space<vmem>>, vector<16xf32>,
      %swap3A_754 = arith.constant 6 : i32
      %swap3A_755 = arith.index_cast %swap3A_754 : i32 to index
      %swap3A_756 = arith.constant 0 : index
      %swap3A_757 = tpu.vector_load %arg12[%swap3A_755, %swap3A_756] {strides = array<i32>} : memref<32x16xf32, #tpu.memory_space<vmem>>, vector<16xf32>,
      tpu.vector_store %arg12[%swap3A_755, %swap3A_756], %parallel_loop3A_729#6 {strides = array<i32>} : memref<32x16xf32, #tpu.memory_space<vmem>>, vector<16xf32>,
      %swap3A_758 = arith.constant 7 : i32
      %swap3A_759 = arith.index_cast %swap3A_758 : i32 to index
      %swap3A_760 = arith.constant 0 : index
      %swap3A_761 = tpu.vector_load %arg12[%swap3A_759, %swap3A_760] {strides = array<i32>} : memref<32x16xf32, #tpu.memory_space<vmem>>, vector<16xf32>,
      tpu.vector_store %arg12[%swap3A_759, %swap3A_760], %parallel_loop3A_729#7 {strides = array<i32>} : memref<32x16xf32, #tpu.memory_space<vmem>>, vector<16xf32>,
      %swap3A_762 = arith.constant 8 : i32
      %swap3A_763 = arith.index_cast %swap3A_762 : i32 to index
      %swap3A_764 = arith.constant 0 : index
      %swap3A_765 = tpu.vector_load %arg12[%swap3A_763, %swap3A_764] {strides = array<i32>} : memref<32x16xf32, #tpu.memory_space<vmem>>, vector<16xf32>,
      tpu.vector_store %arg12[%swap3A_763, %swap3A_764], %parallel_loop3A_729#8 {strides = array<i32>} : memref<32x16xf32, #tpu.memory_space<vmem>>, vector<16xf32>,
      %swap3A_766 = arith.constant 9 : i32
      %swap3A_767 = arith.index_cast %swap3A_766 : i32 to index
      %swap3A_768 = arith.constant 0 : index
      %swap3A_769 = tpu.vector_load %arg12[%swap3A_767, %swap3A_768] {strides = array<i32>} : memref<32x16xf32, #tpu.memory_space<vmem>>, vector<16xf32>,
      tpu.vector_store %arg12[%swap3A_767, %swap3A_768], %parallel_loop3A_729#9 {strides = array<i32>} : memref<32x16xf32, #tpu.memory_space<vmem>>, vector<16xf32>,
      %swap3A_770 = arith.constant 10 : i32
      %swap3A_771 = arith.index_cast %swap3A_770 : i32 to index
      %swap3A_772 = arith.constant 0 : index
      %swap3A_773 = tpu.vector_load %arg12[%swap3A_771, %swap3A_772] {strides = array<i32>} : memref<32x16xf32, #tpu.memory_space<vmem>>, vector<16xf32>,
      tpu.vector_store %arg12[%swap3A_771, %swap3A_772], %parallel_loop3A_729#10 {strides = array<i32>} : memref<32x16xf32, #tpu.memory_space<vmem>>, vector<16xf32>,
      %swap3A_774 = arith.constant 11 : i32
      %swap3A_775 = arith.index_cast %swap3A_774 : i32 to index
      %swap3A_776 = arith.constant 0 : index
      %swap3A_777 = tpu.vector_load %arg12[%swap3A_775, %swap3A_776] {strides = array<i32>} : memref<32x16xf32, #tpu.memory_space<vmem>>, vector<16xf32>,
      tpu.vector_store %arg12[%swap3A_775, %swap3A_776], %parallel_loop3A_729#11 {strides = array<i32>} : memref<32x16xf32, #tpu.memory_space<vmem>>, vector<16xf32>,
      %swap3A_778 = arith.constant 12 : i32
      %swap3A_779 = arith.index_cast %swap3A_778 : i32 to index
      %swap3A_780 = arith.constant 0 : index
      %swap3A_781 = tpu.vector_load %arg12[%swap3A_779, %swap3A_780] {strides = array<i32>} : memref<32x16xf32, #tpu.memory_space<vmem>>, vector<16xf32>,
      tpu.vector_store %arg12[%swap3A_779, %swap3A_780], %parallel_loop3A_729#12 {strides = array<i32>} : memref<32x16xf32, #tpu.memory_space<vmem>>, vector<16xf32>,
      %swap3A_782 = arith.constant 13 : i32
      %swap3A_783 = arith.index_cast %swap3A_782 : i32 to index
      %swap3A_784 = arith.constant 0 : index
      %swap3A_785 = tpu.vector_load %arg12[%swap3A_783, %swap3A_784] {strides = array<i32>} : memref<32x16xf32, #tpu.memory_space<vmem>>, vector<16xf32>,
      tpu.vector_store %arg12[%swap3A_783, %swap3A_784], %parallel_loop3A_729#13 {strides = array<i32>} : memref<32x16xf32, #tpu.memory_space<vmem>>, vector<16xf32>,
      %swap3A_786 = arith.constant 14 : i32
      %swap3A_787 = arith.index_cast %swap3A_786 : i32 to index
      %swap3A_788 = arith.constant 0 : index
      %swap3A_789 = tpu.vector_load %arg12[%swap3A_787, %swap3A_788] {strides = array<i32>} : memref<32x16xf32, #tpu.memory_space<vmem>>, vector<16xf32>,
      tpu.vector_store %arg12[%swap3A_787, %swap3A_788], %parallel_loop3A_729#14 {strides = array<i32>} : memref<32x16xf32, #tpu.memory_space<vmem>>, vector<16xf32>,
      %swap3A_790 = arith.constant 15 : i32
      %swap3A_791 = arith.index_cast %swap3A_790 : i32 to index
      %swap3A_792 = arith.constant 0 : index
      %swap3A_793 = tpu.vector_load %arg12[%swap3A_791, %swap3A_792] {strides = array<i32>} : memref<32x16xf32, #tpu.memory_space<vmem>>, vector<16xf32>,
      tpu.vector_store %arg12[%swap3A_791, %swap3A_792], %parallel_loop3A_729#15 {strides = array<i32>} : memref<32x16xf32, #tpu.memory_space<vmem>>, vector<16xf32>,
      %broadcast_in_dim3A_794 = arith.constant 0.000000e+00 : f32
      %broadcast_in_dim3A_795 = vector.broadcast %broadcast_in_dim3A_794 : f32 to vector<16xf32>
      %broadcast_in_dim3A_796 = arith.constant 0.000000e+00 : f32
      %broadcast_in_dim3A_797 = vector.broadcast %broadcast_in_dim3A_796 : f32 to vector<16xf32>
      %broadcast_in_dim3A_798 = arith.constant 0.000000e+00 : f32
      %broadcast_in_dim3A_799 = vector.broadcast %broadcast_in_dim3A_798 : f32 to vector<16xf32>
      %broadcast_in_dim3A_800 = arith.constant 0.000000e+00 : f32
      %broadcast_in_dim3A_801 = vector.broadcast %broadcast_in_dim3A_800 : f32 to vector<16xf32>
      %broadcast_in_dim3A_802 = arith.constant 0.000000e+00 : f32
      %broadcast_in_dim3A_803 = vector.broadcast %broadcast_in_dim3A_802 : f32 to vector<16xf32>
      %broadcast_in_dim3A_804 = arith.constant 0.000000e+00 : f32
      %broadcast_in_dim3A_805 = vector.broadcast %broadcast_in_dim3A_804 : f32 to vector<16xf32>
      %broadcast_in_dim3A_806 = arith.constant 0.000000e+00 : f32
      %broadcast_in_dim3A_807 = vector.broadcast %broadcast_in_dim3A_806 : f32 to vector<16xf32>
      %broadcast_in_dim3A_808 = arith.constant 0.000000e+00 : f32
      %broadcast_in_dim3A_809 = vector.broadcast %broadcast_in_dim3A_808 : f32 to vector<16xf32>
      %broadcast_in_dim3A_810 = arith.constant 0.000000e+00 : f32
      %broadcast_in_dim3A_811 = vector.broadcast %broadcast_in_dim3A_810 : f32 to vector<16xf32>
      %broadcast_in_dim3A_812 = arith.constant 0.000000e+00 : f32
      %broadcast_in_dim3A_813 = vector.broadcast %broadcast_in_dim3A_812 : f32 to vector<16xf32>
      %broadcast_in_dim3A_814 = arith.constant 0.000000e+00 : f32
      %broadcast_in_dim3A_815 = vector.broadcast %broadcast_in_dim3A_814 : f32 to vector<16xf32>
      %broadcast_in_dim3A_816 = arith.constant 0.000000e+00 : f32
      %broadcast_in_dim3A_817 = vector.broadcast %broadcast_in_dim3A_816 : f32 to vector<16xf32>
      %broadcast_in_dim3A_818 = arith.constant 0.000000e+00 : f32
      %broadcast_in_dim3A_819 = vector.broadcast %broadcast_in_dim3A_818 : f32 to vector<16xf32>
      %broadcast_in_dim3A_820 = arith.constant 0.000000e+00 : f32
      %broadcast_in_dim3A_821 = vector.broadcast %broadcast_in_dim3A_820 : f32 to vector<16xf32>
      %broadcast_in_dim3A_822 = arith.constant 0.000000e+00 : f32
      %broadcast_in_dim3A_823 = vector.broadcast %broadcast_in_dim3A_822 : f32 to vector<16xf32>
      %broadcast_in_dim3A_824 = arith.constant 0.000000e+00 : f32
      %broadcast_in_dim3A_825 = vector.broadcast %broadcast_in_dim3A_824 : f32 to vector<16xf32>
      %parallel_loop3A_826 = arith.constant 0 : i32
      %parallel_loop3A_827 = arith.constant 64 : i32
      %parallel_loop3A_828 = arith.constant 1 : i32
      %parallel_loop3A_829:16 = scf.for %parallel_loop3A_894 = %parallel_loop3A_826 to %parallel_loop3A_827 step %parallel_loop3A_828 iter_args(%parallel_loop3A_895 = %broadcast_in_dim3A_795, %parallel_loop3A_896 = %broadcast_in_dim3A_797, %parallel_loop3A_897 = %broadcast_in_dim3A_799, %parallel_loop3A_898 = %broadcast_in_dim3A_801, %parallel_loop3A_899 = %broadcast_in_dim3A_803, %parallel_loop3A_900 = %broadcast_in_dim3A_805, %parallel_loop3A_901 = %broadcast_in_dim3A_807, %parallel_loop3A_902 = %broadcast_in_dim3A_809, %parallel_loop3A_903 = %broadcast_in_dim3A_811, %parallel_loop3A_904 = %broadcast_in_dim3A_813, %parallel_loop3A_905 = %broadcast_in_dim3A_815, %parallel_loop3A_906 = %broadcast_in_dim3A_817, %parallel_loop3A_907 = %broadcast_in_dim3A_819, %parallel_loop3A_908 = %broadcast_in_dim3A_821, %parallel_loop3A_909 = %broadcast_in_dim3A_823, %parallel_loop3A_910 = %broadcast_in_dim3A_825) -> (vector<16xf32>, vector<16xf32>, vector<16xf32>, vector<16xf32>, vector<16xf32>, vector<16xf32>, vector<16xf32>, vector<16xf32>, vector<16xf32>, vector<16xf32>, vector<16xf32>, vector<16xf32>, vector<16xf32>, vector<16xf32>, vector<16xf32>, vector<16xf32>)  : i32 {
        %parallel_loop3A_911 = arith.index_cast %parallel_loop3A_894 : i32 to index
        %parallel_loop3A_912 = arith.constant 0 : index
        %parallel_loop3A_913 = tpu.vector_load %arg11[%parallel_loop3A_911, %parallel_loop3A_912] {strides = array<i32>} : memref<64x16xf32, #tpu.memory_space<vmem>>, vector<16xf32>,
        %parallel_loop3A_914 = arith.constant 64 : i32
        %parallel_loop3A_915 = vector.broadcast %parallel_loop3A_914 : i32 to vector<16xi32>
        %parallel_loop3A_916 = arith.muli %iota3A, %parallel_loop3A_915 : vector<16xi32>
        %parallel_loop3A_917 = vector.broadcast %parallel_loop3A_894 : i32 to vector<16xi32>
        %parallel_loop3A_918 = arith.addi %parallel_loop3A_916, %parallel_loop3A_917 : vector<16xi32>
        %parallel_loop3A_919 = arith.constant 16 : i32
        %parallel_loop3A_920 = vector.broadcast %parallel_loop3A_919 : i32 to vector<16xi32>
        %parallel_loop3A_921 = tpu.vector_load_idx %arg10[%parallel_loop3A_918, %parallel_loop3A_920] : memref<1024x32xf32, #tpu.memory_space<vmem>>[vector<16xi32>, vector<16xi32>], vector<16xf32>,
        %parallel_loop3A_922 = arith.mulf %parallel_loop3A_913, %parallel_loop3A_921 : vector<16xf32>
        %parallel_loop3A_923 = arith.addf %parallel_loop3A_895, %parallel_loop3A_922 : vector<16xf32>
        %parallel_loop3A_924 = arith.constant 17 : i32
        %parallel_loop3A_925 = vector.broadcast %parallel_loop3A_924 : i32 to vector<16xi32>
        %parallel_loop3A_926 = tpu.vector_load_idx %arg10[%parallel_loop3A_918, %parallel_loop3A_925] : memref<1024x32xf32, #tpu.memory_space<vmem>>[vector<16xi32>, vector<16xi32>], vector<16xf32>,
        %parallel_loop3A_927 = arith.mulf %parallel_loop3A_913, %parallel_loop3A_926 : vector<16xf32>
        %parallel_loop3A_928 = arith.addf %parallel_loop3A_896, %parallel_loop3A_927 : vector<16xf32>
        %parallel_loop3A_929 = arith.constant 18 : i32
        %parallel_loop3A_930 = vector.broadcast %parallel_loop3A_929 : i32 to vector<16xi32>
        %parallel_loop3A_931 = tpu.vector_load_idx %arg10[%parallel_loop3A_918, %parallel_loop3A_930] : memref<1024x32xf32, #tpu.memory_space<vmem>>[vector<16xi32>, vector<16xi32>], vector<16xf32>,
        %parallel_loop3A_932 = arith.mulf %parallel_loop3A_913, %parallel_loop3A_931 : vector<16xf32>
        %parallel_loop3A_933 = arith.addf %parallel_loop3A_897, %parallel_loop3A_932 : vector<16xf32>
        %parallel_loop3A_934 = arith.constant 19 : i32
        %parallel_loop3A_935 = vector.broadcast %parallel_loop3A_934 : i32 to vector<16xi32>
        %parallel_loop3A_936 = tpu.vector_load_idx %arg10[%parallel_loop3A_918, %parallel_loop3A_935] : memref<1024x32xf32, #tpu.memory_space<vmem>>[vector<16xi32>, vector<16xi32>], vector<16xf32>,
        %parallel_loop3A_937 = arith.mulf %parallel_loop3A_913, %parallel_loop3A_936 : vector<16xf32>
        %parallel_loop3A_938 = arith.addf %parallel_loop3A_898, %parallel_loop3A_937 : vector<16xf32>
        %parallel_loop3A_939 = arith.constant 20 : i32
        %parallel_loop3A_940 = vector.broadcast %parallel_loop3A_939 : i32 to vector<16xi32>
        %parallel_loop3A_941 = tpu.vector_load_idx %arg10[%parallel_loop3A_918, %parallel_loop3A_940] : memref<1024x32xf32, #tpu.memory_space<vmem>>[vector<16xi32>, vector<16xi32>], vector<16xf32>,
        %parallel_loop3A_942 = arith.mulf %parallel_loop3A_913, %parallel_loop3A_941 : vector<16xf32>
        %parallel_loop3A_943 = arith.addf %parallel_loop3A_899, %parallel_loop3A_942 : vector<16xf32>
        %parallel_loop3A_944 = arith.constant 21 : i32
        %parallel_loop3A_945 = vector.broadcast %parallel_loop3A_944 : i32 to vector<16xi32>
        %parallel_loop3A_946 = tpu.vector_load_idx %arg10[%parallel_loop3A_918, %parallel_loop3A_945] : memref<1024x32xf32, #tpu.memory_space<vmem>>[vector<16xi32>, vector<16xi32>], vector<16xf32>,
        %parallel_loop3A_947 = arith.mulf %parallel_loop3A_913, %parallel_loop3A_946 : vector<16xf32>
        %parallel_loop3A_948 = arith.addf %parallel_loop3A_900, %parallel_loop3A_947 : vector<16xf32>
        %parallel_loop3A_949 = arith.constant 22 : i32
        %parallel_loop3A_950 = vector.broadcast %parallel_loop3A_949 : i32 to vector<16xi32>
        %parallel_loop3A_951 = tpu.vector_load_idx %arg10[%parallel_loop3A_918, %parallel_loop3A_950] : memref<1024x32xf32, #tpu.memory_space<vmem>>[vector<16xi32>, vector<16xi32>], vector<16xf32>,
        %parallel_loop3A_952 = arith.mulf %parallel_loop3A_913, %parallel_loop3A_951 : vector<16xf32>
        %parallel_loop3A_953 = arith.addf %parallel_loop3A_901, %parallel_loop3A_952 : vector<16xf32>
        %parallel_loop3A_954 = arith.constant 23 : i32
        %parallel_loop3A_955 = vector.broadcast %parallel_loop3A_954 : i32 to vector<16xi32>
        %parallel_loop3A_956 = tpu.vector_load_idx %arg10[%parallel_loop3A_918, %parallel_loop3A_955] : memref<1024x32xf32, #tpu.memory_space<vmem>>[vector<16xi32>, vector<16xi32>], vector<16xf32>,
        %parallel_loop3A_957 = arith.mulf %parallel_loop3A_913, %parallel_loop3A_956 : vector<16xf32>
        %parallel_loop3A_958 = arith.addf %parallel_loop3A_902, %parallel_loop3A_957 : vector<16xf32>
        %parallel_loop3A_959 = arith.constant 24 : i32
        %parallel_loop3A_960 = vector.broadcast %parallel_loop3A_959 : i32 to vector<16xi32>
        %parallel_loop3A_961 = tpu.vector_load_idx %arg10[%parallel_loop3A_918, %parallel_loop3A_960] : memref<1024x32xf32, #tpu.memory_space<vmem>>[vector<16xi32>, vector<16xi32>], vector<16xf32>,
        %parallel_loop3A_962 = arith.mulf %parallel_loop3A_913, %parallel_loop3A_961 : vector<16xf32>
        %parallel_loop3A_963 = arith.addf %parallel_loop3A_903, %parallel_loop3A_962 : vector<16xf32>
        %parallel_loop3A_964 = arith.constant 25 : i32
        %parallel_loop3A_965 = vector.broadcast %parallel_loop3A_964 : i32 to vector<16xi32>
        %parallel_loop3A_966 = tpu.vector_load_idx %arg10[%parallel_loop3A_918, %parallel_loop3A_965] : memref<1024x32xf32, #tpu.memory_space<vmem>>[vector<16xi32>, vector<16xi32>], vector<16xf32>,
        %parallel_loop3A_967 = arith.mulf %parallel_loop3A_913, %parallel_loop3A_966 : vector<16xf32>
        %parallel_loop3A_968 = arith.addf %parallel_loop3A_904, %parallel_loop3A_967 : vector<16xf32>
        %parallel_loop3A_969 = arith.constant 26 : i32
        %parallel_loop3A_970 = vector.broadcast %parallel_loop3A_969 : i32 to vector<16xi32>
        %parallel_loop3A_971 = tpu.vector_load_idx %arg10[%parallel_loop3A_918, %parallel_loop3A_970] : memref<1024x32xf32, #tpu.memory_space<vmem>>[vector<16xi32>, vector<16xi32>], vector<16xf32>,
        %parallel_loop3A_972 = arith.mulf %parallel_loop3A_913, %parallel_loop3A_971 : vector<16xf32>
        %parallel_loop3A_973 = arith.addf %parallel_loop3A_905, %parallel_loop3A_972 : vector<16xf32>
        %parallel_loop3A_974 = arith.constant 27 : i32
        %parallel_loop3A_975 = vector.broadcast %parallel_loop3A_974 : i32 to vector<16xi32>
        %parallel_loop3A_976 = tpu.vector_load_idx %arg10[%parallel_loop3A_918, %parallel_loop3A_975] : memref<1024x32xf32, #tpu.memory_space<vmem>>[vector<16xi32>, vector<16xi32>], vector<16xf32>,
        %parallel_loop3A_977 = arith.mulf %parallel_loop3A_913, %parallel_loop3A_976 : vector<16xf32>
        %parallel_loop3A_978 = arith.addf %parallel_loop3A_906, %parallel_loop3A_977 : vector<16xf32>
        %parallel_loop3A_979 = arith.constant 28 : i32
        %parallel_loop3A_980 = vector.broadcast %parallel_loop3A_979 : i32 to vector<16xi32>
        %parallel_loop3A_981 = tpu.vector_load_idx %arg10[%parallel_loop3A_918, %parallel_loop3A_980] : memref<1024x32xf32, #tpu.memory_space<vmem>>[vector<16xi32>, vector<16xi32>], vector<16xf32>,
        %parallel_loop3A_982 = arith.mulf %parallel_loop3A_913, %parallel_loop3A_981 : vector<16xf32>
        %parallel_loop3A_983 = arith.addf %parallel_loop3A_907, %parallel_loop3A_982 : vector<16xf32>
        %parallel_loop3A_984 = arith.constant 29 : i32
        %parallel_loop3A_985 = vector.broadcast %parallel_loop3A_984 : i32 to vector<16xi32>
        %parallel_loop3A_986 = tpu.vector_load_idx %arg10[%parallel_loop3A_918, %parallel_loop3A_985] : memref<1024x32xf32, #tpu.memory_space<vmem>>[vector<16xi32>, vector<16xi32>], vector<16xf32>,
        %parallel_loop3A_987 = arith.mulf %parallel_loop3A_913, %parallel_loop3A_986 : vector<16xf32>
        %parallel_loop3A_988 = arith.addf %parallel_loop3A_908, %parallel_loop3A_987 : vector<16xf32>
        %parallel_loop3A_989 = arith.constant 30 : i32
        %parallel_loop3A_990 = vector.broadcast %parallel_loop3A_989 : i32 to vector<16xi32>
        %parallel_loop3A_991 = tpu.vector_load_idx %arg10[%parallel_loop3A_918, %parallel_loop3A_990] : memref<1024x32xf32, #tpu.memory_space<vmem>>[vector<16xi32>, vector<16xi32>], vector<16xf32>,
        %parallel_loop3A_992 = arith.mulf %parallel_loop3A_913, %parallel_loop3A_991 : vector<16xf32>
        %parallel_loop3A_993 = arith.addf %parallel_loop3A_909, %parallel_loop3A_992 : vector<16xf32>
        %parallel_loop3A_994 = arith.constant 31 : i32
        %parallel_loop3A_995 = vector.broadcast %parallel_loop3A_994 : i32 to vector<16xi32>
        %parallel_loop3A_996 = tpu.vector_load_idx %arg10[%parallel_loop3A_918, %parallel_loop3A_995] : memref<1024x32xf32, #tpu.memory_space<vmem>>[vector<16xi32>, vector<16xi32>], vector<16xf32>,
        %parallel_loop3A_997 = arith.mulf %parallel_loop3A_913, %parallel_loop3A_996 : vector<16xf32>
        %parallel_loop3A_998 = arith.addf %parallel_loop3A_910, %parallel_loop3A_997 : vector<16xf32>
        scf.yield %parallel_loop3A_923, %parallel_loop3A_928, %parallel_loop3A_933, %parallel_loop3A_938, %parallel_loop3A_943, %parallel_loop3A_948, %parallel_loop3A_953, %parallel_loop3A_958, %parallel_loop3A_963, %parallel_loop3A_968, %parallel_loop3A_973, %parallel_loop3A_978, %parallel_loop3A_983, %parallel_loop3A_988, %parallel_loop3A_993, %parallel_loop3A_998 : vector<16xf32>, vector<16xf32>, vector<16xf32>, vector<16xf32>, vector<16xf32>, vector<16xf32>, vector<16xf32>, vector<16xf32>, vector<16xf32>, vector<16xf32>, vector<16xf32>, vector<16xf32>, vector<16xf32>, vector<16xf32>, vector<16xf32>, vector<16xf32>
      } {sc.loop_unroll_factor = 2 : i64, sc.parallel_access}
      %swap3A_830 = arith.constant 16 : i32
      %swap3A_831 = arith.index_cast %swap3A_830 : i32 to index
      %swap3A_832 = arith.constant 0 : index
      %swap3A_833 = tpu.vector_load %arg12[%swap3A_831, %swap3A_832] {strides = array<i32>} : memref<32x16xf32, #tpu.memory_space<vmem>>, vector<16xf32>,
      tpu.vector_store %arg12[%swap3A_831, %swap3A_832], %parallel_loop3A_829#0 {strides = array<i32>} : memref<32x16xf32, #tpu.memory_space<vmem>>, vector<16xf32>,
      %swap3A_834 = arith.constant 17 : i32
      %swap3A_835 = arith.index_cast %swap3A_834 : i32 to index
      %swap3A_836 = arith.constant 0 : index
      %swap3A_837 = tpu.vector_load %arg12[%swap3A_835, %swap3A_836] {strides = array<i32>} : memref<32x16xf32, #tpu.memory_space<vmem>>, vector<16xf32>,
      tpu.vector_store %arg12[%swap3A_835, %swap3A_836], %parallel_loop3A_829#1 {strides = array<i32>} : memref<32x16xf32, #tpu.memory_space<vmem>>, vector<16xf32>,
      %swap3A_838 = arith.constant 18 : i32
      %swap3A_839 = arith.index_cast %swap3A_838 : i32 to index
      %swap3A_840 = arith.constant 0 : index
      %swap3A_841 = tpu.vector_load %arg12[%swap3A_839, %swap3A_840] {strides = array<i32>} : memref<32x16xf32, #tpu.memory_space<vmem>>, vector<16xf32>,
      tpu.vector_store %arg12[%swap3A_839, %swap3A_840], %parallel_loop3A_829#2 {strides = array<i32>} : memref<32x16xf32, #tpu.memory_space<vmem>>, vector<16xf32>,
      %swap3A_842 = arith.constant 19 : i32
      %swap3A_843 = arith.index_cast %swap3A_842 : i32 to index
      %swap3A_844 = arith.constant 0 : index
      %swap3A_845 = tpu.vector_load %arg12[%swap3A_843, %swap3A_844] {strides = array<i32>} : memref<32x16xf32, #tpu.memory_space<vmem>>, vector<16xf32>,
      tpu.vector_store %arg12[%swap3A_843, %swap3A_844], %parallel_loop3A_829#3 {strides = array<i32>} : memref<32x16xf32, #tpu.memory_space<vmem>>, vector<16xf32>,
      %swap3A_846 = arith.constant 20 : i32
      %swap3A_847 = arith.index_cast %swap3A_846 : i32 to index
      %swap3A_848 = arith.constant 0 : index
      %swap3A_849 = tpu.vector_load %arg12[%swap3A_847, %swap3A_848] {strides = array<i32>} : memref<32x16xf32, #tpu.memory_space<vmem>>, vector<16xf32>,
      tpu.vector_store %arg12[%swap3A_847, %swap3A_848], %parallel_loop3A_829#4 {strides = array<i32>} : memref<32x16xf32, #tpu.memory_space<vmem>>, vector<16xf32>,
      %swap3A_850 = arith.constant 21 : i32
      %swap3A_851 = arith.index_cast %swap3A_850 : i32 to index
      %swap3A_852 = arith.constant 0 : index
      %swap3A_853 = tpu.vector_load %arg12[%swap3A_851, %swap3A_852] {strides = array<i32>} : memref<32x16xf32, #tpu.memory_space<vmem>>, vector<16xf32>,
      tpu.vector_store %arg12[%swap3A_851, %swap3A_852], %parallel_loop3A_829#5 {strides = array<i32>} : memref<32x16xf32, #tpu.memory_space<vmem>>, vector<16xf32>,
      %swap3A_854 = arith.constant 22 : i32
      %swap3A_855 = arith.index_cast %swap3A_854 : i32 to index
      %swap3A_856 = arith.constant 0 : index
      %swap3A_857 = tpu.vector_load %arg12[%swap3A_855, %swap3A_856] {strides = array<i32>} : memref<32x16xf32, #tpu.memory_space<vmem>>, vector<16xf32>,
      tpu.vector_store %arg12[%swap3A_855, %swap3A_856], %parallel_loop3A_829#6 {strides = array<i32>} : memref<32x16xf32, #tpu.memory_space<vmem>>, vector<16xf32>,
      %swap3A_858 = arith.constant 23 : i32
      %swap3A_859 = arith.index_cast %swap3A_858 : i32 to index
      %swap3A_860 = arith.constant 0 : index
      %swap3A_861 = tpu.vector_load %arg12[%swap3A_859, %swap3A_860] {strides = array<i32>} : memref<32x16xf32, #tpu.memory_space<vmem>>, vector<16xf32>,
      tpu.vector_store %arg12[%swap3A_859, %swap3A_860], %parallel_loop3A_829#7 {strides = array<i32>} : memref<32x16xf32, #tpu.memory_space<vmem>>, vector<16xf32>,
      %swap3A_862 = arith.constant 24 : i32
      %swap3A_863 = arith.index_cast %swap3A_862 : i32 to index
      %swap3A_864 = arith.constant 0 : index
      %swap3A_865 = tpu.vector_load %arg12[%swap3A_863, %swap3A_864] {strides = array<i32>} : memref<32x16xf32, #tpu.memory_space<vmem>>, vector<16xf32>,
      tpu.vector_store %arg12[%swap3A_863, %swap3A_864], %parallel_loop3A_829#8 {strides = array<i32>} : memref<32x16xf32, #tpu.memory_space<vmem>>, vector<16xf32>,
      %swap3A_866 = arith.constant 25 : i32
      %swap3A_867 = arith.index_cast %swap3A_866 : i32 to index
      %swap3A_868 = arith.constant 0 : index
      %swap3A_869 = tpu.vector_load %arg12[%swap3A_867, %swap3A_868] {strides = array<i32>} : memref<32x16xf32, #tpu.memory_space<vmem>>, vector<16xf32>,
      tpu.vector_store %arg12[%swap3A_867, %swap3A_868], %parallel_loop3A_829#9 {strides = array<i32>} : memref<32x16xf32, #tpu.memory_space<vmem>>, vector<16xf32>,
      %swap3A_870 = arith.constant 26 : i32
      %swap3A_871 = arith.index_cast %swap3A_870 : i32 to index
      %swap3A_872 = arith.constant 0 : index
      %swap3A_873 = tpu.vector_load %arg12[%swap3A_871, %swap3A_872] {strides = array<i32>} : memref<32x16xf32, #tpu.memory_space<vmem>>, vector<16xf32>,
      tpu.vector_store %arg12[%swap3A_871, %swap3A_872], %parallel_loop3A_829#10 {strides = array<i32>} : memref<32x16xf32, #tpu.memory_space<vmem>>, vector<16xf32>,
      %swap3A_874 = arith.constant 27 : i32
      %swap3A_875 = arith.index_cast %swap3A_874 : i32 to index
      %swap3A_876 = arith.constant 0 : index
      %swap3A_877 = tpu.vector_load %arg12[%swap3A_875, %swap3A_876] {strides = array<i32>} : memref<32x16xf32, #tpu.memory_space<vmem>>, vector<16xf32>,
      tpu.vector_store %arg12[%swap3A_875, %swap3A_876], %parallel_loop3A_829#11 {strides = array<i32>} : memref<32x16xf32, #tpu.memory_space<vmem>>, vector<16xf32>,
      %swap3A_878 = arith.constant 28 : i32
      %swap3A_879 = arith.index_cast %swap3A_878 : i32 to index
      %swap3A_880 = arith.constant 0 : index
      %swap3A_881 = tpu.vector_load %arg12[%swap3A_879, %swap3A_880] {strides = array<i32>} : memref<32x16xf32, #tpu.memory_space<vmem>>, vector<16xf32>,
      tpu.vector_store %arg12[%swap3A_879, %swap3A_880], %parallel_loop3A_829#12 {strides = array<i32>} : memref<32x16xf32, #tpu.memory_space<vmem>>, vector<16xf32>,
      %swap3A_882 = arith.constant 29 : i32
      %swap3A_883 = arith.index_cast %swap3A_882 : i32 to index
      %swap3A_884 = arith.constant 0 : index
      %swap3A_885 = tpu.vector_load %arg12[%swap3A_883, %swap3A_884] {strides = array<i32>} : memref<32x16xf32, #tpu.memory_space<vmem>>, vector<16xf32>,
      tpu.vector_store %arg12[%swap3A_883, %swap3A_884], %parallel_loop3A_829#13 {strides = array<i32>} : memref<32x16xf32, #tpu.memory_space<vmem>>, vector<16xf32>,
      %swap3A_886 = arith.constant 30 : i32
      %swap3A_887 = arith.index_cast %swap3A_886 : i32 to index
      %swap3A_888 = arith.constant 0 : index
      %swap3A_889 = tpu.vector_load %arg12[%swap3A_887, %swap3A_888] {strides = array<i32>} : memref<32x16xf32, #tpu.memory_space<vmem>>, vector<16xf32>,
      tpu.vector_store %arg12[%swap3A_887, %swap3A_888], %parallel_loop3A_829#14 {strides = array<i32>} : memref<32x16xf32, #tpu.memory_space<vmem>>, vector<16xf32>,
      %swap3A_890 = arith.constant 31 : i32
      %swap3A_891 = arith.index_cast %swap3A_890 : i32 to index
      %swap3A_892 = arith.constant 0 : index
      %swap3A_893 = tpu.vector_load %arg12[%swap3A_891, %swap3A_892] {strides = array<i32>} : memref<32x16xf32, #tpu.memory_space<vmem>>, vector<16xf32>,
      tpu.vector_store %arg12[%swap3A_891, %swap3A_892], %parallel_loop3A_829#15 {strides = array<i32>} : memref<32x16xf32, #tpu.memory_space<vmem>>, vector<16xf32>,
      "tpu.region"() ({
        %run_scoped3A = tpu.sem_alloc : memref<!tpu.dma_semaphore, #tpu.memory_space<semaphore_mem>>
        %dma_start3A_894 = arith.constant 0 : i32
        %dma_start3A_895 = arith.constant 0 : i32
        %dma_start3A_896 = tpu.memref_slice %arg5[%add3A_693, %dma_start3A_894, %dma_start3A_895] : memref<10880x32x16xf32, #tpu.memory_space<hbm>> -> memref<1x32x16xf32, #tpu.memory_space<hbm>>
        %dma_start3A_897 = tpu.memref_squeeze %dma_start3A_896 : memref<1x32x16xf32, #tpu.memory_space<hbm>> -> memref<32x16xf32, #tpu.memory_space<hbm>>
        %dma_start3A_898 = arith.constant 0 : i32
        %dma_start3A_899 = arith.constant 0 : i32
        %dma_start3A_900 = tpu.memref_slice %arg5[%add3A_693, %dma_start3A_898, %dma_start3A_899] : memref<10880x32x16xf32, #tpu.memory_space<hbm>> -> memref<1x32x16xf32, #tpu.memory_space<hbm>>
        %dma_start3A_901 = tpu.memref_squeeze %dma_start3A_900 : memref<1x32x16xf32, #tpu.memory_space<hbm>> -> memref<32x16xf32, #tpu.memory_space<hbm>>
        tpu.enqueue_dma source(%arg12 : memref<32x16xf32, #tpu.memory_space<vmem>>) target(%dma_start3A_901 : memref<32x16xf32, #tpu.memory_space<hbm>>) target_semaphore(%run_scoped3A : memref<!tpu.dma_semaphore, #tpu.memory_space<semaphore_mem>>)
        %dma_wait3A_902 = arith.constant 0 : i32
        %dma_wait3A_903 = arith.constant 0 : i32
        %dma_wait3A_904 = tpu.memref_slice %arg5[%add3A_693, %dma_wait3A_902, %dma_wait3A_903] : memref<10880x32x16xf32, #tpu.memory_space<hbm>> -> memref<1x32x16xf32, #tpu.memory_space<hbm>>
        %dma_wait3A_905 = tpu.memref_squeeze %dma_wait3A_904 : memref<1x32x16xf32, #tpu.memory_space<hbm>> -> memref<32x16xf32, #tpu.memory_space<hbm>>
        %dma_wait3A_906 = arith.constant 0 : i32
        %dma_wait3A_907 = arith.constant 0 : i32
        %dma_wait3A_908 = tpu.memref_slice %arg5[%add3A_693, %dma_wait3A_906, %dma_wait3A_907] : memref<10880x32x16xf32, #tpu.memory_space<hbm>> -> memref<1x32x16xf32, #tpu.memory_space<hbm>>
        %dma_wait3A_909 = tpu.memref_squeeze %dma_wait3A_908 : memref<1x32x16xf32, #tpu.memory_space<hbm>> -> memref<32x16xf32, #tpu.memory_space<hbm>>
        tpu.wait_dma2 semaphore(%run_scoped3A : memref<!tpu.dma_semaphore, #tpu.memory_space<semaphore_mem>>) src(%arg12 : memref<32x16xf32, #tpu.memory_space<vmem>>) dst(%dma_wait3A_909 : memref<32x16xf32, #tpu.memory_space<hbm>>)
        tpu.yield
      }) : () -> ()
    }
    %scan3A_86 = arith.constant 170 : i32
    %dma_wait3A = arith.constant 0 : i32
    %dma_wait3A_87 = arith.constant 0 : i32
    %dma_wait3A_88 = arith.constant 0 : i32
    %dma_wait3A_89 = tpu.memref_slice %arg7[%dma_wait3A_87, %dma_wait3A_88] : memref<1024x32xf32, #tpu.memory_space<vmem>> -> memref<128x32xf32, #tpu.memory_space<vmem>>
    %dma_wait3A_90 = arith.constant 0 : i32
    %dma_wait3A_91 = tpu.memref_slice %arg6[%dma_wait3A, %dma_wait3A_90] : memref<8x128xi32, #tpu.memory_space<vmem>> -> memref<1x128xi32, #tpu.memory_space<vmem>>
    %dma_wait3A_92 = tpu.memref_squeeze %dma_wait3A_91 : memref<1x128xi32, #tpu.memory_space<vmem>> -> memref<128xi32, #tpu.memory_space<vmem>>
    %dma_wait3A_93 = arith.constant 0 : i32
    %dma_wait3A_94 = arith.constant 0 : i32
    %dma_wait3A_95 = tpu.memref_slice %arg2[%dma_wait3A_93, %dma_wait3A_94] : memref<174080x32xf32, #tpu.memory_space<hbm>> -> memref<174080x32xf32, #tpu.memory_space<hbm>>
    tpu.wait_indirect_dma semaphore(%arg13 : memref<!tpu.dma_semaphore, #tpu.memory_space<semaphore_mem>>) src(%dma_wait3A_95 : memref<174080x32xf32, #tpu.memory_space<hbm>>) dst(%dma_wait3A_89 : memref<128x32xf32, #tpu.memory_space<vmem>>)
    %dma_wait3A_96 = arith.constant 1 : i32
    %dma_wait3A_97 = arith.constant 128 : i32
    %dma_wait3A_98 = arith.constant 0 : i32
    %dma_wait3A_99 = tpu.memref_slice %arg7[%dma_wait3A_97, %dma_wait3A_98] : memref<1024x32xf32, #tpu.memory_space<vmem>> -> memref<128x32xf32, #tpu.memory_space<vmem>>
    %dma_wait3A_100 = arith.constant 0 : i32
    %dma_wait3A_101 = tpu.memref_slice %arg6[%dma_wait3A_96, %dma_wait3A_100] : memref<8x128xi32, #tpu.memory_space<vmem>> -> memref<1x128xi32, #tpu.memory_space<vmem>>
    %dma_wait3A_102 = tpu.memref_squeeze %dma_wait3A_101 : memref<1x128xi32, #tpu.memory_space<vmem>> -> memref<128xi32, #tpu.memory_space<vmem>>
    %dma_wait3A_103 = arith.constant 0 : i32
    %dma_wait3A_104 = arith.constant 0 : i32
    %dma_wait3A_105 = tpu.memref_slice %arg2[%dma_wait3A_103, %dma_wait3A_104] : memref<174080x32xf32, #tpu.memory_space<hbm>> -> memref<174080x32xf32, #tpu.memory_space<hbm>>
    tpu.wait_indirect_dma semaphore(%arg13 : memref<!tpu.dma_semaphore, #tpu.memory_space<semaphore_mem>>) src(%dma_wait3A_105 : memref<174080x32xf32, #tpu.memory_space<hbm>>) dst(%dma_wait3A_99 : memref<128x32xf32, #tpu.memory_space<vmem>>)
    %dma_wait3A_106 = arith.constant 2 : i32
    %dma_wait3A_107 = arith.constant 256 : i32
    %dma_wait3A_108 = arith.constant 0 : i32
    %dma_wait3A_109 = tpu.memref_slice %arg7[%dma_wait3A_107, %dma_wait3A_108] : memref<1024x32xf32, #tpu.memory_space<vmem>> -> memref<128x32xf32, #tpu.memory_space<vmem>>
    %dma_wait3A_110 = arith.constant 0 : i32
    %dma_wait3A_111 = tpu.memref_slice %arg6[%dma_wait3A_106, %dma_wait3A_110] : memref<8x128xi32, #tpu.memory_space<vmem>> -> memref<1x128xi32, #tpu.memory_space<vmem>>
    %dma_wait3A_112 = tpu.memref_squeeze %dma_wait3A_111 : memref<1x128xi32, #tpu.memory_space<vmem>> -> memref<128xi32, #tpu.memory_space<vmem>>
    %dma_wait3A_113 = arith.constant 0 : i32
    %dma_wait3A_114 = arith.constant 0 : i32
    %dma_wait3A_115 = tpu.memref_slice %arg2[%dma_wait3A_113, %dma_wait3A_114] : memref<174080x32xf32, #tpu.memory_space<hbm>> -> memref<174080x32xf32, #tpu.memory_space<hbm>>
    tpu.wait_indirect_dma semaphore(%arg13 : memref<!tpu.dma_semaphore, #tpu.memory_space<semaphore_mem>>) src(%dma_wait3A_115 : memref<174080x32xf32, #tpu.memory_space<hbm>>) dst(%dma_wait3A_109 : memref<128x32xf32, #tpu.memory_space<vmem>>)
    %dma_wait3A_116 = arith.constant 3 : i32
    %dma_wait3A_117 = arith.constant 384 : i32
    %dma_wait3A_118 = arith.constant 0 : i32
    %dma_wait3A_119 = tpu.memref_slice %arg7[%dma_wait3A_117, %dma_wait3A_118] : memref<1024x32xf32, #tpu.memory_space<vmem>> -> memref<128x32xf32, #tpu.memory_space<vmem>>
    %dma_wait3A_120 = arith.constant 0 : i32
    %dma_wait3A_121 = tpu.memref_slice %arg6[%dma_wait3A_116, %dma_wait3A_120] : memref<8x128xi32, #tpu.memory_space<vmem>> -> memref<1x128xi32, #tpu.memory_space<vmem>>
    %dma_wait3A_122 = tpu.memref_squeeze %dma_wait3A_121 : memref<1x128xi32, #tpu.memory_space<vmem>> -> memref<128xi32, #tpu.memory_space<vmem>>
    %dma_wait3A_123 = arith.constant 0 : i32
    %dma_wait3A_124 = arith.constant 0 : i32
    %dma_wait3A_125 = tpu.memref_slice %arg2[%dma_wait3A_123, %dma_wait3A_124] : memref<174080x32xf32, #tpu.memory_space<hbm>> -> memref<174080x32xf32, #tpu.memory_space<hbm>>
    tpu.wait_indirect_dma semaphore(%arg13 : memref<!tpu.dma_semaphore, #tpu.memory_space<semaphore_mem>>) src(%dma_wait3A_125 : memref<174080x32xf32, #tpu.memory_space<hbm>>) dst(%dma_wait3A_119 : memref<128x32xf32, #tpu.memory_space<vmem>>)
    %dma_wait3A_126 = arith.constant 4 : i32
    %dma_wait3A_127 = arith.constant 512 : i32
    %dma_wait3A_128 = arith.constant 0 : i32
    %dma_wait3A_129 = tpu.memref_slice %arg7[%dma_wait3A_127, %dma_wait3A_128] : memref<1024x32xf32, #tpu.memory_space<vmem>> -> memref<128x32xf32, #tpu.memory_space<vmem>>
    %dma_wait3A_130 = arith.constant 0 : i32
    %dma_wait3A_131 = tpu.memref_slice %arg6[%dma_wait3A_126, %dma_wait3A_130] : memref<8x128xi32, #tpu.memory_space<vmem>> -> memref<1x128xi32, #tpu.memory_space<vmem>>
    %dma_wait3A_132 = tpu.memref_squeeze %dma_wait3A_131 : memref<1x128xi32, #tpu.memory_space<vmem>> -> memref<128xi32, #tpu.memory_space<vmem>>
    %dma_wait3A_133 = arith.constant 0 : i32
    %dma_wait3A_134 = arith.constant 0 : i32
    %dma_wait3A_135 = tpu.memref_slice %arg2[%dma_wait3A_133, %dma_wait3A_134] : memref<174080x32xf32, #tpu.memory_space<hbm>> -> memref<174080x32xf32, #tpu.memory_space<hbm>>
    tpu.wait_indirect_dma semaphore(%arg13 : memref<!tpu.dma_semaphore, #tpu.memory_space<semaphore_mem>>) src(%dma_wait3A_135 : memref<174080x32xf32, #tpu.memory_space<hbm>>) dst(%dma_wait3A_129 : memref<128x32xf32, #tpu.memory_space<vmem>>)
    %dma_wait3A_136 = arith.constant 5 : i32
    %dma_wait3A_137 = arith.constant 640 : i32
    %dma_wait3A_138 = arith.constant 0 : i32
    %dma_wait3A_139 = tpu.memref_slice %arg7[%dma_wait3A_137, %dma_wait3A_138] : memref<1024x32xf32, #tpu.memory_space<vmem>> -> memref<128x32xf32, #tpu.memory_space<vmem>>
    %dma_wait3A_140 = arith.constant 0 : i32
    %dma_wait3A_141 = tpu.memref_slice %arg6[%dma_wait3A_136, %dma_wait3A_140] : memref<8x128xi32, #tpu.memory_space<vmem>> -> memref<1x128xi32, #tpu.memory_space<vmem>>
    %dma_wait3A_142 = tpu.memref_squeeze %dma_wait3A_141 : memref<1x128xi32, #tpu.memory_space<vmem>> -> memref<128xi32, #tpu.memory_space<vmem>>
    %dma_wait3A_143 = arith.constant 0 : i32
    %dma_wait3A_144 = arith.constant 0 : i32
    %dma_wait3A_145 = tpu.memref_slice %arg2[%dma_wait3A_143, %dma_wait3A_144] : memref<174080x32xf32, #tpu.memory_space<hbm>> -> memref<174080x32xf32, #tpu.memory_space<hbm>>
    tpu.wait_indirect_dma semaphore(%arg13 : memref<!tpu.dma_semaphore, #tpu.memory_space<semaphore_mem>>) src(%dma_wait3A_145 : memref<174080x32xf32, #tpu.memory_space<hbm>>) dst(%dma_wait3A_139 : memref<128x32xf32, #tpu.memory_space<vmem>>)
    %dma_wait3A_146 = arith.constant 6 : i32
    %dma_wait3A_147 = arith.constant 768 : i32
    %dma_wait3A_148 = arith.constant 0 : i32
    %dma_wait3A_149 = tpu.memref_slice %arg7[%dma_wait3A_147, %dma_wait3A_148] : memref<1024x32xf32, #tpu.memory_space<vmem>> -> memref<128x32xf32, #tpu.memory_space<vmem>>
    %dma_wait3A_150 = arith.constant 0 : i32
    %dma_wait3A_151 = tpu.memref_slice %arg6[%dma_wait3A_146, %dma_wait3A_150] : memref<8x128xi32, #tpu.memory_space<vmem>> -> memref<1x128xi32, #tpu.memory_space<vmem>>
    %dma_wait3A_152 = tpu.memref_squeeze %dma_wait3A_151 : memref<1x128xi32, #tpu.memory_space<vmem>> -> memref<128xi32, #tpu.memory_space<vmem>>
    %dma_wait3A_153 = arith.constant 0 : i32
    %dma_wait3A_154 = arith.constant 0 : i32
    %dma_wait3A_155 = tpu.memref_slice %arg2[%dma_wait3A_153, %dma_wait3A_154] : memref<174080x32xf32, #tpu.memory_space<hbm>> -> memref<174080x32xf32, #tpu.memory_space<hbm>>
    tpu.wait_indirect_dma semaphore(%arg13 : memref<!tpu.dma_semaphore, #tpu.memory_space<semaphore_mem>>) src(%dma_wait3A_155 : memref<174080x32xf32, #tpu.memory_space<hbm>>) dst(%dma_wait3A_149 : memref<128x32xf32, #tpu.memory_space<vmem>>)
    %dma_wait3A_156 = arith.constant 7 : i32
    %dma_wait3A_157 = arith.constant 896 : i32
    %dma_wait3A_158 = arith.constant 0 : i32
    %dma_wait3A_159 = tpu.memref_slice %arg7[%dma_wait3A_157, %dma_wait3A_158] : memref<1024x32xf32, #tpu.memory_space<vmem>> -> memref<128x32xf32, #tpu.memory_space<vmem>>
    %dma_wait3A_160 = arith.constant 0 : i32
    %dma_wait3A_161 = tpu.memref_slice %arg6[%dma_wait3A_156, %dma_wait3A_160] : memref<8x128xi32, #tpu.memory_space<vmem>> -> memref<1x128xi32, #tpu.memory_space<vmem>>
    %dma_wait3A_162 = tpu.memref_squeeze %dma_wait3A_161 : memref<1x128xi32, #tpu.memory_space<vmem>> -> memref<128xi32, #tpu.memory_space<vmem>>
    %dma_wait3A_163 = arith.constant 0 : i32
    %dma_wait3A_164 = arith.constant 0 : i32
    %dma_wait3A_165 = tpu.memref_slice %arg2[%dma_wait3A_163, %dma_wait3A_164] : memref<174080x32xf32, #tpu.memory_space<hbm>> -> memref<174080x32xf32, #tpu.memory_space<hbm>>
    tpu.wait_indirect_dma semaphore(%arg13 : memref<!tpu.dma_semaphore, #tpu.memory_space<semaphore_mem>>) src(%dma_wait3A_165 : memref<174080x32xf32, #tpu.memory_space<hbm>>) dst(%dma_wait3A_159 : memref<128x32xf32, #tpu.memory_space<vmem>>)
    return
  }
}

module attributes {stable_mosaic.version = 14 : i64} {
  func.func @_proj_body(%arg0: i32, %arg1: i32, %arg2: memref<1x160x256xf32, #tpu.memory_space<vmem>>, %arg3: memref<1x160x256xf32, #tpu.memory_space<vmem>>, %arg4: memref<1x160x8xf32, #tpu.memory_space<vmem>>, %arg5: memref<256x256xf32, #tpu.memory_space<vmem>>, %arg6: memref<1x256xf32, #tpu.memory_space<vmem>>, %arg7: memref<256x256xf32, #tpu.memory_space<vmem>>, %arg8: memref<1x256xf32, #tpu.memory_space<vmem>>, %arg9: memref<256x256xf32, #tpu.memory_space<vmem>>, %arg10: memref<1x256xf32, #tpu.memory_space<vmem>>, %arg11: memref<256x128xf32, #tpu.memory_space<vmem>>, %arg12: memref<1x128xf32, #tpu.memory_space<vmem>>, %arg13: memref<8x256xf32, #tpu.memory_space<vmem>>, %arg14: memref<1x256xf32, #tpu.memory_space<vmem>>, %arg15: memref<256x128xf32, #tpu.memory_space<vmem>>, %arg16: memref<256x128xf32, #tpu.memory_space<vmem>>, %arg17: memref<128x128xf32, #tpu.memory_space<vmem>>, %arg18: memref<1x128xf32, #tpu.memory_space<vmem>>, %arg19: memref<1x128xf32, #tpu.memory_space<vmem>>, %arg20: memref<1x128xi32, #tpu.memory_space<vmem>>, %arg21: memref<1x128xi32, #tpu.memory_space<vmem>>, %arg22: memref<1x128xi32, #tpu.memory_space<vmem>>, %arg23: memref<1x160x512xi32, #tpu.memory_space<vmem>>, %arg24: memref<1x160x512xf32, #tpu.memory_space<vmem>>, %arg25: memref<1x160x256xf32, #tpu.memory_space<vmem>>) attributes {dimension_semantics = [#tpu.dimension_semantics<arbitrary>, #tpu.dimension_semantics<arbitrary>], iteration_bounds = array<i64: 4, 34>, scalar_prefetch = 0 : i64, scratch_operands = 0 : i64, tpu.core_type = #tpu.core_type<tc>, window_params = [{transform_indices = @transform_0, window_bounds = array<i64: 1, 160, 256>}, {transform_indices = @transform_1, window_bounds = array<i64: 1, 160, 256>}, {transform_indices = @transform_2, window_bounds = array<i64: 1, 160, 8>}, {pipeline_mode = #tpu.pipeline_mode<synchronous>, transform_indices = @transform_3, window_bounds = array<i64: 256, 256>}, {pipeline_mode = #tpu.pipeline_mode<synchronous>, transform_indices = @transform_4, window_bounds = array<i64: 1, 256>}, {pipeline_mode = #tpu.pipeline_mode<synchronous>, transform_indices = @transform_5, window_bounds = array<i64: 256, 256>}, {pipeline_mode = #tpu.pipeline_mode<synchronous>, transform_indices = @transform_6, window_bounds = array<i64: 1, 256>}, {pipeline_mode = #tpu.pipeline_mode<synchronous>, transform_indices = @transform_7, window_bounds = array<i64: 256, 256>}, {pipeline_mode = #tpu.pipeline_mode<synchronous>, transform_indices = @transform_8, window_bounds = array<i64: 1, 256>}, {pipeline_mode = #tpu.pipeline_mode<synchronous>, transform_indices = @transform_9, window_bounds = array<i64: 256, 128>}, {pipeline_mode = #tpu.pipeline_mode<synchronous>, transform_indices = @transform_10, window_bounds = array<i64: 1, 128>}, {pipeline_mode = #tpu.pipeline_mode<synchronous>, transform_indices = @transform_11, window_bounds = array<i64: 8, 256>}, {pipeline_mode = #tpu.pipeline_mode<synchronous>, transform_indices = @transform_12, window_bounds = array<i64: 1, 256>}, {pipeline_mode = #tpu.pipeline_mode<synchronous>, transform_indices = @transform_13, window_bounds = array<i64: 256, 128>}, {pipeline_mode = #tpu.pipeline_mode<synchronous>, transform_indices = @transform_14, window_bounds = array<i64: 256, 128>}, {pipeline_mode = #tpu.pipeline_mode<synchronous>, transform_indices = @transform_15, window_bounds = array<i64: 128, 128>}, {pipeline_mode = #tpu.pipeline_mode<synchronous>, transform_indices = @transform_16, window_bounds = array<i64: 1, 128>}, {pipeline_mode = #tpu.pipeline_mode<synchronous>, transform_indices = @transform_17, window_bounds = array<i64: 1, 128>}, {pipeline_mode = #tpu.pipeline_mode<synchronous>, transform_indices = @transform_18, window_bounds = array<i64: 1, 128>}, {pipeline_mode = #tpu.pipeline_mode<synchronous>, transform_indices = @transform_19, window_bounds = array<i64: 1, 128>}, {pipeline_mode = #tpu.pipeline_mode<synchronous>, transform_indices = @transform_20, window_bounds = array<i64: 1, 128>}, {transform_indices = @transform_21, window_bounds = array<i64: 1, 160, 512>}, {transform_indices = @transform_22, window_bounds = array<i64: 1, 160, 512>}, {transform_indices = @transform_23, window_bounds = array<i64: 1, 160, 256>}]} {
    %get3A = arith.constant 0 : index
    %get3A_0 = arith.constant 0 : index
    %get3A_1 = arith.constant 0 : index
    %get3A_2 = vector.load %arg2[%get3A, %get3A_0, %get3A_1] : memref<1x160x256xf32, #tpu.memory_space<vmem>>, vector<1x160x256xf32>
    %get3A_3 = vector.shape_cast %get3A_2 : vector<1x160x256xf32> to vector<160x256xf32>
    %get3A_4 = arith.constant 0 : index
    %get3A_5 = arith.constant 0 : index
    %get3A_6 = arith.constant 0 : index
    %get3A_7 = vector.load %arg3[%get3A_4, %get3A_5, %get3A_6] : memref<1x160x256xf32, #tpu.memory_space<vmem>>, vector<1x160x256xf32>
    %get3A_8 = vector.shape_cast %get3A_7 : vector<1x160x256xf32> to vector<160x256xf32>
    %get3A_9 = arith.constant 0 : index
    %get3A_10 = arith.constant 0 : index
    %get3A_11 = vector.load %arg7[%get3A_9, %get3A_10] : memref<256x256xf32, #tpu.memory_space<vmem>>, vector<256x256xf32>
    %dot_general3A = arith.constant dense<0.000000e+00> : vector<160x256xf32>
    %dot_general3A_12 = tpu.matmul %get3A_8, %get3A_11, %dot_general3A {dimension_numbers = #tpu.dot_dimension_numbers<[1], [0], [0], [1], [0, 0, 1, 1], [], []>, precision = #tpu.contract_precision<fp32>, transpose_lhs_hint = false} : vector<160x256xf32>, vector<256x256xf32>, vector<160x256xf32> -> vector<160x256xf32>
    %get3A_13 = arith.constant 0 : index
    %get3A_14 = arith.constant 0 : index
    %get3A_15 = vector.load %arg8[%get3A_13, %get3A_14] : memref<1x256xf32, #tpu.memory_space<vmem>>, vector<1x256xf32>
    %add3A = vector.broadcast %get3A_15 : vector<1x256xf32> to vector<160x256xf32>
    %add3A_16 = arith.addf %dot_general3A_12, %add3A : vector<160x256xf32>
    %swap3A = arith.constant 0 : index
    %swap3A_17 = arith.constant 0 : index
    %swap3A_18 = arith.constant 0 : index
    %swap3A_19 = vector.load %arg25[%swap3A, %swap3A_17, %swap3A_18] : memref<1x160x256xf32, #tpu.memory_space<vmem>>, vector<1x160x256xf32>
    %swap3A_20 = vector.shape_cast %swap3A_19 : vector<1x160x256xf32> to vector<160x256xf32>
    %swap3A_21 = vector.shape_cast %add3A_16 : vector<160x256xf32> to vector<1x160x256xf32>
    tpu.vector_store %arg25[%swap3A, %swap3A_17, %swap3A_18], %swap3A_21 {strides = array<i32>} : memref<1x160x256xf32, #tpu.memory_space<vmem>>, vector<1x160x256xf32>,
    %get3A_22 = arith.constant 0 : index
    %get3A_23 = arith.constant 0 : index
    %get3A_24 = vector.load %arg5[%get3A_22, %get3A_23] : memref<256x256xf32, #tpu.memory_space<vmem>>, vector<256x256xf32>
    %dot_general3A_25 = arith.constant dense<0.000000e+00> : vector<160x256xf32>
    %dot_general3A_26 = tpu.matmul %get3A_3, %get3A_24, %dot_general3A_25 {dimension_numbers = #tpu.dot_dimension_numbers<[1], [0], [0], [1], [0, 0, 1, 1], [], []>, precision = #tpu.contract_precision<fp32>, transpose_lhs_hint = false} : vector<160x256xf32>, vector<256x256xf32>, vector<160x256xf32> -> vector<160x256xf32>
    %get3A_27 = arith.constant 0 : index
    %get3A_28 = arith.constant 0 : index
    %get3A_29 = vector.load %arg6[%get3A_27, %get3A_28] : memref<1x256xf32, #tpu.memory_space<vmem>>, vector<1x256xf32>
    %add3A_30 = vector.broadcast %get3A_29 : vector<1x256xf32> to vector<160x256xf32>
    %add3A_31 = arith.addf %dot_general3A_26, %add3A_30 : vector<160x256xf32>
    %get3A_32 = arith.constant 0 : index
    %get3A_33 = arith.constant 0 : index
    %get3A_34 = vector.load %arg9[%get3A_32, %get3A_33] : memref<256x256xf32, #tpu.memory_space<vmem>>, vector<256x256xf32>
    %dot_general3A_35 = arith.constant dense<0.000000e+00> : vector<160x256xf32>
    %dot_general3A_36 = tpu.matmul %add3A_31, %get3A_34, %dot_general3A_35 {dimension_numbers = #tpu.dot_dimension_numbers<[1], [0], [0], [1], [0, 0, 1, 1], [], []>, precision = #tpu.contract_precision<fp32>, transpose_lhs_hint = false} : vector<160x256xf32>, vector<256x256xf32>, vector<160x256xf32> -> vector<160x256xf32>
    %get3A_37 = arith.constant 0 : index
    %get3A_38 = arith.constant 0 : index
    %get3A_39 = vector.load %arg10[%get3A_37, %get3A_38] : memref<1x256xf32, #tpu.memory_space<vmem>>, vector<1x256xf32>
    %add3A_40 = vector.broadcast %get3A_39 : vector<1x256xf32> to vector<160x256xf32>
    %add3A_41 = arith.addf %dot_general3A_36, %add3A_40 : vector<160x256xf32>
    %get3A_42 = arith.constant 0 : index
    %get3A_43 = arith.constant 0 : index
    %get3A_44 = vector.load %arg11[%get3A_42, %get3A_43] : memref<256x128xf32, #tpu.memory_space<vmem>>, vector<256x128xf32>
    %dot_general3A_45 = arith.constant dense<0.000000e+00> : vector<160x128xf32>
    %dot_general3A_46 = tpu.matmul %add3A_31, %get3A_44, %dot_general3A_45 {dimension_numbers = #tpu.dot_dimension_numbers<[1], [0], [0], [1], [0, 0, 1, 1], [], []>, precision = #tpu.contract_precision<fp32>, transpose_lhs_hint = false} : vector<160x256xf32>, vector<256x128xf32>, vector<160x128xf32> -> vector<160x128xf32>
    %get3A_47 = arith.constant 0 : index
    %get3A_48 = arith.constant 0 : index
    %get3A_49 = vector.load %arg12[%get3A_47, %get3A_48] : memref<1x128xf32, #tpu.memory_space<vmem>>, vector<1x128xf32>
    %add3A_50 = vector.broadcast %get3A_49 : vector<1x128xf32> to vector<160x128xf32>
    %add3A_51 = arith.addf %dot_general3A_46, %add3A_50 : vector<160x128xf32>
    %exp3A = math.exp %add3A_51 : vector<160x128xf32>
    %get3A_52 = arith.constant 0 : index
    %get3A_53 = arith.constant 0 : index
    %get3A_54 = vector.load %arg17[%get3A_52, %get3A_53] : memref<128x128xf32, #tpu.memory_space<vmem>>, vector<128x128xf32>
    %dot_general3A_55 = arith.constant dense<0.000000e+00> : vector<160x128xf32>
    %dot_general3A_56 = tpu.matmul %exp3A, %get3A_54, %dot_general3A_55 {dimension_numbers = #tpu.dot_dimension_numbers<[1], [0], [0], [1], [0, 0, 1, 1], [], []>, precision = #tpu.contract_precision<fp32>, transpose_lhs_hint = false} : vector<160x128xf32>, vector<128x128xf32>, vector<160x128xf32> -> vector<160x128xf32>
    %div3A = arith.divf %exp3A, %dot_general3A_56 : vector<160x128xf32>
    %get3A_57 = arith.constant 0 : index
    %get3A_58 = arith.constant 0 : index
    %get3A_59 = arith.constant 0 : index
    %get3A_60 = vector.load %arg4[%get3A_57, %get3A_58, %get3A_59] : memref<1x160x8xf32, #tpu.memory_space<vmem>>, vector<1x160x8xf32>
    %get3A_61 = vector.shape_cast %get3A_60 : vector<1x160x8xf32> to vector<160x8xf32>
    %get3A_62 = arith.constant 0 : index
    %get3A_63 = arith.constant 0 : index
    %get3A_64 = vector.load %arg13[%get3A_62, %get3A_63] : memref<8x256xf32, #tpu.memory_space<vmem>>, vector<8x256xf32>
    %dot_general3A_65 = arith.constant dense<0.000000e+00> : vector<160x256xf32>
    %dot_general3A_66 = tpu.matmul %get3A_61, %get3A_64, %dot_general3A_65 {dimension_numbers = #tpu.dot_dimension_numbers<[1], [0], [0], [1], [0, 0, 1, 1], [], []>, precision = #tpu.contract_precision<fp32>, transpose_lhs_hint = false} : vector<160x8xf32>, vector<8x256xf32>, vector<160x256xf32> -> vector<160x256xf32>
    %get3A_67 = arith.constant 0 : index
    %get3A_68 = arith.constant 0 : index
    %get3A_69 = vector.load %arg14[%get3A_67, %get3A_68] : memref<1x256xf32, #tpu.memory_space<vmem>>, vector<1x256xf32>
    %mul3A = vector.broadcast %get3A_69 : vector<1x256xf32> to vector<160x256xf32>
    %mul3A_70 = arith.mulf %add3A_41, %mul3A : vector<160x256xf32>
    %add3A_71 = arith.addf %dot_general3A_66, %mul3A_70 : vector<160x256xf32>
    %get3A_72 = arith.constant 0 : index
    %get3A_73 = arith.constant 0 : index
    %get3A_74 = vector.load %arg18[%get3A_72, %get3A_73] : memref<1x128xf32, #tpu.memory_space<vmem>>, vector<1x128xf32>
    %get3A_75 = arith.constant 0 : index
    %get3A_76 = arith.constant 0 : index
    %get3A_77 = vector.load %arg19[%get3A_75, %get3A_76] : memref<1x128xf32, #tpu.memory_space<vmem>>, vector<1x128xf32>
    %get3A_78 = arith.constant 0 : index
    %get3A_79 = arith.constant 0 : index
    %get3A_80 = vector.load %arg15[%get3A_78, %get3A_79] : memref<256x128xf32, #tpu.memory_space<vmem>>, vector<256x128xf32>
    %dot_general3A_81 = arith.constant dense<0.000000e+00> : vector<160x128xf32>
    %dot_general3A_82 = tpu.matmul %add3A_71, %get3A_80, %dot_general3A_81 {dimension_numbers = #tpu.dot_dimension_numbers<[1], [0], [0], [1], [0, 0, 1, 1], [], []>, precision = #tpu.contract_precision<fp32>, transpose_lhs_hint = false} : vector<160x256xf32>, vector<256x128xf32>, vector<160x128xf32> -> vector<160x128xf32>
    %mul3A_83 = vector.broadcast %get3A_74 : vector<1x128xf32> to vector<160x128xf32>
    %mul3A_84 = arith.mulf %dot_general3A_82, %mul3A_83 : vector<160x128xf32>
    %sub3A = arith.constant 5.000000e-01 : f32
    %sub3A_85 = vector.broadcast %sub3A : f32 to vector<160x128xf32>
    %sub3A_86 = arith.subf %mul3A_84, %sub3A_85 : vector<160x128xf32>
    %get3A_87 = arith.constant 0 : index
    %get3A_88 = arith.constant 0 : index
    %get3A_89 = vector.load %arg16[%get3A_87, %get3A_88] : memref<256x128xf32, #tpu.memory_space<vmem>>, vector<256x128xf32>
    %dot_general3A_90 = arith.constant dense<0.000000e+00> : vector<160x128xf32>
    %dot_general3A_91 = tpu.matmul %add3A_71, %get3A_89, %dot_general3A_90 {dimension_numbers = #tpu.dot_dimension_numbers<[1], [0], [0], [1], [0, 0, 1, 1], [], []>, precision = #tpu.contract_precision<fp32>, transpose_lhs_hint = false} : vector<160x256xf32>, vector<256x128xf32>, vector<160x128xf32> -> vector<160x128xf32>
    %mul3A_92 = vector.broadcast %get3A_77 : vector<1x128xf32> to vector<160x128xf32>
    %mul3A_93 = arith.mulf %dot_general3A_91, %mul3A_92 : vector<160x128xf32>
    %sub3A_94 = arith.constant 5.000000e-01 : f32
    %sub3A_95 = vector.broadcast %sub3A_94 : f32 to vector<160x128xf32>
    %sub3A_96 = arith.subf %mul3A_93, %sub3A_95 : vector<160x128xf32>
    %floor3A = math.floor %sub3A_86 : vector<160x128xf32>
    %floor3A_97 = math.floor %sub3A_96 : vector<160x128xf32>
    %sub3A_98 = arith.subf %sub3A_86, %floor3A : vector<160x128xf32>
    %sub3A_99 = arith.constant 1.000000e+00 : f32
    %sub3A_100 = vector.broadcast %sub3A_99 : f32 to vector<160x128xf32>
    %sub3A_101 = arith.subf %sub3A_100, %sub3A_98 : vector<160x128xf32>
    %sub3A_102 = arith.subf %sub3A_96, %floor3A_97 : vector<160x128xf32>
    %sub3A_103 = arith.constant 1.000000e+00 : f32
    %sub3A_104 = vector.broadcast %sub3A_103 : f32 to vector<160x128xf32>
    %sub3A_105 = arith.subf %sub3A_104, %sub3A_102 : vector<160x128xf32>
    %get3A_106 = arith.constant 0 : index
    %get3A_107 = arith.constant 0 : index
    %get3A_108 = vector.load %arg22[%get3A_106, %get3A_107] : memref<1x128xi32, #tpu.memory_space<vmem>>, vector<1x128xi32>
    %mul3A_109 = arith.constant 5440 : i32
    %mul3A_110 = vector.broadcast %mul3A_109 : i32 to vector<1x128xi32>
    %mul3A_111 = arith.muli %get3A_108, %mul3A_110 : vector<1x128xi32>
    %get3A_112 = arith.constant 0 : index
    %get3A_113 = arith.constant 0 : index
    %get3A_114 = vector.load %arg21[%get3A_112, %get3A_113] : memref<1x128xi32, #tpu.memory_space<vmem>>, vector<1x128xi32>
    %add3A_115 = arith.addi %mul3A_111, %get3A_114 : vector<1x128xi32>
    %mul3A_116 = arith.constant 43520 : i32
    %mul3A_117 = arith.muli %arg0, %mul3A_116 : i32
    %add3A_118 = vector.broadcast %mul3A_117 : i32 to vector<1x128xi32>
    %add3A_119 = arith.addi %add3A_115, %add3A_118 : vector<1x128xi32>
    %get3A_120 = arith.constant 0 : index
    %get3A_121 = arith.constant 0 : index
    %get3A_122 = vector.load %arg20[%get3A_120, %get3A_121] : memref<1x128xi32, #tpu.memory_space<vmem>>, vector<1x128xi32>
    %mul3A_123 = arith.mulf %sub3A_101, %sub3A_105 : vector<160x128xf32>
    %add3A_124 = arith.constant 1.000000e+00 : f32
    %add3A_125 = vector.broadcast %add3A_124 : f32 to vector<160x128xf32>
    %add3A_126 = arith.addf %floor3A, %add3A_125 : vector<160x128xf32>
    %mul3A_127 = arith.mulf %sub3A_98, %sub3A_105 : vector<160x128xf32>
    %add3A_128 = arith.constant 1.000000e+00 : f32
    %add3A_129 = vector.broadcast %add3A_128 : f32 to vector<160x128xf32>
    %add3A_130 = arith.addf %floor3A_97, %add3A_129 : vector<160x128xf32>
    %mul3A_131 = arith.mulf %sub3A_101, %sub3A_102 : vector<160x128xf32>
    %add3A_132 = arith.constant 1.000000e+00 : f32
    %add3A_133 = vector.broadcast %add3A_132 : f32 to vector<160x128xf32>
    %add3A_134 = arith.addf %floor3A, %add3A_133 : vector<160x128xf32>
    %add3A_135 = arith.constant 1.000000e+00 : f32
    %add3A_136 = vector.broadcast %add3A_135 : f32 to vector<160x128xf32>
    %add3A_137 = arith.addf %floor3A_97, %add3A_136 : vector<160x128xf32>
    %mul3A_138 = arith.mulf %sub3A_98, %sub3A_102 : vector<160x128xf32>
    %ge3A = arith.constant 0.000000e+00 : f32
    %ge3A_139 = vector.broadcast %ge3A : f32 to vector<160x128xf32>
    %ge3A_140 = arith.cmpf oge, %floor3A, %ge3A_139 : vector<160x128xf32>
    %sub3A_141 = arith.constant 1.000000e+00 : f32
    %sub3A_142 = vector.broadcast %sub3A_141 : f32 to vector<1x128xf32>
    %sub3A_143 = arith.subf %get3A_74, %sub3A_142 : vector<1x128xf32>
    %le3A = vector.broadcast %sub3A_143 : vector<1x128xf32> to vector<160x128xf32>
    %le3A_144 = arith.cmpf ole, %floor3A, %le3A : vector<160x128xf32>
    %and3A = arith.andi %ge3A_140, %le3A_144 : vector<160x128xi1>
    %ge3A_145 = arith.constant 0.000000e+00 : f32
    %ge3A_146 = vector.broadcast %ge3A_145 : f32 to vector<160x128xf32>
    %ge3A_147 = arith.cmpf oge, %floor3A_97, %ge3A_146 : vector<160x128xf32>
    %and3A_148 = arith.andi %and3A, %ge3A_147 : vector<160x128xi1>
    %sub3A_149 = arith.constant 1.000000e+00 : f32
    %sub3A_150 = vector.broadcast %sub3A_149 : f32 to vector<1x128xf32>
    %sub3A_151 = arith.subf %get3A_77, %sub3A_150 : vector<1x128xf32>
    %le3A_152 = vector.broadcast %sub3A_151 : vector<1x128xf32> to vector<160x128xf32>
    %le3A_153 = arith.cmpf ole, %floor3A_97, %le3A_152 : vector<160x128xf32>
    %and3A_154 = arith.andi %and3A_148, %le3A_153 : vector<160x128xi1>
    %sub3A_155 = arith.constant 1.000000e+00 : f32
    %sub3A_156 = vector.broadcast %sub3A_155 : f32 to vector<1x128xf32>
    %sub3A_157 = arith.subf %get3A_74, %sub3A_156 : vector<1x128xf32>
    %jit3A = arith.constant 0.000000e+00 : f32
    %max3A = vector.broadcast %jit3A : f32 to vector<160x128xf32>
    %max3A_158 = arith.maximumf %max3A, %floor3A : vector<160x128xf32>
    %min3A = vector.broadcast %sub3A_157 : vector<1x128xf32> to vector<160x128xf32>
    %min3A_159 = arith.minimumf %min3A, %max3A_158 : vector<160x128xf32>
    %convert_element_type3A = arith.fptosi %min3A_159 : vector<160x128xf32> to vector<160x128xi32>
    %sub3A_160 = arith.constant 1.000000e+00 : f32
    %sub3A_161 = vector.broadcast %sub3A_160 : f32 to vector<1x128xf32>
    %sub3A_162 = arith.subf %get3A_77, %sub3A_161 : vector<1x128xf32>
    %jit3A_163 = arith.constant 0.000000e+00 : f32
    %max3A_164 = vector.broadcast %jit3A_163 : f32 to vector<160x128xf32>
    %max3A_165 = arith.maximumf %max3A_164, %floor3A_97 : vector<160x128xf32>
    %min3A_166 = vector.broadcast %sub3A_162 : vector<1x128xf32> to vector<160x128xf32>
    %min3A_167 = arith.minimumf %min3A_166, %max3A_165 : vector<160x128xf32>
    %convert_element_type3A_168 = arith.fptosi %min3A_167 : vector<160x128xf32> to vector<160x128xi32>
    %mul3A_169 = vector.broadcast %get3A_122 : vector<1x128xi32> to vector<160x128xi32>
    %mul3A_170 = arith.muli %convert_element_type3A_168, %mul3A_169 : vector<160x128xi32>
    %add3A_171 = vector.broadcast %add3A_119 : vector<1x128xi32> to vector<160x128xi32>
    %add3A_172 = arith.addi %add3A_171, %mul3A_170 : vector<160x128xi32>
    %add3A_173 = arith.addi %add3A_172, %convert_element_type3A : vector<160x128xi32>
    %swap3A_174 = arith.constant 0 : index
    %swap3A_175 = arith.constant 0 : index
    %swap3A_176 = arith.constant 0 : index
    %swap3A_177 = vector.load %arg23[%swap3A_174, %swap3A_175, %swap3A_176] : memref<1x160x512xi32, #tpu.memory_space<vmem>>, vector<1x160x128xi32>
    %swap3A_178 = vector.shape_cast %swap3A_177 : vector<1x160x128xi32> to vector<160x128xi32>
    %swap3A_179 = vector.shape_cast %add3A_173 : vector<160x128xi32> to vector<1x160x128xi32>
    tpu.vector_store %arg23[%swap3A_174, %swap3A_175, %swap3A_176], %swap3A_179 {strides = array<i32>} : memref<1x160x512xi32, #tpu.memory_space<vmem>>, vector<1x160x128xi32>,
    %mul3A_180 = arith.mulf %mul3A_123, %div3A : vector<160x128xf32>
    %convert_element_type3A_181 = arith.extui %and3A_154 : vector<160x128xi1> to vector<160x128xi32>
    %convert_element_type3A_182 = arith.sitofp %convert_element_type3A_181 : vector<160x128xi32> to vector<160x128xf32>
    %mul3A_183 = arith.mulf %mul3A_180, %convert_element_type3A_182 : vector<160x128xf32>
    %swap3A_184 = arith.constant 0 : index
    %swap3A_185 = arith.constant 0 : index
    %swap3A_186 = arith.constant 0 : index
    %swap3A_187 = vector.load %arg24[%swap3A_184, %swap3A_185, %swap3A_186] : memref<1x160x512xf32, #tpu.memory_space<vmem>>, vector<1x160x128xf32>
    %swap3A_188 = vector.shape_cast %swap3A_187 : vector<1x160x128xf32> to vector<160x128xf32>
    %swap3A_189 = vector.shape_cast %mul3A_183 : vector<160x128xf32> to vector<1x160x128xf32>
    tpu.vector_store %arg24[%swap3A_184, %swap3A_185, %swap3A_186], %swap3A_189 {strides = array<i32>} : memref<1x160x512xf32, #tpu.memory_space<vmem>>, vector<1x160x128xf32>,
    %ge3A_190 = arith.constant 0.000000e+00 : f32
    %ge3A_191 = vector.broadcast %ge3A_190 : f32 to vector<160x128xf32>
    %ge3A_192 = arith.cmpf oge, %add3A_126, %ge3A_191 : vector<160x128xf32>
    %sub3A_193 = arith.constant 1.000000e+00 : f32
    %sub3A_194 = vector.broadcast %sub3A_193 : f32 to vector<1x128xf32>
    %sub3A_195 = arith.subf %get3A_74, %sub3A_194 : vector<1x128xf32>
    %le3A_196 = vector.broadcast %sub3A_195 : vector<1x128xf32> to vector<160x128xf32>
    %le3A_197 = arith.cmpf ole, %add3A_126, %le3A_196 : vector<160x128xf32>
    %and3A_198 = arith.andi %ge3A_192, %le3A_197 : vector<160x128xi1>
    %ge3A_199 = arith.constant 0.000000e+00 : f32
    %ge3A_200 = vector.broadcast %ge3A_199 : f32 to vector<160x128xf32>
    %ge3A_201 = arith.cmpf oge, %floor3A_97, %ge3A_200 : vector<160x128xf32>
    %and3A_202 = arith.andi %and3A_198, %ge3A_201 : vector<160x128xi1>
    %sub3A_203 = arith.constant 1.000000e+00 : f32
    %sub3A_204 = vector.broadcast %sub3A_203 : f32 to vector<1x128xf32>
    %sub3A_205 = arith.subf %get3A_77, %sub3A_204 : vector<1x128xf32>
    %le3A_206 = vector.broadcast %sub3A_205 : vector<1x128xf32> to vector<160x128xf32>
    %le3A_207 = arith.cmpf ole, %floor3A_97, %le3A_206 : vector<160x128xf32>
    %and3A_208 = arith.andi %and3A_202, %le3A_207 : vector<160x128xi1>
    %sub3A_209 = arith.constant 1.000000e+00 : f32
    %sub3A_210 = vector.broadcast %sub3A_209 : f32 to vector<1x128xf32>
    %sub3A_211 = arith.subf %get3A_74, %sub3A_210 : vector<1x128xf32>
    %jit3A_212 = arith.constant 0.000000e+00 : f32
    %max3A_213 = vector.broadcast %jit3A_212 : f32 to vector<160x128xf32>
    %max3A_214 = arith.maximumf %max3A_213, %add3A_126 : vector<160x128xf32>
    %min3A_215 = vector.broadcast %sub3A_211 : vector<1x128xf32> to vector<160x128xf32>
    %min3A_216 = arith.minimumf %min3A_215, %max3A_214 : vector<160x128xf32>
    %convert_element_type3A_217 = arith.fptosi %min3A_216 : vector<160x128xf32> to vector<160x128xi32>
    %sub3A_218 = arith.constant 1.000000e+00 : f32
    %sub3A_219 = vector.broadcast %sub3A_218 : f32 to vector<1x128xf32>
    %sub3A_220 = arith.subf %get3A_77, %sub3A_219 : vector<1x128xf32>
    %jit3A_221 = arith.constant 0.000000e+00 : f32
    %max3A_222 = vector.broadcast %jit3A_221 : f32 to vector<160x128xf32>
    %max3A_223 = arith.maximumf %max3A_222, %floor3A_97 : vector<160x128xf32>
    %min3A_224 = vector.broadcast %sub3A_220 : vector<1x128xf32> to vector<160x128xf32>
    %min3A_225 = arith.minimumf %min3A_224, %max3A_223 : vector<160x128xf32>
    %convert_element_type3A_226 = arith.fptosi %min3A_225 : vector<160x128xf32> to vector<160x128xi32>
    %mul3A_227 = vector.broadcast %get3A_122 : vector<1x128xi32> to vector<160x128xi32>
    %mul3A_228 = arith.muli %convert_element_type3A_226, %mul3A_227 : vector<160x128xi32>
    %add3A_229 = vector.broadcast %add3A_119 : vector<1x128xi32> to vector<160x128xi32>
    %add3A_230 = arith.addi %add3A_229, %mul3A_228 : vector<160x128xi32>
    %add3A_231 = arith.addi %add3A_230, %convert_element_type3A_217 : vector<160x128xi32>
    %swap3A_232 = arith.constant 0 : index
    %swap3A_233 = arith.constant 0 : index
    %swap3A_234 = arith.constant 128 : index
    %swap3A_235 = vector.load %arg23[%swap3A_232, %swap3A_233, %swap3A_234] : memref<1x160x512xi32, #tpu.memory_space<vmem>>, vector<1x160x128xi32>
    %swap3A_236 = vector.shape_cast %swap3A_235 : vector<1x160x128xi32> to vector<160x128xi32>
    %swap3A_237 = vector.shape_cast %add3A_231 : vector<160x128xi32> to vector<1x160x128xi32>
    tpu.vector_store %arg23[%swap3A_232, %swap3A_233, %swap3A_234], %swap3A_237 {strides = array<i32>} : memref<1x160x512xi32, #tpu.memory_space<vmem>>, vector<1x160x128xi32>,
    %mul3A_238 = arith.mulf %mul3A_127, %div3A : vector<160x128xf32>
    %convert_element_type3A_239 = arith.extui %and3A_208 : vector<160x128xi1> to vector<160x128xi32>
    %convert_element_type3A_240 = arith.sitofp %convert_element_type3A_239 : vector<160x128xi32> to vector<160x128xf32>
    %mul3A_241 = arith.mulf %mul3A_238, %convert_element_type3A_240 : vector<160x128xf32>
    %swap3A_242 = arith.constant 0 : index
    %swap3A_243 = arith.constant 0 : index
    %swap3A_244 = arith.constant 128 : index
    %swap3A_245 = vector.load %arg24[%swap3A_242, %swap3A_243, %swap3A_244] : memref<1x160x512xf32, #tpu.memory_space<vmem>>, vector<1x160x128xf32>
    %swap3A_246 = vector.shape_cast %swap3A_245 : vector<1x160x128xf32> to vector<160x128xf32>
    %swap3A_247 = vector.shape_cast %mul3A_241 : vector<160x128xf32> to vector<1x160x128xf32>
    tpu.vector_store %arg24[%swap3A_242, %swap3A_243, %swap3A_244], %swap3A_247 {strides = array<i32>} : memref<1x160x512xf32, #tpu.memory_space<vmem>>, vector<1x160x128xf32>,
    %ge3A_248 = arith.constant 0.000000e+00 : f32
    %ge3A_249 = vector.broadcast %ge3A_248 : f32 to vector<160x128xf32>
    %ge3A_250 = arith.cmpf oge, %floor3A, %ge3A_249 : vector<160x128xf32>
    %sub3A_251 = arith.constant 1.000000e+00 : f32
    %sub3A_252 = vector.broadcast %sub3A_251 : f32 to vector<1x128xf32>
    %sub3A_253 = arith.subf %get3A_74, %sub3A_252 : vector<1x128xf32>
    %le3A_254 = vector.broadcast %sub3A_253 : vector<1x128xf32> to vector<160x128xf32>
    %le3A_255 = arith.cmpf ole, %floor3A, %le3A_254 : vector<160x128xf32>
    %and3A_256 = arith.andi %ge3A_250, %le3A_255 : vector<160x128xi1>
    %ge3A_257 = arith.constant 0.000000e+00 : f32
    %ge3A_258 = vector.broadcast %ge3A_257 : f32 to vector<160x128xf32>
    %ge3A_259 = arith.cmpf oge, %add3A_130, %ge3A_258 : vector<160x128xf32>
    %and3A_260 = arith.andi %and3A_256, %ge3A_259 : vector<160x128xi1>
    %sub3A_261 = arith.constant 1.000000e+00 : f32
    %sub3A_262 = vector.broadcast %sub3A_261 : f32 to vector<1x128xf32>
    %sub3A_263 = arith.subf %get3A_77, %sub3A_262 : vector<1x128xf32>
    %le3A_264 = vector.broadcast %sub3A_263 : vector<1x128xf32> to vector<160x128xf32>
    %le3A_265 = arith.cmpf ole, %add3A_130, %le3A_264 : vector<160x128xf32>
    %and3A_266 = arith.andi %and3A_260, %le3A_265 : vector<160x128xi1>
    %sub3A_267 = arith.constant 1.000000e+00 : f32
    %sub3A_268 = vector.broadcast %sub3A_267 : f32 to vector<1x128xf32>
    %sub3A_269 = arith.subf %get3A_74, %sub3A_268 : vector<1x128xf32>
    %jit3A_270 = arith.constant 0.000000e+00 : f32
    %max3A_271 = vector.broadcast %jit3A_270 : f32 to vector<160x128xf32>
    %max3A_272 = arith.maximumf %max3A_271, %floor3A : vector<160x128xf32>
    %min3A_273 = vector.broadcast %sub3A_269 : vector<1x128xf32> to vector<160x128xf32>
    %min3A_274 = arith.minimumf %min3A_273, %max3A_272 : vector<160x128xf32>
    %convert_element_type3A_275 = arith.fptosi %min3A_274 : vector<160x128xf32> to vector<160x128xi32>
    %sub3A_276 = arith.constant 1.000000e+00 : f32
    %sub3A_277 = vector.broadcast %sub3A_276 : f32 to vector<1x128xf32>
    %sub3A_278 = arith.subf %get3A_77, %sub3A_277 : vector<1x128xf32>
    %jit3A_279 = arith.constant 0.000000e+00 : f32
    %max3A_280 = vector.broadcast %jit3A_279 : f32 to vector<160x128xf32>
    %max3A_281 = arith.maximumf %max3A_280, %add3A_130 : vector<160x128xf32>
    %min3A_282 = vector.broadcast %sub3A_278 : vector<1x128xf32> to vector<160x128xf32>
    %min3A_283 = arith.minimumf %min3A_282, %max3A_281 : vector<160x128xf32>
    %convert_element_type3A_284 = arith.fptosi %min3A_283 : vector<160x128xf32> to vector<160x128xi32>
    %mul3A_285 = vector.broadcast %get3A_122 : vector<1x128xi32> to vector<160x128xi32>
    %mul3A_286 = arith.muli %convert_element_type3A_284, %mul3A_285 : vector<160x128xi32>
    %add3A_287 = vector.broadcast %add3A_119 : vector<1x128xi32> to vector<160x128xi32>
    %add3A_288 = arith.addi %add3A_287, %mul3A_286 : vector<160x128xi32>
    %add3A_289 = arith.addi %add3A_288, %convert_element_type3A_275 : vector<160x128xi32>
    %swap3A_290 = arith.constant 0 : index
    %swap3A_291 = arith.constant 0 : index
    %swap3A_292 = arith.constant 256 : index
    %swap3A_293 = vector.load %arg23[%swap3A_290, %swap3A_291, %swap3A_292] : memref<1x160x512xi32, #tpu.memory_space<vmem>>, vector<1x160x128xi32>
    %swap3A_294 = vector.shape_cast %swap3A_293 : vector<1x160x128xi32> to vector<160x128xi32>
    %swap3A_295 = vector.shape_cast %add3A_289 : vector<160x128xi32> to vector<1x160x128xi32>
    tpu.vector_store %arg23[%swap3A_290, %swap3A_291, %swap3A_292], %swap3A_295 {strides = array<i32>} : memref<1x160x512xi32, #tpu.memory_space<vmem>>, vector<1x160x128xi32>,
    %mul3A_296 = arith.mulf %mul3A_131, %div3A : vector<160x128xf32>
    %convert_element_type3A_297 = arith.extui %and3A_266 : vector<160x128xi1> to vector<160x128xi32>
    %convert_element_type3A_298 = arith.sitofp %convert_element_type3A_297 : vector<160x128xi32> to vector<160x128xf32>
    %mul3A_299 = arith.mulf %mul3A_296, %convert_element_type3A_298 : vector<160x128xf32>
    %swap3A_300 = arith.constant 0 : index
    %swap3A_301 = arith.constant 0 : index
    %swap3A_302 = arith.constant 256 : index
    %swap3A_303 = vector.load %arg24[%swap3A_300, %swap3A_301, %swap3A_302] : memref<1x160x512xf32, #tpu.memory_space<vmem>>, vector<1x160x128xf32>
    %swap3A_304 = vector.shape_cast %swap3A_303 : vector<1x160x128xf32> to vector<160x128xf32>
    %swap3A_305 = vector.shape_cast %mul3A_299 : vector<160x128xf32> to vector<1x160x128xf32>
    tpu.vector_store %arg24[%swap3A_300, %swap3A_301, %swap3A_302], %swap3A_305 {strides = array<i32>} : memref<1x160x512xf32, #tpu.memory_space<vmem>>, vector<1x160x128xf32>,
    %ge3A_306 = arith.constant 0.000000e+00 : f32
    %ge3A_307 = vector.broadcast %ge3A_306 : f32 to vector<160x128xf32>
    %ge3A_308 = arith.cmpf oge, %add3A_134, %ge3A_307 : vector<160x128xf32>
    %sub3A_309 = arith.constant 1.000000e+00 : f32
    %sub3A_310 = vector.broadcast %sub3A_309 : f32 to vector<1x128xf32>
    %sub3A_311 = arith.subf %get3A_74, %sub3A_310 : vector<1x128xf32>
    %le3A_312 = vector.broadcast %sub3A_311 : vector<1x128xf32> to vector<160x128xf32>
    %le3A_313 = arith.cmpf ole, %add3A_134, %le3A_312 : vector<160x128xf32>
    %and3A_314 = arith.andi %ge3A_308, %le3A_313 : vector<160x128xi1>
    %ge3A_315 = arith.constant 0.000000e+00 : f32
    %ge3A_316 = vector.broadcast %ge3A_315 : f32 to vector<160x128xf32>
    %ge3A_317 = arith.cmpf oge, %add3A_137, %ge3A_316 : vector<160x128xf32>
    %and3A_318 = arith.andi %and3A_314, %ge3A_317 : vector<160x128xi1>
    %sub3A_319 = arith.constant 1.000000e+00 : f32
    %sub3A_320 = vector.broadcast %sub3A_319 : f32 to vector<1x128xf32>
    %sub3A_321 = arith.subf %get3A_77, %sub3A_320 : vector<1x128xf32>
    %le3A_322 = vector.broadcast %sub3A_321 : vector<1x128xf32> to vector<160x128xf32>
    %le3A_323 = arith.cmpf ole, %add3A_137, %le3A_322 : vector<160x128xf32>
    %and3A_324 = arith.andi %and3A_318, %le3A_323 : vector<160x128xi1>
    %sub3A_325 = arith.constant 1.000000e+00 : f32
    %sub3A_326 = vector.broadcast %sub3A_325 : f32 to vector<1x128xf32>
    %sub3A_327 = arith.subf %get3A_74, %sub3A_326 : vector<1x128xf32>
    %jit3A_328 = arith.constant 0.000000e+00 : f32
    %max3A_329 = vector.broadcast %jit3A_328 : f32 to vector<160x128xf32>
    %max3A_330 = arith.maximumf %max3A_329, %add3A_134 : vector<160x128xf32>
    %min3A_331 = vector.broadcast %sub3A_327 : vector<1x128xf32> to vector<160x128xf32>
    %min3A_332 = arith.minimumf %min3A_331, %max3A_330 : vector<160x128xf32>
    %convert_element_type3A_333 = arith.fptosi %min3A_332 : vector<160x128xf32> to vector<160x128xi32>
    %sub3A_334 = arith.constant 1.000000e+00 : f32
    %sub3A_335 = vector.broadcast %sub3A_334 : f32 to vector<1x128xf32>
    %sub3A_336 = arith.subf %get3A_77, %sub3A_335 : vector<1x128xf32>
    %jit3A_337 = arith.constant 0.000000e+00 : f32
    %max3A_338 = vector.broadcast %jit3A_337 : f32 to vector<160x128xf32>
    %max3A_339 = arith.maximumf %max3A_338, %add3A_137 : vector<160x128xf32>
    %min3A_340 = vector.broadcast %sub3A_336 : vector<1x128xf32> to vector<160x128xf32>
    %min3A_341 = arith.minimumf %min3A_340, %max3A_339 : vector<160x128xf32>
    %convert_element_type3A_342 = arith.fptosi %min3A_341 : vector<160x128xf32> to vector<160x128xi32>
    %mul3A_343 = vector.broadcast %get3A_122 : vector<1x128xi32> to vector<160x128xi32>
    %mul3A_344 = arith.muli %convert_element_type3A_342, %mul3A_343 : vector<160x128xi32>
    %add3A_345 = vector.broadcast %add3A_119 : vector<1x128xi32> to vector<160x128xi32>
    %add3A_346 = arith.addi %add3A_345, %mul3A_344 : vector<160x128xi32>
    %add3A_347 = arith.addi %add3A_346, %convert_element_type3A_333 : vector<160x128xi32>
    %swap3A_348 = arith.constant 0 : index
    %swap3A_349 = arith.constant 0 : index
    %swap3A_350 = arith.constant 384 : index
    %swap3A_351 = vector.load %arg23[%swap3A_348, %swap3A_349, %swap3A_350] : memref<1x160x512xi32, #tpu.memory_space<vmem>>, vector<1x160x128xi32>
    %swap3A_352 = vector.shape_cast %swap3A_351 : vector<1x160x128xi32> to vector<160x128xi32>
    %swap3A_353 = vector.shape_cast %add3A_347 : vector<160x128xi32> to vector<1x160x128xi32>
    tpu.vector_store %arg23[%swap3A_348, %swap3A_349, %swap3A_350], %swap3A_353 {strides = array<i32>} : memref<1x160x512xi32, #tpu.memory_space<vmem>>, vector<1x160x128xi32>,
    %mul3A_354 = arith.mulf %mul3A_138, %div3A : vector<160x128xf32>
    %convert_element_type3A_355 = arith.extui %and3A_324 : vector<160x128xi1> to vector<160x128xi32>
    %convert_element_type3A_356 = arith.sitofp %convert_element_type3A_355 : vector<160x128xi32> to vector<160x128xf32>
    %mul3A_357 = arith.mulf %mul3A_354, %convert_element_type3A_356 : vector<160x128xf32>
    %swap3A_358 = arith.constant 0 : index
    %swap3A_359 = arith.constant 0 : index
    %swap3A_360 = arith.constant 384 : index
    %swap3A_361 = vector.load %arg24[%swap3A_358, %swap3A_359, %swap3A_360] : memref<1x160x512xf32, #tpu.memory_space<vmem>>, vector<1x160x128xf32>
    %swap3A_362 = vector.shape_cast %swap3A_361 : vector<1x160x128xf32> to vector<160x128xf32>
    %swap3A_363 = vector.shape_cast %mul3A_357 : vector<160x128xf32> to vector<1x160x128xf32>
    tpu.vector_store %arg24[%swap3A_358, %swap3A_359, %swap3A_360], %swap3A_363 {strides = array<i32>} : memref<1x160x512xf32, #tpu.memory_space<vmem>>, vector<1x160x128xf32>,
    return
  }
  func.func @transform_0(%arg0: i32, %arg1: i32) -> (i32, i32, i32) {
    %c0_i32 = arith.constant 0 : i32
    %c0_i32_0 = arith.constant 0 : i32
    return %arg0, %arg1, %c0_i32 : i32, i32, i32
  }
  func.func @transform_1(%arg0: i32, %arg1: i32) -> (i32, i32, i32) {
    %c0_i32 = arith.constant 0 : i32
    %c0_i32_0 = arith.constant 0 : i32
    return %arg0, %arg1, %c0_i32 : i32, i32, i32
  }
  func.func @transform_2(%arg0: i32, %arg1: i32) -> (i32, i32, i32) {
    %c0_i32 = arith.constant 0 : i32
    %c0_i32_0 = arith.constant 0 : i32
    return %arg0, %arg1, %c0_i32 : i32, i32, i32
  }
  func.func @transform_3(%arg0: i32, %arg1: i32) -> (i32, i32) {
    %c0_i32 = arith.constant 0 : i32
    %c0_i32_0 = arith.constant 0 : i32
    %c0_i32_1 = arith.constant 0 : i32
    return %c0_i32, %c0_i32_0 : i32, i32
  }
  func.func @transform_4(%arg0: i32, %arg1: i32) -> (i32, i32) {
    %c0_i32 = arith.constant 0 : i32
    %c0_i32_0 = arith.constant 0 : i32
    %c0_i32_1 = arith.constant 0 : i32
    return %c0_i32, %c0_i32_0 : i32, i32
  }
  func.func @transform_5(%arg0: i32, %arg1: i32) -> (i32, i32) {
    %c0_i32 = arith.constant 0 : i32
    %c0_i32_0 = arith.constant 0 : i32
    %c0_i32_1 = arith.constant 0 : i32
    return %c0_i32, %c0_i32_0 : i32, i32
  }
  func.func @transform_6(%arg0: i32, %arg1: i32) -> (i32, i32) {
    %c0_i32 = arith.constant 0 : i32
    %c0_i32_0 = arith.constant 0 : i32
    %c0_i32_1 = arith.constant 0 : i32
    return %c0_i32, %c0_i32_0 : i32, i32
  }
  func.func @transform_7(%arg0: i32, %arg1: i32) -> (i32, i32) {
    %c0_i32 = arith.constant 0 : i32
    %c0_i32_0 = arith.constant 0 : i32
    %c0_i32_1 = arith.constant 0 : i32
    return %c0_i32, %c0_i32_0 : i32, i32
  }
  func.func @transform_8(%arg0: i32, %arg1: i32) -> (i32, i32) {
    %c0_i32 = arith.constant 0 : i32
    %c0_i32_0 = arith.constant 0 : i32
    %c0_i32_1 = arith.constant 0 : i32
    return %c0_i32, %c0_i32_0 : i32, i32
  }
  func.func @transform_9(%arg0: i32, %arg1: i32) -> (i32, i32) {
    %c0_i32 = arith.constant 0 : i32
    %c0_i32_0 = arith.constant 0 : i32
    %c0_i32_1 = arith.constant 0 : i32
    return %c0_i32, %c0_i32_0 : i32, i32
  }
  func.func @transform_10(%arg0: i32, %arg1: i32) -> (i32, i32) {
    %c0_i32 = arith.constant 0 : i32
    %c0_i32_0 = arith.constant 0 : i32
    %c0_i32_1 = arith.constant 0 : i32
    return %c0_i32, %c0_i32_0 : i32, i32
  }
  func.func @transform_11(%arg0: i32, %arg1: i32) -> (i32, i32) {
    %c0_i32 = arith.constant 0 : i32
    %c0_i32_0 = arith.constant 0 : i32
    %c0_i32_1 = arith.constant 0 : i32
    return %c0_i32, %c0_i32_0 : i32, i32
  }
  func.func @transform_12(%arg0: i32, %arg1: i32) -> (i32, i32) {
    %c0_i32 = arith.constant 0 : i32
    %c0_i32_0 = arith.constant 0 : i32
    %c0_i32_1 = arith.constant 0 : i32
    return %c0_i32, %c0_i32_0 : i32, i32
  }
  func.func @transform_13(%arg0: i32, %arg1: i32) -> (i32, i32) {
    %c0_i32 = arith.constant 0 : i32
    %c0_i32_0 = arith.constant 0 : i32
    %c0_i32_1 = arith.constant 0 : i32
    return %c0_i32, %c0_i32_0 : i32, i32
  }
  func.func @transform_14(%arg0: i32, %arg1: i32) -> (i32, i32) {
    %c0_i32 = arith.constant 0 : i32
    %c0_i32_0 = arith.constant 0 : i32
    %c0_i32_1 = arith.constant 0 : i32
    return %c0_i32, %c0_i32_0 : i32, i32
  }
  func.func @transform_15(%arg0: i32, %arg1: i32) -> (i32, i32) {
    %c0_i32 = arith.constant 0 : i32
    %c0_i32_0 = arith.constant 0 : i32
    %c0_i32_1 = arith.constant 0 : i32
    return %c0_i32, %c0_i32_0 : i32, i32
  }
  func.func @transform_16(%arg0: i32, %arg1: i32) -> (i32, i32) {
    %c0_i32 = arith.constant 0 : i32
    %c0_i32_0 = arith.constant 0 : i32
    %c0_i32_1 = arith.constant 0 : i32
    return %c0_i32, %c0_i32_0 : i32, i32
  }
  func.func @transform_17(%arg0: i32, %arg1: i32) -> (i32, i32) {
    %c0_i32 = arith.constant 0 : i32
    %c0_i32_0 = arith.constant 0 : i32
    %c0_i32_1 = arith.constant 0 : i32
    return %c0_i32, %c0_i32_0 : i32, i32
  }
  func.func @transform_18(%arg0: i32, %arg1: i32) -> (i32, i32) {
    %c0_i32 = arith.constant 0 : i32
    %c0_i32_0 = arith.constant 0 : i32
    %c0_i32_1 = arith.constant 0 : i32
    return %c0_i32, %c0_i32_0 : i32, i32
  }
  func.func @transform_19(%arg0: i32, %arg1: i32) -> (i32, i32) {
    %c0_i32 = arith.constant 0 : i32
    %c0_i32_0 = arith.constant 0 : i32
    %c0_i32_1 = arith.constant 0 : i32
    return %c0_i32, %c0_i32_0 : i32, i32
  }
  func.func @transform_20(%arg0: i32, %arg1: i32) -> (i32, i32) {
    %c0_i32 = arith.constant 0 : i32
    %c0_i32_0 = arith.constant 0 : i32
    %c0_i32_1 = arith.constant 0 : i32
    return %c0_i32, %c0_i32_0 : i32, i32
  }
  func.func @transform_21(%arg0: i32, %arg1: i32) -> (i32, i32, i32) {
    %c0_i32 = arith.constant 0 : i32
    %c0_i32_0 = arith.constant 0 : i32
    return %arg0, %arg1, %c0_i32 : i32, i32, i32
  }
  func.func @transform_22(%arg0: i32, %arg1: i32) -> (i32, i32, i32) {
    %c0_i32 = arith.constant 0 : i32
    %c0_i32_0 = arith.constant 0 : i32
    return %arg0, %arg1, %c0_i32 : i32, i32, i32
  }
  func.func @transform_23(%arg0: i32, %arg1: i32) -> (i32, i32, i32) {
    %c0_i32 = arith.constant 0 : i32
    %c0_i32_0 = arith.constant 0 : i32
    return %arg0, %arg1, %c0_i32 : i32, i32, i32
  }
}

module attributes {stable_mosaic.version = 14 : i64} {
  func.func @_out_body(%arg0: i32, %arg1: i32, %arg2: memref<1x160x256xf32, #tpu.memory_space<vmem>>, %arg3: memref<256x256xf32, #tpu.memory_space<vmem>>, %arg4: memref<1x256xf32, #tpu.memory_space<vmem>>, %arg5: memref<256x256xf32, #tpu.memory_space<vmem>>, %arg6: memref<1x256xf32, #tpu.memory_space<vmem>>, %arg7: memref<1x160x256xf32, #tpu.memory_space<vmem>>) attributes {dimension_semantics = [#tpu.dimension_semantics<arbitrary>, #tpu.dimension_semantics<arbitrary>], iteration_bounds = array<i64: 4, 34>, scalar_prefetch = 0 : i64, scratch_operands = 0 : i64, tpu.core_type = #tpu.core_type<tc>, window_params = [{transform_indices = @transform_0, window_bounds = array<i64: 1, 160, 256>}, {pipeline_mode = #tpu.pipeline_mode<synchronous>, transform_indices = @transform_1, window_bounds = array<i64: 256, 256>}, {pipeline_mode = #tpu.pipeline_mode<synchronous>, transform_indices = @transform_2, window_bounds = array<i64: 1, 256>}, {pipeline_mode = #tpu.pipeline_mode<synchronous>, transform_indices = @transform_3, window_bounds = array<i64: 256, 256>}, {pipeline_mode = #tpu.pipeline_mode<synchronous>, transform_indices = @transform_4, window_bounds = array<i64: 1, 256>}, {transform_indices = @transform_5, window_bounds = array<i64: 1, 160, 256>}]} {
    %get3A = arith.constant 0 : index
    %get3A_0 = arith.constant 0 : index
    %get3A_1 = arith.constant 0 : index
    %get3A_2 = vector.load %arg2[%get3A, %get3A_0, %get3A_1] : memref<1x160x256xf32, #tpu.memory_space<vmem>>, vector<1x160x256xf32>
    %get3A_3 = vector.shape_cast %get3A_2 : vector<1x160x256xf32> to vector<160x256xf32>
    %get3A_4 = arith.constant 0 : index
    %get3A_5 = arith.constant 0 : index
    %get3A_6 = vector.load %arg3[%get3A_4, %get3A_5] : memref<256x256xf32, #tpu.memory_space<vmem>>, vector<256x256xf32>
    %dot_general3A = arith.constant dense<0.000000e+00> : vector<160x256xf32>
    %dot_general3A_7 = tpu.matmul %get3A_3, %get3A_6, %dot_general3A {dimension_numbers = #tpu.dot_dimension_numbers<[1], [0], [0], [1], [0, 0, 1, 1], [], []>, precision = #tpu.contract_precision<fp32>, transpose_lhs_hint = false} : vector<160x256xf32>, vector<256x256xf32>, vector<160x256xf32> -> vector<160x256xf32>
    %get3A_8 = arith.constant 0 : index
    %get3A_9 = arith.constant 0 : index
    %get3A_10 = vector.load %arg4[%get3A_8, %get3A_9] : memref<1x256xf32, #tpu.memory_space<vmem>>, vector<1x256xf32>
    %add3A = vector.broadcast %get3A_10 : vector<1x256xf32> to vector<160x256xf32>
    %add3A_11 = arith.addf %dot_general3A_7, %add3A : vector<160x256xf32>
    %get3A_12 = arith.constant 0 : index
    %get3A_13 = arith.constant 0 : index
    %get3A_14 = vector.load %arg5[%get3A_12, %get3A_13] : memref<256x256xf32, #tpu.memory_space<vmem>>, vector<256x256xf32>
    %dot_general3A_15 = arith.constant dense<0.000000e+00> : vector<160x256xf32>
    %dot_general3A_16 = tpu.matmul %add3A_11, %get3A_14, %dot_general3A_15 {dimension_numbers = #tpu.dot_dimension_numbers<[1], [0], [0], [1], [0, 0, 1, 1], [], []>, precision = #tpu.contract_precision<fp32>, transpose_lhs_hint = false} : vector<160x256xf32>, vector<256x256xf32>, vector<160x256xf32> -> vector<160x256xf32>
    %get3A_17 = arith.constant 0 : index
    %get3A_18 = arith.constant 0 : index
    %get3A_19 = vector.load %arg6[%get3A_17, %get3A_18] : memref<1x256xf32, #tpu.memory_space<vmem>>, vector<1x256xf32>
    %add3A_20 = vector.broadcast %get3A_19 : vector<1x256xf32> to vector<160x256xf32>
    %add3A_21 = arith.addf %dot_general3A_16, %add3A_20 : vector<160x256xf32>
    %swap3A = arith.constant 0 : index
    %swap3A_22 = arith.constant 0 : index
    %swap3A_23 = arith.constant 0 : index
    %swap3A_24 = vector.load %arg7[%swap3A, %swap3A_22, %swap3A_23] : memref<1x160x256xf32, #tpu.memory_space<vmem>>, vector<1x160x256xf32>
    %swap3A_25 = vector.shape_cast %swap3A_24 : vector<1x160x256xf32> to vector<160x256xf32>
    %swap3A_26 = vector.shape_cast %add3A_21 : vector<160x256xf32> to vector<1x160x256xf32>
    tpu.vector_store %arg7[%swap3A, %swap3A_22, %swap3A_23], %swap3A_26 {strides = array<i32>} : memref<1x160x256xf32, #tpu.memory_space<vmem>>, vector<1x160x256xf32>,
    return
  }
  func.func @transform_0(%arg0: i32, %arg1: i32) -> (i32, i32, i32) {
    %c0_i32 = arith.constant 0 : i32
    %c0_i32_0 = arith.constant 0 : i32
    return %arg0, %arg1, %c0_i32 : i32, i32, i32
  }
  func.func @transform_1(%arg0: i32, %arg1: i32) -> (i32, i32) {
    %c0_i32 = arith.constant 0 : i32
    %c0_i32_0 = arith.constant 0 : i32
    %c0_i32_1 = arith.constant 0 : i32
    return %c0_i32, %c0_i32_0 : i32, i32
  }
  func.func @transform_2(%arg0: i32, %arg1: i32) -> (i32, i32) {
    %c0_i32 = arith.constant 0 : i32
    %c0_i32_0 = arith.constant 0 : i32
    %c0_i32_1 = arith.constant 0 : i32
    return %c0_i32, %c0_i32_0 : i32, i32
  }
  func.func @transform_3(%arg0: i32, %arg1: i32) -> (i32, i32) {
    %c0_i32 = arith.constant 0 : i32
    %c0_i32_0 = arith.constant 0 : i32
    %c0_i32_1 = arith.constant 0 : i32
    return %c0_i32, %c0_i32_0 : i32, i32
  }
  func.func @transform_4(%arg0: i32, %arg1: i32) -> (i32, i32) {
    %c0_i32 = arith.constant 0 : i32
    %c0_i32_0 = arith.constant 0 : i32
    %c0_i32_1 = arith.constant 0 : i32
    return %c0_i32, %c0_i32_0 : i32, i32
  }
  func.func @transform_5(%arg0: i32, %arg1: i32) -> (i32, i32, i32) {
    %c0_i32 = arith.constant 0 : i32
    %c0_i32_0 = arith.constant 0 : i32
    return %arg0, %arg1, %c0_i32 : i32, i32, i32
  }
}

</mosaic_0001>

<sc_bundles>
// kernel: kernel.5.cloned.1.call-start
scs
__scs_entry_jumppad:
0x0: {  	(pc) =	sbr.rel $0x88, $3  }
0x1: {  	(tag) =	ssettag $0x0;
	lr =	simm.s32 $0x1  }
0x2: {  	[smem:$0x3F8F] =	sst lr;
	_ =	strace $0xD0000000  }
0x3: {  	_ = 	snop  }
0x4: {  	_ = 	snop  }
0x5: {  	_ = 	snop  }
0x6: {  	_ = 	snop  }
0x7: {  	_ = 	snop  }
__scs_overlays_trampoline_lowered:
0x8: {  	[smem:$0x3F9E] =	sst s0  }
0x9: {  	[smem:$0x3F9F] =	sst s1  }
0xa: {  	[smem:$0x3FA0] =	sst s2  }
0xb: {  	[smem:$0x3FA1] =	sst s3  }
0xc: {  	[smem:$0x3FA2] =	sst s4  }
0xd: {  	[smem:$0x3FA3] =	sst s5  }
0xe: {  	[smem:$0x3FA4] =	sst s6  }
0xf: {  	[smem:$0x3FA5] =	sst s7  }
0x10: {  	[smem:$0x3FA6] =	sst s8  }
0x11: {  	[smem:$0x3FA7] =	sst s9;
	s0 =	simm.s32 @!p0 $0x0  }
0x12: {  	s1 =	sld [smem:$0x3F8D];
	s0 =	simm.s32 @p0 $0x1  }
0x13: {  	[smem:$0x3FA8] =	sst s0;
	s0 =	simm.s32 @!p1 $0x0  }
0x14: {  	s2 =	sld [smem:$0x3F8C];
	s0 =	simm.s32 @p1 $0x1  }
0x15: {  	[smem:$0x3FA9] =	sst s0;
	s0 =	simm.s32 @!p2 $0x0  }
0x16: {  	s3 =	sld [smem:$0x3FDB];
	s0 =	simm.s32 @p2 $0x1  }
0x17: {  	s4 =	simm.s32 $0x1BF5;
	[smem:$0x3FAB] =	sst s0  }
0x18: {  	s0 =	sld [smem:$0x3F8E];
	_ =	swait.ge [sflag:s4], $0x0  }
0x19: {  	s7 =	sld [smem:$0x3F8F]  }
0x1a: {  	s8 =	sadd.s32 $0xFFFFE003, lr  }
0x1b: {  	s9 =	sadd.s32 $0xFFFFFEF7, lr;
	s5 =	simm.s32 $0xFFFFFFFF;
	p2 =	slt.u32 s8, $0xFFFFF086  }
0x1c: {  	p1 =	slt.u32 s9, $0xF7A;
	s5 =	simm.s32 @!p2 $0x0  }
0x1d: {  	s5 =	simm.s32 @p1 $0x1;
	p0 =	seq.s32 s7, s2  }
0x1e: {  	s7 =	smul.u32 @!p0 $0xF7A, s2;
	p2 =	seq.s32 @!p0 s5, $0x0  }
0x1f: {  	s9 =	smul.u32 $0xF7A, s1;
	s8 =	simm.s32 @!p0 $0x1BF5;
	p2 =	por !p2, p0  }
0x20: {  	[sflag:s8] =	ssyncset.s32 @!p0 $0xFFFFF086;
	s6 =	sadd.s32 @!p0 s3, s7;
	s7 =	simm.s32 @!p0 $0x108  }
0x21: {  	s3 =	sadd.s32 s3, s9;
	s6 =	sadd.s32 @!p0 $0x88, s6;
	s7 =	simm.s32 @p2 $0x1082  }
0x22: {  	[simem:s7], [sflag:s8] =	dma.local @!p0 [hbm:s6], $0xF7A  }
0x23: {  	s9 =	sor.u32 $0xD0000000, s2;
	s6 =	simm.s32 $0x108;
	_ =	swait.ge @!p0 [sflag:s8], $0x0  }
0x24: {  	s3 =	sadd.s32 $0x88, s3;
	s6 =	simm.s32 @!p1 $0x1082;
	[sflag:s4] =	ssyncset.s32 $0xFFFFF086  }
0x25: {  	[simem:s6], [sflag:s4] =	dma.local [hbm:s3], $0xF7A  }
0x26: {  	[smem:$0x3F8F] =	sst s1;
	(tag) =	ssettag s2;
	_ =	strace s9  }
0x27: {  	s1 =	sld [smem:$0x3F9F]  }
0x28: {  	s2 =	sld [smem:$0x3FA0]  }
0x29: {  	s4 =	sld [smem:$0x3FA2]  }
0x2a: {  	p0 =	seq.s32 s5, $0x0;
	s5 =	sld [smem:$0x3FA3]  }
0x2b: {  	s6 =	sld [smem:$0x3FA4]  }
0x2c: {  	s7 =	sld [smem:$0x3FA5]  }
0x2d: {  	s3 =	simm.s32 $0x108;
	s8 =	sld [smem:$0x3FA6]  }
0x2e: {  	s3 =	simm.s32 @!p0 $0x1082;
	s9 =	sld [smem:$0x3FA7]  }
0x2f: {  	lr =	sadd.s32 s0, s3;
	s0 =	sld [smem:$0x3F9E]  }
0x30: {  	s3 =	sld [smem:$0x3FA1]  }
0x31: {  	[smem:$0x3FAA] =	sst s10  }
0x32: {  	s10 =	sld [smem:$0x3FA8];
	_ =	sdelay $0x3  }
0x33: {  	p0 =	seq.s32 s10, $0x1;
	s10 =	sld [smem:$0x3FAA];
	_ =	sdelay $0x3  }
0x34: {  	[smem:$0x3FAA] =	sst s10  }
0x35: {  	s10 =	sld [smem:$0x3FA9];
	_ =	sdelay $0x3  }
0x36: {  	p1 =	seq.s32 s10, $0x1;
	s10 =	sld [smem:$0x3FAA];
	_ =	sdelay $0x3  }
0x37: {  	[smem:$0x3FAA] =	sst s10  }
0x38: {  	s10 =	sld [smem:$0x3FAB]  }
0x39: {  	_ = 	snop;
	(pc) =	sbr.ind lr, $3  }
0x3a: {  	_ = 	snop  }
0x3b: {  	_ = 	snop  }
0x3c: {  	p2 =	seq.s32 s10, $0x1;
	s10 =	sld [smem:$0x3FAA]  }
0x3d: {  	_ =	shalt  }
0x3e: {  	_ =	shalt  }
0x3f: {  	_ =	shalt  }
0x40: {  	_ =	shalt  }
0x41: {  	_ =	shalt  }
0x42: {  	_ =	shalt  }
0x43: {  	_ =	shalt  }
0x44: {  	_ =	shalt  }
0x45: {  	_ =	shalt  }
0x46: {  	_ =	shalt  }
0x47: {  	_ =	shalt  }
0x48: {  	_ =	shalt  }
0x49: {  	_ =	shalt  }
0x4a: {  	_ =	shalt  }
0x4b: {  	_ =	shalt  }
0x4c: {  	_ =	shalt  }
0x4d: {  	_ =	shalt  }
0x4e: {  	_ =	shalt  }
0x4f: {  	_ =	shalt  }
0x50: {  	_ =	shalt  }
0x51: {  	_ =	shalt  }
0x52: {  	_ =	shalt  }
0x53: {  	_ =	shalt  }
0x54: {  	_ =	shalt  }
0x55: {  	_ =	shalt  }
0x56: {  	_ =	shalt  }
0x57: {  	_ =	shalt  }
0x58: {  	_ =	shalt  }
0x59: {  	_ =	shalt  }
0x5a: {  	_ =	shalt  }
0x5b: {  	_ =	shalt  }
0x5c: {  	_ =	shalt  }
0x5d: {  	_ =	shalt  }
0x5e: {  	_ =	shalt  }
0x5f: {  	_ =	shalt  }
0x60: {  	_ =	shalt  }
0x61: {  	_ =	shalt  }
0x62: {  	_ =	shalt  }
0x63: {  	_ =	shalt  }
0x64: {  	_ =	shalt  }
0x65: {  	_ =	shalt  }
0x66: {  	_ =	shalt  }
0x67: {  	_ =	shalt  }
0x68: {  	_ =	shalt  }
0x69: {  	_ =	shalt  }
0x6a: {  	_ =	shalt  }
0x6b: {  	_ =	shalt  }
0x6c: {  	_ =	shalt  }
0x6d: {  	_ =	shalt  }
0x6e: {  	_ =	shalt  }
0x6f: {  	_ =	shalt  }
0x70: {  	_ =	shalt  }
0x71: {  	_ =	shalt  }
0x72: {  	_ =	shalt  }
0x73: {  	_ =	shalt  }
0x74: {  	_ =	shalt  }
0x75: {  	_ =	shalt  }
0x76: {  	_ =	shalt  }
0x77: {  	_ =	shalt  }
0x78: {  	_ =	shalt  }
0x79: {  	_ =	shalt  }
0x7a: {  	_ =	shalt  }
0x7b: {  	_ =	shalt  }
0x7c: {  	_ =	shalt  }
0x7d: {  	_ =	shalt  }
0x7e: {  	_ =	shalt  }
0x7f: {  	_ =	shalt  }
0x80: {  	_ =	shalt  }
0x81: {  	_ =	shalt  }
0x82: {  	_ =	shalt  }
0x83: {  	_ =	shalt  }
0x84: {  	_ =	shalt  }
0x85: {  	_ =	shalt  }
0x86: {  	_ =	shalt  }
0x87: {  	_ =	shalt  }
.Lfunc_end0:
.L_simem_size_0:
called_computation.3_lowered:
.L_overlay_start_0:
0x88: {  	s2 =	sld [smem:$0x3FD9]  }
0x89: {  	s3 =	sld [smem:$0x3FFE];
	_ =	sdelay $0x1  }
0x8a: {  	s1 =	srdreg.scid  }
0x8b: {  	s0 =	sand.u32 $0x1, s1  }
0x8c: {  	s17 =	sshll.u32 s0, $0xA;
	s2 =	sadd.s32 s3, s2  }
0x8d: {  	s2 =	sadd.s32 s2, s17  }
0x8e: {  	[smem:$0x3FB6] =	sst s2  }
0x8f: {  	_ = 	snop  }
0x90: {  	s2 =	sld [smem:$0x3FD0];
	(tm) =	ssettm $0x1  }
0x91: {  	s18 =	sld [smem:$0x3FFB];
	_ =	sdelay $0x3  }
0x92: {  	_ =	strace s18  }
0x93: {  	s3 =	sld [smem:$0x3FFC];
	_ =	sdelay $0x3  }
0x94: {  	_ =	strace s3  }
0x95: {  	s3 =	sld [smem:$0x3FFD];
	_ =	sdelay $0x3  }
0x96: {  	_ =	strace s3  }
0x97: {  	_ =	strace $0x8FFFFFFF  }
0x98: {  	s19 =	sld [smem:$0x3FDB];
	_ =	sdelay $0x1  }
0x99: {  	s4 =	simm.s32 $_scs_section_size  }
0x9a: {  	s5 =	simm.s32 $_size__tile_overlayer_lowered;
	s6 =	simm.s32 $_tile_overlayer_lowered  }
0x9b: {  	s22 =	simm.s32 $0x1BFF;
	s21 =	sshll.u32 s6, $0x1;
	s3 =	sadd.s32 s4, s19  }
0x9c: {  	s7 =	simm.s32 $0x0;
	s20 =	sshll.u32 s5, $0x1;
	s5 =	sadd.s32 s21, s3  }
0x9d: {  	[timem:s7], [sflag:s22] =	dma.local [hbm:s5], s20  }
0x9e: {  	_ =	swait.ge [sflag:s22], s20  }
0x9f: {  	s4 =	ssub.s32 $0x0, s20;
	[sflag:s22] =	ssyncset.done $0x0  }
0xa0: {  	[sflag:s22] =	ssyncadd.s32 s4;
	_ =	sdelay $0x1  }
0xa1: {  	s23 =	simm.s32 $0x1B8B  }
0xa2: {  	_ =	swait.ge [sflag:s23], $0x1  }
0xa3: {  	[sflag:s23] =	ssyncset.done $0x0  }
0xa4: {  	s25 =	simm.s32 $0x1B8E;
	s24 =	sld [smem:$0x3FFE];
	[sflag:s23] =	ssyncadd.s32 $0xFFFFFFFF  }
0xa5: {  	s26 =	simm.s32 $execute0_lowered;
	[smem:$0x3FD2] =	sst s25  }
0xa6: {  	s5 =	sshll.u32 s26, $0x1;
	_ =	strace $0x8000004F;
	[dreg:$0x1] =	wrdreg $0xFFFFFFFF  }
0xa7: {  	s28 =	simm.s32 $_size_execute0_lowered;
	s3 =	sadd.s32 s3, s5;
	[dreg:$0x0] =	wrdreg $0x0  }
0xa8: {  	s5 =	sshll.u32 s28, $0x1;
	[dreg:$0x2] =	wrdreg s3  }
0xa9: {  	[dreg:$0x3] =	wrdreg s5  }
0xaa: {  	[dreg:$0x4] =	wrdreg $0xC0  }
0xab: {  	_ =	task [dreg:s7], $0x5FFFF  }
0xac: {  	[dreg:$0x1] =	wrdreg $0xFFFFFFFF  }
0xad: {  	[dreg:$0x0] =	wrdreg $0x60  }
0xae: {  	[dreg:$0x2] =	wrdreg s2  }
0xaf: {  	[dreg:$0x3] =	wrdreg s24  }
0xb0: {  	[dreg:$0x4] =	wrdreg $0x9  }
0xb1: {  	_ =	task.clear_ibuf [dreg:s7], $0x5FFFF;
	_ =	strace $0x9000004F  }
0xb2: {  	s29 =	simm.s32 $0x9;
	_ =	strace $0x80000051  }
0xb3: {  	_ =	swait.ge [sflag:s29], $0x1  }
0xb4: {  	[sflag:s29] =	ssyncadd.s32 $0xFFFFFFFF  }
0xb5: {  	_ =	strace $0x90000051  }
0xb6: {  	_ =	sfence  }
0xb7: {  	s30 =	sld [smem:$0x0];
	_ =	sdelay $0x2  }
0xb8: {  	s31 =	sshll.u32 s1, $0xD;
	s1 =	sshrl.u32 s1, $0x2  }
0xb9: {  	s3 =	sand.u32 $0x4000, s31;
	s1 =	sadd.s32 s1, s30  }
0xba: {  	s0 =	sor.u32 s3, s0;
	s1 =	sshll.u32 s1, $0x11  }
0xbb: {  	s0 =	sor.u32 s1, s0  }
0xbc: {  	s0 =	sadd.s32 $0x8F2B, s0  }
0xbd: {  	[sflag:s0] =	ssyncadd.remote.s32 $0x1  }
0xbe: {  	_ =	sfence.sel $0xFFFF  }
0xbf: {  	[dreg:$0x0] =	wrdreg $0xFFFFFFFF;
	(pc) =	sbr.abs _section_cstart, $3  }
0xc0: {  	[dreg:$0x1] =	wrdreg $0xFFFFFFFF  }
0xc1: {  	_ =	task.clear_ibuf [dreg:s7], $0x2FFFF;
	_ =	strace $0x9FFFFFFF  }
0xc2: {  	(tm) =	ssettm $0x7FFFFFFF  }
0xc3: {  	_ =	shalt  }
tec
execute0_lowered:
.L_overlay_start_1:
0x0: {  	(tag) =	ssettag $0x1  }
0x1: {  	s1 =	rddreg [dreg:$0x0]  }
0x2: {  	s0 =	rddreg [dreg:$0x1];
	s3 =	simm.s32 $0x0;
	s2 =	srdreg.scid  }
0x3: {  	s4 =	stileid.u32;
	s11 =	simm.s32 $0x3;
	s13 =	simm.s32 $0x80  }
0x4: {  	s14 =	simm.s32 $0x400;
	s18 =	simm.s32 $0x180;
	s19 =	simm.s32 $0x3400  }
0x5: {  	s20 =	simm.s32 $0x200;
	s21 =	simm.s32 $0x4400;
	s22 =	simm.s32 $0x280  }
0x6: {  	s23 =	simm.s32 $0x5400;
	s24 =	simm.s32 $0x300;
	s28 =	simm.s32 $0x7400  }
0x7: {  	s29 =	simm.s32 $0x8800;
	s31 =	simm.s32 $0x8C00;
	s10 =	simm.s32 $0x2  }
0x8: {  	[smem:$0x7FF] =	sst s3;
	s2 =	sand.u32 $0x1, s2;
	s4 =	sshll.u32 s4, $0x1  }
0x9: {  	s5 =	sadd.s32 $0x3C00, s0;
	s7 =	ssub.s32 $0x2, s2;
	s2 =	sor.u32 s2, s4  }
0xa: {  	s6 =	sadd.s32 $0x157C00, s0;
	s8 =	sshrl.u32 s7, $0x1;
	s9 =	smul.u32 $0xAA00, s2  }
0xb: {  	_ =	strace $0x80000050;
	s4 =	sadd.s32 $0xDF5C00, s0;
	s25 =	ssub.s32 s7, s8  }
0xc: {  	s7 =	smul.u32 $0x154, s2;
	s8 =	simm.s32 $0x1;
	s26 =	sadd.s32 s4, s9  }
0xd: {  	s2 =	simm.s32 $0x0;
	s30 =	sadd.s32 s5, s9;
	[dreg:$0x3] =	wrdreg s26  }
0xe: {  	v0 =	vlaneseq.u32;
	s0 =	smax.u32 s25, $0x1;
	s25 =	simm.s32 $0x6400;
	[dreg:$0x4] =	wrdreg s30  }
0xf: {  	v0 =	vmul.u32 $0x800, v0;
	s9 =	simm.s32 $0x11000;
	[dreg:$0x5] =	wrdreg s0;
	s26 =	simm.s32 $0x380  }
.LBB2_1:
0x10: {  	[dreg:$0x6] =	wrdreg s2  }
0x11: {  	s0 =	rddreg [dreg:$0x3]  }
0x12: {  	[tilespmem:s3], [sflag:$0x3] =	stream.linear.gather [hbm4b:s0+s3], $0x400, $0x38;
	[tilespmem:$0x11200] =	vst v63  }
0x13: {  	_ =	swait.ge [sflag:s11], $0x400  }
0x14: {  	[sflag:s11] =	ssyncset.done $0x0  }
0x15: {  	s12 =	simm.s32 $0x8400;
	s2 =	rddreg [dreg:$0x4];
	[sflag:s11] =	ssyncadd.s32 $0xFFFFFC00  }
0x16: {  	[tilespmem:s12], [sflag:$0x3] =	stream.linear.gather [hbm4b:s2+s3], $0x400, $0x38;
	[tilespmem:$0x11200] =	vst v63  }
0x17: {  	_ =	swait.ge [sflag:s11], $0x400  }
0x18: {  	[sflag:s11] =	ssyncset.done $0x0  }
0x19: {  	[sflag:s11] =	ssyncadd.s32 $0xFFFFFC00  }
0x1a: {  	[tilespmem:s14], [sflag:$0x1] =	stream.indirect.gather [hbm4b:s1+s13], $0x20, s3, s13, $0xb8;
	[tilespmem:$0x11200] =	vst v63  }
0x1b: {  	s15 =	simm.s32 $0x1400  }
0x1c: {  	[tilespmem:s15], [sflag:$0x1] =	stream.indirect.gather [hbm4b:s1+s13], $0x20, s13, s13, $0xb8;
	[tilespmem:$0x11200] =	vst v63  }
0x1d: {  	s16 =	simm.s32 $0x100;
	s17 =	simm.s32 $0x2400  }
0x1e: {  	[tilespmem:s17], [sflag:$0x1] =	stream.indirect.gather [hbm4b:s1+s13], $0x20, s16, s13, $0xb8;
	[tilespmem:$0x11200] =	vst v63  }
0x1f: {  	_ = 	snop  }
0x20: {  	[tilespmem:s19], [sflag:$0x1] =	stream.indirect.gather [hbm4b:s1+s13], $0x20, s18, s13, $0xb8;
	[tilespmem:$0x11200] =	vst v63  }
0x21: {  	_ = 	snop  }
0x22: {  	[tilespmem:s21], [sflag:$0x1] =	stream.indirect.gather [hbm4b:s1+s13], $0x20, s20, s13, $0xb8;
	[tilespmem:$0x11200] =	vst v63  }
0x23: {  	_ = 	snop  }
0x24: {  	[tilespmem:s23], [sflag:$0x1] =	stream.indirect.gather [hbm4b:s1+s13], $0x20, s22, s13, $0xb8;
	[tilespmem:$0x11200] =	vst v63  }
0x25: {  	_ = 	snop  }
0x26: {  	[tilespmem:s25], [sflag:$0x1] =	stream.indirect.gather [hbm4b:s1+s13], $0x20, s24, s13, $0xb8;
	[tilespmem:$0x11200] =	vst v63  }
0x27: {  	s30 =	simm.s32 $0x0  }
0x28: {  	[tilespmem:s28], [sflag:$0x1] =	stream.indirect.gather [hbm4b:s1+s13], $0x20, s26, s13, $0xb8;
	[tilespmem:$0x11200] =	vst v63  }
.LBB2_2:
0x29: {  	s0 =	sshll.u32 s30, $0x1  }
0x2a: {  	s2 =	sadd.s32 s7, s0  }
0x2b: {  	s0 =	sor.u32 $0x1, s2  }
0x2c: {  	s12 =	sshll.u32 s0, $0x7  }
0x2d: {  	s12 =	sand.u32 $0x1FFFFF80, s12  }
0x2e: {  	s16 =	simm.s32 $0x0;
	s15 =	sadd.s32 s4, s12  }
0x2f: {  	[tilespmem:s29], [sflag:$0x3] =	stream.linear.gather [hbm4b:s15+s16], $0x400, $0x38;
	[tilespmem:$0x11200] =	vst v63  }
0x30: {  	_ =	swait.ge [sflag:s11], $0x400  }
0x31: {  	[sflag:s11] =	ssyncset.done $0x0  }
0x32: {  	s17 =	simm.s32 $0x10C00;
	s12 =	sadd.s32 s5, s12;
	[sflag:s11] =	ssyncadd.s32 $0xFFFFFC00  }
0x33: {  	[tilespmem:s17], [sflag:$0x3] =	stream.linear.gather [hbm4b:s12+s16], $0x400, $0x38;
	[tilespmem:$0x11200] =	vst v63  }
0x34: {  	_ =	swait.ge [sflag:s11], $0x400  }
0x35: {  	[sflag:s11] =	ssyncset.done $0x0  }
0x36: {  	[sflag:s11] =	ssyncadd.s32 $0xFFFFFC00  }
0x37: {  	[tilespmem:s31], [sflag:$0x2] =	stream.indirect.gather [hbm4b:s1+s13], $0x20, s29, s13, $0xb8;
	[tilespmem:$0x11200] =	vst v63  }
0x38: {  	s15 =	simm.s32 $0x8880;
	s17 =	simm.s32 $0x9C00  }
0x39: {  	[tilespmem:s17], [sflag:$0x2] =	stream.indirect.gather [hbm4b:s1+s13], $0x20, s15, s13, $0xb8;
	[tilespmem:$0x11200] =	vst v63  }
0x3a: {  	s15 =	simm.s32 $0x8900;
	s17 =	simm.s32 $0xAC00  }
0x3b: {  	[tilespmem:s17], [sflag:$0x2] =	stream.indirect.gather [hbm4b:s1+s13], $0x20, s15, s13, $0xb8;
	[tilespmem:$0x11200] =	vst v63  }
0x3c: {  	s15 =	simm.s32 $0x8980;
	s17 =	simm.s32 $0xBC00  }
0x3d: {  	[tilespmem:s17], [sflag:$0x2] =	stream.indirect.gather [hbm4b:s1+s13], $0x20, s15, s13, $0xb8;
	[tilespmem:$0x11200] =	vst v63  }
0x3e: {  	s15 =	simm.s32 $0x8A00;
	s17 =	simm.s32 $0xCC00  }
0x3f: {  	[tilespmem:s17], [sflag:$0x2] =	stream.indirect.gather [hbm4b:s1+s13], $0x20, s15, s13, $0xb8;
	[tilespmem:$0x11200] =	vst v63  }
0x40: {  	s15 =	simm.s32 $0x8A80;
	s17 =	simm.s32 $0xDC00  }
0x41: {  	[tilespmem:s17], [sflag:$0x2] =	stream.indirect.gather [hbm4b:s1+s13], $0x20, s15, s13, $0xb8;
	[tilespmem:$0x11200] =	vst v63  }
0x42: {  	s15 =	simm.s32 $0x8B00;
	s17 =	simm.s32 $0xEC00  }
0x43: {  	[tilespmem:s17], [sflag:$0x2] =	stream.indirect.gather [hbm4b:s1+s13], $0x20, s15, s13, $0xb8;
	[tilespmem:$0x11200] =	vst v63  }
0x44: {  	s15 =	simm.s32 $0x8B80;
	s17 =	simm.s32 $0xFC00  }
0x45: {  	[tilespmem:s17], [sflag:$0x2] =	stream.indirect.gather [hbm4b:s1+s13], $0x20, s15, s13, $0xb8;
	[tilespmem:$0x11200] =	vst v63  }
0x46: {  	_ =	swait.ge [sflag:s8], $0x1000  }
0x47: {  	[sflag:s8] =	ssyncset.done $0x0  }
0x48: {  	[sflag:s8] =	ssyncadd.s32 $0xFFFFF000  }
0x49: {  	_ =	swait.ge [sflag:s8], $0x1000  }
0x4a: {  	[sflag:s8] =	ssyncset.done $0x0  }
0x4b: {  	[sflag:s8] =	ssyncadd.s32 $0xFFFFF000  }
0x4c: {  	_ =	swait.ge [sflag:s8], $0x1000  }
0x4d: {  	[sflag:s8] =	ssyncset.done $0x0  }
0x4e: {  	[sflag:s8] =	ssyncadd.s32 $0xFFFFF000  }
0x4f: {  	_ =	swait.ge [sflag:s8], $0x1000  }
0x50: {  	[sflag:s8] =	ssyncset.done $0x0  }
0x51: {  	[sflag:s8] =	ssyncadd.s32 $0xFFFFF000  }
0x52: {  	_ =	swait.ge [sflag:s8], $0x1000  }
0x53: {  	[sflag:s8] =	ssyncset.done $0x0  }
0x54: {  	[sflag:s8] =	ssyncadd.s32 $0xFFFFF000  }
0x55: {  	_ =	swait.ge [sflag:s8], $0x1000  }
0x56: {  	s17 =	simm.s32 $0x1;
	[sflag:s8] =	ssyncset.done $0x0  }
0x57: {  	v1 =	vmov s17;
	[sflag:s8] =	ssyncadd.s32 $0xFFFFF000  }
0x58: {  	v1 =	vshll.u32 v1, $0x5;
	_ =	swait.ge [sflag:s8], $0x1000  }
0x59: {  	v7 =	vor.u32 v0, v1;
	[sflag:s8] =	ssyncset.done $0x0  }
0x5a: {  	v1 =	vor.u32 $0x8, v7;
	[sflag:s8] =	ssyncadd.s32 $0xFFFFF000  }
0x5b: {  	_ =	swait.ge [sflag:s8], $0x1000  }
0x5c: {  	[sflag:s8] =	ssyncset.done $0x0  }
0x5d: {  	v2 =	vor.u32 $0x9, v7;
	[sflag:s8] =	ssyncadd.s32 $0xFFFFF000  }
0x5e: {  	v3 =	vmov s16;
	v5 =	vor.u32 $0x1, v7;
	v4 =	vld.idx.msk [tilespmem:v7+s14+$0x0], $0xffff  }
0x5f: {  	v3 =	vshll.u32 v3, $0x5;
	s12 =	simm.s32 $0x8410;
	v8 =	vor.u32 $0x2, v7;
	v13 =	vld.idx.msk [tilespmem:v1+s14+$0x0], $0xffff  }
0x60: {  	v21 =	vor.u32 v0, v3;
	v1 =	vld [tilespmem:s12+$0xFFFFFFF0]  }
0x61: {  	v9 =	vor.u32 $0xF, v7;
	v3 =	vld [tilespmem:s12+$0x0]  }
0x62: {  	v11 =	vor.u32 $0x7, v7;
	v10 =	vld.idx.msk [tilespmem:v2+s14+$0x0], $0xffff  }
0x63: {  	v12 =	vor.u32 $0x4, v7;
	v5 =	vld.idx.msk [tilespmem:v5+s14+$0x0], $0xffff  }
0x64: {  	v6 =	vimm.f32 $0.0e+00;
	v36 =	vimm.f32 $0.0e+00;
	v15 =	vor.u32 $0xE, v7;
	v8 =	vld.idx.msk [tilespmem:v8+s14+$0x0], $0xffff  }
0x65: {  	v17 =	vor.u32 $0x4, v21;
	v19 =	vor.u32 $0x1, v21;
	v14 =	vor.u32 $0xB, v7;
	v18 =	vld.idx.msk [tilespmem:v21+s14+$0x0], $0xffff  }
0x66: {  	v20 =	vor.u32 $0x6, v21;
	v26 =	vor.u32 $0x3, v21;
	v33 =	vor.u32 $0x5, v21;
	v9 =	vld.idx.msk [tilespmem:v9+s14+$0x0], $0xffff  }
0x67: {  	v23 =	vor.u32 $0x8, v21;
	v30 =	vor.u32 $0xA, v21;
	v2 =	vor.u32 $0x2, v21;
	v11 =	vld.idx.msk [tilespmem:v11+s14+$0x0], $0xffff  }
0x68: {  	v27 =	vor.u32 $0xC, v21;
	v40 =	vor.u32 $0xD, v21;
	v25 =	vor.u32 $0x9, v21;
	v12 =	vld.idx.msk [tilespmem:v12+s14+$0x0], $0xffff  }
0x69: {  	v39 =	vor.u32 $0xE, v21;
	v28 =	vor.u32 $0x7, v21;
	v29 =	vor.u32 $0xF, v21;
	v15 =	vld.idx.msk [tilespmem:v15+s14+$0x0], $0xffff  }
0x6a: {  	v16 =	vor.u32 $0xC, v7;
	v24 =	vor.u32 $0xD, v7;
	v49 =	vor.u32 $0x3, v7;
	v35 =	vld.idx.msk [tilespmem:v14+s14+$0x0], $0xffff  }
0x6b: {  	v44 =	vld.idx.msk [tilespmem:v17+s14+$0x0], $0xffff;
	v17 =	vor.u32 $0x6, v7;
	v38 =	vmul.f32 v8, v3;
	v8 =	vmul.f32 v18, v1  }
0x6c: {  	v14 =	vor.u32 $0xA, v7;
	v22 =	vld.idx.msk [tilespmem:v2+s14+$0x0], $0xffff;
	v31 =	vmul.f32 v5, v3;
	v2 =	vmul.f32 v9, v3  }
0x6d: {  	v43 =	vld.idx.msk [tilespmem:v19+s14+$0x0], $0xffff;
	v19 =	vimm.f32 $0.0e+00;
	v9 =	vmul.f32 v4, v3;
	v37 =	vmul.f32 v11, v3  }
0x6e: {  	v34 =	vld.idx.msk [tilespmem:v20+s14+$0x0], $0xffff;
	v20 =	vimm.f32 $0.0e+00;
	v4 =	vmul.f32 v10, v3;
	v42 =	vmul.f32 v12, v3  }
0x6f: {  	v46 =	vld.idx.msk [tilespmem:v24+s14+$0x0], $0xffff;
	v24 =	vmul.f32 v15, v3;
	v11 =	vimm.f32 $0.0e+00;
	v10 =	vimm.f32 $0.0e+00  }
0x70: {  	v45 =	vld.idx.msk [tilespmem:v17+s14+$0x0], $0xffff;
	v15 =	vimm.f32 $0.0e+00;
	v17 =	vimm.f32 $0.0e+00;
	v8 =	vadd.f32 v8, v6  }
0x71: {  	v47 =	vld.idx.msk [tilespmem:v14+s14+$0x0], $0xffff;
	v14 =	vimm.f32 $0.0e+00;
	v12 =	vimm.f32 $0.0e+00;
	v5 =	vmul.f32 v22, v1  }
0x72: {  	v48 =	vld.idx.msk [tilespmem:v28+s14+$0x0], $0xffff;
	v18 =	vimm.f32 $0.0e+00;
	v9 =	vadd.f32 v9, v8;
	v8 =	vimm.f32 $0.0e+00  }
0x73: {  	s15 =	simm.s32 $0x2;
	v41 =	vld.idx.msk [tilespmem:v29+s14+$0x0], $0xffff;
	v22 =	vimm.f32 $0.0e+00;
	v32 =	vadd.f32 v5, v6;
	v5 =	vimm.f32 $0.0e+00  }
.LBB2_3:
0x74: {  	p0 =	slt.u32 s15, $0x3E  }
0x75: {  	v44 =	vmul.f32 v44, v1;
	v29 =	vmul.f32 v35, v3;
	v16 =	vld.idx.msk [tilespmem:v16+s14+$0x0], $0xffff;
	s12 =	sadd.s32 $0x20, s12;
	s16 =	smov.u32 s15;
	s15 =	sadd.s32 $0x2, s15  }
0x76: {  	v28 =	vmul.f32 v13, v3;
	v46 =	vmul.f32 v46, v3;
	s17 =	sadd.s32 $0x1, s16;
	v35 =	vld.idx.msk [tilespmem:v40+s14+$0x0], $0xffff;
	v40 =	vor.u32 $0x5, v7  }
0x77: {  	v13 =	vmul.f32 v48, v1;
	v7 =	vmov s17;
	v6 =	vadd.f32 v44, v6;
	v39 =	vld.idx.msk [tilespmem:v39+s14+$0x0], $0xffff  }
0x78: {  	v21 =	vor.u32 $0xB, v21;
	v32 =	vadd.f32 v38, v32;
	v38 =	vmul.f32 v47, v3;
	v33 =	vld.idx.msk [tilespmem:v33+s14+$0x0], $0xffff  }
0x79: {  	v43 =	vmul.f32 v43, v1;
	v11 =	vadd.f32 v13, v11;
	v44 =	vmul.f32 v45, v3;
	v13 =	vld.idx.msk [tilespmem:v49+s14+$0x0], $0xffff  }
0x7a: {  	v7 =	vshll.u32 v7, $0x5;
	v41 =	vmul.f32 v41, v1;
	v6 =	vadd.f32 v42, v6;
	v30 =	vld.idx.msk [tilespmem:v30+s14+$0x0], $0xffff  }
0x7b: {  	v19 =	vadd.f32 v43, v19;
	v11 =	vadd.f32 v37, v11;
	v37 =	vmul.f32 v16, v3;
	v26 =	vld.idx.msk [tilespmem:v26+s14+$0x0], $0xffff  }
0x7c: {  	v34 =	vmul.f32 v34, v1;
	v7 =	vor.u32 v0, v7;
	v35 =	vmul.f32 v35, v1;
	v27 =	vld.idx.msk [tilespmem:v27+s14+$0x0], $0xffff  }
0x7d: {  	v42 =	vor.u32 $0x8, v7;
	v16 =	vor.u32 $0xC, v7;
	v43 =	vor.u32 $0xF, v7;
	v23 =	vld.idx.msk [tilespmem:v23+s14+$0x0], $0xffff  }
0x7e: {  	v10 =	vadd.f32 v34, v10;
	v45 =	vmul.f32 v33, v1;
	v33 =	vmul.f32 v39, v1;
	v34 =	vld.idx.msk [tilespmem:v40+s14+$0x0], $0xffff  }
0x7f: {  	v19 =	vadd.f32 v31, v19;
	v49 =	vmul.f32 v13, v3;
	v25 =	vld.idx.msk [tilespmem:v25+s14+$0x0], $0xffff  }
0x80: {  	v31 =	vor.u32 $0x4, v7;
	v10 =	vadd.f32 v44, v10;
	v30 =	vmul.f32 v30, v1;
	v39 =	vld.idx.msk [tilespmem:v21+s14+$0x0], $0xffff  }
0x81: {  	v20 =	vadd.f32 v41, v20;
	v5 =	vadd.f32 v33, v5;
	v21 =	vor.u32 $0x9, v7;
	v47 =	vld.idx.msk [tilespmem:v7+s14+$0x0], $0xffff  }
0x82: {  	v8 =	vadd.f32 v35, v8;
	v33 =	vor.u32 $0xB, v7;
	v26 =	vmul.f32 v26, v1;
	v13 =	vld.idx.msk [tilespmem:v42+s14+$0x0], $0xffff  }
0x83: {  	v41 =	vor.u32 $0x7, v7;
	v5 =	vadd.f32 v24, v5;
	v42 =	vmul.f32 v23, v1;
	v40 =	vld [tilespmem:s12+$0xFFFFFFF0]  }
0x84: {  	v24 =	vor.u32 $0x1, v7;
	v15 =	vadd.f32 v30, v15;
	v36 =	vadd.f32 v26, v36;
	v23 =	vld [tilespmem:s12+$0x0]  }
0x85: {  	v30 =	vor.u32 $0x2, v7;
	v27 =	vmul.f32 v27, v1;
	v26 =	vmov s16;
	v50 =	vld.idx.msk [tilespmem:v31+s14+$0x0], $0xffff  }
0x86: {  	v8 =	vadd.f32 v46, v8;
	v26 =	vshll.u32 v26, $0x5;
	v31 =	vor.u32 $0xE, v7;
	v51 =	vld.idx.msk [tilespmem:v21+s14+$0x0], $0xffff  }
0x87: {  	v17 =	vadd.f32 v27, v17;
	v46 =	vmul.f32 v34, v3;
	v21 =	vor.u32 v0, v26;
	v35 =	vld.idx.msk [tilespmem:v33+s14+$0x0], $0xffff  }
0x88: {  	v48 =	vmul.f32 v25, v1;
	v34 =	vor.u32 $0x2, v21;
	v44 =	vor.u32 $0x4, v21;
	v41 =	vld.idx.msk [tilespmem:v41+s14+$0x0], $0xffff  }
0x89: {  	v25 =	vmul.f32 v39, v1;
	v52 =	vor.u32 $0x1, v21;
	v53 =	vor.u32 $0x6, v21;
	v1 =	vmovc v40;
	v24 =	vld.idx.msk [tilespmem:v24+s14+$0x0], $0xffff;
	v3 =	vmovc v23  }
0x8a: {  	v22 =	vadd.f32 v45, v22;
	v26 =	vor.u32 $0x3, v21;
	v33 =	vor.u32 $0x5, v21;
	v54 =	vld.idx.msk [tilespmem:v30+s14+$0x0], $0xffff  }
0x8b: {  	v15 =	vadd.f32 v38, v15;
	v23 =	vor.u32 $0x8, v21;
	v30 =	vor.u32 $0xA, v21;
	v45 =	vld.idx.msk [tilespmem:v43+s14+$0x0], $0xffff  }
0x8c: {  	v27 =	vor.u32 $0xC, v21;
	v14 =	vadd.f32 v25, v14;
	v40 =	vor.u32 $0xD, v21;
	v55 =	vld.idx.msk [tilespmem:v21+s14+$0x0], $0xffff  }
0x8d: {  	v57 =	vor.u32 $0xD, v7;
	v25 =	vor.u32 $0x9, v21;
	v39 =	vor.u32 $0xE, v21;
	v56 =	vld.idx.msk [tilespmem:v34+s14+$0x0], $0xffff  }
0x8e: {  	v12 =	vadd.f32 v48, v12;
	v58 =	vor.u32 $0x7, v21;
	v59 =	vor.u32 $0xF, v21;
	v60 =	vld.idx.msk [tilespmem:v31+s14+$0x0], $0xffff  }
0x8f: {  	v61 =	vor.u32 $0x6, v7;
	v62 =	vor.u32 $0xA, v7;
	v18 =	vadd.f32 v42, v18;
	v44 =	vld.idx.msk [tilespmem:v44+s14+$0x0], $0xffff  }
0x90: {  	v20 =	vadd.f32 v2, v20;
	v17 =	vadd.f32 v37, v17;
	v38 =	vmul.f32 v54, v3;
	v34 =	vld.idx.msk [tilespmem:v53+s14+$0x0], $0xffff  }
0x91: {  	v22 =	vadd.f32 v46, v22;
	v31 =	vmul.f32 v24, v3;
	v2 =	vmul.f32 v45, v3;
	v43 =	vld.idx.msk [tilespmem:v52+s14+$0x0], $0xffff  }
.Ltmp0:
0x92: {  	v12 =	vadd.f32 v4, v12;
	v37 =	vmul.f32 v41, v3;
	v24 =	vmul.f32 v55, v1;
	v46 =	vld.idx.msk [tilespmem:v57+s14+$0x0], $0xffff;
	(pc) =	sbr.rel @p0 .LBB2_3-.Ltmp0, $4  }
0x93: {  	v14 =	vadd.f32 v29, v14;
	v4 =	vmul.f32 v51, v3;
	v41 =	vmul.f32 v56, v1;
	v48 =	vld.idx.msk [tilespmem:v58+s14+$0x0], $0xffff  }
0x94: {  	v36 =	vadd.f32 v49, v36;
	v9 =	vadd.f32 v24, v9;
	v24 =	vmul.f32 v47, v3;
	v47 =	vld.idx.msk [tilespmem:v62+s14+$0x0], $0xffff  }
0x95: {  	v18 =	vadd.f32 v28, v18;
	v42 =	vmul.f32 v50, v3;
	v32 =	vadd.f32 v41, v32;
	v45 =	vld.idx.msk [tilespmem:v61+s14+$0x0], $0xffff  }
0x96: {  	v49 =	vor.u32 $0x3, v7;
	v9 =	vadd.f32 v24, v9;
	v24 =	vmul.f32 v60, v3;
	v41 =	vld.idx.msk [tilespmem:v59+s14+$0x0], $0xffff  }
0x97: {  	_ =	sdelay $0x3  }
0x98: {  	v16 =	vld.idx.msk [tilespmem:v16+s14+$0x0], $0xffff  }
0x99: {  	v28 =	vld.idx.msk [tilespmem:v40+s14+$0x0], $0xffff  }
0x9a: {  	v29 =	vld.idx.msk [tilespmem:v39+s14+$0x0], $0xffff  }
0x9b: {  	v33 =	vld.idx.msk [tilespmem:v33+s14+$0x0], $0xffff  }
0x9c: {  	v26 =	vld.idx.msk [tilespmem:v26+s14+$0x0], $0xffff  }
0x9d: {  	v7 =	vor.u32 $0x5, v7;
	v58 =	vld.idx.msk [tilespmem:v49+s14+$0x0], $0xffff  }
0x9e: {  	v21 =	vor.u32 $0xB, v21;
	v43 =	vmul.f32 v43, v1;
	v23 =	vld.idx.msk [tilespmem:v23+s14+$0x0], $0xffff  }
0x9f: {  	v59 =	vmul.f32 v44, v1;
	v35 =	vmul.f32 v35, v3;
	v25 =	vld.idx.msk [tilespmem:v25+s14+$0x0], $0xffff  }
0xa0: {  	v30 =	vld.idx.msk [tilespmem:v30+s14+$0x0], $0xffff;
	v13 =	vmul.f32 v13, v3;
	v34 =	vmul.f32 v34, v1;
	v19 =	vadd.f32 v43, v19  }
0xa1: {  	v27 =	vld.idx.msk [tilespmem:v27+s14+$0x0], $0xffff;
	v32 =	vadd.f32 v38, v32;
	v61 =	vmul.f32 v48, v1;
	v6 =	vadd.f32 v59, v6  }
0xa2: {  	v60 =	vmul.f32 v46, v3;
	v10 =	vadd.f32 v34, v10;
	v19 =	vadd.f32 v31, v19;
	v7 =	vld.idx.msk [tilespmem:v7+s14+$0x0], $0xffff  }
0xa3: {  	v11 =	vadd.f32 v61, v11;
	v63 =	vmul.f32 v45, v3;
	v26 =	vmul.f32 v26, v1;
	v21 =	vld.idx.msk [tilespmem:v21+s14+$0x0], $0xffff  }
0xa4: {  	v6 =	vadd.f32 v42, v6;
	[tilespmem:$0x11010] =	vst v19;
	v19 =	vmul.f32 v23, v1;
	v23 =	vmul.f32 v25, v1  }
0xa5: {  	v33 =	vmul.f32 v33, v1;
	[tilespmem:$0x11000] =	vst v9;
	v11 =	vadd.f32 v37, v11;
	v10 =	vadd.f32 v63, v10  }
0xa6: {  	v31 =	vmul.f32 v58, v3;
	[tilespmem:$0x11020] =	vst v32;
	v26 =	vadd.f32 v26, v36;
	v12 =	vadd.f32 v23, v12  }
0xa7: {  	v9 =	vadd.f32 v33, v22;
	[tilespmem:$0x11070] =	vst v11;
	v11 =	vmul.f32 v29, v1;
	v7 =	vmul.f32 v7, v3  }
0xa8: {  	[tilespmem:$0x11040] =	vst v6;
	v18 =	vadd.f32 v19, v18;
	v6 =	vmul.f32 v21, v1;
	v4 =	vadd.f32 v4, v12  }
0xa9: {  	[tilespmem:$0x11060] =	vst v10;
	v22 =	vadd.f32 v31, v26;
	v7 =	vadd.f32 v7, v9;
	v9 =	vmul.f32 v30, v1  }
0xaa: {  	v62 =	vmul.f32 v47, v3;
	v13 =	vadd.f32 v13, v18;
	v6 =	vadd.f32 v6, v14;
	[tilespmem:$0x11090] =	vst v4  }
0xab: {  	v4 =	vadd.f32 v11, v5;
	[tilespmem:$0x11050] =	vst v7;
	v7 =	vadd.f32 v9, v15;
	v9 =	vmul.f32 v27, v1  }
0xac: {  	v10 =	vmul.f32 v28, v1;
	v3 =	vmul.f32 v16, v3;
	[tilespmem:$0x11030] =	vst v22;
	v6 =	vadd.f32 v35, v6  }
0xad: {  	s12 =	simm.s32 $0x1;
	[tilespmem:$0x11080] =	vst v13;
	v1 =	vmul.f32 v41, v1;
	v4 =	vadd.f32 v24, v4;
	v9 =	vadd.f32 v9, v17  }
0xae: {  	v8 =	vadd.f32 v10, v8;
	v5 =	vmov s12;
	v7 =	vadd.f32 v62, v7;
	[tilespmem:$0x110B0] =	vst v6  }
0xaf: {  	v5 =	vshll.u32 v5, $0x5;
	v1 =	vadd.f32 v1, v20;
	[tilespmem:$0x110E0] =	vst v4;
	v3 =	vadd.f32 v3, v9  }
0xb0: {  	[tilespmem:$0x110A0] =	vst v7;
	v7 =	vadd.f32 v60, v8;
	v9 =	vor.u32 v0, v5  }
0xb1: {  	v1 =	vadd.f32 v2, v1;
	v4 =	vor.u32 $0x11, v9;
	[tilespmem:$0x110C0] =	vst v3  }
0xb2: {  	v5 =	vor.u32 $0x19, v9;
	[tilespmem:$0x110D0] =	vst v7  }
0xb3: {  	s12 =	simm.s32 $0x8410;
	v6 =	vor.u32 $0x13, v9;
	[tilespmem:$0x110F0] =	vst v1  }
0xb4: {  	v14 =	vor.u32 $0x16, v9;
	v2 =	vld [tilespmem:s12+$0xFFFFFFF0]  }
0xb5: {  	s15 =	simm.s32 $0x0;
	v17 =	vor.u32 $0x17, v9;
	v1 =	vld [tilespmem:s12+$0x0]  }
0xb6: {  	v8 =	vmov s15;
	v20 =	vor.u32 $0x15, v9;
	v16 =	vld.idx.msk [tilespmem:v4+s14+$0x0], $0xffff  }
0xb7: {  	v8 =	vshll.u32 v8, $0x5;
	v3 =	vor.u32 $0x10, v9;
	v5 =	vld.idx.msk [tilespmem:v5+s14+$0x0], $0xffff  }
0xb8: {  	v7 =	vor.u32 $0x12, v9;
	v24 =	vor.u32 v0, v8;
	v19 =	vld.idx.msk [tilespmem:v6+s14+$0x0], $0xffff  }
0xb9: {  	v8 =	vor.u32 $0x10, v24;
	v40 =	vld.idx.msk [tilespmem:v14+s14+$0x0], $0xffff  }
0xba: {  	v13 =	vor.u32 $0x12, v24;
	v42 =	vld.idx.msk [tilespmem:v17+s14+$0x0], $0xffff  }
0xbb: {  	v4 =	vor.u32 $0x1C, v9;
	v43 =	vld.idx.msk [tilespmem:v20+s14+$0x0], $0xffff  }
0xbc: {  	v11 =	vld.idx.msk [tilespmem:v3+s14+$0x0], $0xffff;
	v3 =	vor.u32 $0x18, v9  }
0xbd: {  	v21 =	vor.u32 $0x15, v24;
	v12 =	vld.idx.msk [tilespmem:v7+s14+$0x0], $0xffff  }
0xbe: {  	v25 =	vimm.f32 $0.0e+00;
	v22 =	vor.u32 $0x1F, v24;
	v8 =	vld.idx.msk [tilespmem:v8+s14+$0x0], $0xffff  }
0xbf: {  	v23 =	vimm.f32 $0.0e+00;
	v10 =	vimm.f32 $0.0e+00;
	v6 =	vor.u32 $0x1D, v9;
	v13 =	vld.idx.msk [tilespmem:v13+s14+$0x0], $0xffff  }
0xc0: {  	v34 =	vor.u32 $0x11, v24;
	v37 =	vor.u32 $0x13, v24;
	v17 =	vor.u32 $0x1B, v9;
	v18 =	vld.idx.msk [tilespmem:v4+s14+$0x0], $0xffff  }
0xc1: {  	v30 =	vor.u32 $0x14, v24;
	v29 =	vor.u32 $0x17, v24;
	v15 =	vld.idx.msk [tilespmem:v3+s14+$0x0], $0xffff;
	v3 =	vor.u32 $0x1A, v9  }
0xc2: {  	v38 =	vor.u32 $0x19, v24;
	v26 =	vor.u32 $0x1A, v24;
	v14 =	vor.u32 $0x1D, v24;
	v39 =	vld.idx.msk [tilespmem:v21+s14+$0x0], $0xffff  }
0xc3: {  	v45 =	vor.u32 $0x1B, v24;
	v31 =	vor.u32 $0x1C, v24;
	v33 =	vor.u32 $0x18, v24;
	v41 =	vld.idx.msk [tilespmem:v22+s14+$0x0], $0xffff  }
0xc4: {  	v49 =	vor.u32 $0x1E, v24;
	v20 =	vimm.f32 $0.0e+00;
	v7 =	vor.u32 $0x14, v9;
	v6 =	vld.idx.msk [tilespmem:v6+s14+$0x0], $0xffff  }
0xc5: {  	v21 =	vimm.f32 $0.0e+00;
	v22 =	vimm.f32 $0.0e+00;
	v4 =	vmul.f32 v5, v1;
	v36 =	vld.idx.msk [tilespmem:v17+s14+$0x0], $0xffff  }
0xc6: {  	v17 =	vimm.f32 $0.0e+00;
	v46 =	vld.idx.msk [tilespmem:v3+s14+$0x0], $0xffff;
	v3 =	vmul.f32 v18, v1;
	v18 =	vor.u32 $0x1E, v9  }
0xc7: {  	v50 =	vld.idx.msk [tilespmem:v14+s14+$0x0], $0xffff;
	v14 =	vimm.f32 $0.0e+00;
	v32 =	vmul.f32 v11, v1;
	v5 =	vmul.f32 v8, v2  }
0xc8: {  	v48 =	vmul.f32 v12, v1;
	v12 =	vimm.f32 $0.0e+00;
	v11 =	vimm.f32 $0.0e+00  }
0xc9: {  	v51 =	vmul.f32 v13, v2;
	v13 =	vimm.f32 $0.0e+00;
	v27 =	vadd.f32 v5, v10  }
0xca: {  	v47 =	vld.idx.msk [tilespmem:v26+s14+$0x0], $0xffff;
	v5 =	vimm.f32 $0.0e+00;
	v28 =	vmul.f32 v6, v1;
	v6 =	vimm.f32 $0.0e+00  }
0xcb: {  	s15 =	simm.s32 $0x2;
	v8 =	vmul.f32 v15, v1;
	v15 =	vimm.f32 $0.0e+00;
	v44 =	vld.idx.msk [tilespmem:v18+s14+$0x0], $0xffff;
	v18 =	vimm.f32 $0.0e+00  }
.LBB2_5:
0xcc: {  	p0 =	slt.u32 s15, $0x3E  }
0xcd: {  	v49 =	vld.idx.msk [tilespmem:v49+s14+$0x0], $0xffff;
	v27 =	vadd.f32 v32, v27;
	v32 =	vmul.f32 v40, v1;
	v26 =	vmul.f32 v42, v1;
	s12 =	sadd.s32 $0x20, s12;
	s16 =	smov.u32 s15;
	s15 =	sadd.s32 $0x2, s15  }
0xce: {  	v35 =	vmul.f32 v41, v2;
	v41 =	vmul.f32 v46, v1;
	v42 =	vor.u32 $0x1F, v9;
	s17 =	sadd.s32 $0x1, s16;
	v40 =	vld.idx.msk [tilespmem:v45+s14+$0x0], $0xffff  }
0xcf: {  	v46 =	vmul.f32 v19, v1;
	v10 =	vadd.f32 v51, v10;
	v9 =	vmov s17;
	v37 =	vld.idx.msk [tilespmem:v37+s14+$0x0], $0xffff  }
0xd0: {  	v24 =	vor.u32 $0x16, v24;
	v45 =	vmul.f32 v16, v1;
	v19 =	vld.idx.msk [tilespmem:v34+s14+$0x0], $0xffff;
	v34 =	vmul.f32 v50, v2  }
0xd1: {  	v9 =	vshll.u32 v9, $0x5;
	v10 =	vadd.f32 v48, v10;
	v16 =	vld.idx.msk [tilespmem:v38+s14+$0x0], $0xffff;
	v38 =	vmul.f32 v47, v2  }
0xd2: {  	v43 =	vmul.f32 v43, v1;
	v44 =	vmul.f32 v44, v1;
	v29 =	vld.idx.msk [tilespmem:v29+s14+$0x0], $0xffff;
	v5 =	vadd.f32 v34, v5  }
0xd3: {  	v34 =	vmul.f32 v39, v2;
	v30 =	vld.idx.msk [tilespmem:v30+s14+$0x0], $0xffff;
	v15 =	vadd.f32 v38, v15;
	v38 =	vmul.f32 v49, v2  }
0xd4: {  	v36 =	vmul.f32 v36, v1;
	v39 =	vmul.f32 v40, v2;
	v31 =	vld.idx.msk [tilespmem:v31+s14+$0x0], $0xffff;
	v5 =	vadd.f32 v28, v5  }
0xd5: {  	v9 =	vor.u32 v0, v9;
	v28 =	vmul.f32 v37, v2;
	v47 =	vld.idx.msk [tilespmem:v24+s14+$0x0], $0xffff;
	v25 =	vadd.f32 v38, v25  }
0xd6: {  	v48 =	vor.u32 $0x1A, v9;
	v24 =	vor.u32 $0x10, v9;
	v12 =	vadd.f32 v39, v12;
	v33 =	vld.idx.msk [tilespmem:v33+s14+$0x0], $0xffff  }
0xd7: {  	v37 =	vor.u32 $0x11, v9;
	v38 =	vor.u32 $0x13, v9;
	v39 =	vor.u32 $0x19, v9;
	v40 =	vld.idx.msk [tilespmem:v7+s14+$0x0], $0xffff  }
0xd8: {  	v49 =	vor.u32 $0x17, v9;
	v19 =	vmul.f32 v19, v2;
	v7 =	vor.u32 $0x14, v9;
	v42 =	vld.idx.msk [tilespmem:v42+s14+$0x0], $0xffff  }
0xd9: {  	v21 =	vadd.f32 v34, v21;
	v51 =	vmul.f32 v30, v2;
	v30 =	vmul.f32 v16, v2;
	v50 =	vld [tilespmem:s12+$0xFFFFFFF0]  }
0xda: {  	v52 =	vor.u32 $0x12, v9;
	v53 =	vor.u32 $0x15, v9;
	v22 =	vadd.f32 v19, v22;
	v34 =	vld [tilespmem:s12+$0x0]  }
0xdb: {  	v55 =	vor.u32 $0x16, v9;
	v15 =	vadd.f32 v41, v15;
	v12 =	vadd.f32 v36, v12;
	v54 =	vld.idx.msk [tilespmem:v24+s14+$0x0], $0xffff  }
0xdc: {  	v23 =	vadd.f32 v28, v23;
	v36 =	vor.u32 $0x18, v9;
	v20 =	vadd.f32 v30, v20;
	v16 =	vld.idx.msk [tilespmem:v37+s14+$0x0], $0xffff  }
0xdd: {  	v19 =	vmov s16;
	v56 =	vmul.f32 v29, v2;
	v28 =	vld.idx.msk [tilespmem:v39+s14+$0x0], $0xffff;
	v39 =	vmul.f32 v31, v2  }
0xde: {  	v24 =	vshll.u32 v19, $0x5;
	v57 =	vmul.f32 v40, v1;
	v31 =	vor.u32 $0x1C, v9;
	v19 =	vld.idx.msk [tilespmem:v38+s14+$0x0], $0xffff  }
0xdf: {  	v41 =	vor.u32 $0x1D, v9;
	v24 =	vor.u32 v0, v24;
	v58 =	vmul.f32 v42, v1;
	v52 =	vld.idx.msk [tilespmem:v52+s14+$0x0], $0xffff;
	v1 =	vmovc v34  }
0xe0: {  	v33 =	vmul.f32 v33, v2;
	v59 =	vor.u32 $0x10, v24;
	v60 =	vor.u32 $0x12, v24;
	v40 =	vld.idx.msk [tilespmem:v55+s14+$0x0], $0xffff  }
0xe1: {  	v22 =	vadd.f32 v45, v22;
	v34 =	vor.u32 $0x11, v24;
	v55 =	vor.u32 $0x15, v24;
	v61 =	vld.idx.msk [tilespmem:v36+s14+$0x0], $0xffff  }
0xe2: {  	v21 =	vadd.f32 v43, v21;
	v37 =	vor.u32 $0x13, v24;
	v30 =	vor.u32 $0x14, v24;
	v42 =	vld.idx.msk [tilespmem:v49+s14+$0x0], $0xffff  }
0xe3: {  	v29 =	vor.u32 $0x17, v24;
	v38 =	vor.u32 $0x19, v24;
	v36 =	vmul.f32 v47, v2;
	v2 =	vmovc v50;
	v62 =	vld.idx.msk [tilespmem:v31+s14+$0x0], $0xffff  }
0xe4: {  	v23 =	vadd.f32 v46, v23;
	v45 =	vor.u32 $0x1B, v24;
	v47 =	vor.u32 $0x1A, v24;
	v63 =	vld.idx.msk [tilespmem:v41+s14+$0x0], $0xffff  }
0xe5: {  	v13 =	vadd.f32 v33, v13;
	v41 =	vor.u32 $0x1F, v24;
	v50 =	vld.idx.msk [tilespmem:v59+s14+$0x0], $0xffff;
	v59 =	vor.u32 $0x1D, v24  }
0xe6: {  	v11 =	vadd.f32 v39, v11;
	v31 =	vor.u32 $0x1C, v24;
	v46 =	vld.idx.msk [tilespmem:v48+s14+$0x0], $0xffff;
	v48 =	vor.u32 $0x1B, v9  }
0xe7: {  	v20 =	vadd.f32 v4, v20;
	v33 =	vor.u32 $0x18, v24;
	v17 =	vadd.f32 v36, v17;
	v60 =	vld.idx.msk [tilespmem:v60+s14+$0x0], $0xffff  }
0xe8: {  	v13 =	vadd.f32 v8, v13;
	v11 =	vadd.f32 v3, v11;
	v49 =	vor.u32 $0x1E, v24;
	v39 =	vld.idx.msk [tilespmem:v55+s14+$0x0], $0xffff  }
0xe9: {  	v25 =	vadd.f32 v44, v25;
	v18 =	vadd.f32 v51, v18;
	v43 =	vld.idx.msk [tilespmem:v53+s14+$0x0], $0xffff;
	v53 =	vor.u32 $0x1E, v9  }
.Ltmp1:
0xea: {  	v6 =	vadd.f32 v35, v6;
	v4 =	vmul.f32 v28, v1;
	v17 =	vadd.f32 v32, v17;
	v41 =	vld.idx.msk [tilespmem:v41+s14+$0x0], $0xffff;
	(pc) =	sbr.rel @p0 .LBB2_5-.Ltmp1, $4  }
0xeb: {  	v14 =	vadd.f32 v56, v14;
	v3 =	vmul.f32 v62, v1;
	v32 =	vmul.f32 v50, v2;
	v36 =	vld.idx.msk [tilespmem:v48+s14+$0x0], $0xffff  }
0xec: {  	v6 =	vadd.f32 v58, v6;
	v8 =	vmul.f32 v61, v1;
	v28 =	vmul.f32 v63, v1;
	v50 =	vld.idx.msk [tilespmem:v59+s14+$0x0], $0xffff  }
0xed: {  	v14 =	vadd.f32 v26, v14;
	v27 =	vadd.f32 v32, v27;
	v32 =	vmul.f32 v54, v1;
	v47 =	vld.idx.msk [tilespmem:v47+s14+$0x0], $0xffff  }
0xee: {  	v18 =	vadd.f32 v57, v18;
	v48 =	vmul.f32 v52, v1;
	v51 =	vmul.f32 v60, v2;
	v44 =	vld.idx.msk [tilespmem:v53+s14+$0x0], $0xffff  }
0xef: {  	_ =	sdelay $0x3  }
0xf0: {  	v26 =	vld.idx.msk [tilespmem:v49+s14+$0x0], $0xffff  }
0xf1: {  	v35 =	vld.idx.msk [tilespmem:v45+s14+$0x0], $0xffff  }
0xf2: {  	v34 =	vld.idx.msk [tilespmem:v34+s14+$0x0], $0xffff  }
0xf3: {  	v37 =	vld.idx.msk [tilespmem:v37+s14+$0x0], $0xffff  }
0xf4: {  	v38 =	vld.idx.msk [tilespmem:v38+s14+$0x0], $0xffff  }
0xf5: {  	v24 =	vor.u32 $0x16, v24;
	v30 =	vld.idx.msk [tilespmem:v30+s14+$0x0], $0xffff  }
0xf6: {  	v40 =	vmul.f32 v40, v1;
	v9 =	vor.u32 $0x1F, v9;
	v7 =	vld.idx.msk [tilespmem:v7+s14+$0x0], $0xffff  }
0xf7: {  	v42 =	vmul.f32 v42, v1;
	v61 =	vmul.f32 v46, v1;
	v29 =	vld.idx.msk [tilespmem:v29+s14+$0x0], $0xffff  }
0xf8: {  	v19 =	vmul.f32 v19, v1;
	v33 =	vld.idx.msk [tilespmem:v33+s14+$0x0], $0xffff;
	v10 =	vadd.f32 v51, v10;
	v62 =	vmul.f32 v50, v2  }
0xf9: {  	v27 =	vadd.f32 v32, v27;
	v16 =	vmul.f32 v16, v1;
	v31 =	vld.idx.msk [tilespmem:v31+s14+$0x0], $0xffff;
	v39 =	vmul.f32 v39, v2  }
0xfa: {  	v10 =	vadd.f32 v48, v10;
	v5 =	vadd.f32 v62, v5;
	v24 =	vld.idx.msk [tilespmem:v24+s14+$0x0], $0xffff;
	v34 =	vmul.f32 v34, v2  }
0xfb: {  	v21 =	vadd.f32 v39, v21;
	v37 =	vmul.f32 v37, v2;
	v30 =	vmul.f32 v30, v2;
	v9 =	vld.idx.msk [tilespmem:v9+s14+$0x0], $0xffff  }
0xfc: {  	[tilespmem:$0x11120] =	vst v10;
	v10 =	vmul.f32 v38, v2;
	v5 =	vadd.f32 v28, v5;
	v22 =	vadd.f32 v34, v22  }
0xfd: {  	v7 =	vmul.f32 v7, v1;
	v23 =	vadd.f32 v37, v23;
	v18 =	vadd.f32 v30, v18  }
0xfe: {  	v63 =	vmul.f32 v43, v1;
	[tilespmem:$0x11100] =	vst v27;
	v10 =	vadd.f32 v10, v20;
	v16 =	vadd.f32 v16, v22  }
0xff: {  	[tilespmem:$0x111D0] =	vst v5;
	v19 =	vadd.f32 v19, v23;
	v7 =	vadd.f32 v7, v18;
	v22 =	vmul.f32 v24, v2  }
0x100: {  	v18 =	vadd.f32 v63, v21;
	v24 =	vmul.f32 v29, v2;
	[tilespmem:$0x11110] =	vst v16;
	v16 =	vmul.f32 v33, v2  }
0x101: {  	v4 =	vadd.f32 v4, v10;
	[tilespmem:$0x11130] =	vst v19;
	v19 =	vmul.f32 v47, v2;
	v17 =	vadd.f32 v22, v17  }
0x102: {  	[tilespmem:$0x11140] =	vst v7;
	v7 =	vmul.f32 v35, v2;
	v14 =	vadd.f32 v24, v14;
	v13 =	vadd.f32 v16, v13  }
0x103: {  	v10 =	vmul.f32 v26, v2;
	[tilespmem:$0x11150] =	vst v18;
	v15 =	vadd.f32 v19, v15;
	v16 =	vadd.f32 v40, v17  }
0x104: {  	[tilespmem:$0x11190] =	vst v4;
	v7 =	vadd.f32 v7, v12;
	v14 =	vadd.f32 v42, v14;
	v17 =	vmul.f32 v31, v2  }
0x105: {  	v2 =	vmul.f32 v41, v2;
	v8 =	vadd.f32 v8, v13;
	v13 =	vmul.f32 v36, v1;
	[tilespmem:$0x11160] =	vst v16  }
0x106: {  	v4 =	vmul.f32 v44, v1;
	v12 =	vadd.f32 v61, v15;
	[tilespmem:$0x11170] =	vst v14;
	v11 =	vadd.f32 v17, v11  }
0x107: {  	v1 =	vmul.f32 v9, v1;
	v2 =	vadd.f32 v2, v6;
	[tilespmem:$0x11180] =	vst v8;
	v7 =	vadd.f32 v13, v7  }
0x108: {  	v8 =	vadd.f32 v10, v25;
	[tilespmem:$0x111A0] =	vst v12;
	v3 =	vadd.f32 v3, v11  }
0x109: {  	v1 =	vadd.f32 v1, v2;
	[tilespmem:$0x111B0] =	vst v7  }
0x10a: {  	v4 =	vadd.f32 v4, v8;
	[tilespmem:$0x111C0] =	vst v3  }
0x10b: {  	s12 =	sshll.u32 s2, $0x6;
	[tilespmem:$0x111F0] =	vst v1  }
0x10c: {  	s15 =	simm.s32 $0x0;
	s16 =	smin.u32 s2, $0x2A7D;
	s12 =	sadd.s32 s6, s12;
	[tilespmem:$0x111E0] =	vst v4  }
0x10d: {  	[hbm4b:s12+s15] =	stream.linear.scatter [tilespmem:s9], [sflag:$0x3], $0x200, $0x38;
	[tilespmem:$0x11200] =	vst v63  }
0x10e: {  	s2 =	sshll.u32 s16, $0x7;
	_ =	swait.ge [sflag:s11], $0x200  }
0x10f: {  	s2 =	sadd.s32 $0x100, s2;
	[sflag:s11] =	ssyncset.done $0x0  }
0x110: {  	s17 =	sadd.s32 s4, s2;
	[sflag:s11] =	ssyncadd.s32 $0xFFFFFE00  }
0x111: {  	[tilespmem:s15], [sflag:$0x3] =	stream.linear.gather [hbm4b:s17+s15], $0x400, $0x38;
	[tilespmem:$0x11200] =	vst v63  }
0x112: {  	_ =	swait.ge [sflag:s11], $0x400  }
0x113: {  	[sflag:s11] =	ssyncset.done $0x0  }
0x114: {  	s16 =	simm.s32 $0x8400;
	s2 =	sadd.s32 s5, s2;
	[sflag:s11] =	ssyncadd.s32 $0xFFFFFC00  }
0x115: {  	[tilespmem:s16], [sflag:$0x3] =	stream.linear.gather [hbm4b:s2+s15], $0x400, $0x38;
	[tilespmem:$0x11200] =	vst v63  }
0x116: {  	_ =	swait.ge [sflag:s11], $0x400  }
0x117: {  	[sflag:s11] =	ssyncset.done $0x0  }
0x118: {  	[sflag:s11] =	ssyncadd.s32 $0xFFFFFC00  }
0x119: {  	[tilespmem:s14], [sflag:$0x1] =	stream.indirect.gather [hbm4b:s1+s13], $0x20, s15, s13, $0xb8;
	[tilespmem:$0x11200] =	vst v63  }
0x11a: {  	s17 =	simm.s32 $0x1400  }
0x11b: {  	[tilespmem:s17], [sflag:$0x1] =	stream.indirect.gather [hbm4b:s1+s13], $0x20, s13, s13, $0xb8;
	[tilespmem:$0x11200] =	vst v63  }
0x11c: {  	s12 =	simm.s32 $0x100;
	s16 =	simm.s32 $0x2400  }
0x11d: {  	[tilespmem:s16], [sflag:$0x1] =	stream.indirect.gather [hbm4b:s1+s13], $0x20, s12, s13, $0xb8;
	[tilespmem:$0x11200] =	vst v63  }
0x11e: {  	_ = 	snop  }
0x11f: {  	[tilespmem:s19], [sflag:$0x1] =	stream.indirect.gather [hbm4b:s1+s13], $0x20, s18, s13, $0xb8;
	[tilespmem:$0x11200] =	vst v63  }
0x120: {  	_ = 	snop  }
0x121: {  	[tilespmem:s21], [sflag:$0x1] =	stream.indirect.gather [hbm4b:s1+s13], $0x20, s20, s13, $0xb8;
	[tilespmem:$0x11200] =	vst v63  }
0x122: {  	_ = 	snop  }
0x123: {  	[tilespmem:s23], [sflag:$0x1] =	stream.indirect.gather [hbm4b:s1+s13], $0x20, s22, s13, $0xb8;
	[tilespmem:$0x11200] =	vst v63  }
0x124: {  	_ = 	snop  }
0x125: {  	[tilespmem:s25], [sflag:$0x1] =	stream.indirect.gather [hbm4b:s1+s13], $0x20, s24, s13, $0xb8;
	[tilespmem:$0x11200] =	vst v63  }
0x126: {  	_ = 	snop  }
0x127: {  	[tilespmem:s28], [sflag:$0x1] =	stream.indirect.gather [hbm4b:s1+s13], $0x20, s26, s13, $0xb8;
	[tilespmem:$0x11200] =	vst v63  }
0x128: {  	_ =	swait.ge [sflag:s10], $0x1000  }
0x129: {  	[sflag:s10] =	ssyncset.done $0x0  }
0x12a: {  	[sflag:s10] =	ssyncadd.s32 $0xFFFFF000  }
0x12b: {  	_ =	swait.ge [sflag:s10], $0x1000  }
0x12c: {  	[sflag:s10] =	ssyncset.done $0x0  }
0x12d: {  	[sflag:s10] =	ssyncadd.s32 $0xFFFFF000  }
0x12e: {  	_ =	swait.ge [sflag:s10], $0x1000  }
0x12f: {  	[sflag:s10] =	ssyncset.done $0x0  }
0x130: {  	[sflag:s10] =	ssyncadd.s32 $0xFFFFF000  }
0x131: {  	_ =	swait.ge [sflag:s10], $0x1000  }
0x132: {  	[sflag:s10] =	ssyncset.done $0x0  }
0x133: {  	[sflag:s10] =	ssyncadd.s32 $0xFFFFF000  }
0x134: {  	_ =	swait.ge [sflag:s10], $0x1000  }
0x135: {  	[sflag:s10] =	ssyncset.done $0x0  }
0x136: {  	[sflag:s10] =	ssyncadd.s32 $0xFFFFF000  }
0x137: {  	_ =	swait.ge [sflag:s10], $0x1000  }
0x138: {  	s17 =	simm.s32 $0x1;
	[sflag:s10] =	ssyncset.done $0x0  }
0x139: {  	v1 =	vmov s17;
	[sflag:s10] =	ssyncadd.s32 $0xFFFFF000  }
0x13a: {  	v1 =	vshll.u32 v1, $0x5;
	_ =	swait.ge [sflag:s10], $0x1000  }
0x13b: {  	v7 =	vor.u32 v0, v1;
	[sflag:s10] =	ssyncset.done $0x0  }
0x13c: {  	v1 =	vor.u32 $0x8, v7;
	[sflag:s10] =	ssyncadd.s32 $0xFFFFF000  }
0x13d: {  	_ =	swait.ge [sflag:s10], $0x1000  }
0x13e: {  	[sflag:s10] =	ssyncset.done $0x0  }
0x13f: {  	v2 =	vor.u32 $0x9, v7;
	[sflag:s10] =	ssyncadd.s32 $0xFFFFF000  }
0x140: {  	v3 =	vmov s15;
	v5 =	vor.u32 $0x1, v7;
	v4 =	vld.idx.msk [tilespmem:v7+s31+$0x0], $0xffff  }
0x141: {  	v3 =	vshll.u32 v3, $0x5;
	s2 =	simm.s32 $0x10C10;
	v8 =	vor.u32 $0x2, v7;
	v13 =	vld.idx.msk [tilespmem:v1+s31+$0x0], $0xffff  }
0x142: {  	v21 =	vor.u32 v0, v3;
	v1 =	vld [tilespmem:s2+$0xFFFFFFF0]  }
0x143: {  	v9 =	vor.u32 $0xF, v7;
	v3 =	vld [tilespmem:s2+$0x0]  }
0x144: {  	v11 =	vor.u32 $0x7, v7;
	v10 =	vld.idx.msk [tilespmem:v2+s31+$0x0], $0xffff  }
0x145: {  	v12 =	vor.u32 $0x4, v7;
	v5 =	vld.idx.msk [tilespmem:v5+s31+$0x0], $0xffff  }
0x146: {  	v36 =	vimm.f32 $0.0e+00;
	v6 =	vimm.f32 $0.0e+00;
	v15 =	vor.u32 $0xE, v7;
	v8 =	vld.idx.msk [tilespmem:v8+s31+$0x0], $0xffff  }
0x147: {  	v17 =	vor.u32 $0x4, v21;
	v19 =	vor.u32 $0x1, v21;
	v14 =	vor.u32 $0xB, v7;
	v18 =	vld.idx.msk [tilespmem:v21+s31+$0x0], $0xffff  }
0x148: {  	v20 =	vor.u32 $0x6, v21;
	v26 =	vor.u32 $0x3, v21;
	v33 =	vor.u32 $0x5, v21;
	v9 =	vld.idx.msk [tilespmem:v9+s31+$0x0], $0xffff  }
0x149: {  	v23 =	vor.u32 $0x8, v21;
	v30 =	vor.u32 $0xA, v21;
	v2 =	vor.u32 $0x2, v21;
	v11 =	vld.idx.msk [tilespmem:v11+s31+$0x0], $0xffff  }
0x14a: {  	v27 =	vor.u32 $0xC, v21;
	v40 =	vor.u32 $0xD, v21;
	v25 =	vor.u32 $0x9, v21;
	v12 =	vld.idx.msk [tilespmem:v12+s31+$0x0], $0xffff  }
0x14b: {  	v39 =	vor.u32 $0xE, v21;
	v28 =	vor.u32 $0x7, v21;
	v29 =	vor.u32 $0xF, v21;
	v15 =	vld.idx.msk [tilespmem:v15+s31+$0x0], $0xffff  }
0x14c: {  	v16 =	vor.u32 $0xC, v7;
	v24 =	vor.u32 $0xD, v7;
	v49 =	vor.u32 $0x3, v7;
	v35 =	vld.idx.msk [tilespmem:v14+s31+$0x0], $0xffff  }
0x14d: {  	v44 =	vld.idx.msk [tilespmem:v17+s31+$0x0], $0xffff;
	v17 =	vor.u32 $0x6, v7;
	v38 =	vmul.f32 v8, v3;
	v8 =	vmul.f32 v18, v1  }
0x14e: {  	v14 =	vor.u32 $0xA, v7;
	v22 =	vld.idx.msk [tilespmem:v2+s31+$0x0], $0xffff;
	v31 =	vmul.f32 v5, v3;
	v2 =	vmul.f32 v9, v3  }
0x14f: {  	v43 =	vld.idx.msk [tilespmem:v19+s31+$0x0], $0xffff;
	v19 =	vimm.f32 $0.0e+00;
	v9 =	vmul.f32 v4, v3;
	v37 =	vmul.f32 v11, v3  }
0x150: {  	v34 =	vld.idx.msk [tilespmem:v20+s31+$0x0], $0xffff;
	v20 =	vimm.f32 $0.0e+00;
	v4 =	vmul.f32 v10, v3;
	v42 =	vmul.f32 v12, v3  }
0x151: {  	v46 =	vld.idx.msk [tilespmem:v24+s31+$0x0], $0xffff;
	v24 =	vmul.f32 v15, v3;
	v11 =	vimm.f32 $0.0e+00;
	v10 =	vimm.f32 $0.0e+00  }
0x152: {  	v45 =	vld.idx.msk [tilespmem:v17+s31+$0x0], $0xffff;
	v15 =	vimm.f32 $0.0e+00;
	v17 =	vimm.f32 $0.0e+00;
	v8 =	vadd.f32 v8, v6  }
0x153: {  	v47 =	vld.idx.msk [tilespmem:v14+s31+$0x0], $0xffff;
	v14 =	vimm.f32 $0.0e+00;
	v12 =	vimm.f32 $0.0e+00;
	v5 =	vmul.f32 v22, v1  }
0x154: {  	v48 =	vld.idx.msk [tilespmem:v28+s31+$0x0], $0xffff;
	v18 =	vimm.f32 $0.0e+00;
	v9 =	vadd.f32 v9, v8;
	v8 =	vimm.f32 $0.0e+00  }
0x155: {  	s12 =	simm.s32 $0x2;
	v41 =	vld.idx.msk [tilespmem:v29+s31+$0x0], $0xffff;
	v22 =	vimm.f32 $0.0e+00;
	v32 =	vadd.f32 v5, v6;
	v5 =	vimm.f32 $0.0e+00  }
.LBB2_7:
0x156: {  	p0 =	slt.u32 s12, $0x3E  }
0x157: {  	v44 =	vmul.f32 v44, v1;
	v29 =	vmul.f32 v35, v3;
	v16 =	vld.idx.msk [tilespmem:v16+s31+$0x0], $0xffff;
	s2 =	sadd.s32 $0x20, s2;
	s15 =	smov.u32 s12;
	s12 =	sadd.s32 $0x2, s12  }
0x158: {  	v28 =	vmul.f32 v13, v3;
	v46 =	vmul.f32 v46, v3;
	s16 =	sadd.s32 $0x1, s15;
	v35 =	vld.idx.msk [tilespmem:v40+s31+$0x0], $0xffff;
	v40 =	vor.u32 $0x5, v7  }
0x159: {  	v13 =	vmul.f32 v48, v1;
	v7 =	vmov s16;
	v6 =	vadd.f32 v44, v6;
	v39 =	vld.idx.msk [tilespmem:v39+s31+$0x0], $0xffff  }
0x15a: {  	v21 =	vor.u32 $0xB, v21;
	v32 =	vadd.f32 v38, v32;
	v38 =	vmul.f32 v47, v3;
	v33 =	vld.idx.msk [tilespmem:v33+s31+$0x0], $0xffff  }
0x15b: {  	v43 =	vmul.f32 v43, v1;
	v11 =	vadd.f32 v13, v11;
	v44 =	vmul.f32 v45, v3;
	v13 =	vld.idx.msk [tilespmem:v49+s31+$0x0], $0xffff  }
0x15c: {  	v7 =	vshll.u32 v7, $0x5;
	v41 =	vmul.f32 v41, v1;
	v6 =	vadd.f32 v42, v6;
	v30 =	vld.idx.msk [tilespmem:v30+s31+$0x0], $0xffff  }
0x15d: {  	v19 =	vadd.f32 v43, v19;
	v11 =	vadd.f32 v37, v11;
	v37 =	vmul.f32 v16, v3;
	v26 =	vld.idx.msk [tilespmem:v26+s31+$0x0], $0xffff  }
0x15e: {  	v34 =	vmul.f32 v34, v1;
	v7 =	vor.u32 v0, v7;
	v35 =	vmul.f32 v35, v1;
	v27 =	vld.idx.msk [tilespmem:v27+s31+$0x0], $0xffff  }
0x15f: {  	v42 =	vor.u32 $0x8, v7;
	v16 =	vor.u32 $0xC, v7;
	v43 =	vor.u32 $0xF, v7;
	v23 =	vld.idx.msk [tilespmem:v23+s31+$0x0], $0xffff  }
0x160: {  	v10 =	vadd.f32 v34, v10;
	v45 =	vmul.f32 v33, v1;
	v33 =	vmul.f32 v39, v1;
	v34 =	vld.idx.msk [tilespmem:v40+s31+$0x0], $0xffff  }
0x161: {  	v19 =	vadd.f32 v31, v19;
	v49 =	vmul.f32 v13, v3;
	v25 =	vld.idx.msk [tilespmem:v25+s31+$0x0], $0xffff  }
0x162: {  	v31 =	vor.u32 $0x4, v7;
	v10 =	vadd.f32 v44, v10;
	v30 =	vmul.f32 v30, v1;
	v39 =	vld.idx.msk [tilespmem:v21+s31+$0x0], $0xffff  }
0x163: {  	v20 =	vadd.f32 v41, v20;
	v5 =	vadd.f32 v33, v5;
	v21 =	vor.u32 $0x9, v7;
	v47 =	vld.idx.msk [tilespmem:v7+s31+$0x0], $0xffff  }
0x164: {  	v8 =	vadd.f32 v35, v8;
	v33 =	vor.u32 $0xB, v7;
	v26 =	vmul.f32 v26, v1;
	v13 =	vld.idx.msk [tilespmem:v42+s31+$0x0], $0xffff  }
0x165: {  	v41 =	vor.u32 $0x7, v7;
	v5 =	vadd.f32 v24, v5;
	v42 =	vmul.f32 v23, v1;
	v40 =	vld [tilespmem:s2+$0xFFFFFFF0]  }
0x166: {  	v24 =	vor.u32 $0x1, v7;
	v15 =	vadd.f32 v30, v15;
	v36 =	vadd.f32 v26, v36;
	v23 =	vld [tilespmem:s2+$0x0]  }
0x167: {  	v30 =	vor.u32 $0x2, v7;
	v27 =	vmul.f32 v27, v1;
	v26 =	vmov s15;
	v50 =	vld.idx.msk [tilespmem:v31+s31+$0x0], $0xffff  }
0x168: {  	v8 =	vadd.f32 v46, v8;
	v26 =	vshll.u32 v26, $0x5;
	v31 =	vor.u32 $0xE, v7;
	v51 =	vld.idx.msk [tilespmem:v21+s31+$0x0], $0xffff  }
0x169: {  	v17 =	vadd.f32 v27, v17;
	v46 =	vmul.f32 v34, v3;
	v21 =	vor.u32 v0, v26;
	v35 =	vld.idx.msk [tilespmem:v33+s31+$0x0], $0xffff  }
0x16a: {  	v48 =	vmul.f32 v25, v1;
	v34 =	vor.u32 $0x2, v21;
	v44 =	vor.u32 $0x4, v21;
	v41 =	vld.idx.msk [tilespmem:v41+s31+$0x0], $0xffff  }
0x16b: {  	v25 =	vmul.f32 v39, v1;
	v52 =	vor.u32 $0x1, v21;
	v53 =	vor.u32 $0x6, v21;
	v1 =	vmovc v40;
	v24 =	vld.idx.msk [tilespmem:v24+s31+$0x0], $0xffff;
	v3 =	vmovc v23  }
0x16c: {  	v22 =	vadd.f32 v45, v22;
	v26 =	vor.u32 $0x3, v21;
	v33 =	vor.u32 $0x5, v21;
	v54 =	vld.idx.msk [tilespmem:v30+s31+$0x0], $0xffff  }
0x16d: {  	v15 =	vadd.f32 v38, v15;
	v23 =	vor.u32 $0x8, v21;
	v30 =	vor.u32 $0xA, v21;
	v45 =	vld.idx.msk [tilespmem:v43+s31+$0x0], $0xffff  }
0x16e: {  	v27 =	vor.u32 $0xC, v21;
	v14 =	vadd.f32 v25, v14;
	v40 =	vor.u32 $0xD, v21;
	v55 =	vld.idx.msk [tilespmem:v21+s31+$0x0], $0xffff  }
0x16f: {  	v57 =	vor.u32 $0xD, v7;
	v25 =	vor.u32 $0x9, v21;
	v39 =	vor.u32 $0xE, v21;
	v56 =	vld.idx.msk [tilespmem:v34+s31+$0x0], $0xffff  }
0x170: {  	v12 =	vadd.f32 v48, v12;
	v58 =	vor.u32 $0x7, v21;
	v59 =	vor.u32 $0xF, v21;
	v60 =	vld.idx.msk [tilespmem:v31+s31+$0x0], $0xffff  }
0x171: {  	v61 =	vor.u32 $0x6, v7;
	v62 =	vor.u32 $0xA, v7;
	v18 =	vadd.f32 v42, v18;
	v44 =	vld.idx.msk [tilespmem:v44+s31+$0x0], $0xffff  }
0x172: {  	v20 =	vadd.f32 v2, v20;
	v17 =	vadd.f32 v37, v17;
	v38 =	vmul.f32 v54, v3;
	v34 =	vld.idx.msk [tilespmem:v53+s31+$0x0], $0xffff  }
0x173: {  	v22 =	vadd.f32 v46, v22;
	v31 =	vmul.f32 v24, v3;
	v2 =	vmul.f32 v45, v3;
	v43 =	vld.idx.msk [tilespmem:v52+s31+$0x0], $0xffff  }
.Ltmp2:
0x174: {  	v12 =	vadd.f32 v4, v12;
	v37 =	vmul.f32 v41, v3;
	v24 =	vmul.f32 v55, v1;
	v46 =	vld.idx.msk [tilespmem:v57+s31+$0x0], $0xffff;
	(pc) =	sbr.rel @p0 .LBB2_7-.Ltmp2, $4  }
0x175: {  	v14 =	vadd.f32 v29, v14;
	v4 =	vmul.f32 v51, v3;
	v41 =	vmul.f32 v56, v1;
	v48 =	vld.idx.msk [tilespmem:v58+s31+$0x0], $0xffff  }
0x176: {  	v36 =	vadd.f32 v49, v36;
	v9 =	vadd.f32 v24, v9;
	v24 =	vmul.f32 v47, v3;
	v47 =	vld.idx.msk [tilespmem:v62+s31+$0x0], $0xffff  }
0x177: {  	v18 =	vadd.f32 v28, v18;
	v42 =	vmul.f32 v50, v3;
	v32 =	vadd.f32 v41, v32;
	v45 =	vld.idx.msk [tilespmem:v61+s31+$0x0], $0xffff  }
0x178: {  	v49 =	vor.u32 $0x3, v7;
	v9 =	vadd.f32 v24, v9;
	v24 =	vmul.f32 v60, v3;
	v41 =	vld.idx.msk [tilespmem:v59+s31+$0x0], $0xffff  }
0x179: {  	_ =	sdelay $0x3  }
0x17a: {  	v16 =	vld.idx.msk [tilespmem:v16+s31+$0x0], $0xffff  }
0x17b: {  	v28 =	vld.idx.msk [tilespmem:v40+s31+$0x0], $0xffff  }
0x17c: {  	v29 =	vld.idx.msk [tilespmem:v39+s31+$0x0], $0xffff  }
0x17d: {  	v33 =	vld.idx.msk [tilespmem:v33+s31+$0x0], $0xffff  }
0x17e: {  	v26 =	vld.idx.msk [tilespmem:v26+s31+$0x0], $0xffff  }
0x17f: {  	v7 =	vor.u32 $0x5, v7;
	v58 =	vld.idx.msk [tilespmem:v49+s31+$0x0], $0xffff  }
0x180: {  	v21 =	vor.u32 $0xB, v21;
	v43 =	vmul.f32 v43, v1;
	v23 =	vld.idx.msk [tilespmem:v23+s31+$0x0], $0xffff  }
0x181: {  	v59 =	vmul.f32 v44, v1;
	v35 =	vmul.f32 v35, v3;
	v25 =	vld.idx.msk [tilespmem:v25+s31+$0x0], $0xffff  }
0x182: {  	v30 =	vld.idx.msk [tilespmem:v30+s31+$0x0], $0xffff;
	v13 =	vmul.f32 v13, v3;
	v34 =	vmul.f32 v34, v1;
	v19 =	vadd.f32 v43, v19  }
0x183: {  	v27 =	vld.idx.msk [tilespmem:v27+s31+$0x0], $0xffff;
	v32 =	vadd.f32 v38, v32;
	v61 =	vmul.f32 v48, v1;
	v6 =	vadd.f32 v59, v6  }
0x184: {  	v60 =	vmul.f32 v46, v3;
	v10 =	vadd.f32 v34, v10;
	v19 =	vadd.f32 v31, v19;
	v7 =	vld.idx.msk [tilespmem:v7+s31+$0x0], $0xffff  }
0x185: {  	v11 =	vadd.f32 v61, v11;
	v63 =	vmul.f32 v45, v3;
	v26 =	vmul.f32 v26, v1;
	v21 =	vld.idx.msk [tilespmem:v21+s31+$0x0], $0xffff  }
0x186: {  	v6 =	vadd.f32 v42, v6;
	[tilespmem:$0x11010] =	vst v19;
	v19 =	vmul.f32 v23, v1;
	v23 =	vmul.f32 v25, v1  }
0x187: {  	v33 =	vmul.f32 v33, v1;
	[tilespmem:$0x11000] =	vst v9;
	v11 =	vadd.f32 v37, v11;
	v10 =	vadd.f32 v63, v10  }
0x188: {  	v31 =	vmul.f32 v58, v3;
	[tilespmem:$0x11020] =	vst v32;
	v26 =	vadd.f32 v26, v36;
	v12 =	vadd.f32 v23, v12  }
0x189: {  	v9 =	vadd.f32 v33, v22;
	[tilespmem:$0x11070] =	vst v11;
	v11 =	vmul.f32 v29, v1;
	v7 =	vmul.f32 v7, v3  }
0x18a: {  	[tilespmem:$0x11040] =	vst v6;
	v18 =	vadd.f32 v19, v18;
	v6 =	vmul.f32 v21, v1;
	v4 =	vadd.f32 v4, v12  }
0x18b: {  	[tilespmem:$0x11060] =	vst v10;
	v22 =	vadd.f32 v31, v26;
	v7 =	vadd.f32 v7, v9;
	v9 =	vmul.f32 v30, v1  }
0x18c: {  	v62 =	vmul.f32 v47, v3;
	v13 =	vadd.f32 v13, v18;
	v6 =	vadd.f32 v6, v14;
	[tilespmem:$0x11090] =	vst v4  }
0x18d: {  	v4 =	vadd.f32 v11, v5;
	[tilespmem:$0x11050] =	vst v7;
	v7 =	vadd.f32 v9, v15;
	v9 =	vmul.f32 v27, v1  }
0x18e: {  	v10 =	vmul.f32 v28, v1;
	v3 =	vmul.f32 v16, v3;
	[tilespmem:$0x11030] =	vst v22;
	v6 =	vadd.f32 v35, v6  }
0x18f: {  	s2 =	simm.s32 $0x1;
	[tilespmem:$0x11080] =	vst v13;
	v1 =	vmul.f32 v41, v1;
	v4 =	vadd.f32 v24, v4;
	v9 =	vadd.f32 v9, v17  }
0x190: {  	v8 =	vadd.f32 v10, v8;
	v5 =	vmov s2;
	v7 =	vadd.f32 v62, v7;
	[tilespmem:$0x110B0] =	vst v6  }
0x191: {  	v5 =	vshll.u32 v5, $0x5;
	v1 =	vadd.f32 v1, v20;
	[tilespmem:$0x110E0] =	vst v4;
	v3 =	vadd.f32 v3, v9  }
0x192: {  	[tilespmem:$0x110A0] =	vst v7;
	v7 =	vadd.f32 v60, v8;
	v9 =	vor.u32 v0, v5  }
0x193: {  	v1 =	vadd.f32 v2, v1;
	v4 =	vor.u32 $0x11, v9;
	[tilespmem:$0x110C0] =	vst v3  }
0x194: {  	v5 =	vor.u32 $0x19, v9;
	[tilespmem:$0x110D0] =	vst v7  }
0x195: {  	s2 =	simm.s32 $0x10C10;
	v6 =	vor.u32 $0x13, v9;
	[tilespmem:$0x110F0] =	vst v1  }
0x196: {  	v14 =	vor.u32 $0x16, v9;
	v2 =	vld [tilespmem:s2+$0xFFFFFFF0]  }
0x197: {  	s12 =	simm.s32 $0x0;
	v17 =	vor.u32 $0x17, v9;
	v1 =	vld [tilespmem:s2+$0x0]  }
0x198: {  	v8 =	vmov s12;
	v20 =	vor.u32 $0x15, v9;
	v16 =	vld.idx.msk [tilespmem:v4+s31+$0x0], $0xffff  }
0x199: {  	v8 =	vshll.u32 v8, $0x5;
	v3 =	vor.u32 $0x10, v9;
	v5 =	vld.idx.msk [tilespmem:v5+s31+$0x0], $0xffff  }
0x19a: {  	v7 =	vor.u32 $0x12, v9;
	v24 =	vor.u32 v0, v8;
	v19 =	vld.idx.msk [tilespmem:v6+s31+$0x0], $0xffff  }
0x19b: {  	v8 =	vor.u32 $0x10, v24;
	v40 =	vld.idx.msk [tilespmem:v14+s31+$0x0], $0xffff  }
0x19c: {  	v13 =	vor.u32 $0x12, v24;
	v42 =	vld.idx.msk [tilespmem:v17+s31+$0x0], $0xffff  }
0x19d: {  	v4 =	vor.u32 $0x1C, v9;
	v43 =	vld.idx.msk [tilespmem:v20+s31+$0x0], $0xffff  }
0x19e: {  	v11 =	vld.idx.msk [tilespmem:v3+s31+$0x0], $0xffff;
	v3 =	vor.u32 $0x18, v9  }
0x19f: {  	v21 =	vor.u32 $0x15, v24;
	v12 =	vld.idx.msk [tilespmem:v7+s31+$0x0], $0xffff  }
0x1a0: {  	v25 =	vimm.f32 $0.0e+00;
	v22 =	vor.u32 $0x1F, v24;
	v8 =	vld.idx.msk [tilespmem:v8+s31+$0x0], $0xffff  }
0x1a1: {  	v23 =	vimm.f32 $0.0e+00;
	v10 =	vimm.f32 $0.0e+00;
	v6 =	vor.u32 $0x1D, v9;
	v13 =	vld.idx.msk [tilespmem:v13+s31+$0x0], $0xffff  }
0x1a2: {  	v34 =	vor.u32 $0x11, v24;
	v37 =	vor.u32 $0x13, v24;
	v17 =	vor.u32 $0x1B, v9;
	v18 =	vld.idx.msk [tilespmem:v4+s31+$0x0], $0xffff  }
0x1a3: {  	v30 =	vor.u32 $0x14, v24;
	v29 =	vor.u32 $0x17, v24;
	v15 =	vld.idx.msk [tilespmem:v3+s31+$0x0], $0xffff;
	v3 =	vor.u32 $0x1A, v9  }
0x1a4: {  	v38 =	vor.u32 $0x19, v24;
	v26 =	vor.u32 $0x1A, v24;
	v14 =	vor.u32 $0x1D, v24;
	v39 =	vld.idx.msk [tilespmem:v21+s31+$0x0], $0xffff  }
0x1a5: {  	v45 =	vor.u32 $0x1B, v24;
	v31 =	vor.u32 $0x1C, v24;
	v33 =	vor.u32 $0x18, v24;
	v41 =	vld.idx.msk [tilespmem:v22+s31+$0x0], $0xffff  }
0x1a6: {  	v49 =	vor.u32 $0x1E, v24;
	v20 =	vimm.f32 $0.0e+00;
	v7 =	vor.u32 $0x14, v9;
	v6 =	vld.idx.msk [tilespmem:v6+s31+$0x0], $0xffff  }
0x1a7: {  	v21 =	vimm.f32 $0.0e+00;
	v22 =	vimm.f32 $0.0e+00;
	v4 =	vmul.f32 v5, v1;
	v36 =	vld.idx.msk [tilespmem:v17+s31+$0x0], $0xffff  }
0x1a8: {  	v17 =	vimm.f32 $0.0e+00;
	v46 =	vld.idx.msk [tilespmem:v3+s31+$0x0], $0xffff;
	v3 =	vmul.f32 v18, v1;
	v18 =	vor.u32 $0x1E, v9  }
0x1a9: {  	v50 =	vld.idx.msk [tilespmem:v14+s31+$0x0], $0xffff;
	v14 =	vimm.f32 $0.0e+00;
	v32 =	vmul.f32 v11, v1;
	v5 =	vmul.f32 v8, v2  }
0x1aa: {  	v48 =	vmul.f32 v12, v1;
	v12 =	vimm.f32 $0.0e+00;
	v11 =	vimm.f32 $0.0e+00  }
0x1ab: {  	v51 =	vmul.f32 v13, v2;
	v13 =	vimm.f32 $0.0e+00;
	v27 =	vadd.f32 v5, v10  }
0x1ac: {  	v47 =	vld.idx.msk [tilespmem:v26+s31+$0x0], $0xffff;
	v5 =	vimm.f32 $0.0e+00;
	v28 =	vmul.f32 v6, v1;
	v6 =	vimm.f32 $0.0e+00  }
0x1ad: {  	s12 =	simm.s32 $0x2;
	v8 =	vmul.f32 v15, v1;
	v15 =	vimm.f32 $0.0e+00;
	v44 =	vld.idx.msk [tilespmem:v18+s31+$0x0], $0xffff;
	v18 =	vimm.f32 $0.0e+00  }
.LBB2_9:
0x1ae: {  	p0 =	slt.u32 s12, $0x3E  }
0x1af: {  	v49 =	vld.idx.msk [tilespmem:v49+s31+$0x0], $0xffff;
	v27 =	vadd.f32 v32, v27;
	v32 =	vmul.f32 v40, v1;
	v26 =	vmul.f32 v42, v1;
	s2 =	sadd.s32 $0x20, s2;
	s15 =	smov.u32 s12;
	s12 =	sadd.s32 $0x2, s12  }
0x1b0: {  	v35 =	vmul.f32 v41, v2;
	v41 =	vmul.f32 v46, v1;
	v42 =	vor.u32 $0x1F, v9;
	s16 =	sadd.s32 $0x1, s15;
	v40 =	vld.idx.msk [tilespmem:v45+s31+$0x0], $0xffff  }
0x1b1: {  	v46 =	vmul.f32 v19, v1;
	v10 =	vadd.f32 v51, v10;
	v9 =	vmov s16;
	v37 =	vld.idx.msk [tilespmem:v37+s31+$0x0], $0xffff  }
0x1b2: {  	v24 =	vor.u32 $0x16, v24;
	v45 =	vmul.f32 v16, v1;
	v19 =	vld.idx.msk [tilespmem:v34+s31+$0x0], $0xffff;
	v34 =	vmul.f32 v50, v2  }
0x1b3: {  	v9 =	vshll.u32 v9, $0x5;
	v10 =	vadd.f32 v48, v10;
	v16 =	vld.idx.msk [tilespmem:v38+s31+$0x0], $0xffff;
	v38 =	vmul.f32 v47, v2  }
0x1b4: {  	v43 =	vmul.f32 v43, v1;
	v44 =	vmul.f32 v44, v1;
	v29 =	vld.idx.msk [tilespmem:v29+s31+$0x0], $0xffff;
	v5 =	vadd.f32 v34, v5  }
0x1b5: {  	v34 =	vmul.f32 v39, v2;
	v30 =	vld.idx.msk [tilespmem:v30+s31+$0x0], $0xffff;
	v15 =	vadd.f32 v38, v15;
	v38 =	vmul.f32 v49, v2  }
0x1b6: {  	v36 =	vmul.f32 v36, v1;
	v39 =	vmul.f32 v40, v2;
	v31 =	vld.idx.msk [tilespmem:v31+s31+$0x0], $0xffff;
	v5 =	vadd.f32 v28, v5  }
0x1b7: {  	v9 =	vor.u32 v0, v9;
	v28 =	vmul.f32 v37, v2;
	v47 =	vld.idx.msk [tilespmem:v24+s31+$0x0], $0xffff;
	v25 =	vadd.f32 v38, v25  }
0x1b8: {  	v48 =	vor.u32 $0x1A, v9;
	v24 =	vor.u32 $0x10, v9;
	v12 =	vadd.f32 v39, v12;
	v33 =	vld.idx.msk [tilespmem:v33+s31+$0x0], $0xffff  }
0x1b9: {  	v37 =	vor.u32 $0x11, v9;
	v38 =	vor.u32 $0x13, v9;
	v39 =	vor.u32 $0x19, v9;
	v40 =	vld.idx.msk [tilespmem:v7+s31+$0x0], $0xffff  }
0x1ba: {  	v49 =	vor.u32 $0x17, v9;
	v19 =	vmul.f32 v19, v2;
	v7 =	vor.u32 $0x14, v9;
	v42 =	vld.idx.msk [tilespmem:v42+s31+$0x0], $0xffff  }
0x1bb: {  	v21 =	vadd.f32 v34, v21;
	v51 =	vmul.f32 v30, v2;
	v30 =	vmul.f32 v16, v2;
	v50 =	vld [tilespmem:s2+$0xFFFFFFF0]  }
0x1bc: {  	v52 =	vor.u32 $0x12, v9;
	v53 =	vor.u32 $0x15, v9;
	v22 =	vadd.f32 v19, v22;
	v34 =	vld [tilespmem:s2+$0x0]  }
0x1bd: {  	v55 =	vor.u32 $0x16, v9;
	v15 =	vadd.f32 v41, v15;
	v12 =	vadd.f32 v36, v12;
	v54 =	vld.idx.msk [tilespmem:v24+s31+$0x0], $0xffff  }
0x1be: {  	v23 =	vadd.f32 v28, v23;
	v36 =	vor.u32 $0x18, v9;
	v20 =	vadd.f32 v30, v20;
	v16 =	vld.idx.msk [tilespmem:v37+s31+$0x0], $0xffff  }
0x1bf: {  	v19 =	vmov s15;
	v56 =	vmul.f32 v29, v2;
	v28 =	vld.idx.msk [tilespmem:v39+s31+$0x0], $0xffff;
	v39 =	vmul.f32 v31, v2  }
0x1c0: {  	v24 =	vshll.u32 v19, $0x5;
	v57 =	vmul.f32 v40, v1;
	v31 =	vor.u32 $0x1C, v9;
	v19 =	vld.idx.msk [tilespmem:v38+s31+$0x0], $0xffff  }
0x1c1: {  	v41 =	vor.u32 $0x1D, v9;
	v24 =	vor.u32 v0, v24;
	v58 =	vmul.f32 v42, v1;
	v52 =	vld.idx.msk [tilespmem:v52+s31+$0x0], $0xffff;
	v1 =	vmovc v34  }
0x1c2: {  	v33 =	vmul.f32 v33, v2;
	v59 =	vor.u32 $0x10, v24;
	v60 =	vor.u32 $0x12, v24;
	v40 =	vld.idx.msk [tilespmem:v55+s31+$0x0], $0xffff  }
0x1c3: {  	v22 =	vadd.f32 v45, v22;
	v34 =	vor.u32 $0x11, v24;
	v55 =	vor.u32 $0x15, v24;
	v61 =	vld.idx.msk [tilespmem:v36+s31+$0x0], $0xffff  }
0x1c4: {  	v21 =	vadd.f32 v43, v21;
	v37 =	vor.u32 $0x13, v24;
	v30 =	vor.u32 $0x14, v24;
	v42 =	vld.idx.msk [tilespmem:v49+s31+$0x0], $0xffff  }
0x1c5: {  	v29 =	vor.u32 $0x17, v24;
	v38 =	vor.u32 $0x19, v24;
	v36 =	vmul.f32 v47, v2;
	v2 =	vmovc v50;
	v62 =	vld.idx.msk [tilespmem:v31+s31+$0x0], $0xffff  }
0x1c6: {  	v23 =	vadd.f32 v46, v23;
	v45 =	vor.u32 $0x1B, v24;
	v47 =	vor.u32 $0x1A, v24;
	v63 =	vld.idx.msk [tilespmem:v41+s31+$0x0], $0xffff  }
0x1c7: {  	v13 =	vadd.f32 v33, v13;
	v41 =	vor.u32 $0x1F, v24;
	v50 =	vld.idx.msk [tilespmem:v59+s31+$0x0], $0xffff;
	v59 =	vor.u32 $0x1D, v24  }
0x1c8: {  	v11 =	vadd.f32 v39, v11;
	v31 =	vor.u32 $0x1C, v24;
	v46 =	vld.idx.msk [tilespmem:v48+s31+$0x0], $0xffff;
	v48 =	vor.u32 $0x1B, v9  }
0x1c9: {  	v20 =	vadd.f32 v4, v20;
	v33 =	vor.u32 $0x18, v24;
	v17 =	vadd.f32 v36, v17;
	v60 =	vld.idx.msk [tilespmem:v60+s31+$0x0], $0xffff  }
0x1ca: {  	v13 =	vadd.f32 v8, v13;
	v11 =	vadd.f32 v3, v11;
	v49 =	vor.u32 $0x1E, v24;
	v39 =	vld.idx.msk [tilespmem:v55+s31+$0x0], $0xffff  }
0x1cb: {  	v25 =	vadd.f32 v44, v25;
	v18 =	vadd.f32 v51, v18;
	v43 =	vld.idx.msk [tilespmem:v53+s31+$0x0], $0xffff;
	v53 =	vor.u32 $0x1E, v9  }
.Ltmp3:
0x1cc: {  	v6 =	vadd.f32 v35, v6;
	v4 =	vmul.f32 v28, v1;
	v17 =	vadd.f32 v32, v17;
	v41 =	vld.idx.msk [tilespmem:v41+s31+$0x0], $0xffff;
	(pc) =	sbr.rel @p0 .LBB2_9-.Ltmp3, $4  }
0x1cd: {  	v14 =	vadd.f32 v56, v14;
	v3 =	vmul.f32 v62, v1;
	v32 =	vmul.f32 v50, v2;
	v36 =	vld.idx.msk [tilespmem:v48+s31+$0x0], $0xffff  }
0x1ce: {  	v6 =	vadd.f32 v58, v6;
	v8 =	vmul.f32 v61, v1;
	v28 =	vmul.f32 v63, v1;
	v50 =	vld.idx.msk [tilespmem:v59+s31+$0x0], $0xffff  }
0x1cf: {  	v14 =	vadd.f32 v26, v14;
	v27 =	vadd.f32 v32, v27;
	v32 =	vmul.f32 v54, v1;
	v47 =	vld.idx.msk [tilespmem:v47+s31+$0x0], $0xffff  }
0x1d0: {  	v18 =	vadd.f32 v57, v18;
	v48 =	vmul.f32 v52, v1;
	v51 =	vmul.f32 v60, v2;
	v44 =	vld.idx.msk [tilespmem:v53+s31+$0x0], $0xffff  }
0x1d1: {  	_ =	sdelay $0x3  }
0x1d2: {  	v26 =	vld.idx.msk [tilespmem:v49+s31+$0x0], $0xffff  }
0x1d3: {  	v35 =	vld.idx.msk [tilespmem:v45+s31+$0x0], $0xffff  }
0x1d4: {  	v34 =	vld.idx.msk [tilespmem:v34+s31+$0x0], $0xffff  }
0x1d5: {  	v37 =	vld.idx.msk [tilespmem:v37+s31+$0x0], $0xffff  }
0x1d6: {  	v24 =	vor.u32 $0x16, v24;
	v38 =	vld.idx.msk [tilespmem:v38+s31+$0x0], $0xffff;
	v42 =	vmul.f32 v42, v1  }
0x1d7: {  	v30 =	vld.idx.msk [tilespmem:v30+s31+$0x0], $0xffff;
	v9 =	vor.u32 $0x1F, v9;
	v27 =	vadd.f32 v32, v27;
	v39 =	vmul.f32 v39, v2  }
0x1d8: {  	v62 =	vmul.f32 v46, v1;
	v7 =	vld.idx.msk [tilespmem:v7+s31+$0x0], $0xffff;
	v19 =	vmul.f32 v19, v1;
	v10 =	vadd.f32 v51, v10  }
0x1d9: {  	v29 =	vld.idx.msk [tilespmem:v29+s31+$0x0], $0xffff;
	v16 =	vmul.f32 v16, v1;
	v49 =	vmul.f32 v43, v1;
	v21 =	vadd.f32 v39, v21  }
0x1da: {  	v33 =	vld.idx.msk [tilespmem:v33+s31+$0x0], $0xffff;
	v59 =	vmul.f32 v36, v1;
	v63 =	vmul.f32 v50, v2;
	v10 =	vadd.f32 v48, v10  }
0x1db: {  	v31 =	vld.idx.msk [tilespmem:v31+s31+$0x0], $0xffff;
	v55 =	vmul.f32 v47, v2;
	v54 =	vadd.f32 v49, v21;
	v34 =	vmul.f32 v34, v2  }
0x1dc: {  	v5 =	vadd.f32 v63, v5;
	v24 =	vld.idx.msk [tilespmem:v24+s31+$0x0], $0xffff;
	v37 =	vmul.f32 v37, v2;
	v30 =	vmul.f32 v30, v2  }
0x1dd: {  	v9 =	vld.idx.msk [tilespmem:v9+s31+$0x0], $0xffff;
	v7 =	vmul.f32 v7, v1;
	[tilespmem:$0x11100] =	vst v27;
	v15 =	vadd.f32 v55, v15  }
0x1de: {  	v51 =	vmul.f32 v29, v2;
	[tilespmem:$0x11120] =	vst v10;
	v5 =	vadd.f32 v28, v5;
	v22 =	vadd.f32 v34, v22  }
0x1df: {  	v52 =	vmul.f32 v33, v2;
	[tilespmem:$0x11150] =	vst v54;
	v23 =	vadd.f32 v37, v23;
	v61 =	vadd.f32 v62, v15  }
0x1e0: {  	v53 =	vmul.f32 v38, v2;
	v18 =	vadd.f32 v30, v18;
	[tilespmem:$0x111D0] =	vst v5;
	v16 =	vadd.f32 v16, v22  }
0x1e1: {  	v57 =	vmul.f32 v35, v2;
	v14 =	vadd.f32 v51, v14;
	v19 =	vadd.f32 v19, v23;
	[tilespmem:$0x111A0] =	vst v61  }
0x1e2: {  	v58 =	vmul.f32 v31, v2;
	v13 =	vadd.f32 v52, v13;
	v7 =	vadd.f32 v7, v18;
	[tilespmem:$0x11110] =	vst v16  }
0x1e3: {  	v60 =	vmul.f32 v26, v2;
	v10 =	vadd.f32 v53, v20;
	v14 =	vadd.f32 v42, v14;
	[tilespmem:$0x11130] =	vst v19  }
0x1e4: {  	v11 =	vadd.f32 v58, v11;
	v62 =	vmul.f32 v44, v1;
	v8 =	vadd.f32 v8, v13;
	[tilespmem:$0x11140] =	vst v7  }
0x1e5: {  	v63 =	vadd.f32 v60, v25;
	v4 =	vadd.f32 v4, v10;
	v50 =	vmul.f32 v24, v2;
	[tilespmem:$0x11170] =	vst v14  }
0x1e6: {  	v3 =	vadd.f32 v3, v11;
	v2 =	vmul.f32 v41, v2;
	v7 =	vadd.f32 v57, v12;
	[tilespmem:$0x11180] =	vst v8  }
0x1e7: {  	v40 =	vmul.f32 v40, v1;
	[tilespmem:$0x11190] =	vst v4;
	v4 =	vadd.f32 v62, v63;
	v17 =	vadd.f32 v50, v17  }
0x1e8: {  	v1 =	vmul.f32 v9, v1;
	[tilespmem:$0x111C0] =	vst v3;
	v2 =	vadd.f32 v2, v6;
	v7 =	vadd.f32 v59, v7  }
0x1e9: {  	[tilespmem:$0x111E0] =	vst v4;
	v56 =	vadd.f32 v40, v17  }
0x1ea: {  	s0 =	sshll.u32 s0, $0x6;
	s30 =	sadd.s32 $0x1, s30;
	v1 =	vadd.f32 v1, v2;
	[tilespmem:$0x111B0] =	vst v7  }
0x1eb: {  	s0 =	sand.u32 $0x1FFFFFC0, s0;
	p0 =	sne.s32 s30, $0xAA;
	[tilespmem:$0x11160] =	vst v56  }
.Ltmp4:
0x1ec: {  	s0 =	sadd.s32 s6, s0;
	[tilespmem:$0x111F0] =	vst v1;
	(pc) =	sbr.rel @p0 .LBB2_2-.Ltmp4, $4  }
0x1ed: {  	[hbm4b:s0+s3] =	stream.linear.scatter [tilespmem:s9], [sflag:$0x3], $0x200, $0x38;
	[tilespmem:$0x11200] =	vst v63  }
0x1ee: {  	_ =	swait.ge [sflag:s11], $0x200  }
0x1ef: {  	[sflag:s11] =	ssyncset.done $0x0  }
0x1f0: {  	[sflag:s11] =	ssyncadd.s32 $0xFFFFFE00  }
0x1f1: {  	_ =	swait.ge [sflag:s8], $0x1000  }
0x1f2: {  	[sflag:s8] =	ssyncset.done $0x0  }
0x1f3: {  	[sflag:s8] =	ssyncadd.s32 $0xFFFFF000  }
0x1f4: {  	_ =	swait.ge [sflag:s8], $0x1000  }
0x1f5: {  	[sflag:s8] =	ssyncset.done $0x0  }
0x1f6: {  	[sflag:s8] =	ssyncadd.s32 $0xFFFFF000  }
0x1f7: {  	_ =	swait.ge [sflag:s8], $0x1000  }
0x1f8: {  	[sflag:s8] =	ssyncset.done $0x0  }
0x1f9: {  	[sflag:s8] =	ssyncadd.s32 $0xFFFFF000  }
0x1fa: {  	_ =	swait.ge [sflag:s8], $0x1000  }
0x1fb: {  	[sflag:s8] =	ssyncset.done $0x0  }
0x1fc: {  	[sflag:s8] =	ssyncadd.s32 $0xFFFFF000  }
0x1fd: {  	_ =	swait.ge [sflag:s8], $0x1000  }
0x1fe: {  	[sflag:s8] =	ssyncset.done $0x0  }
0x1ff: {  	[sflag:s8] =	ssyncadd.s32 $0xFFFFF000  }
0x200: {  	_ =	swait.ge [sflag:s8], $0x1000  }
0x201: {  	[sflag:s8] =	ssyncset.done $0x0  }
0x202: {  	[sflag:s8] =	ssyncadd.s32 $0xFFFFF000  }
0x203: {  	_ =	swait.ge [sflag:s8], $0x1000  }
0x204: {  	[sflag:s8] =	ssyncset.done $0x0  }
0x205: {  	[sflag:s8] =	ssyncadd.s32 $0xFFFFF000  }
0x206: {  	_ =	swait.ge [sflag:s8], $0x1000  }
0x207: {  	s2 =	rddreg [dreg:$0x6]  }
0x208: {  	s0 =	rddreg [dreg:$0x5];
	s2 =	sadd.s32 $0x1, s2  }
0x209: {  	p0 =	sne.s32 s2, s0  }
.Ltmp5:
0x20a: {  	_ = 	snop;
	(pc) =	sbr.rel @p0 .LBB2_1-.Ltmp5, $3  }
0x20b: {  	_ =	sdelay $0x1  }
0x20c: {  	[sflag:s8] =	ssyncset.done $0x0  }
0x20d: {  	[sflag:s8] =	ssyncadd.s32 $0xFFFFF000  }
0x20e: {  	_ =	sfence.sel $0x180000  }
0x20f: {  	[bflag:$0x0] =	sbarrier.arrive $0xFFFF  }
0x210: {  	_ =	strace $0x90000050  }
0x211: {  	s0 =	stileid.u32;
	[bflag:$0x2] =	sbarrier.arrive $0xFFFF  }
0x212: {  	p0 =	sne.s32 s0, $0x0;
	s0 =	rddreg [dreg:$0x2]  }
0x213: {  	s0 =	sadd.s32 @!p0 $0x100000, s0  }
0x214: {  	[sflag:s0] =	ssyncadd.tile.s32 @!p0 $0x1;
	_ =	shalt  }
.Lfunc_end2:
_tile_overlayer_lowered:
.L_overlay_start_2:
0x215: {  	(tag) =	ssettag $0x2  }
0x216: {  	s0 =	rddreg [dreg:$0x0];
	s2 =	stileid.u32  }
0x217: {  	s1 =	rddreg [dreg:$0x1];
	p0 =	sne.s32 s2, $0x0  }
0x218: {  	s3 =	rddreg [dreg:$0x2];
	[bflag:$0x3] =	sbarrier.arrive $0xFFFF;
	s2 =	simm.s32 @!p0 $0x1C03  }
0x219: {  	[timem:s3], [sflag:s2] =	dma.local @!p0 [hbm:s0], s1  }
0x21a: {  	s0 =	simm.s32 @!p0 $0x3  }
0x21b: {  	_ =	swait.ge @!p0 [sflag:s0], s1  }
0x21c: {  	s1 =	ssub.s32 @!p0 $0x0, s1;
	[sflag:s0] =	ssyncset.done @!p0 $0x0  }
0x21d: {  	[sflag:s0] =	ssyncadd.s32 @!p0 s1  }
0x21e: {  	[bflag:$0x3] =	sbarrier.arrive $0xFFFF  }
0x21f: {  	_ =	shalt  }

// kernel: sparse-core-data-format-call.1.cloned.1.call-start
scs
called_computation.1_lowered:
.L_overlay_start_0:
0x0: {  	s1 =	sld [smem:$0x3FD9]  }
0x1: {  	s2 =	sld [smem:$0x3FFE];
	_ =	sdelay $0x1  }
0x2: {  	s3 =	srdreg.scid  }
0x3: {  	s0 =	sand.u32 $0x1, s3  }
0x4: {  	s17 =	sshll.u32 s0, $0xA;
	s1 =	sadd.s32 s2, s1  }
0x5: {  	s1 =	sadd.s32 s1, s17  }
0x6: {  	[smem:$0x3FB6] =	sst s1  }
0x7: {  	_ = 	snop  }
0x8: {  	(tm) =	ssettm $0x1  }
0x9: {  	s18 =	sld [smem:$0x3FFB];
	_ =	sdelay $0x3  }
0xa: {  	_ =	strace s18  }
0xb: {  	s1 =	sld [smem:$0x3FFC];
	_ =	sdelay $0x3  }
0xc: {  	_ =	strace s1  }
0xd: {  	s1 =	sld [smem:$0x3FFD];
	_ =	sdelay $0x3  }
0xe: {  	_ =	strace s1  }
0xf: {  	_ =	strace $0x8FFFFFFF  }
0x10: {  	s19 =	sld [smem:$0x3FDB];
	_ =	sdelay $0x1  }
0x11: {  	s20 =	simm.s32 $_scs_section_size  }
0x12: {  	s4 =	simm.s32 $_size__tile_overlayer_lowered;
	s5 =	simm.s32 $_tile_overlayer_lowered  }
0x13: {  	s23 =	simm.s32 $0x1BFF;
	s22 =	sshll.u32 s5, $0x1;
	s1 =	sadd.s32 s20, s19  }
0x14: {  	s6 =	simm.s32 $0x0;
	s21 =	sshll.u32 s4, $0x1;
	s4 =	sadd.s32 s22, s1  }
0x15: {  	[timem:s6], [sflag:s23] =	dma.local [hbm:s4], s21  }
0x16: {  	_ =	swait.ge [sflag:s23], s21  }
0x17: {  	s2 =	ssub.s32 $0x0, s21;
	[sflag:s23] =	ssyncset.done $0x0  }
0x18: {  	[sflag:s23] =	ssyncadd.s32 s2;
	_ =	sdelay $0x1  }
0x19: {  	s24 =	simm.s32 $0x1B8B  }
0x1a: {  	_ =	swait.ge [sflag:s24], $0x1  }
0x1b: {  	[sflag:s24] =	ssyncset.done $0x0  }
0x1c: {  	s26 =	simm.s32 $0x1B8E;
	s25 =	sld [smem:$0x3FFE];
	[sflag:s24] =	ssyncadd.s32 $0xFFFFFFFF  }
0x1d: {  	s27 =	simm.s32 $execute0_lowered;
	[smem:$0x3FD2] =	sst s26  }
0x1e: {  	s4 =	sshll.u32 s27, $0x1;
	_ =	strace $0x80000046;
	[dreg:$0x1] =	wrdreg $0xFFFFFFFF  }
0x1f: {  	s28 =	simm.s32 $_size_execute0_lowered;
	s1 =	sadd.s32 s1, s4;
	[dreg:$0x0] =	wrdreg $0x0  }
0x20: {  	s4 =	sshll.u32 s28, $0x1;
	[dreg:$0x2] =	wrdreg s1  }
0x21: {  	[dreg:$0x3] =	wrdreg s4  }
0x22: {  	[dreg:$0x4] =	wrdreg $0xC0  }
0x23: {  	_ =	task [dreg:s6], $0x5FFFF  }
0x24: {  	[dreg:$0x1] =	wrdreg $0xFFFFFFFF  }
0x25: {  	[dreg:$0x0] =	wrdreg $0x60  }
0x26: {  	[dreg:$0x2] =	wrdreg s25  }
0x27: {  	[dreg:$0x3] =	wrdreg $0xA  }
0x28: {  	_ =	task.clear_ibuf [dreg:s6], $0x4FFFF;
	_ =	strace $0x90000046  }
0x29: {  	s29 =	simm.s32 $0xA;
	_ =	strace $0x80000048  }
0x2a: {  	_ =	swait.ge [sflag:s29], $0x1  }
0x2b: {  	[sflag:s29] =	ssyncadd.s32 $0xFFFFFFFF  }
0x2c: {  	_ =	strace $0x90000048  }
0x2d: {  	_ =	sfence  }
0x2e: {  	s30 =	sld [smem:$0x0];
	_ =	sdelay $0x2  }
0x2f: {  	s31 =	sshll.u32 s3, $0xD;
	s3 =	sshrl.u32 s3, $0x2  }
0x30: {  	s2 =	sand.u32 $0x4000, s31;
	s1 =	sadd.s32 s3, s30  }
0x31: {  	s0 =	sor.u32 s2, s0;
	s1 =	sshll.u32 s1, $0x11  }
0x32: {  	s0 =	sor.u32 s1, s0  }
0x33: {  	s0 =	sadd.s32 $0x8F2B, s0  }
0x34: {  	[sflag:s0] =	ssyncadd.remote.s32 $0x1  }
0x35: {  	_ =	sfence.sel $0xFFFF  }
0x36: {  	[dreg:$0x0] =	wrdreg $0xFFFFFFFF;
	(pc) =	sbr.abs _section_cstart, $3  }
0x37: {  	[dreg:$0x1] =	wrdreg $0xFFFFFFFF  }
0x38: {  	_ =	task.clear_ibuf [dreg:s6], $0x2FFFF;
	_ =	strace $0x9FFFFFFF  }
0x39: {  	(tm) =	ssettm $0x7FFFFFFF  }
tec
execute0_lowered:
.L_overlay_start_1:
0x0: {  	(tag) =	ssettag $0x1  }
0x1: {  	s0 =	rddreg [dreg:$0x0];
	s1 =	srdreg.scid;
	_ =	strace $0x80000047  }
0x2: {  	s3 =	stileid.u32;
	s6 =	simm.s32 $0x1;
	s31 =	simm.s32 $0x2  }
0x3: {  	s25 =	simm.s32 $0x0;
	p0 =	por $0x0, $0x0;
	s22 =	simm.s32 $0x0  }
0x4: {  	s23 =	simm.s32 $0x0;
	s24 =	simm.s32 $0x0;
	s26 =	simm.s32 $0x0  }
0x5: {  	s11 =	simm.s32 $0x0;
	s12 =	simm.s32 $0x0;
	s13 =	simm.s32 $0x0  }
0x6: {  	s14 =	simm.s32 $0x0;
	s15 =	simm.s32 $0x0;
	s17 =	simm.s32 $0x0  }
0x7: {  	s18 =	simm.s32 $0x0;
	s21 =	simm.s32 $0x0;
	s2 =	sadd.s32 $0x355C00, s0  }
.Ltmp0:
0x8: {  	s1 =	sshll.u32 s1, $0x7;
	s0 =	sadd.s32 $0x4ADC00, s0;
	(pc) =	sbr.rel .LBB1_1-.Ltmp0, $4  }
0x9: {  	s5 =	sand.u32 $0x3, s3;
	[sflag:s6] =	ssyncpa.u1 $0x0;
	s4 =	sand.u32 $0x80, s1  }
0xa: {  	s8 =	sshrl.u32 s3, $0x2;
	[dreg:$0x2] =	wrdreg s0;
	s30 =	ssub.s32 $0x1500, s4  }
0xb: {  	[sflag:s31] =	ssyncpa.u1 $0x0;
	s19 =	smov.u32 s8;
	s7 =	sshrl.u32 s30, $0x8  }
0xc: {  	s20 =	smov.u32 s5;
	s16 =	smov.u32 s4;
	s9 =	sor.u32 $0x2, s7  }
.LBB1_7:
0xd: {  	p1 =	slt.u32 s21, $0x2;
	s0 =	smov.u32 s26  }
0xe: {  	s27 =	sadd.s32 $0x100, s16;
	s28 =	smov.u32 s17;
	s29 =	smov.u32 s18  }
0xf: {  	p0 =	por !p0, !p0;
	p2 =	sgt.s32 @!p1 s26, $0x3;
	s1 =	sshra.s32 @!p1 s26, $0x1F  }
0x10: {  	s3 =	sshra.s32 @!p1 s25, $0x1F;
	p3 =	sgt.s32 @!p1 s24, $0x3;
	p2 =	por !p2, p1  }
0x11: {  	s1 =	sand.u32 @!p1 s1, s26;
	s3 =	sand.u32 @!p1 s3, s25;
	s26 =	smov.u32 s15  }
0x12: {  	s15 =	smov.u32 s20;
	s0 =	simm.s32 @p2 $0x3;
	p2 =	sgt.s32 @!p1 s25, $0x14C0  }
0x13: {  	s0 =	ssub.s32 @!p1 s0, s1;
	p2 =	por !p2, p1;
	s1 =	smov.u32 s25  }
0x14: {  	s25 =	smov.u32 s11;
	s11 =	smov.u32 s16;
	s10 =	sadd.s32 @!p1 $0xFFFFFFFD, s0  }
0x15: {  	s1 =	simm.s32 @p2 $0x14C0;
	s0 =	ssub.s32 @!p1 $0x4, s0;
	p2 =	sgt.s32 @!p1 s10, $0x0  }
0x16: {  	s1 =	ssub.s32 @!p1 s1, s3;
	s10 =	sshra.s32 @!p1 s24, $0x1F;
	p2 =	por !p2, p1  }
0x17: {  	s3 =	sadd.s32 @!p1 $0xFFFFEB40, s1;
	s10 =	sand.u32 @!p1 s10, s24;
	s0 =	simm.s32 @!p2 $0x0  }
0x18: {  	p2 =	sgt.s32 @!p1 s3, $0x7F;
	s3 =	smov.u32 s24;
	s24 =	ssub.s32 @!p1 $0x0, s23  }
0x19: {  	s1 =	ssub.s32 @!p1 $0x1540, s1;
	p2 =	por !p2, p1;
	s23 =	smin.u32 @!p1 s23, s24  }
0x1a: {  	s24 =	smov.u32 s22;
	s1 =	simm.s32 @!p2 $0x0;
	p2 =	por !p3, p1  }
0x1b: {  	p3 =	sgt.s32 @!p1 s23, $0x7;
	s23 =	ssub.s32 @!p1 $0x8, s23;
	s3 =	simm.s32 @p2 $0x3  }
0x1c: {  	p2 =	sgt.s32 @!p1 s22, $0x70;
	p3 =	por !p3, p1;
	s3 =	ssub.s32 @!p1 s3, s10  }
0x1d: {  	p2 =	por !p2, p1;
	s23 =	simm.s32 @!p3 $0x0;
	s10 =	sadd.s32 @!p1 $0xFFFFFFFD, s3  }
0x1e: {  	s24 =	simm.s32 @p2 $0x70;
	p2 =	sgt.s32 @!p1 s10, $0x0;
	s10 =	sshra.s32 @!p1 s22, $0x1F  }
0x1f: {  	p3 =	sgt.s32 s27, $0x153F;
	s3 =	ssub.s32 @!p1 $0x4, s3;
	s10 =	sand.u32 @!p1 s10, s22  }
0x20: {  	s0 =	smul.u32 @!p1 s0, s23;
	p2 =	por !p2, p1;
	s10 =	ssub.s32 @!p1 s24, s10  }
0x21: {  	s27 =	smov.u32 @p3 s4;
	s3 =	simm.s32 @!p2 $0x0;
	s22 =	sadd.s32 @!p1 $0xFFFFFF90, s10  }
0x22: {  	s10 =	ssub.s32 @!p1 $0x80, s10;
	p2 =	sgt.s32 @!p1 s22, $0xF;
	s22 =	sadd.s32 $0x10, s17  }
0x23: {  	s0 =	smul.u32 @!p1 s3, s0;
	p2 =	por !p2, p1;
	s28 =	smov.u32 @p3 s22  }
0x24: {  	s3 =	sadd.s32 $0x8, s18;
	s10 =	simm.s32 @!p2 $0x0;
	p2 =	sgt.s32 s28, $0xF  }
0x25: {  	s23 =	smov.u32 s13;
	s0 =	smul.u32 @!p1 s10, s0;
	s29 =	smov.u32 @p2 s3  }
0x26: {  	s3 =	sadd.s32 $0x4, s19;
	s10 =	smov.u32 s19;
	p3 =	sgt.s32 s29, $0x7  }
0x27: {  	s28 =	simm.s32 @p2 $0x0;
	s0 =	smul.u32 @!p1 s1, s0;
	s10 =	smov.u32 @p3 s3  }
0x28: {  	s1 =	sadd.s32 $0x4, s20;
	s3 =	smov.u32 s20;
	p2 =	sgt.s32 s10, $0x3  }
0x29: {  	s13 =	smov.u32 s18;
	s16 =	smov.u32 s27;
	s3 =	smov.u32 @p2 s1  }
0x2a: {  	s24 =	smov.u32 s14;
	s10 =	smov.u32 @p2 s8;
	p2 =	sgt.s32 s3, $0x3  }
0x2b: {  	s14 =	smov.u32 s19;
	s3 =	smov.u32 @p2 s5;
	p2 =	sne.s32 s21, s9  }
.Ltmp1:
0x2c: {  	s22 =	smov.u32 s12;
	s12 =	smov.u32 s17;
	(pc) =	sbr.rel @!p2 .LBB1_8-.Ltmp1, $4  }
0x2d: {  	s29 =	simm.s32 @p3 $0x0;
	s0 =	sand.u32 @!p1 $0x3FFFFFFF, s0;
	s1 =	simm.s32 @!p1 $0x2  }
0x2e: {  	s17 =	smov.u32 s28;
	s18 =	smov.u32 s29;
	_ =	swait.ge @!p1 [sflag:s1], s0  }
0x2f: {  	s0 =	ssub.s32 @!p1 $0x0, s0;
	s19 =	smov.u32 s10;
	[sflag:s1] =	ssyncset.done @!p1 $0x0  }
0x30: {  	s21 =	sadd.s32 $0x1, s21;
	[sflag:s1] =	ssyncadd.s32 @!p1 s0;
	s20 =	smov.u32 s3  }
.LBB1_1:
0x31: {  	p1 =	sgt.u32 s21, s7  }
0x32: {  	s0 =	sshrl.u32 @!p1 s17, $0x3  }
0x33: {  	s1 =	sshll.u32 @!p1 s16, $0x3;
	s0 =	smul.u32 @!p1 $0xAC00, s0  }
0x34: {  	s10 =	sshll.u32 @!p1 s17, $0x7;
	s1 =	sand.u32 @!p1 $0xFFFFFC00, s1  }
0x35: {  	s0 =	sadd.s32 @!p1 s0, s1;
	s1 =	sand.u32 @!p1 $0x380, s10  }
0x36: {  	s28 =	smul.u32 @!p1 $0x56000, s20;
	s10 =	sand.u32 @!p1 $0x7F, s16;
	s0 =	sor.u32 @!p1 s1, s0  }
0x37: {  	s29 =	smul.u32 @!p1 $0x15800, s19;
	s1 =	sor.u32 @!p1 s10, s0  }
0x38: {  	s10 =	smulhi.u32 @!p1 $0x2FA0BE83, s1  }
0x39: {  	s0 =	smulhi.u32 @!p1 $0x2FA0BE83, s0  }
0x3a: {  	s30 =	smul.u32 @!p1 $0x2B00, s18;
	s10 =	sshrl.u32 @!p1 s10, $0xA  }
0x3b: {  	s27 =	sxor.u32 @!p1 $0xFFFFFFFF, s21;
	s0 =	sshrl.u32 @!p1 s0, $0xA;
	s10 =	smul.u32 @!p1 $0x1580, s10  }
0x3c: {  	s27 =	sshll.u32 @!p1 s27, $0xE;
	s28 =	sadd.s32 @!p1 s2, s28;
	s0 =	sand.u32 @!p1 $0xF, s0  }
0x3d: {  	s0 =	smul.u32 @!p1 $0x2B0, s0;
	s1 =	ssub.s32 @!p1 s1, s10;
	s10 =	sadd.s32 @!p1 s29, s28  }
0x3e: {  	s27 =	sand.u32 @!p1 $0x4000, s27;
	s10 =	sadd.s32 @!p1 s30, s10;
	s28 =	sand.u32 @!p1 $0x7, s1  }
0x3f: {  	s1 =	sshrl.u32 @!p1 s1, $0x3;
	s0 =	sadd.s32 @!p1 s0, s10;
	s10 =	sshll.u32 @!p1 s28, $0x12  }
0x40: {  	s0 =	sadd.s32 @!p1 s1, s0;
	s1 =	sor.u32 @!p1 $0x400, s10;
	s10 =	simm.s32 @!p1 $0xAC00  }
0x41: {  	[tilespmem:s27], [sflag:$0x1] =	stream.strided.gather @!p1 [hbm4b:s0+s1], $0x4000, s10, s1, $0x38;
	[tilespmem:$0x10800] =	vst v63  }
0x42: {  	p1 =	seq.s32 s21, $0x0  }
0x43: {  	p2 =	sge.u32 @!p1 s21, s9  }
0x44: {  	p1 =	por p1, p2  }
.Ltmp2:
0x45: {  	_ = 	snop;
	(pc) =	sbr.rel @p1 .LBB1_7-.Ltmp2, $1  }
0x46: {  	_ =	sdelay $0x3  }
0x47: {  	s0 =	simm.s32 $0x1;
	s10 =	sand.u32 $0x1, s21  }
0x48: {  	s0 =	simm.s32 @!p0 $0x0;
	s10 =	smul.u32 $0x11000, s10  }
0x49: {  	_ =	swait.ge [sflag:s6], $0x4000;
	s1 =	smul.u32 $0x11000, s0  }
0x4a: {  	s30 =	simm.s32 $0x0;
	[sflag:s6] =	ssyncset.done $0x0;
	s0 =	sshll.u32 s0, $0xE  }
0x4b: {  	[sflag:s6] =	ssyncadd.s32 $0xFFFFC000;
	s31 =	sshrl.u32 s10, $0x2;
	s1 =	sshrl.u32 s1, $0x2  }
0x4c: {  	s29 =	sor.u32 $0x40, s0;
	s27 =	sor.u32 $0x8000, s31;
	s28 =	sor.u32 $0x8000, s1  }
.LBB1_3:
0x4d: {  	v0 =	vld [tilespmem:s29+$0x30]  }
0x4e: {  	v1 =	vld [tilespmem:s29+$0xFFFFFFD0]  }
0x4f: {  	v5 =	vld [tilespmem:s29+$0xFFFFFFE0]  }
0x50: {  	v6 =	vld [tilespmem:s29+$0xFFFFFFF0]  }
0x51: {  	s31 =	sadd.s32 $0x0, s28;
	v2 =	vld [tilespmem:s29+$0x0]  }
0x52: {  	v3 =	vld [tilespmem:s29+$0x10];
	[tilespmem:s31+$0x3B80 ss:$0x88] =	vst.msk $0xffff, v0  }
0x53: {  	v4 =	vld [tilespmem:s29+$0x20];
	[tilespmem:s31+$0x880 ss:$0x88] =	vst.msk $0xffff, v1  }
0x54: {  	s0 =	sadd.s32 $0x80, s29;
	v0 =	vld [tilespmem:s29+$0xFFFFFFC0];
	[tilespmem:s31+$0x1100 ss:$0x88] =	vst.msk $0xffff, v5  }
0x55: {  	s1 =	simm.s32 $0x4;
	s10 =	simm.s32 $0x8;
	v1 =	vld [tilespmem:s0+$0x30];
	[tilespmem:s31+$0x1980 ss:$0x88] =	vst.msk $0xffff, v6  }
.LBB1_4:
0x56: {  	p1 =	sne.s32 s10, $0x3C;
	v5 =	vld [tilespmem:s0+$0xFFFFFFD0];
	[tilespmem:s31+$0x2200 ss:$0x88] =	vst.msk $0xffff, v2  }
0x57: {  	v6 =	vld [tilespmem:s0+$0xFFFFFFE0];
	[tilespmem:s31+$0x2A80 ss:$0x88] =	vst.msk $0xffff, v3  }
0x58: {  	s3 =	sshra.s32 s1, $0x2;
	s1 =	smov.u32 s10;
	v7 =	vld [tilespmem:s0+$0xFFFFFFF0];
	[tilespmem:s31+$0x3300 ss:$0x88] =	vst.msk $0xffff, v4  }
.Ltmp3:
0x59: {  	v2 =	vld [tilespmem:s0+$0x0];
	[tilespmem:s31+$0x0 ss:$0x88] =	vst.msk $0xffff, v0;
	s31 =	sadd.s32 s3, s28;
	(pc) =	sbr.rel @p1 .LBB1_4-.Ltmp3, $4  }
0x5a: {  	v3 =	vld [tilespmem:s0+$0x10];
	[tilespmem:s31+$0x3B80 ss:$0x88] =	vst.msk $0xffff, v1  }
0x5b: {  	[tilespmem:s31+$0x880 ss:$0x88] =	vst.msk $0xffff, v5;
	v4 =	vld [tilespmem:s0+$0x20]  }
0x5c: {  	v0 =	vld [tilespmem:s0+$0xFFFFFFC0];
	[tilespmem:s31+$0x1100 ss:$0x88] =	vst.msk $0xffff, v6;
	s0 =	sadd.s32 $0x80, s0  }
0x5d: {  	s10 =	sadd.s32 $0x4, s10;
	v1 =	vld [tilespmem:s0+$0x30];
	[tilespmem:s31+$0x1980 ss:$0x88] =	vst.msk $0xffff, v7  }
0x5e: {  	v5 =	vld [tilespmem:s0+$0xFFFFFFD0];
	[tilespmem:s31+$0x2200 ss:$0x88] =	vst.msk $0xffff, v2  }
0x5f: {  	v58 =	vld [tilespmem:s0+$0xFFFFFFE0];
	[tilespmem:s31+$0x2A80 ss:$0x88] =	vst.msk $0xffff, v3  }
0x60: {  	s1 =	sshra.s32 s1, $0x2;
	v59 =	vld [tilespmem:s0+$0xFFFFFFF0];
	[tilespmem:s31+$0x3300 ss:$0x88] =	vst.msk $0xffff, v4  }
0x61: {  	v60 =	vld [tilespmem:s0+$0x0];
	s1 =	sadd.s32 s1, s28;
	[tilespmem:s31+$0x0 ss:$0x88] =	vst.msk $0xffff, v0  }
0x62: {  	v61 =	vld [tilespmem:s0+$0x10];
	[tilespmem:s1+$0x3B80 ss:$0x88] =	vst.msk $0xffff, v1  }
0x63: {  	v62 =	vld [tilespmem:s0+$0x20];
	s30 =	sadd.s32 $0x1, s30;
	[tilespmem:s1+$0x880 ss:$0x88] =	vst.msk $0xffff, v5  }
0x64: {  	v63 =	vld [tilespmem:s0+$0xFFFFFFC0];
	p1 =	sne.s32 s30, $0x8;
	[tilespmem:s1+$0x1100 ss:$0x88] =	vst.msk $0xffff, v58  }
.Ltmp4:
0x65: {  	[tilespmem:s1+$0x1980 ss:$0x88] =	vst.msk $0xffff, v59;
	(pc) =	sbr.rel @p1 .LBB1_3-.Ltmp4, $4  }
0x66: {  	[tilespmem:s1+$0x2200 ss:$0x88] =	vst.msk $0xffff, v60  }
0x67: {  	[tilespmem:s1+$0x2A80 ss:$0x88] =	vst.msk $0xffff, v61  }
0x68: {  	[tilespmem:s1+$0x3300 ss:$0x88] =	vst.msk $0xffff, v62  }
0x69: {  	s29 =	sadd.s32 $0x800, s29;
	s28 =	sadd.s32 $0x11, s28;
	[tilespmem:s1+$0x0 ss:$0x88] =	vst.msk $0xffff, v63  }
0x6a: {  	p1 =	sgt.s32 s15, $0x3;
	s0 =	smov.u32 s15;
	s1 =	sshra.s32 s15, $0x1F  }
0x6b: {  	s0 =	simm.s32 @!p1 $0x3;
	s1 =	sand.u32 s1, s15  }
0x6c: {  	s3 =	sshra.s32 s14, $0x1F;
	p2 =	sgt.s32 s11, $0x14C0;
	s0 =	ssub.s32 s0, s1  }
0x6d: {  	s10 =	smov.u32 s11;
	s28 =	ssub.s32 $0x0, s13;
	s1 =	sadd.s32 $0xFFFFFFFD, s0  }
0x6e: {  	s29 =	smov.u32 s12;
	s0 =	ssub.s32 $0x4, s0;
	p1 =	sgt.s32 s1, $0x0  }
0x6f: {  	s1 =	smov.u32 s14;
	s0 =	simm.s32 @p1 $0x0;
	p1 =	sgt.s32 s14, $0x3  }
0x70: {  	s30 =	sshra.s32 s12, $0x1F;
	s3 =	sand.u32 s3, s14;
	s1 =	simm.s32 @!p1 $0x3  }
0x71: {  	s10 =	simm.s32 @!p2 $0x14C0;
	p1 =	sgt.s32 s12, $0x70;
	s1 =	ssub.s32 s1, s3  }
0x72: {  	s3 =	smin.u32 s13, s28;
	s29 =	simm.s32 @!p1 $0x70;
	s28 =	sand.u32 s30, s12  }
0x73: {  	s31 =	sadd.s32 $0xFFFFFFFD, s1;
	p1 =	sgt.s32 s3, $0x7;
	s3 =	ssub.s32 $0x8, s3  }
0x74: {  	s28 =	ssub.s32 s29, s28;
	p2 =	sgt.s32 s31, $0x0;
	s31 =	sshra.s32 s11, $0x1F  }
0x75: {  	s1 =	ssub.s32 $0x4, s1;
	s3 =	simm.s32 @p1 $0x0;
	s29 =	sand.u32 s31, s11  }
0x76: {  	s0 =	smul.u32 s0, s3;
	s1 =	simm.s32 @p2 $0x0;
	s31 =	sadd.s32 $0xFFFFFF90, s28  }
0x77: {  	s30 =	ssub.s32 s10, s29;
	p1 =	sgt.s32 s31, $0xF;
	s10 =	ssub.s32 $0x80, s28  }
0x78: {  	s31 =	sshll.u32 s14, $0x4;
	s0 =	smul.u32 s1, s0;
	s29 =	sadd.s32 $0xFFFFEB40, s30  }
0x79: {  	s10 =	simm.s32 @p1 $0x0;
	s1 =	ssub.s32 $0x1540, s30;
	s30 =	smul.u32 $0x2A8000, s15  }
0x7a: {  	p1 =	sgt.s32 s29, $0x7F;
	s29 =	rddreg [dreg:$0x2];
	s0 =	smul.u32 s10, s0  }
0x7b: {  	s1 =	simm.s32 @p1 $0x0;
	s3 =	sadd.s32 s29, s30;
	s30 =	sshll.u32 s11, $0x9  }
0x7c: {  	s10 =	sand.u32 $0x30, s31;
	s0 =	smul.u32 s1, s0;
	s1 =	sshll.u32 s13, $0x6  }
.Ltmp5:
0x7d: {  	s31 =	sshrl.u32 s12, $0x3;
	s1 =	sadd.s32 s1, s3;
	(pc) =	sbr.rel .LBB1_7-.Ltmp5, $4  }
0x7e: {  	s29 =	sand.u32 $0x7, s12;
	s3 =	sand.u32 $0xF, s31;
	s1 =	sadd.s32 s10, s1  }
0x7f: {  	s31 =	simm.s32 $0x200;
	s10 =	sshll.u32 s29, $0x12;
	s1 =	sadd.s32 s30, s1  }
0x80: {  	s0 =	sand.u32 $0x3FFFFFFF, s0;
	s30 =	sor.u32 $0x10, s10;
	s1 =	sadd.s32 s3, s1  }
0x81: {  	[hbm4b:s1+s30] =	stream.strided.scatter [tilespmem:s27], [sflag:$0x2], s0, s31, s30, $0x8;
	[tilespmem:$0x10800] =	vst v63  }
.LBB1_8:
0x82: {  	_ =	sfence.sel $0x180000  }
0x83: {  	s0 =	simm.s32 $0x1;
	[bflag:$0x0] =	sbarrier.arrive $0xFFFF  }
0x84: {  	s30 =	simm.s32 $0x2;
	[sflag:s0] =	ssyncpa.u1 $0x1  }
0x85: {  	[sflag:s30] =	ssyncpa.u1 $0x1  }
0x86: {  	_ =	strace $0x90000047  }
0x87: {  	s31 =	stileid.u32;
	[bflag:$0x2] =	sbarrier.arrive $0xFFFF  }
0x88: {  	p0 =	sne.s32 s31, $0x0;
	s0 =	rddreg [dreg:$0x1]  }
0x89: {  	s0 =	sadd.s32 @!p0 $0x100000, s0  }
0x8a: {  	[sflag:s0] =	ssyncadd.tile.s32 @!p0 $0x1;
	_ =	shalt  }
.Lfunc_end1:
_tile_overlayer_lowered:
.L_overlay_start_2:
0x8b: {  	(tag) =	ssettag $0x2  }
0x8c: {  	s0 =	rddreg [dreg:$0x0];
	s2 =	stileid.u32  }
0x8d: {  	s1 =	rddreg [dreg:$0x1];
	p0 =	sne.s32 s2, $0x0  }
0x8e: {  	s3 =	rddreg [dreg:$0x2];
	[bflag:$0x3] =	sbarrier.arrive $0xFFFF;
	s2 =	simm.s32 @!p0 $0x1C01  }
0x8f: {  	[timem:s3], [sflag:s2] =	dma.local @!p0 [hbm:s0], s1  }
0x90: {  	s0 =	simm.s32 @!p0 $0x1  }
0x91: {  	_ =	swait.ge @!p0 [sflag:s0], s1  }
0x92: {  	s1 =	ssub.s32 @!p0 $0x0, s1;
	[sflag:s0] =	ssyncset.done @!p0 $0x0  }
0x93: {  	[sflag:s0] =	ssyncadd.s32 @!p0 s1  }
0x94: {  	[bflag:$0x3] =	sbarrier.arrive $0xFFFF  }
0x95: {  	_ =	shalt  }

// kernel: sparse-core-data-format-call.2.cloned.1.call-start
scs
called_computation.2_lowered:
.L_overlay_start_0:
0x0: {  	s2 =	sld [smem:$0x3FD9]  }
0x1: {  	s3 =	sld [smem:$0x3FFE];
	_ =	sdelay $0x1  }
0x2: {  	s1 =	srdreg.scid  }
0x3: {  	s0 =	sand.u32 $0x1, s1  }
0x4: {  	s18 =	sshll.u32 s0, $0xA;
	s2 =	sadd.s32 s3, s2  }
0x5: {  	s2 =	sadd.s32 s2, s18  }
0x6: {  	[smem:$0x3FB6] =	sst s2  }
0x7: {  	_ = 	snop  }
0x8: {  	(tm) =	ssettm $0x1  }
0x9: {  	s19 =	sld [smem:$0x3FFB];
	_ =	sdelay $0x3  }
0xa: {  	_ =	strace s19  }
0xb: {  	s2 =	sld [smem:$0x3FFC];
	_ =	sdelay $0x3  }
0xc: {  	_ =	strace s2  }
0xd: {  	s2 =	sld [smem:$0x3FFD];
	_ =	sdelay $0x3  }
0xe: {  	_ =	strace s2  }
0xf: {  	_ =	strace $0x8FFFFFFF  }
0x10: {  	s20 =	sld [smem:$0x3FDB];
	_ =	sdelay $0x1  }
0x11: {  	s21 =	simm.s32 $_scs_section_size  }
0x12: {  	s4 =	simm.s32 $_size__tile_overlayer_lowered;
	s5 =	simm.s32 $_tile_overlayer_lowered  }
0x13: {  	s6 =	simm.s32 $0x1BFF;
	s22 =	sshll.u32 s5, $0x1;
	s3 =	sadd.s32 s21, s20  }
0x14: {  	s23 =	simm.s32 $0x0;
	s4 =	sshll.u32 s4, $0x1;
	s5 =	sadd.s32 s22, s3  }
0x15: {  	[timem:s23], [sflag:s6] =	dma.local [hbm:s5], s4  }
0x16: {  	_ =	swait.ge [sflag:s6], s4  }
0x17: {  	s4 =	ssub.s32 $0x0, s4;
	[sflag:s6] =	ssyncset.done $0x0  }
0x18: {  	[sflag:s6] =	ssyncadd.s32 s4;
	_ =	sdelay $0x1  }
0x19: {  	s24 =	simm.s32 $0x1B8B  }
0x1a: {  	_ =	swait.ge [sflag:s24], $0x1  }
0x1b: {  	[sflag:s24] =	ssyncset.done $0x0  }
0x1c: {  	[sflag:s24] =	ssyncadd.s32 $0xFFFFFFFF  }
0x1d: {  	s4 =	sld [smem:$0x0]  }
0x1e: {  	s5 =	sand.u32 $0xFFFFFFFE, s1  }
0x1f: {  	p0 =	sne.s32 s1, s5  }
0x20: {  	s5 =	sshll.u32 @p0 s5, $0xE  }
0x21: {  	s5 =	sadd.s32 @p0 $0x11B8D, s5;
	s6 =	sshll.u32 @p0 s4, $0x11  }
0x22: {  	s5 =	sor.u32 @p0 s6, s5  }
0x23: {  	[sflag:s5] =	ssyncadd.remote.s32 @p0 $0x1;
	_ =	sdelay $0x1  }
0x24: {  	s5 =	simm.s32 @p0 $0x1B8D  }
0x25: {  	_ =	swait.eq @p0 [sflag:s5], $0x1  }
0x26: {  	[sflag:s5] =	ssyncadd.s32 @p0 $0xFFFFFFFF  }
0x27: {  	s6 =	sshll.u32 @!p0 s1, $0xE  }
0x28: {  	s6 =	sor.u32 @!p0 $0x4000, s6;
	s5 =	simm.s32 @!p0 $0x1B8D  }
0x29: {  	s4 =	sshll.u32 @!p0 s4, $0x11;
	s6 =	sadd.s32 @!p0 $0x11B8D, s6;
	_ =	swait.eq @!p0 [sflag:s5], $0x1  }
0x2a: {  	s4 =	sor.u32 @!p0 s4, s6;
	[sflag:s5] =	ssyncadd.s32 @!p0 $0xFFFFFFFF  }
0x2b: {  	s26 =	simm.s32 $0x1B8E;
	s25 =	sld [smem:$0x3FFE];
	[sflag:s4] =	ssyncadd.remote.s32 @!p0 $0x1  }
0x2c: {  	s27 =	simm.s32 $execute0_lowered;
	[smem:$0x3FD2] =	sst s26  }
0x2d: {  	s5 =	sshll.u32 s27, $0x1;
	_ =	strace $0x80000049;
	[dreg:$0x1] =	wrdreg $0xFFFFFFFF  }
0x2e: {  	s28 =	simm.s32 $_size_execute0_lowered;
	s3 =	sadd.s32 s3, s5;
	[dreg:$0x0] =	wrdreg $0x0  }
0x2f: {  	s5 =	sshll.u32 s28, $0x1;
	[dreg:$0x2] =	wrdreg s3  }
0x30: {  	[dreg:$0x3] =	wrdreg s5  }
0x31: {  	[dreg:$0x4] =	wrdreg $0xC0  }
0x32: {  	_ =	task [dreg:s23], $0x5FFFF  }
0x33: {  	[dreg:$0x1] =	wrdreg $0xFFFFFFFF  }
0x34: {  	[dreg:$0x0] =	wrdreg $0x60  }
0x35: {  	[dreg:$0x2] =	wrdreg s25  }
0x36: {  	[dreg:$0x3] =	wrdreg $0x9  }
0x37: {  	_ =	task.clear_ibuf [dreg:s23], $0x4FFFF;
	_ =	strace $0x90000049  }
0x38: {  	s29 =	simm.s32 $0x9;
	_ =	strace $0x8000004B  }
0x39: {  	_ =	swait.ge [sflag:s29], $0x1  }
0x3a: {  	[sflag:s29] =	ssyncadd.s32 $0xFFFFFFFF  }
0x3b: {  	_ =	strace $0x9000004B  }
0x3c: {  	_ =	sfence  }
0x3d: {  	s30 =	sld [smem:$0x0];
	_ =	sdelay $0x2  }
0x3e: {  	s31 =	sshll.u32 s1, $0xD;
	s1 =	sshrl.u32 s1, $0x2  }
0x3f: {  	s4 =	sand.u32 $0x4000, s31;
	s1 =	sadd.s32 s1, s30  }
0x40: {  	s0 =	sor.u32 s4, s0;
	s1 =	sshll.u32 s1, $0x11  }
0x41: {  	s0 =	sor.u32 s1, s0  }
0x42: {  	s0 =	sadd.s32 $0x8F2B, s0  }
0x43: {  	[sflag:s0] =	ssyncadd.remote.s32 $0x1  }
0x44: {  	_ =	sfence.sel $0xFFFF  }
0x45: {  	[dreg:$0x0] =	wrdreg $0xFFFFFFFF;
	(pc) =	sbr.abs _section_cstart, $3  }
0x46: {  	[dreg:$0x1] =	wrdreg $0xFFFFFFFF  }
0x47: {  	_ =	task.clear_ibuf [dreg:s23], $0x2FFFF;
	_ =	strace $0x9FFFFFFF  }
0x48: {  	(tm) =	ssettm $0x7FFFFFFF  }
0x49: {  	_ =	shalt  }
tec
execute0_lowered:
.L_overlay_start_1:
0x0: {  	(tag) =	ssettag $0x1  }
0x1: {  	s0 =	rddreg [dreg:$0x0];
	s1 =	srdreg.scid;
	_ =	strace $0x8000004A  }
0x2: {  	s3 =	stileid.u32;
	s6 =	simm.s32 $0x1;
	s31 =	simm.s32 $0x2  }
0x3: {  	s25 =	simm.s32 $0x0;
	p0 =	por $0x0, $0x0;
	s22 =	simm.s32 $0x0  }
0x4: {  	s23 =	simm.s32 $0x0;
	s24 =	simm.s32 $0x0;
	s26 =	simm.s32 $0x0  }
0x5: {  	s11 =	simm.s32 $0x0;
	s12 =	simm.s32 $0x0;
	s13 =	simm.s32 $0x0  }
0x6: {  	s14 =	simm.s32 $0x0;
	s15 =	simm.s32 $0x0;
	s17 =	simm.s32 $0x0  }
0x7: {  	s18 =	simm.s32 $0x0;
	s21 =	simm.s32 $0x0;
	s2 =	sadd.s32 $0xF4DC00, s0  }
.Ltmp0:
0x8: {  	s1 =	sshll.u32 s1, $0x7;
	s0 =	sadd.s32 $0x10A5C00, s0;
	(pc) =	sbr.rel .LBB1_1-.Ltmp0, $4  }
0x9: {  	s5 =	sand.u32 $0x3, s3;
	[sflag:s6] =	ssyncpa.u1 $0x0;
	s4 =	sand.u32 $0x80, s1  }
0xa: {  	s8 =	sshrl.u32 s3, $0x2;
	[dreg:$0x2] =	wrdreg s0;
	s30 =	ssub.s32 $0x1500, s4  }
0xb: {  	[sflag:s31] =	ssyncpa.u1 $0x0;
	s19 =	smov.u32 s8;
	s7 =	sshrl.u32 s30, $0x8  }
0xc: {  	s20 =	smov.u32 s5;
	s16 =	smov.u32 s4;
	s9 =	sor.u32 $0x2, s7  }
.LBB1_7:
0xd: {  	p1 =	slt.u32 s21, $0x2;
	s0 =	smov.u32 s26  }
0xe: {  	s27 =	sadd.s32 $0x100, s16;
	s28 =	smov.u32 s17;
	s29 =	smov.u32 s18  }
0xf: {  	p0 =	por !p0, !p0;
	p2 =	sgt.s32 @!p1 s26, $0x3;
	s1 =	sshra.s32 @!p1 s26, $0x1F  }
0x10: {  	s3 =	sshra.s32 @!p1 s25, $0x1F;
	p3 =	sgt.s32 @!p1 s24, $0x3;
	p2 =	por !p2, p1  }
0x11: {  	s1 =	sand.u32 @!p1 s1, s26;
	s3 =	sand.u32 @!p1 s3, s25;
	s26 =	smov.u32 s15  }
0x12: {  	s15 =	smov.u32 s20;
	s0 =	simm.s32 @p2 $0x3;
	p2 =	sgt.s32 @!p1 s25, $0x14C0  }
0x13: {  	s0 =	ssub.s32 @!p1 s0, s1;
	p2 =	por !p2, p1;
	s1 =	smov.u32 s25  }
0x14: {  	s25 =	smov.u32 s11;
	s11 =	smov.u32 s16;
	s10 =	sadd.s32 @!p1 $0xFFFFFFFD, s0  }
0x15: {  	s1 =	simm.s32 @p2 $0x14C0;
	s0 =	ssub.s32 @!p1 $0x4, s0;
	p2 =	sgt.s32 @!p1 s10, $0x0  }
0x16: {  	s1 =	ssub.s32 @!p1 s1, s3;
	s10 =	sshra.s32 @!p1 s24, $0x1F;
	p2 =	por !p2, p1  }
0x17: {  	s3 =	sadd.s32 @!p1 $0xFFFFEB40, s1;
	s10 =	sand.u32 @!p1 s10, s24;
	s0 =	simm.s32 @!p2 $0x0  }
0x18: {  	p2 =	sgt.s32 @!p1 s3, $0x7F;
	s3 =	smov.u32 s24;
	s24 =	ssub.s32 @!p1 $0x0, s23  }
0x19: {  	s1 =	ssub.s32 @!p1 $0x1540, s1;
	p2 =	por !p2, p1;
	s23 =	smin.u32 @!p1 s23, s24  }
0x1a: {  	s24 =	smov.u32 s22;
	s1 =	simm.s32 @!p2 $0x0;
	p2 =	por !p3, p1  }
0x1b: {  	p3 =	sgt.s32 @!p1 s23, $0x7;
	s23 =	ssub.s32 @!p1 $0x8, s23;
	s3 =	simm.s32 @p2 $0x3  }
0x1c: {  	p2 =	sgt.s32 @!p1 s22, $0x70;
	p3 =	por !p3, p1;
	s3 =	ssub.s32 @!p1 s3, s10  }
0x1d: {  	p2 =	por !p2, p1;
	s23 =	simm.s32 @!p3 $0x0;
	s10 =	sadd.s32 @!p1 $0xFFFFFFFD, s3  }
0x1e: {  	s24 =	simm.s32 @p2 $0x70;
	p2 =	sgt.s32 @!p1 s10, $0x0;
	s10 =	sshra.s32 @!p1 s22, $0x1F  }
0x1f: {  	p3 =	sgt.s32 s27, $0x153F;
	s3 =	ssub.s32 @!p1 $0x4, s3;
	s10 =	sand.u32 @!p1 s10, s22  }
0x20: {  	s0 =	smul.u32 @!p1 s0, s23;
	p2 =	por !p2, p1;
	s10 =	ssub.s32 @!p1 s24, s10  }
0x21: {  	s27 =	smov.u32 @p3 s4;
	s3 =	simm.s32 @!p2 $0x0;
	s22 =	sadd.s32 @!p1 $0xFFFFFF90, s10  }
0x22: {  	s10 =	ssub.s32 @!p1 $0x80, s10;
	p2 =	sgt.s32 @!p1 s22, $0xF;
	s22 =	sadd.s32 $0x10, s17  }
0x23: {  	s0 =	smul.u32 @!p1 s3, s0;
	p2 =	por !p2, p1;
	s28 =	smov.u32 @p3 s22  }
0x24: {  	s3 =	sadd.s32 $0x8, s18;
	s10 =	simm.s32 @!p2 $0x0;
	p2 =	sgt.s32 s28, $0xF  }
0x25: {  	s23 =	smov.u32 s13;
	s0 =	smul.u32 @!p1 s10, s0;
	s29 =	smov.u32 @p2 s3  }
0x26: {  	s3 =	sadd.s32 $0x4, s19;
	s10 =	smov.u32 s19;
	p3 =	sgt.s32 s29, $0x7  }
0x27: {  	s28 =	simm.s32 @p2 $0x0;
	s0 =	smul.u32 @!p1 s1, s0;
	s10 =	smov.u32 @p3 s3  }
0x28: {  	s1 =	sadd.s32 $0x4, s20;
	s3 =	smov.u32 s20;
	p2 =	sgt.s32 s10, $0x3  }
0x29: {  	s13 =	smov.u32 s18;
	s16 =	smov.u32 s27;
	s3 =	smov.u32 @p2 s1  }
0x2a: {  	s24 =	smov.u32 s14;
	s10 =	smov.u32 @p2 s8;
	p2 =	sgt.s32 s3, $0x3  }
0x2b: {  	s14 =	smov.u32 s19;
	s3 =	smov.u32 @p2 s5;
	p2 =	sne.s32 s21, s9  }
.Ltmp1:
0x2c: {  	s22 =	smov.u32 s12;
	s12 =	smov.u32 s17;
	(pc) =	sbr.rel @!p2 .LBB1_8-.Ltmp1, $4  }
0x2d: {  	s29 =	simm.s32 @p3 $0x0;
	s0 =	sand.u32 @!p1 $0x3FFFFFFF, s0;
	s1 =	simm.s32 @!p1 $0x2  }
0x2e: {  	s17 =	smov.u32 s28;
	s18 =	smov.u32 s29;
	_ =	swait.ge @!p1 [sflag:s1], s0  }
0x2f: {  	s0 =	ssub.s32 @!p1 $0x0, s0;
	s19 =	smov.u32 s10;
	[sflag:s1] =	ssyncset.done @!p1 $0x0  }
0x30: {  	s21 =	sadd.s32 $0x1, s21;
	[sflag:s1] =	ssyncadd.s32 @!p1 s0;
	s20 =	smov.u32 s3  }
.LBB1_1:
0x31: {  	p1 =	sgt.u32 s21, s7  }
0x32: {  	s0 =	sshrl.u32 @!p1 s17, $0x3  }
0x33: {  	s1 =	sshll.u32 @!p1 s16, $0x3;
	s0 =	smul.u32 @!p1 $0xAC00, s0  }
0x34: {  	s10 =	sshll.u32 @!p1 s17, $0x7;
	s1 =	sand.u32 @!p1 $0xFFFFFC00, s1  }
0x35: {  	s0 =	sadd.s32 @!p1 s0, s1;
	s1 =	sand.u32 @!p1 $0x380, s10  }
0x36: {  	s28 =	smul.u32 @!p1 $0x56000, s20;
	s10 =	sand.u32 @!p1 $0x7F, s16;
	s0 =	sor.u32 @!p1 s1, s0  }
0x37: {  	s29 =	smul.u32 @!p1 $0x15800, s19;
	s1 =	sor.u32 @!p1 s10, s0  }
0x38: {  	s10 =	smulhi.u32 @!p1 $0x2FA0BE83, s1  }
0x39: {  	s0 =	smulhi.u32 @!p1 $0x2FA0BE83, s0  }
0x3a: {  	s30 =	smul.u32 @!p1 $0x2B00, s18;
	s10 =	sshrl.u32 @!p1 s10, $0xA  }
0x3b: {  	s27 =	sxor.u32 @!p1 $0xFFFFFFFF, s21;
	s0 =	sshrl.u32 @!p1 s0, $0xA;
	s10 =	smul.u32 @!p1 $0x1580, s10  }
0x3c: {  	s27 =	sshll.u32 @!p1 s27, $0xE;
	s28 =	sadd.s32 @!p1 s2, s28;
	s0 =	sand.u32 @!p1 $0xF, s0  }
0x3d: {  	s0 =	smul.u32 @!p1 $0x2B0, s0;
	s1 =	ssub.s32 @!p1 s1, s10;
	s10 =	sadd.s32 @!p1 s29, s28  }
0x3e: {  	s27 =	sand.u32 @!p1 $0x4000, s27;
	s10 =	sadd.s32 @!p1 s30, s10;
	s28 =	sand.u32 @!p1 $0x7, s1  }
0x3f: {  	s1 =	sshrl.u32 @!p1 s1, $0x3;
	s0 =	sadd.s32 @!p1 s0, s10;
	s10 =	sshll.u32 @!p1 s28, $0x12  }
0x40: {  	s0 =	sadd.s32 @!p1 s1, s0;
	s1 =	sor.u32 @!p1 $0x400, s10;
	s10 =	simm.s32 @!p1 $0xAC00  }
0x41: {  	[tilespmem:s27], [sflag:$0x1] =	stream.strided.gather @!p1 [hbm4b:s0+s1], $0x4000, s10, s1, $0x38;
	[tilespmem:$0x10800] =	vst v63  }
0x42: {  	p1 =	seq.s32 s21, $0x0  }
0x43: {  	p2 =	sge.u32 @!p1 s21, s9  }
0x44: {  	p1 =	por p1, p2  }
.Ltmp2:
0x45: {  	_ = 	snop;
	(pc) =	sbr.rel @p1 .LBB1_7-.Ltmp2, $1  }
0x46: {  	_ =	sdelay $0x3  }
0x47: {  	s0 =	simm.s32 $0x1;
	s10 =	sand.u32 $0x1, s21  }
0x48: {  	s0 =	simm.s32 @!p0 $0x0;
	s10 =	smul.u32 $0x11000, s10  }
0x49: {  	_ =	swait.ge [sflag:s6], $0x4000;
	s1 =	smul.u32 $0x11000, s0  }
0x4a: {  	s30 =	simm.s32 $0x0;
	[sflag:s6] =	ssyncset.done $0x0;
	s0 =	sshll.u32 s0, $0xE  }
0x4b: {  	[sflag:s6] =	ssyncadd.s32 $0xFFFFC000;
	s31 =	sshrl.u32 s10, $0x2;
	s1 =	sshrl.u32 s1, $0x2  }
0x4c: {  	s29 =	sor.u32 $0x40, s0;
	s27 =	sor.u32 $0x8000, s31;
	s28 =	sor.u32 $0x8000, s1  }
.LBB1_3:
0x4d: {  	v0 =	vld [tilespmem:s29+$0x30]  }
0x4e: {  	v1 =	vld [tilespmem:s29+$0xFFFFFFD0]  }
0x4f: {  	v5 =	vld [tilespmem:s29+$0xFFFFFFE0]  }
0x50: {  	v6 =	vld [tilespmem:s29+$0xFFFFFFF0]  }
0x51: {  	s31 =	sadd.s32 $0x0, s28;
	v2 =	vld [tilespmem:s29+$0x0]  }
0x52: {  	v3 =	vld [tilespmem:s29+$0x10];
	[tilespmem:s31+$0x3B80 ss:$0x88] =	vst.msk $0xffff, v0  }
0x53: {  	v4 =	vld [tilespmem:s29+$0x20];
	[tilespmem:s31+$0x880 ss:$0x88] =	vst.msk $0xffff, v1  }
0x54: {  	s0 =	sadd.s32 $0x80, s29;
	v0 =	vld [tilespmem:s29+$0xFFFFFFC0];
	[tilespmem:s31+$0x1100 ss:$0x88] =	vst.msk $0xffff, v5  }
0x55: {  	s1 =	simm.s32 $0x4;
	s10 =	simm.s32 $0x8;
	v1 =	vld [tilespmem:s0+$0x30];
	[tilespmem:s31+$0x1980 ss:$0x88] =	vst.msk $0xffff, v6  }
.LBB1_4:
0x56: {  	p1 =	sne.s32 s10, $0x3C;
	v5 =	vld [tilespmem:s0+$0xFFFFFFD0];
	[tilespmem:s31+$0x2200 ss:$0x88] =	vst.msk $0xffff, v2  }
0x57: {  	v6 =	vld [tilespmem:s0+$0xFFFFFFE0];
	[tilespmem:s31+$0x2A80 ss:$0x88] =	vst.msk $0xffff, v3  }
0x58: {  	s3 =	sshra.s32 s1, $0x2;
	s1 =	smov.u32 s10;
	v7 =	vld [tilespmem:s0+$0xFFFFFFF0];
	[tilespmem:s31+$0x3300 ss:$0x88] =	vst.msk $0xffff, v4  }
.Ltmp3:
0x59: {  	v2 =	vld [tilespmem:s0+$0x0];
	[tilespmem:s31+$0x0 ss:$0x88] =	vst.msk $0xffff, v0;
	s31 =	sadd.s32 s3, s28;
	(pc) =	sbr.rel @p1 .LBB1_4-.Ltmp3, $4  }
0x5a: {  	v3 =	vld [tilespmem:s0+$0x10];
	[tilespmem:s31+$0x3B80 ss:$0x88] =	vst.msk $0xffff, v1  }
0x5b: {  	[tilespmem:s31+$0x880 ss:$0x88] =	vst.msk $0xffff, v5;
	v4 =	vld [tilespmem:s0+$0x20]  }
0x5c: {  	v0 =	vld [tilespmem:s0+$0xFFFFFFC0];
	[tilespmem:s31+$0x1100 ss:$0x88] =	vst.msk $0xffff, v6;
	s0 =	sadd.s32 $0x80, s0  }
0x5d: {  	s10 =	sadd.s32 $0x4, s10;
	v1 =	vld [tilespmem:s0+$0x30];
	[tilespmem:s31+$0x1980 ss:$0x88] =	vst.msk $0xffff, v7  }
0x5e: {  	v5 =	vld [tilespmem:s0+$0xFFFFFFD0];
	[tilespmem:s31+$0x2200 ss:$0x88] =	vst.msk $0xffff, v2  }
0x5f: {  	v58 =	vld [tilespmem:s0+$0xFFFFFFE0];
	[tilespmem:s31+$0x2A80 ss:$0x88] =	vst.msk $0xffff, v3  }
0x60: {  	s1 =	sshra.s32 s1, $0x2;
	v59 =	vld [tilespmem:s0+$0xFFFFFFF0];
	[tilespmem:s31+$0x3300 ss:$0x88] =	vst.msk $0xffff, v4  }
0x61: {  	v60 =	vld [tilespmem:s0+$0x0];
	s1 =	sadd.s32 s1, s28;
	[tilespmem:s31+$0x0 ss:$0x88] =	vst.msk $0xffff, v0  }
0x62: {  	v61 =	vld [tilespmem:s0+$0x10];
	[tilespmem:s1+$0x3B80 ss:$0x88] =	vst.msk $0xffff, v1  }
0x63: {  	v62 =	vld [tilespmem:s0+$0x20];
	s30 =	sadd.s32 $0x1, s30;
	[tilespmem:s1+$0x880 ss:$0x88] =	vst.msk $0xffff, v5  }
0x64: {  	v63 =	vld [tilespmem:s0+$0xFFFFFFC0];
	p1 =	sne.s32 s30, $0x8;
	[tilespmem:s1+$0x1100 ss:$0x88] =	vst.msk $0xffff, v58  }
.Ltmp4:
0x65: {  	[tilespmem:s1+$0x1980 ss:$0x88] =	vst.msk $0xffff, v59;
	(pc) =	sbr.rel @p1 .LBB1_3-.Ltmp4, $4  }
0x66: {  	[tilespmem:s1+$0x2200 ss:$0x88] =	vst.msk $0xffff, v60  }
0x67: {  	[tilespmem:s1+$0x2A80 ss:$0x88] =	vst.msk $0xffff, v61  }
0x68: {  	[tilespmem:s1+$0x3300 ss:$0x88] =	vst.msk $0xffff, v62  }
0x69: {  	s29 =	sadd.s32 $0x800, s29;
	s28 =	sadd.s32 $0x11, s28;
	[tilespmem:s1+$0x0 ss:$0x88] =	vst.msk $0xffff, v63  }
0x6a: {  	p1 =	sgt.s32 s15, $0x3;
	s0 =	smov.u32 s15;
	s1 =	sshra.s32 s15, $0x1F  }
0x6b: {  	s0 =	simm.s32 @!p1 $0x3;
	s1 =	sand.u32 s1, s15  }
0x6c: {  	s3 =	sshra.s32 s14, $0x1F;
	p2 =	sgt.s32 s11, $0x14C0;
	s0 =	ssub.s32 s0, s1  }
0x6d: {  	s10 =	smov.u32 s11;
	s28 =	ssub.s32 $0x0, s13;
	s1 =	sadd.s32 $0xFFFFFFFD, s0  }
0x6e: {  	s29 =	smov.u32 s12;
	s0 =	ssub.s32 $0x4, s0;
	p1 =	sgt.s32 s1, $0x0  }
0x6f: {  	s1 =	smov.u32 s14;
	s0 =	simm.s32 @p1 $0x0;
	p1 =	sgt.s32 s14, $0x3  }
0x70: {  	s30 =	sshra.s32 s12, $0x1F;
	s3 =	sand.u32 s3, s14;
	s1 =	simm.s32 @!p1 $0x3  }
0x71: {  	s10 =	simm.s32 @!p2 $0x14C0;
	p1 =	sgt.s32 s12, $0x70;
	s1 =	ssub.s32 s1, s3  }
0x72: {  	s3 =	smin.u32 s13, s28;
	s29 =	simm.s32 @!p1 $0x70;
	s28 =	sand.u32 s30, s12  }
0x73: {  	s31 =	sadd.s32 $0xFFFFFFFD, s1;
	p1 =	sgt.s32 s3, $0x7;
	s3 =	ssub.s32 $0x8, s3  }
0x74: {  	s28 =	ssub.s32 s29, s28;
	p2 =	sgt.s32 s31, $0x0;
	s31 =	sshra.s32 s11, $0x1F  }
0x75: {  	s1 =	ssub.s32 $0x4, s1;
	s3 =	simm.s32 @p1 $0x0;
	s29 =	sand.u32 s31, s11  }
0x76: {  	s0 =	smul.u32 s0, s3;
	s1 =	simm.s32 @p2 $0x0;
	s31 =	sadd.s32 $0xFFFFFF90, s28  }
0x77: {  	s30 =	ssub.s32 s10, s29;
	p1 =	sgt.s32 s31, $0xF;
	s10 =	ssub.s32 $0x80, s28  }
0x78: {  	s31 =	sshll.u32 s14, $0x4;
	s0 =	smul.u32 s1, s0;
	s29 =	sadd.s32 $0xFFFFEB40, s30  }
0x79: {  	s10 =	simm.s32 @p1 $0x0;
	s1 =	ssub.s32 $0x1540, s30;
	s30 =	smul.u32 $0x2A8000, s15  }
0x7a: {  	p1 =	sgt.s32 s29, $0x7F;
	s29 =	rddreg [dreg:$0x2];
	s0 =	smul.u32 s10, s0  }
0x7b: {  	s1 =	simm.s32 @p1 $0x0;
	s3 =	sadd.s32 s29, s30;
	s30 =	sshll.u32 s11, $0x9  }
0x7c: {  	s10 =	sand.u32 $0x30, s31;
	s0 =	smul.u32 s1, s0;
	s1 =	sshll.u32 s13, $0x6  }
.Ltmp5:
0x7d: {  	s31 =	sshrl.u32 s12, $0x3;
	s1 =	sadd.s32 s1, s3;
	(pc) =	sbr.rel .LBB1_7-.Ltmp5, $4  }
0x7e: {  	s29 =	sand.u32 $0x7, s12;
	s3 =	sand.u32 $0xF, s31;
	s1 =	sadd.s32 s10, s1  }
0x7f: {  	s31 =	simm.s32 $0x200;
	s10 =	sshll.u32 s29, $0x12;
	s1 =	sadd.s32 s30, s1  }
0x80: {  	s0 =	sand.u32 $0x3FFFFFFF, s0;
	s30 =	sor.u32 $0x10, s10;
	s1 =	sadd.s32 s3, s1  }
0x81: {  	[hbm4b:s1+s30] =	stream.strided.scatter [tilespmem:s27], [sflag:$0x2], s0, s31, s30, $0x8;
	[tilespmem:$0x10800] =	vst v63  }
.LBB1_8:
0x82: {  	_ =	sfence.sel $0x180000  }
0x83: {  	s0 =	simm.s32 $0x1;
	[bflag:$0x0] =	sbarrier.arrive $0xFFFF  }
0x84: {  	s30 =	simm.s32 $0x2;
	[sflag:s0] =	ssyncpa.u1 $0x1  }
0x85: {  	[sflag:s30] =	ssyncpa.u1 $0x1  }
0x86: {  	_ =	strace $0x9000004A  }
0x87: {  	s31 =	stileid.u32;
	[bflag:$0x2] =	sbarrier.arrive $0xFFFF  }
0x88: {  	p0 =	sne.s32 s31, $0x0;
	s0 =	rddreg [dreg:$0x1]  }
0x89: {  	s0 =	sadd.s32 @!p0 $0x100000, s0  }
0x8a: {  	[sflag:s0] =	ssyncadd.tile.s32 @!p0 $0x1;
	_ =	shalt  }
.Lfunc_end1:
_tile_overlayer_lowered:
.L_overlay_start_2:
0x8b: {  	(tag) =	ssettag $0x2  }
0x8c: {  	s0 =	rddreg [dreg:$0x0];
	s2 =	stileid.u32  }
0x8d: {  	s1 =	rddreg [dreg:$0x1];
	p0 =	sne.s32 s2, $0x0  }
0x8e: {  	s3 =	rddreg [dreg:$0x2];
	[bflag:$0x3] =	sbarrier.arrive $0xFFFF;
	s2 =	simm.s32 @!p0 $0x1C01  }
0x8f: {  	[timem:s3], [sflag:s2] =	dma.local @!p0 [hbm:s0], s1  }
0x90: {  	s0 =	simm.s32 @!p0 $0x1  }
0x91: {  	_ =	swait.ge @!p0 [sflag:s0], s1  }
0x92: {  	s1 =	ssub.s32 @!p0 $0x0, s1;
	[sflag:s0] =	ssyncset.done @!p0 $0x0  }
0x93: {  	[sflag:s0] =	ssyncadd.s32 @!p0 s1  }
0x94: {  	[bflag:$0x3] =	sbarrier.arrive $0xFFFF  }
0x95: {  	_ =	shalt  }

// kernel: sparse-core-data-format-call.cloned.1.call-start
scs
called_computation_lowered:
.L_overlay_start_0:
0x0: {  	s2 =	sld [smem:$0x3FD9]  }
0x1: {  	s3 =	sld [smem:$0x3FFE];
	_ =	sdelay $0x1  }
0x2: {  	s1 =	srdreg.scid  }
0x3: {  	s0 =	sand.u32 $0x1, s1  }
0x4: {  	s18 =	sshll.u32 s0, $0xA;
	s2 =	sadd.s32 s3, s2  }
0x5: {  	s2 =	sadd.s32 s2, s18  }
0x6: {  	[smem:$0x3FB6] =	sst s2  }
0x7: {  	_ = 	snop  }
0x8: {  	(tm) =	ssettm $0x1  }
0x9: {  	s19 =	sld [smem:$0x3FFB];
	_ =	sdelay $0x3  }
0xa: {  	_ =	strace s19  }
0xb: {  	s2 =	sld [smem:$0x3FFC];
	_ =	sdelay $0x3  }
0xc: {  	_ =	strace s2  }
0xd: {  	s2 =	sld [smem:$0x3FFD];
	_ =	sdelay $0x3  }
0xe: {  	_ =	strace s2  }
0xf: {  	_ =	strace $0x8FFFFFFF  }
0x10: {  	s20 =	sld [smem:$0x3FDB];
	_ =	sdelay $0x1  }
0x11: {  	s21 =	simm.s32 $_scs_section_size  }
0x12: {  	s4 =	simm.s32 $_size__tile_overlayer_lowered;
	s5 =	simm.s32 $_tile_overlayer_lowered  }
0x13: {  	s6 =	simm.s32 $0x1BFF;
	s22 =	sshll.u32 s5, $0x1;
	s3 =	sadd.s32 s21, s20  }
0x14: {  	s23 =	simm.s32 $0x0;
	s4 =	sshll.u32 s4, $0x1;
	s5 =	sadd.s32 s22, s3  }
0x15: {  	[timem:s23], [sflag:s6] =	dma.local [hbm:s5], s4  }
0x16: {  	_ =	swait.ge [sflag:s6], s4  }
0x17: {  	s4 =	ssub.s32 $0x0, s4;
	[sflag:s6] =	ssyncset.done $0x0  }
0x18: {  	[sflag:s6] =	ssyncadd.s32 s4;
	_ =	sdelay $0x1  }
0x19: {  	s24 =	simm.s32 $0x1B8B  }
0x1a: {  	_ =	swait.ge [sflag:s24], $0x1  }
0x1b: {  	[sflag:s24] =	ssyncset.done $0x0  }
0x1c: {  	[sflag:s24] =	ssyncadd.s32 $0xFFFFFFFF  }
0x1d: {  	s4 =	sld [smem:$0x0]  }
0x1e: {  	s5 =	sand.u32 $0xFFFFFFFE, s1  }
0x1f: {  	p0 =	sne.s32 s1, s5  }
0x20: {  	s5 =	sshll.u32 @p0 s5, $0xE  }
0x21: {  	s5 =	sadd.s32 @p0 $0x11B8D, s5;
	s6 =	sshll.u32 @p0 s4, $0x11  }
0x22: {  	s5 =	sor.u32 @p0 s6, s5  }
0x23: {  	[sflag:s5] =	ssyncadd.remote.s32 @p0 $0x1;
	_ =	sdelay $0x1  }
0x24: {  	s5 =	simm.s32 @p0 $0x1B8D  }
0x25: {  	_ =	swait.eq @p0 [sflag:s5], $0x1  }
0x26: {  	[sflag:s5] =	ssyncadd.s32 @p0 $0xFFFFFFFF  }
0x27: {  	s6 =	sshll.u32 @!p0 s1, $0xE  }
0x28: {  	s6 =	sor.u32 @!p0 $0x4000, s6;
	s5 =	simm.s32 @!p0 $0x1B8D  }
0x29: {  	s4 =	sshll.u32 @!p0 s4, $0x11;
	s6 =	sadd.s32 @!p0 $0x11B8D, s6;
	_ =	swait.eq @!p0 [sflag:s5], $0x1  }
0x2a: {  	s4 =	sor.u32 @!p0 s4, s6;
	[sflag:s5] =	ssyncadd.s32 @!p0 $0xFFFFFFFF  }
0x2b: {  	s26 =	simm.s32 $0x1B8E;
	s25 =	sld [smem:$0x3FFE];
	[sflag:s4] =	ssyncadd.remote.s32 @!p0 $0x1  }
0x2c: {  	s27 =	simm.s32 $execute0_lowered;
	[smem:$0x3FD2] =	sst s26  }
0x2d: {  	s5 =	sshll.u32 s27, $0x1;
	_ =	strace $0x8000004C;
	[dreg:$0x1] =	wrdreg $0xFFFFFFFF  }
0x2e: {  	s28 =	simm.s32 $_size_execute0_lowered;
	s3 =	sadd.s32 s3, s5;
	[dreg:$0x0] =	wrdreg $0x0  }
0x2f: {  	s5 =	sshll.u32 s28, $0x1;
	[dreg:$0x2] =	wrdreg s3  }
0x30: {  	[dreg:$0x3] =	wrdreg s5  }
0x31: {  	[dreg:$0x4] =	wrdreg $0xC0  }
0x32: {  	_ =	task [dreg:s23], $0x5FFFF  }
0x33: {  	[dreg:$0x1] =	wrdreg $0xFFFFFFFF  }
0x34: {  	[dreg:$0x0] =	wrdreg $0x60  }
0x35: {  	[dreg:$0x2] =	wrdreg s25  }
0x36: {  	[dreg:$0x3] =	wrdreg $0xA  }
0x37: {  	_ =	task.clear_ibuf [dreg:s23], $0x4FFFF;
	_ =	strace $0x9000004C  }
0x38: {  	s29 =	simm.s32 $0xA;
	_ =	strace $0x8000004E  }
0x39: {  	_ =	swait.ge [sflag:s29], $0x1  }
0x3a: {  	[sflag:s29] =	ssyncadd.s32 $0xFFFFFFFF  }
0x3b: {  	_ =	strace $0x9000004E  }
0x3c: {  	_ =	sfence  }
0x3d: {  	s30 =	sld [smem:$0x0];
	_ =	sdelay $0x2  }
0x3e: {  	s31 =	sshll.u32 s1, $0xD;
	s1 =	sshrl.u32 s1, $0x2  }
0x3f: {  	s4 =	sand.u32 $0x4000, s31;
	s1 =	sadd.s32 s1, s30  }
0x40: {  	s0 =	sor.u32 s4, s0;
	s1 =	sshll.u32 s1, $0x11  }
0x41: {  	s0 =	sor.u32 s1, s0  }
0x42: {  	s0 =	sadd.s32 $0x8F2B, s0  }
0x43: {  	[sflag:s0] =	ssyncadd.remote.s32 $0x1  }
0x44: {  	_ =	sfence.sel $0xFFFF  }
0x45: {  	[dreg:$0x0] =	wrdreg $0xFFFFFFFF;
	(pc) =	sbr.abs _section_cstart, $3  }
0x46: {  	[dreg:$0x1] =	wrdreg $0xFFFFFFFF  }
0x47: {  	_ =	task.clear_ibuf [dreg:s23], $0x2FFFF;
	_ =	strace $0x9FFFFFFF  }
0x48: {  	(tm) =	ssettm $0x7FFFFFFF  }
0x49: {  	_ =	shalt  }
tec
execute0_lowered:
.L_overlay_start_1:
0x0: {  	(tag) =	ssettag $0x1  }
0x1: {  	s0 =	srdreg.scid  }
0x2: {  	s5 =	rddreg [dreg:$0x0];
	s1 =	sshll.u32 s0, $0x4  }
0x3: {  	s4 =	simm.s32 $0x1;
	s0 =	stileid.u32;
	s1 =	sand.u32 $0x10, s1  }
0x4: {  	s8 =	simm.s32 $0x2;
	s12 =	simm.s32 $0x0;
	s2 =	sor.u32 s0, s1  }
0x5: {  	s9 =	simm.s32 $0x80;
	s11 =	simm.s32 $0x0;
	s2 =	sshll.u32 s2, $0x4  }
0x6: {  	s3 =	sadd.s32 $0x3C00, s5;
	s5 =	sadd.s32 $0x355C00, s5;
	s6 =	ssub.s32 $0x2A80, s2  }
.Ltmp0:
0x7: {  	s1 =	rddreg [dreg:$0x1];
	s7 =	sand.u32 $0x1F0, s6;
	(pc) =	sbr.rel .LBB1_1-.Ltmp0, $4  }
0x8: {  	_ =	strace $0x8000004D;
	p0 =	sne.s32 s7, $0x0;
	s7 =	simm.s32 $0x1  }
0x9: {  	[sflag:s4] =	ssyncpa.u1 $0x0;
	s6 =	sshrl.u32 s6, $0x9;
	s7 =	simm.s32 @!p0 $0x0  }
0xa: {  	[sflag:s8] =	ssyncpa.u1 $0x0;
	s8 =	simm.s32 $0x10;
	s6 =	sadd.s32 s7, s6  }
0xb: {  	s10 =	smov.u32 s2;
	p0 =	por $0x0, $0x0;
	s7 =	sadd.s32 $0x1, s6  }
.LBB1_7:
0xc: {  	s14 =	sadd.s32 $0x200, s10  }
0xd: {  	p2 =	sgt.s32 s14, $0x2A7F  }
0xe: {  	s14 =	smov.u32 @p2 s2;
	p2 =	sne.s32 s11, s7  }
.Ltmp1:
0xf: {  	p1 =	slt.u32 s11, $0x2;
	(pc) =	sbr.rel @!p2 .LBB1_8-.Ltmp1, $4  }
0x10: {  	s13 =	simm.s32 @!p1 $0x2  }
0x11: {  	s15 =	sadd.s32 $0x1, s11;
	_ =	swait.ge @!p1 [sflag:s13], $0x4000  }
0x12: {  	s12 =	smov.u32 s10;
	p0 =	por !p0, !p0;
	[sflag:s13] =	ssyncset.done @!p1 $0x0  }
0x13: {  	s11 =	smov.u32 s15;
	s10 =	smov.u32 s14;
	[sflag:s13] =	ssyncadd.s32 @!p1 $0xFFFFC000  }
.LBB1_1:
0x14: {  	p1 =	sge.u32 s11, s6  }
0x15: {  	s31 =	sadd.s32 $0xFFFFFFFF, s11;
	s13 =	sxor.u32 @!p1 $0xFFFFFFFF, s11  }
0x16: {  	s14 =	sshll.u32 @!p1 s10, $0x8;
	s15 =	simm.s32 @!p1 $0x40;
	s13 =	sshll.u32 @!p1 s13, $0xE  }
0x17: {  	s16 =	simm.s32 @!p1 $0x80;
	s14 =	sadd.s32 @!p1 s3, s14;
	s13 =	sand.u32 @!p1 $0x4000, s13  }
0x18: {  	[tilespmem:s13], [sflag:$0x1] =	stream.strided.gather @!p1 [hbm4b:s14+s15], $0x4000, s16, s15, $0x38;
	[tilespmem:$0x10800] =	vst v63  }
0x19: {  	p1 =	sge.u32 s31, s6  }
.Ltmp2:
0x1a: {  	_ = 	snop;
	(pc) =	sbr.rel @p1 .LBB1_7-.Ltmp2, $1  }
0x1b: {  	_ =	sdelay $0x3  }
0x1c: {  	s14 =	simm.s32 $0x1;
	s15 =	sand.u32 $0x1, s11  }
0x1d: {  	s14 =	simm.s32 @!p0 $0x0;
	s15 =	smul.u32 $0x11000, s15  }
0x1e: {  	_ =	swait.ge [sflag:s4], $0x4000;
	s13 =	smul.u32 $0x11000, s14  }
0x1f: {  	s16 =	simm.s32 $0x0;
	[sflag:s4] =	ssyncset.done $0x0;
	s14 =	sshll.u32 s14, $0xE  }
0x20: {  	[sflag:s4] =	ssyncadd.s32 $0xFFFFC000;
	s15 =	sshrl.u32 s15, $0x2;
	s13 =	sshrl.u32 s13, $0x2  }
0x21: {  	s14 =	sor.u32 $0x20, s14;
	s15 =	sor.u32 $0x8000, s15;
	s13 =	sor.u32 $0x8000, s13  }
.LBB1_3:
0x22: {  	v3 =	vld [tilespmem:s14+$0x10]  }
0x23: {  	v2 =	vld [tilespmem:s14+$0xFFFFFFF0]  }
0x24: {  	v0 =	vld [tilespmem:s14+$0x0]  }
0x25: {  	v1 =	vld [tilespmem:s14+$0xFFFFFFE0]  }
0x26: {  	s17 =	sadd.s32 $0x0, s13  }
0x27: {  	s18 =	simm.s32 $0x4;
	s19 =	sadd.s32 $0x40, s14;
	[tilespmem:s17+$0x330 ss:$0x11] =	vst.msk $0xffff, v3  }
.LBB1_4:
0x28: {  	v3 =	vld [tilespmem:s19+$0x10];
	p1 =	sne.s32 s18, $0x3C;
	[tilespmem:s17+$0x110 ss:$0x11] =	vst.msk $0xffff, v2;
	s20 =	smov.u32 s18;
	s18 =	sadd.s32 $0x4, s18  }
.Ltmp3:
0x29: {  	v2 =	vld [tilespmem:s19+$0xFFFFFFF0];
	[tilespmem:s17+$0x220 ss:$0x11] =	vst.msk $0xffff, v0;
	(pc) =	sbr.rel @p1 .LBB1_4-.Ltmp3, $4  }
0x2a: {  	v0 =	vld [tilespmem:s19+$0x0];
	[tilespmem:s17+$0x0 ss:$0x11] =	vst.msk $0xffff, v1  }
0x2b: {  	s17 =	sshra.s32 s20, $0x2;
	v1 =	vld [tilespmem:s19+$0xFFFFFFE0]  }
0x2c: {  	s17 =	sadd.s32 s17, s13  }
0x2d: {  	s19 =	sadd.s32 $0x40, s19;
	[tilespmem:s17+$0x330 ss:$0x11] =	vst.msk $0xffff, v3  }
0x2e: {  	s16 =	sadd.s32 $0x1, s16  }
0x2f: {  	p1 =	sne.s32 s16, $0x10  }
.Ltmp4:
0x30: {  	_ = 	snop;
	(pc) =	sbr.rel @p1 .LBB1_3-.Ltmp4, $4  }
0x31: {  	_ = 	snop  }
0x32: {  	[tilespmem:s17+$0x110 ss:$0x11] =	vst.msk $0xffff, v2  }
0x33: {  	[tilespmem:s17+$0x220 ss:$0x11] =	vst.msk $0xffff, v0  }
0x34: {  	s13 =	sadd.s32 $0x440, s13;
	s14 =	sadd.s32 $0x400, s14;
	[tilespmem:s17+$0x0 ss:$0x11] =	vst.msk $0xffff, v1  }
.Ltmp5:
0x35: {  	(pc) =	sbr.rel .LBB1_7-.Ltmp5, $4  }
0x36: {  	_ = 	snop  }
0x37: {  	s12 =	sshll.u32 s12, $0xA  }
0x38: {  	s12 =	sadd.s32 s5, s12  }
0x39: {  	[hbm4b:s12+s8] =	stream.strided.scatter [tilespmem:s15], [sflag:$0x2], $0x4000, s9, s8, $0x8;
	[tilespmem:$0x10800] =	vst v63  }
.LBB1_8:
0x3a: {  	_ =	sfence.sel $0x180000  }
0x3b: {  	s2 =	simm.s32 $0x1;
	[bflag:$0x0] =	sbarrier.arrive $0xFFFF  }
0x3c: {  	s31 =	simm.s32 $0x2;
	[sflag:s2] =	ssyncpa.u1 $0x1  }
0x3d: {  	[sflag:s31] =	ssyncpa.u1 $0x1  }
0x3e: {  	p0 =	sne.s32 s0, $0x0;
	_ =	strace $0x9000004D  }
0x3f: {  	s0 =	sadd.s32 @!p0 $0x100000, s1;
	[bflag:$0x2] =	sbarrier.arrive $0xFFFF  }
0x40: {  	[sflag:s0] =	ssyncadd.tile.s32 @!p0 $0x1;
	_ =	shalt  }
.Lfunc_end1:
_tile_overlayer_lowered:
.L_overlay_start_2:
0x41: {  	(tag) =	ssettag $0x2  }
0x42: {  	s0 =	rddreg [dreg:$0x0];
	s2 =	stileid.u32  }
0x43: {  	s1 =	rddreg [dreg:$0x1];
	p0 =	sne.s32 s2, $0x0  }
0x44: {  	s3 =	rddreg [dreg:$0x2];
	[bflag:$0x3] =	sbarrier.arrive $0xFFFF;
	s2 =	simm.s32 @!p0 $0x1C01  }
0x45: {  	[timem:s3], [sflag:s2] =	dma.local @!p0 [hbm:s0], s1  }
0x46: {  	s0 =	simm.s32 @!p0 $0x1  }
0x47: {  	_ =	swait.ge @!p0 [sflag:s0], s1  }
0x48: {  	s1 =	ssub.s32 @!p0 $0x0, s1;
	[sflag:s0] =	ssyncset.done @!p0 $0x0  }
0x49: {  	[sflag:s0] =	ssyncadd.s32 @!p0 s1  }
0x4a: {  	[bflag:$0x3] =	sbarrier.arrive $0xFFFF  }
0x4b: {  	_ =	shalt  }

</sc_bundles>
